<compile_context>
chip_gen: v7x
topology: tpu7x:2x2x1
jax: 0.10.2.dev20260603
libtpu: 0.0.44.dev20260713+nightly
codegen_flags: <defaults>
</compile_context>

<pallas_src>
import jax
import jax.numpy as jnp
from jax import lax
from jax.experimental import pallas as pl
from jax.experimental.pallas import tpu as pltpu
from jax.experimental.pallas import tpu_sc as plsc

_LEVELS = 256
_SCALE = (_LEVELS - 1) / 2.0
_BIAS = _SCALE + 0.5

_B, _R, _C = 2, 8192, 2048
_NW = 32
_TPB = _NW // _B
_ROWS_PW = _R // _TPB
_CROWS = 8
_NCHUNK = _ROWS_PW // _CROWS
_UNROLL = 8


def _body(x_hbm, lut_hbm, out_hbm, lut_v,
          in_v0, in_v1, out_v0, out_v1,
          isem0, isem1, osem0, osem1):
    wid = lax.axis_index("s") * 2 + lax.axis_index("c")
    d0 = wid // _TPB
    row0 = (wid % _TPB) * _ROWS_PW
    pltpu.sync_copy(lut_hbm, lut_v)

    in_bufs = (in_v0, in_v1)
    out_bufs = (out_v0, out_v1)
    isems = (isem0, isem1)
    osems = (osem0, osem1)

    def row(ci):
        return pl.multiple_of(row0 + ci * _CROWS, _CROWS)

    def start_in(ci, b):
        pltpu.async_copy(x_hbm.at[d0, pl.ds(row(ci), _CROWS), :],
                         in_bufs[b], isems[b])

    def wait_in(b):
        pltpu.make_async_copy(x_hbm.at[0, pl.ds(0, _CROWS), :],
                              in_bufs[b], isems[b]).wait()

    def start_out(ci, b):
        pltpu.async_copy(out_bufs[b],
                         out_hbm.at[d0, pl.ds(row(ci), _CROWS), :], osems[b])

    def wait_out(b):
        pltpu.make_async_copy(out_bufs[b],
                              out_hbm.at[0, pl.ds(0, _CROWS), :], osems[b]).wait()

    def compute(b):
        inb, outb = in_bufs[b], out_bufs[b]
        for r in range(_CROWS):
            @plsc.parallel_loop(0, _C, step=16, unroll=_UNROLL)
            def _vec(i):
                v = inb[r, pl.ds(i, 16)]
                v = jnp.minimum(jnp.maximum(v, -1.0), 1.0)
                idx = (v * _SCALE + _BIAS).astype(jnp.int32)
                outb[r, pl.ds(i, 16)] = plsc.load_gather(lut_v, [idx])

    start_in(0, 0)
    start_in(1, 1)

    @pl.loop(0, _NCHUNK, step=2)
    def _main(ci):
        for b in range(2):
            cur = ci + b
            wait_in(b)

            @pl.when(cur >= 2)
            def _():
                wait_out(b)

            compute(b)
            start_out(cur, b)

            @pl.when(cur + 2 < _NCHUNK)
            def _():
                start_in(cur + 2, b)

    wait_out(0)
    wait_out(1)


@jax.jit
def kernel(x, lut):
    mesh = plsc.VectorSubcoreMesh(core_axis_name="c", subcore_axis_name="s")
    f = pl.kernel(
        _body,
        out_type=jax.ShapeDtypeStruct((_B, _R, _C), jnp.float32),
        mesh=mesh,
        scratch_types=(
            [pltpu.VMEM((_LEVELS,), jnp.float32)]
            + [pltpu.VMEM((_CROWS, _C), jnp.float32) for _ in range(4)]
            + [pltpu.SemaphoreType.DMA for _ in range(4)]
        ),
        compiler_params=pltpu.CompilerParams(needs_layout_passes=False),
    )
    return f(x, lut)

# --- scband reference (transcript-rebuilt; emitter-appended) ---
"""Pipeline reference for scband-lutre-lu8bit-85985245266128 (READ-ONLY COPY).

The authoritative reference and input builder live on the scoring server;
editing this copy changes nothing except your own understanding.
"""

import jax, jax.numpy as jnp
import numpy as np

MIN_VAL = -1.0
MAX_VAL = 1.0
LEVELS = 256
STEP = (MAX_VAL - MIN_VAL) / (LEVELS - 1)


def _make_lut():
    # lut_y[i] = relu(linspace(-1, 1, 256)[i]) = max(0, (2*i - 255) / 255)
    xs = (2.0 * np.arange(256, dtype=np.float64) - 255.0) / 255.0
    return jnp.asarray(np.maximum(0.0, xs), dtype=jnp.float32)


def setup_inputs(seed: int = 0) -> dict:
    key = jax.random.key(seed)
    x = jax.random.normal(key, (2, 8192, 2048), dtype=jnp.float32)
    lut = _make_lut()
    return {"x": x, "lut": lut}


def reference(x, lut):
    xc = jnp.clip(x, MIN_VAL, MAX_VAL)
    idx = jnp.round((xc - MIN_VAL) / STEP).astype(jnp.int32)
    idx = jnp.clip(idx, 0, LEVELS - 1)
    return jnp.take(lut, idx, axis=0)

if __name__ == "__main__":
    import jax
    _d = setup_inputs()
    print(jax.jit(kernel)(*tuple(_d.values())))

</pallas_src>

<mosaic_0001>
#map = affine_map<(d0, d1) -> (0, 0, 0)>
#map1 = affine_map<(d0, d1) -> (0)>
module attributes {stable_mosaic.version = 14 : i64} {
  func.func @_body(%arg0: i32, %arg1: i32, %arg2: memref<2x8192x2048xf32, #tpu.memory_space<hbm>>, %arg3: memref<256xf32, #tpu.memory_space<hbm>>, %arg4: memref<2x8192x2048xf32, #tpu.memory_space<hbm>>, %arg5: memref<256xf32, #tpu.memory_space<vmem>>, %arg6: memref<8x2048xf32, #tpu.memory_space<vmem>>, %arg7: memref<8x2048xf32, #tpu.memory_space<vmem>>, %arg8: memref<8x2048xf32, #tpu.memory_space<vmem>>, %arg9: memref<8x2048xf32, #tpu.memory_space<vmem>>, %arg10: memref<!tpu.dma_semaphore, #tpu.memory_space<semaphore_mem>>, %arg11: memref<!tpu.dma_semaphore, #tpu.memory_space<semaphore_mem>>, %arg12: memref<!tpu.dma_semaphore, #tpu.memory_space<semaphore_mem>>, %arg13: memref<!tpu.dma_semaphore, #tpu.memory_space<semaphore_mem>>) attributes {dimension_semantics = [#tpu.dimension_semantics<core_parallel>, #tpu.dimension_semantics<subcore_parallel>], iteration_bounds = array<i64: 2, 16>, scalar_prefetch = 0 : i64, scratch_operands = 9 : i64, tpu.core_type = #tpu.core_type<sc_vector_subcore>, window_params = [{transform_indices = #map}, {transform_indices = #map1}, {transform_indices = #map}]} {
    %mul3A = arith.constant 2 : i32
    %mul3A_0 = arith.muli %arg1, %mul3A : i32
    %add3A = arith.addi %mul3A_0, %arg0 : i32
    %jit3A = arith.constant 16 : i32
    %div3A = arith.divsi %add3A, %jit3A : i32
    %sign3A = arith.constant 0 : i32
    %sign3A_1 = arith.cmpi sgt, %add3A, %sign3A : i32
    %sign3A_2 = arith.extui %sign3A_1 : i1 to i32
    %sign3A_3 = arith.constant 0 : i32
    %sign3A_4 = arith.cmpi slt, %add3A, %sign3A_3 : i32
    %sign3A_5 = arith.extui %sign3A_4 : i1 to i32
    %sign3A_6 = arith.subi %sign3A_2, %sign3A_5 : i32
    %sign3A_7 = arith.constant 0 : i32
    %sign3A_8 = arith.cmpi sgt, %jit3A, %sign3A_7 : i32
    %sign3A_9 = arith.extui %sign3A_8 : i1 to i32
    %sign3A_10 = arith.constant 0 : i32
    %sign3A_11 = arith.cmpi slt, %jit3A, %sign3A_10 : i32
    %sign3A_12 = arith.extui %sign3A_11 : i1 to i32
    %sign3A_13 = arith.subi %sign3A_9, %sign3A_12 : i32
    %ne3A = arith.cmpi ne, %sign3A_6, %sign3A_13 : i32
    %rem3A = arith.remsi %add3A, %jit3A : i32
    %ne3A_14 = arith.constant 0 : i32
    %ne3A_15 = arith.cmpi ne, %rem3A, %ne3A_14 : i32
    %and3A = arith.andi %ne3A, %ne3A_15 : i1
    %sub3A = arith.constant 1 : i32
    %sub3A_16 = arith.subi %div3A, %sub3A : i32
    %select_n3A = arith.select %and3A, %sub3A_16, %div3A : i32
    %jit3A_17 = arith.constant 16 : i32
    %eq3A = arith.constant 0 : i32
    %eq3A_18 = arith.cmpi eq, %jit3A_17, %eq3A : i32
    %jit3A_19 = arith.constant 1 : i32
    %select_n3A_20 = arith.select %eq3A_18, %jit3A_19, %jit3A_17 : i32
    %rem3A_21 = arith.remsi %add3A, %select_n3A_20 : i32
    %ne3A_22 = arith.constant 0 : i32
    %ne3A_23 = arith.cmpi ne, %rem3A_21, %ne3A_22 : i32
    %lt3A = arith.constant 0 : i32
    %lt3A_24 = arith.cmpi slt, %rem3A_21, %lt3A : i32
    %lt3A_25 = arith.constant 0 : i32
    %lt3A_26 = arith.cmpi slt, %select_n3A_20, %lt3A_25 : i32
    %ne3A_27 = arith.xori %lt3A_24, %lt3A_26 : i1
    %and3A_28 = arith.andi %ne3A_27, %ne3A_23 : i1
    %add3A_29 = arith.addi %rem3A_21, %select_n3A_20 : i32
    %select_n3A_30 = arith.select %and3A_28, %add3A_29, %rem3A_21 : i32
    %mul3A_31 = arith.constant 512 : i32
    %mul3A_32 = arith.muli %select_n3A_30, %mul3A_31 : i32
    "tpu.region"() ({
      %run_scoped3A = tpu.sem_alloc : memref<!tpu.dma_semaphore, #tpu.memory_space<semaphore_mem>>
      tpu.enqueue_dma source(%arg3 : memref<256xf32, #tpu.memory_space<hbm>>) target(%arg5 : memref<256xf32, #tpu.memory_space<vmem>>) target_semaphore(%run_scoped3A : memref<!tpu.dma_semaphore, #tpu.memory_space<semaphore_mem>>)
      tpu.wait_dma2 semaphore(%run_scoped3A : memref<!tpu.dma_semaphore, #tpu.memory_space<semaphore_mem>>) src(%arg3 : memref<256xf32, #tpu.memory_space<hbm>>) dst(%arg5 : memref<256xf32, #tpu.memory_space<vmem>>)
      tpu.yield
    }) : () -> ()
    %add3A_33 = arith.constant 0 : i32
    %add3A_34 = arith.addi %mul3A_32, %add3A_33 : i32
    %multiple_of3A = tpu.assume_multiple %add3A_34, 8 : i32
    %dma_start3A = arith.constant 0 : i32
    %dma_start3A_35 = tpu.memref_slice %arg2[%select_n3A, %multiple_of3A, %dma_start3A] : memref<2x8192x2048xf32, #tpu.memory_space<hbm>> -> memref<1x8x2048xf32, #tpu.memory_space<hbm>>
    %dma_start3A_36 = tpu.memref_squeeze %dma_start3A_35 : memref<1x8x2048xf32, #tpu.memory_space<hbm>> -> memref<8x2048xf32, #tpu.memory_space<hbm>>
    %dma_start3A_37 = arith.constant 0 : i32
    %dma_start3A_38 = tpu.memref_slice %arg2[%select_n3A, %multiple_of3A, %dma_start3A_37] : memref<2x8192x2048xf32, #tpu.memory_space<hbm>> -> memref<1x8x2048xf32, #tpu.memory_space<hbm>>
    %dma_start3A_39 = tpu.memref_squeeze %dma_start3A_38 : memref<1x8x2048xf32, #tpu.memory_space<hbm>> -> memref<8x2048xf32, #tpu.memory_space<hbm>>
    tpu.enqueue_dma source(%dma_start3A_39 : memref<8x2048xf32, #tpu.memory_space<hbm>>) target(%arg6 : memref<8x2048xf32, #tpu.memory_space<vmem>>) target_semaphore(%arg10 : memref<!tpu.dma_semaphore, #tpu.memory_space<semaphore_mem>>)
    %add3A_40 = arith.constant 8 : i32
    %add3A_41 = arith.addi %mul3A_32, %add3A_40 : i32
    %multiple_of3A_42 = tpu.assume_multiple %add3A_41, 8 : i32
    %dma_start3A_43 = arith.constant 0 : i32
    %dma_start3A_44 = tpu.memref_slice %arg2[%select_n3A, %multiple_of3A_42, %dma_start3A_43] : memref<2x8192x2048xf32, #tpu.memory_space<hbm>> -> memref<1x8x2048xf32, #tpu.memory_space<hbm>>
    %dma_start3A_45 = tpu.memref_squeeze %dma_start3A_44 : memref<1x8x2048xf32, #tpu.memory_space<hbm>> -> memref<8x2048xf32, #tpu.memory_space<hbm>>
    %dma_start3A_46 = arith.constant 0 : i32
    %dma_start3A_47 = tpu.memref_slice %arg2[%select_n3A, %multiple_of3A_42, %dma_start3A_46] : memref<2x8192x2048xf32, #tpu.memory_space<hbm>> -> memref<1x8x2048xf32, #tpu.memory_space<hbm>>
    %dma_start3A_48 = tpu.memref_squeeze %dma_start3A_47 : memref<1x8x2048xf32, #tpu.memory_space<hbm>> -> memref<8x2048xf32, #tpu.memory_space<hbm>>
    tpu.enqueue_dma source(%dma_start3A_48 : memref<8x2048xf32, #tpu.memory_space<hbm>>) target(%arg7 : memref<8x2048xf32, #tpu.memory_space<vmem>>) target_semaphore(%arg11 : memref<!tpu.dma_semaphore, #tpu.memory_space<semaphore_mem>>)
    %scan3A = arith.constant 0 : i32
    %scan3A_49 = arith.constant 32 : i32
    %scan3A_50 = arith.addi %scan3A, %scan3A_49 : i32
    %scan3A_51 = arith.constant 1 : i32
    scf.for %scan3A_70 = %scan3A to %scan3A_50 step %scan3A_51  : i32 {
      %mul3A_71 = arith.constant 2 : i32
      %mul3A_72 = arith.muli %scan3A_70, %mul3A_71 : i32
      %add3A_73 = arith.constant 0 : i32
      %add3A_74 = arith.addi %add3A_73, %mul3A_72 : i32
      %add3A_75 = arith.constant 0 : i32
      %add3A_76 = arith.addi %add3A_74, %add3A_75 : i32
      %dma_wait3A_77 = arith.constant 0 : i32
      %dma_wait3A_78 = arith.constant 0 : i32
      %dma_wait3A_79 = arith.constant 0 : i32
      %dma_wait3A_80 = tpu.memref_slice %arg2[%dma_wait3A_77, %dma_wait3A_78, %dma_wait3A_79] : memref<2x8192x2048xf32, #tpu.memory_space<hbm>> -> memref<1x8x2048xf32, #tpu.memory_space<hbm>>
      %dma_wait3A_81 = tpu.memref_squeeze %dma_wait3A_80 : memref<1x8x2048xf32, #tpu.memory_space<hbm>> -> memref<8x2048xf32, #tpu.memory_space<hbm>>
      %dma_wait3A_82 = arith.constant 0 : i32
      %dma_wait3A_83 = arith.constant 0 : i32
      %dma_wait3A_84 = tpu.memref_slice %arg2[%dma_wait3A_77, %dma_wait3A_82, %dma_wait3A_83] : memref<2x8192x2048xf32, #tpu.memory_space<hbm>> -> memref<1x8x2048xf32, #tpu.memory_space<hbm>>
      %dma_wait3A_85 = tpu.memref_squeeze %dma_wait3A_84 : memref<1x8x2048xf32, #tpu.memory_space<hbm>> -> memref<8x2048xf32, #tpu.memory_space<hbm>>
      tpu.wait_dma2 semaphore(%arg10 : memref<!tpu.dma_semaphore, #tpu.memory_space<semaphore_mem>>) src(%dma_wait3A_85 : memref<8x2048xf32, #tpu.memory_space<hbm>>) dst(%arg6 : memref<8x2048xf32, #tpu.memory_space<vmem>>)
      %ge3A = arith.constant 2 : i32
      %ge3A_86 = arith.cmpi sge, %add3A_76, %ge3A : i32
      %convert_element_type3A = arith.extui %ge3A_86 : i1 to i32
      %cond3A = arith.constant 0 : i32
      %cond3A_87 = arith.cmpi ne, %convert_element_type3A, %cond3A : i32
      scf.if %cond3A_87 {
        %dma_wait3A_185 = arith.constant 0 : i32
        %dma_wait3A_186 = arith.constant 0 : i32
        %dma_wait3A_187 = arith.constant 0 : i32
        %dma_wait3A_188 = tpu.memref_slice %arg4[%dma_wait3A_185, %dma_wait3A_186, %dma_wait3A_187] : memref<2x8192x2048xf32, #tpu.memory_space<hbm>> -> memref<1x8x2048xf32, #tpu.memory_space<hbm>>
        %dma_wait3A_189 = tpu.memref_squeeze %dma_wait3A_188 : memref<1x8x2048xf32, #tpu.memory_space<hbm>> -> memref<8x2048xf32, #tpu.memory_space<hbm>>
        %dma_wait3A_190 = arith.constant 0 : i32
        %dma_wait3A_191 = arith.constant 0 : i32
        %dma_wait3A_192 = tpu.memref_slice %arg4[%dma_wait3A_185, %dma_wait3A_190, %dma_wait3A_191] : memref<2x8192x2048xf32, #tpu.memory_space<hbm>> -> memref<1x8x2048xf32, #tpu.memory_space<hbm>>
        %dma_wait3A_193 = tpu.memref_squeeze %dma_wait3A_192 : memref<1x8x2048xf32, #tpu.memory_space<hbm>> -> memref<8x2048xf32, #tpu.memory_space<hbm>>
        tpu.wait_dma2 semaphore(%arg12 : memref<!tpu.dma_semaphore, #tpu.memory_space<semaphore_mem>>) src(%arg8 : memref<8x2048xf32, #tpu.memory_space<vmem>>) dst(%dma_wait3A_193 : memref<8x2048xf32, #tpu.memory_space<hbm>>)
      } else {
      }
      %parallel_loop3A = arith.constant 0 : i32
      %parallel_loop3A_88 = arith.constant 2048 : i32
      %parallel_loop3A_89 = arith.constant 16 : i32
      scf.for %parallel_loop3A_185 = %parallel_loop3A to %parallel_loop3A_88 step %parallel_loop3A_89  : i32 {
        %parallel_loop3A_186 = arith.constant 0 : i32
        %parallel_loop3A_187 = arith.index_cast %parallel_loop3A_186 : i32 to index
        %parallel_loop3A_188 = arith.index_cast %parallel_loop3A_185 : i32 to index
        %parallel_loop3A_189 = tpu.vector_load %arg6[%parallel_loop3A_187, %parallel_loop3A_188] {strides = array<i32>} : memref<8x2048xf32, #tpu.memory_space<vmem>>, vector<16xf32>,
        %parallel_loop3A_190 = arith.constant -1.000000e+00 : f32
        %parallel_loop3A_191 = vector.broadcast %parallel_loop3A_190 : f32 to vector<16xf32>
        %parallel_loop3A_192 = arith.maximumf %parallel_loop3A_189, %parallel_loop3A_191 : vector<16xf32>
        %parallel_loop3A_193 = arith.constant 1.000000e+00 : f32
        %parallel_loop3A_194 = vector.broadcast %parallel_loop3A_193 : f32 to vector<16xf32>
        %parallel_loop3A_195 = arith.minimumf %parallel_loop3A_192, %parallel_loop3A_194 : vector<16xf32>
        %parallel_loop3A_196 = arith.constant 1.275000e+02 : f32
        %parallel_loop3A_197 = vector.broadcast %parallel_loop3A_196 : f32 to vector<16xf32>
        %parallel_loop3A_198 = arith.mulf %parallel_loop3A_195, %parallel_loop3A_197 : vector<16xf32>
        %parallel_loop3A_199 = arith.constant 1.280000e+02 : f32
        %parallel_loop3A_200 = vector.broadcast %parallel_loop3A_199 : f32 to vector<16xf32>
        %parallel_loop3A_201 = arith.addf %parallel_loop3A_198, %parallel_loop3A_200 : vector<16xf32>
        %parallel_loop3A_202 = arith.fptosi %parallel_loop3A_201 : vector<16xf32> to vector<16xi32>
        %parallel_loop3A_203 = tpu.vector_load_idx %arg5[%parallel_loop3A_202] : memref<256xf32, #tpu.memory_space<vmem>>[vector<16xi32>], vector<16xf32>,
        %parallel_loop3A_204 = arith.constant 0 : i32
        %parallel_loop3A_205 = arith.index_cast %parallel_loop3A_204 : i32 to index
        %parallel_loop3A_206 = arith.index_cast %parallel_loop3A_185 : i32 to index
        %parallel_loop3A_207 = tpu.vector_load %arg8[%parallel_loop3A_205, %parallel_loop3A_206] {strides = array<i32>} : memref<8x2048xf32, #tpu.memory_space<vmem>>, vector<16xf32>,
        tpu.vector_store %arg8[%parallel_loop3A_205, %parallel_loop3A_206], %parallel_loop3A_203 {strides = array<i32>} : memref<8x2048xf32, #tpu.memory_space<vmem>>, vector<16xf32>,
      } {sc.loop_unroll_factor = 8 : i64, sc.parallel_access}
      %parallel_loop3A_90 = arith.constant 0 : i32
      %parallel_loop3A_91 = arith.constant 2048 : i32
      %parallel_loop3A_92 = arith.constant 16 : i32
      scf.for %parallel_loop3A_185 = %parallel_loop3A_90 to %parallel_loop3A_91 step %parallel_loop3A_92  : i32 {
        %parallel_loop3A_186 = arith.constant 1 : i32
        %parallel_loop3A_187 = arith.index_cast %parallel_loop3A_186 : i32 to index
        %parallel_loop3A_188 = arith.index_cast %parallel_loop3A_185 : i32 to index
        %parallel_loop3A_189 = tpu.vector_load %arg6[%parallel_loop3A_187, %parallel_loop3A_188] {strides = array<i32>} : memref<8x2048xf32, #tpu.memory_space<vmem>>, vector<16xf32>,
        %parallel_loop3A_190 = arith.constant -1.000000e+00 : f32
        %parallel_loop3A_191 = vector.broadcast %parallel_loop3A_190 : f32 to vector<16xf32>
        %parallel_loop3A_192 = arith.maximumf %parallel_loop3A_189, %parallel_loop3A_191 : vector<16xf32>
        %parallel_loop3A_193 = arith.constant 1.000000e+00 : f32
        %parallel_loop3A_194 = vector.broadcast %parallel_loop3A_193 : f32 to vector<16xf32>
        %parallel_loop3A_195 = arith.minimumf %parallel_loop3A_192, %parallel_loop3A_194 : vector<16xf32>
        %parallel_loop3A_196 = arith.constant 1.275000e+02 : f32
        %parallel_loop3A_197 = vector.broadcast %parallel_loop3A_196 : f32 to vector<16xf32>
        %parallel_loop3A_198 = arith.mulf %parallel_loop3A_195, %parallel_loop3A_197 : vector<16xf32>
        %parallel_loop3A_199 = arith.constant 1.280000e+02 : f32
        %parallel_loop3A_200 = vector.broadcast %parallel_loop3A_199 : f32 to vector<16xf32>
        %parallel_loop3A_201 = arith.addf %parallel_loop3A_198, %parallel_loop3A_200 : vector<16xf32>
        %parallel_loop3A_202 = arith.fptosi %parallel_loop3A_201 : vector<16xf32> to vector<16xi32>
        %parallel_loop3A_203 = tpu.vector_load_idx %arg5[%parallel_loop3A_202] : memref<256xf32, #tpu.memory_space<vmem>>[vector<16xi32>], vector<16xf32>,
        %parallel_loop3A_204 = arith.constant 1 : i32
        %parallel_loop3A_205 = arith.index_cast %parallel_loop3A_204 : i32 to index
        %parallel_loop3A_206 = arith.index_cast %parallel_loop3A_185 : i32 to index
        %parallel_loop3A_207 = tpu.vector_load %arg8[%parallel_loop3A_205, %parallel_loop3A_206] {strides = array<i32>} : memref<8x2048xf32, #tpu.memory_space<vmem>>, vector<16xf32>,
        tpu.vector_store %arg8[%parallel_loop3A_205, %parallel_loop3A_206], %parallel_loop3A_203 {strides = array<i32>} : memref<8x2048xf32, #tpu.memory_space<vmem>>, vector<16xf32>,
      } {sc.loop_unroll_factor = 8 : i64, sc.parallel_access}
      %parallel_loop3A_93 = arith.constant 0 : i32
      %parallel_loop3A_94 = arith.constant 2048 : i32
      %parallel_loop3A_95 = arith.constant 16 : i32
      scf.for %parallel_loop3A_185 = %parallel_loop3A_93 to %parallel_loop3A_94 step %parallel_loop3A_95  : i32 {
        %parallel_loop3A_186 = arith.constant 2 : i32
        %parallel_loop3A_187 = arith.index_cast %parallel_loop3A_186 : i32 to index
        %parallel_loop3A_188 = arith.index_cast %parallel_loop3A_185 : i32 to index
        %parallel_loop3A_189 = tpu.vector_load %arg6[%parallel_loop3A_187, %parallel_loop3A_188] {strides = array<i32>} : memref<8x2048xf32, #tpu.memory_space<vmem>>, vector<16xf32>,
        %parallel_loop3A_190 = arith.constant -1.000000e+00 : f32
        %parallel_loop3A_191 = vector.broadcast %parallel_loop3A_190 : f32 to vector<16xf32>
        %parallel_loop3A_192 = arith.maximumf %parallel_loop3A_189, %parallel_loop3A_191 : vector<16xf32>
        %parallel_loop3A_193 = arith.constant 1.000000e+00 : f32
        %parallel_loop3A_194 = vector.broadcast %parallel_loop3A_193 : f32 to vector<16xf32>
        %parallel_loop3A_195 = arith.minimumf %parallel_loop3A_192, %parallel_loop3A_194 : vector<16xf32>
        %parallel_loop3A_196 = arith.constant 1.275000e+02 : f32
        %parallel_loop3A_197 = vector.broadcast %parallel_loop3A_196 : f32 to vector<16xf32>
        %parallel_loop3A_198 = arith.mulf %parallel_loop3A_195, %parallel_loop3A_197 : vector<16xf32>
        %parallel_loop3A_199 = arith.constant 1.280000e+02 : f32
        %parallel_loop3A_200 = vector.broadcast %parallel_loop3A_199 : f32 to vector<16xf32>
        %parallel_loop3A_201 = arith.addf %parallel_loop3A_198, %parallel_loop3A_200 : vector<16xf32>
        %parallel_loop3A_202 = arith.fptosi %parallel_loop3A_201 : vector<16xf32> to vector<16xi32>
        %parallel_loop3A_203 = tpu.vector_load_idx %arg5[%parallel_loop3A_202] : memref<256xf32, #tpu.memory_space<vmem>>[vector<16xi32>], vector<16xf32>,
        %parallel_loop3A_204 = arith.constant 2 : i32
        %parallel_loop3A_205 = arith.index_cast %parallel_loop3A_204 : i32 to index
        %parallel_loop3A_206 = arith.index_cast %parallel_loop3A_185 : i32 to index
        %parallel_loop3A_207 = tpu.vector_load %arg8[%parallel_loop3A_205, %parallel_loop3A_206] {strides = array<i32>} : memref<8x2048xf32, #tpu.memory_space<vmem>>, vector<16xf32>,
        tpu.vector_store %arg8[%parallel_loop3A_205, %parallel_loop3A_206], %parallel_loop3A_203 {strides = array<i32>} : memref<8x2048xf32, #tpu.memory_space<vmem>>, vector<16xf32>,
      } {sc.loop_unroll_factor = 8 : i64, sc.parallel_access}
      %parallel_loop3A_96 = arith.constant 0 : i32
      %parallel_loop3A_97 = arith.constant 2048 : i32
      %parallel_loop3A_98 = arith.constant 16 : i32
      scf.for %parallel_loop3A_185 = %parallel_loop3A_96 to %parallel_loop3A_97 step %parallel_loop3A_98  : i32 {
        %parallel_loop3A_186 = arith.constant 3 : i32
        %parallel_loop3A_187 = arith.index_cast %parallel_loop3A_186 : i32 to index
        %parallel_loop3A_188 = arith.index_cast %parallel_loop3A_185 : i32 to index
        %parallel_loop3A_189 = tpu.vector_load %arg6[%parallel_loop3A_187, %parallel_loop3A_188] {strides = array<i32>} : memref<8x2048xf32, #tpu.memory_space<vmem>>, vector<16xf32>,
        %parallel_loop3A_190 = arith.constant -1.000000e+00 : f32
        %parallel_loop3A_191 = vector.broadcast %parallel_loop3A_190 : f32 to vector<16xf32>
        %parallel_loop3A_192 = arith.maximumf %parallel_loop3A_189, %parallel_loop3A_191 : vector<16xf32>
        %parallel_loop3A_193 = arith.constant 1.000000e+00 : f32
        %parallel_loop3A_194 = vector.broadcast %parallel_loop3A_193 : f32 to vector<16xf32>
        %parallel_loop3A_195 = arith.minimumf %parallel_loop3A_192, %parallel_loop3A_194 : vector<16xf32>
        %parallel_loop3A_196 = arith.constant 1.275000e+02 : f32
        %parallel_loop3A_197 = vector.broadcast %parallel_loop3A_196 : f32 to vector<16xf32>
        %parallel_loop3A_198 = arith.mulf %parallel_loop3A_195, %parallel_loop3A_197 : vector<16xf32>
        %parallel_loop3A_199 = arith.constant 1.280000e+02 : f32
        %parallel_loop3A_200 = vector.broadcast %parallel_loop3A_199 : f32 to vector<16xf32>
        %parallel_loop3A_201 = arith.addf %parallel_loop3A_198, %parallel_loop3A_200 : vector<16xf32>
        %parallel_loop3A_202 = arith.fptosi %parallel_loop3A_201 : vector<16xf32> to vector<16xi32>
        %parallel_loop3A_203 = tpu.vector_load_idx %arg5[%parallel_loop3A_202] : memref<256xf32, #tpu.memory_space<vmem>>[vector<16xi32>], vector<16xf32>,
        %parallel_loop3A_204 = arith.constant 3 : i32
        %parallel_loop3A_205 = arith.index_cast %parallel_loop3A_204 : i32 to index
        %parallel_loop3A_206 = arith.index_cast %parallel_loop3A_185 : i32 to index
        %parallel_loop3A_207 = tpu.vector_load %arg8[%parallel_loop3A_205, %parallel_loop3A_206] {strides = array<i32>} : memref<8x2048xf32, #tpu.memory_space<vmem>>, vector<16xf32>,
        tpu.vector_store %arg8[%parallel_loop3A_205, %parallel_loop3A_206], %parallel_loop3A_203 {strides = array<i32>} : memref<8x2048xf32, #tpu.memory_space<vmem>>, vector<16xf32>,
      } {sc.loop_unroll_factor = 8 : i64, sc.parallel_access}
      %parallel_loop3A_99 = arith.constant 0 : i32
      %parallel_loop3A_100 = arith.constant 2048 : i32
      %parallel_loop3A_101 = arith.constant 16 : i32
      scf.for %parallel_loop3A_185 = %parallel_loop3A_99 to %parallel_loop3A_100 step %parallel_loop3A_101  : i32 {
        %parallel_loop3A_186 = arith.constant 4 : i32
        %parallel_loop3A_187 = arith.index_cast %parallel_loop3A_186 : i32 to index
        %parallel_loop3A_188 = arith.index_cast %parallel_loop3A_185 : i32 to index
        %parallel_loop3A_189 = tpu.vector_load %arg6[%parallel_loop3A_187, %parallel_loop3A_188] {strides = array<i32>} : memref<8x2048xf32, #tpu.memory_space<vmem>>, vector<16xf32>,
        %parallel_loop3A_190 = arith.constant -1.000000e+00 : f32
        %parallel_loop3A_191 = vector.broadcast %parallel_loop3A_190 : f32 to vector<16xf32>
        %parallel_loop3A_192 = arith.maximumf %parallel_loop3A_189, %parallel_loop3A_191 : vector<16xf32>
        %parallel_loop3A_193 = arith.constant 1.000000e+00 : f32
        %parallel_loop3A_194 = vector.broadcast %parallel_loop3A_193 : f32 to vector<16xf32>
        %parallel_loop3A_195 = arith.minimumf %parallel_loop3A_192, %parallel_loop3A_194 : vector<16xf32>
        %parallel_loop3A_196 = arith.constant 1.275000e+02 : f32
        %parallel_loop3A_197 = vector.broadcast %parallel_loop3A_196 : f32 to vector<16xf32>
        %parallel_loop3A_198 = arith.mulf %parallel_loop3A_195, %parallel_loop3A_197 : vector<16xf32>
        %parallel_loop3A_199 = arith.constant 1.280000e+02 : f32
        %parallel_loop3A_200 = vector.broadcast %parallel_loop3A_199 : f32 to vector<16xf32>
        %parallel_loop3A_201 = arith.addf %parallel_loop3A_198, %parallel_loop3A_200 : vector<16xf32>
        %parallel_loop3A_202 = arith.fptosi %parallel_loop3A_201 : vector<16xf32> to vector<16xi32>
        %parallel_loop3A_203 = tpu.vector_load_idx %arg5[%parallel_loop3A_202] : memref<256xf32, #tpu.memory_space<vmem>>[vector<16xi32>], vector<16xf32>,
        %parallel_loop3A_204 = arith.constant 4 : i32
        %parallel_loop3A_205 = arith.index_cast %parallel_loop3A_204 : i32 to index
        %parallel_loop3A_206 = arith.index_cast %parallel_loop3A_185 : i32 to index
        %parallel_loop3A_207 = tpu.vector_load %arg8[%parallel_loop3A_205, %parallel_loop3A_206] {strides = array<i32>} : memref<8x2048xf32, #tpu.memory_space<vmem>>, vector<16xf32>,
        tpu.vector_store %arg8[%parallel_loop3A_205, %parallel_loop3A_206], %parallel_loop3A_203 {strides = array<i32>} : memref<8x2048xf32, #tpu.memory_space<vmem>>, vector<16xf32>,
      } {sc.loop_unroll_factor = 8 : i64, sc.parallel_access}
      %parallel_loop3A_102 = arith.constant 0 : i32
      %parallel_loop3A_103 = arith.constant 2048 : i32
      %parallel_loop3A_104 = arith.constant 16 : i32
      scf.for %parallel_loop3A_185 = %parallel_loop3A_102 to %parallel_loop3A_103 step %parallel_loop3A_104  : i32 {
        %parallel_loop3A_186 = arith.constant 5 : i32
        %parallel_loop3A_187 = arith.index_cast %parallel_loop3A_186 : i32 to index
        %parallel_loop3A_188 = arith.index_cast %parallel_loop3A_185 : i32 to index
        %parallel_loop3A_189 = tpu.vector_load %arg6[%parallel_loop3A_187, %parallel_loop3A_188] {strides = array<i32>} : memref<8x2048xf32, #tpu.memory_space<vmem>>, vector<16xf32>,
        %parallel_loop3A_190 = arith.constant -1.000000e+00 : f32
        %parallel_loop3A_191 = vector.broadcast %parallel_loop3A_190 : f32 to vector<16xf32>
        %parallel_loop3A_192 = arith.maximumf %parallel_loop3A_189, %parallel_loop3A_191 : vector<16xf32>
        %parallel_loop3A_193 = arith.constant 1.000000e+00 : f32
        %parallel_loop3A_194 = vector.broadcast %parallel_loop3A_193 : f32 to vector<16xf32>
        %parallel_loop3A_195 = arith.minimumf %parallel_loop3A_192, %parallel_loop3A_194 : vector<16xf32>
        %parallel_loop3A_196 = arith.constant 1.275000e+02 : f32
        %parallel_loop3A_197 = vector.broadcast %parallel_loop3A_196 : f32 to vector<16xf32>
        %parallel_loop3A_198 = arith.mulf %parallel_loop3A_195, %parallel_loop3A_197 : vector<16xf32>
        %parallel_loop3A_199 = arith.constant 1.280000e+02 : f32
        %parallel_loop3A_200 = vector.broadcast %parallel_loop3A_199 : f32 to vector<16xf32>
        %parallel_loop3A_201 = arith.addf %parallel_loop3A_198, %parallel_loop3A_200 : vector<16xf32>
        %parallel_loop3A_202 = arith.fptosi %parallel_loop3A_201 : vector<16xf32> to vector<16xi32>
        %parallel_loop3A_203 = tpu.vector_load_idx %arg5[%parallel_loop3A_202] : memref<256xf32, #tpu.memory_space<vmem>>[vector<16xi32>], vector<16xf32>,
        %parallel_loop3A_204 = arith.constant 5 : i32
        %parallel_loop3A_205 = arith.index_cast %parallel_loop3A_204 : i32 to index
        %parallel_loop3A_206 = arith.index_cast %parallel_loop3A_185 : i32 to index
        %parallel_loop3A_207 = tpu.vector_load %arg8[%parallel_loop3A_205, %parallel_loop3A_206] {strides = array<i32>} : memref<8x2048xf32, #tpu.memory_space<vmem>>, vector<16xf32>,
        tpu.vector_store %arg8[%parallel_loop3A_205, %parallel_loop3A_206], %parallel_loop3A_203 {strides = array<i32>} : memref<8x2048xf32, #tpu.memory_space<vmem>>, vector<16xf32>,
      } {sc.loop_unroll_factor = 8 : i64, sc.parallel_access}
      %parallel_loop3A_105 = arith.constant 0 : i32
      %parallel_loop3A_106 = arith.constant 2048 : i32
      %parallel_loop3A_107 = arith.constant 16 : i32
      scf.for %parallel_loop3A_185 = %parallel_loop3A_105 to %parallel_loop3A_106 step %parallel_loop3A_107  : i32 {
        %parallel_loop3A_186 = arith.constant 6 : i32
        %parallel_loop3A_187 = arith.index_cast %parallel_loop3A_186 : i32 to index
        %parallel_loop3A_188 = arith.index_cast %parallel_loop3A_185 : i32 to index
        %parallel_loop3A_189 = tpu.vector_load %arg6[%parallel_loop3A_187, %parallel_loop3A_188] {strides = array<i32>} : memref<8x2048xf32, #tpu.memory_space<vmem>>, vector<16xf32>,
        %parallel_loop3A_190 = arith.constant -1.000000e+00 : f32
        %parallel_loop3A_191 = vector.broadcast %parallel_loop3A_190 : f32 to vector<16xf32>
        %parallel_loop3A_192 = arith.maximumf %parallel_loop3A_189, %parallel_loop3A_191 : vector<16xf32>
        %parallel_loop3A_193 = arith.constant 1.000000e+00 : f32
        %parallel_loop3A_194 = vector.broadcast %parallel_loop3A_193 : f32 to vector<16xf32>
        %parallel_loop3A_195 = arith.minimumf %parallel_loop3A_192, %parallel_loop3A_194 : vector<16xf32>
        %parallel_loop3A_196 = arith.constant 1.275000e+02 : f32
        %parallel_loop3A_197 = vector.broadcast %parallel_loop3A_196 : f32 to vector<16xf32>
        %parallel_loop3A_198 = arith.mulf %parallel_loop3A_195, %parallel_loop3A_197 : vector<16xf32>
        %parallel_loop3A_199 = arith.constant 1.280000e+02 : f32
        %parallel_loop3A_200 = vector.broadcast %parallel_loop3A_199 : f32 to vector<16xf32>
        %parallel_loop3A_201 = arith.addf %parallel_loop3A_198, %parallel_loop3A_200 : vector<16xf32>
        %parallel_loop3A_202 = arith.fptosi %parallel_loop3A_201 : vector<16xf32> to vector<16xi32>
        %parallel_loop3A_203 = tpu.vector_load_idx %arg5[%parallel_loop3A_202] : memref<256xf32, #tpu.memory_space<vmem>>[vector<16xi32>], vector<16xf32>,
        %parallel_loop3A_204 = arith.constant 6 : i32
        %parallel_loop3A_205 = arith.index_cast %parallel_loop3A_204 : i32 to index
        %parallel_loop3A_206 = arith.index_cast %parallel_loop3A_185 : i32 to index
        %parallel_loop3A_207 = tpu.vector_load %arg8[%parallel_loop3A_205, %parallel_loop3A_206] {strides = array<i32>} : memref<8x2048xf32, #tpu.memory_space<vmem>>, vector<16xf32>,
        tpu.vector_store %arg8[%parallel_loop3A_205, %parallel_loop3A_206], %parallel_loop3A_203 {strides = array<i32>} : memref<8x2048xf32, #tpu.memory_space<vmem>>, vector<16xf32>,
      } {sc.loop_unroll_factor = 8 : i64, sc.parallel_access}
      %parallel_loop3A_108 = arith.constant 0 : i32
      %parallel_loop3A_109 = arith.constant 2048 : i32
      %parallel_loop3A_110 = arith.constant 16 : i32
      scf.for %parallel_loop3A_185 = %parallel_loop3A_108 to %parallel_loop3A_109 step %parallel_loop3A_110  : i32 {
        %parallel_loop3A_186 = arith.constant 7 : i32
        %parallel_loop3A_187 = arith.index_cast %parallel_loop3A_186 : i32 to index
        %parallel_loop3A_188 = arith.index_cast %parallel_loop3A_185 : i32 to index
        %parallel_loop3A_189 = tpu.vector_load %arg6[%parallel_loop3A_187, %parallel_loop3A_188] {strides = array<i32>} : memref<8x2048xf32, #tpu.memory_space<vmem>>, vector<16xf32>,
        %parallel_loop3A_190 = arith.constant -1.000000e+00 : f32
        %parallel_loop3A_191 = vector.broadcast %parallel_loop3A_190 : f32 to vector<16xf32>
        %parallel_loop3A_192 = arith.maximumf %parallel_loop3A_189, %parallel_loop3A_191 : vector<16xf32>
        %parallel_loop3A_193 = arith.constant 1.000000e+00 : f32
        %parallel_loop3A_194 = vector.broadcast %parallel_loop3A_193 : f32 to vector<16xf32>
        %parallel_loop3A_195 = arith.minimumf %parallel_loop3A_192, %parallel_loop3A_194 : vector<16xf32>
        %parallel_loop3A_196 = arith.constant 1.275000e+02 : f32
        %parallel_loop3A_197 = vector.broadcast %parallel_loop3A_196 : f32 to vector<16xf32>
        %parallel_loop3A_198 = arith.mulf %parallel_loop3A_195, %parallel_loop3A_197 : vector<16xf32>
        %parallel_loop3A_199 = arith.constant 1.280000e+02 : f32
        %parallel_loop3A_200 = vector.broadcast %parallel_loop3A_199 : f32 to vector<16xf32>
        %parallel_loop3A_201 = arith.addf %parallel_loop3A_198, %parallel_loop3A_200 : vector<16xf32>
        %parallel_loop3A_202 = arith.fptosi %parallel_loop3A_201 : vector<16xf32> to vector<16xi32>
        %parallel_loop3A_203 = tpu.vector_load_idx %arg5[%parallel_loop3A_202] : memref<256xf32, #tpu.memory_space<vmem>>[vector<16xi32>], vector<16xf32>,
        %parallel_loop3A_204 = arith.constant 7 : i32
        %parallel_loop3A_205 = arith.index_cast %parallel_loop3A_204 : i32 to index
        %parallel_loop3A_206 = arith.index_cast %parallel_loop3A_185 : i32 to index
        %parallel_loop3A_207 = tpu.vector_load %arg8[%parallel_loop3A_205, %parallel_loop3A_206] {strides = array<i32>} : memref<8x2048xf32, #tpu.memory_space<vmem>>, vector<16xf32>,
        tpu.vector_store %arg8[%parallel_loop3A_205, %parallel_loop3A_206], %parallel_loop3A_203 {strides = array<i32>} : memref<8x2048xf32, #tpu.memory_space<vmem>>, vector<16xf32>,
      } {sc.loop_unroll_factor = 8 : i64, sc.parallel_access}
      %mul3A_111 = arith.constant 8 : i32
      %mul3A_112 = arith.muli %add3A_76, %mul3A_111 : i32
      %add3A_113 = arith.addi %mul3A_32, %mul3A_112 : i32
      %multiple_of3A_114 = tpu.assume_multiple %add3A_113, 8 : i32
      %dma_start3A_115 = arith.constant 0 : i32
      %dma_start3A_116 = tpu.memref_slice %arg4[%select_n3A, %multiple_of3A_114, %dma_start3A_115] : memref<2x8192x2048xf32, #tpu.memory_space<hbm>> -> memref<1x8x2048xf32, #tpu.memory_space<hbm>>
      %dma_start3A_117 = tpu.memref_squeeze %dma_start3A_116 : memref<1x8x2048xf32, #tpu.memory_space<hbm>> -> memref<8x2048xf32, #tpu.memory_space<hbm>>
      %dma_start3A_118 = arith.constant 0 : i32
      %dma_start3A_119 = tpu.memref_slice %arg4[%select_n3A, %multiple_of3A_114, %dma_start3A_118] : memref<2x8192x2048xf32, #tpu.memory_space<hbm>> -> memref<1x8x2048xf32, #tpu.memory_space<hbm>>
      %dma_start3A_120 = tpu.memref_squeeze %dma_start3A_119 : memref<1x8x2048xf32, #tpu.memory_space<hbm>> -> memref<8x2048xf32, #tpu.memory_space<hbm>>
      tpu.enqueue_dma source(%arg8 : memref<8x2048xf32, #tpu.memory_space<vmem>>) target(%dma_start3A_120 : memref<8x2048xf32, #tpu.memory_space<hbm>>) target_semaphore(%arg12 : memref<!tpu.dma_semaphore, #tpu.memory_space<semaphore_mem>>)
      %add3A_121 = arith.constant 2 : i32
      %add3A_122 = arith.addi %add3A_76, %add3A_121 : i32
      %lt3A_123 = arith.constant 64 : i32
      %lt3A_124 = arith.cmpi slt, %add3A_122, %lt3A_123 : i32
      %convert_element_type3A_125 = arith.extui %lt3A_124 : i1 to i32
      %cond3A_126 = arith.constant 0 : i32
      %cond3A_127 = arith.cmpi ne, %convert_element_type3A_125, %cond3A_126 : i32
      scf.if %cond3A_127 {
        %add3A_185 = arith.constant 2 : i32
        %add3A_186 = arith.addi %add3A_76, %add3A_185 : i32
        %mul3A_187 = arith.constant 8 : i32
        %mul3A_188 = arith.muli %add3A_186, %mul3A_187 : i32
        %add3A_189 = arith.addi %mul3A_32, %mul3A_188 : i32
        %multiple_of3A_190 = tpu.assume_multiple %add3A_189, 8 : i32
        %dma_start3A_191 = arith.constant 0 : i32
        %dma_start3A_192 = tpu.memref_slice %arg2[%select_n3A, %multiple_of3A_190, %dma_start3A_191] : memref<2x8192x2048xf32, #tpu.memory_space<hbm>> -> memref<1x8x2048xf32, #tpu.memory_space<hbm>>
        %dma_start3A_193 = tpu.memref_squeeze %dma_start3A_192 : memref<1x8x2048xf32, #tpu.memory_space<hbm>> -> memref<8x2048xf32, #tpu.memory_space<hbm>>
        %dma_start3A_194 = arith.constant 0 : i32
        %dma_start3A_195 = tpu.memref_slice %arg2[%select_n3A, %multiple_of3A_190, %dma_start3A_194] : memref<2x8192x2048xf32, #tpu.memory_space<hbm>> -> memref<1x8x2048xf32, #tpu.memory_space<hbm>>
        %dma_start3A_196 = tpu.memref_squeeze %dma_start3A_195 : memref<1x8x2048xf32, #tpu.memory_space<hbm>> -> memref<8x2048xf32, #tpu.memory_space<hbm>>
        tpu.enqueue_dma source(%dma_start3A_196 : memref<8x2048xf32, #tpu.memory_space<hbm>>) target(%arg6 : memref<8x2048xf32, #tpu.memory_space<vmem>>) target_semaphore(%arg10 : memref<!tpu.dma_semaphore, #tpu.memory_space<semaphore_mem>>)
      } else {
      }
      %add3A_128 = arith.constant 1 : i32
      %add3A_129 = arith.addi %add3A_74, %add3A_128 : i32
      %dma_wait3A_130 = arith.constant 0 : i32
      %dma_wait3A_131 = arith.constant 0 : i32
      %dma_wait3A_132 = arith.constant 0 : i32
      %dma_wait3A_133 = tpu.memref_slice %arg2[%dma_wait3A_130, %dma_wait3A_131, %dma_wait3A_132] : memref<2x8192x2048xf32, #tpu.memory_space<hbm>> -> memref<1x8x2048xf32, #tpu.memory_space<hbm>>
      %dma_wait3A_134 = tpu.memref_squeeze %dma_wait3A_133 : memref<1x8x2048xf32, #tpu.memory_space<hbm>> -> memref<8x2048xf32, #tpu.memory_space<hbm>>
      %dma_wait3A_135 = arith.constant 0 : i32
      %dma_wait3A_136 = arith.constant 0 : i32
      %dma_wait3A_137 = tpu.memref_slice %arg2[%dma_wait3A_130, %dma_wait3A_135, %dma_wait3A_136] : memref<2x8192x2048xf32, #tpu.memory_space<hbm>> -> memref<1x8x2048xf32, #tpu.memory_space<hbm>>
      %dma_wait3A_138 = tpu.memref_squeeze %dma_wait3A_137 : memref<1x8x2048xf32, #tpu.memory_space<hbm>> -> memref<8x2048xf32, #tpu.memory_space<hbm>>
      tpu.wait_dma2 semaphore(%arg11 : memref<!tpu.dma_semaphore, #tpu.memory_space<semaphore_mem>>) src(%dma_wait3A_138 : memref<8x2048xf32, #tpu.memory_space<hbm>>) dst(%arg7 : memref<8x2048xf32, #tpu.memory_space<vmem>>)
      %ge3A_139 = arith.constant 2 : i32
      %ge3A_140 = arith.cmpi sge, %add3A_129, %ge3A_139 : i32
      %convert_element_type3A_141 = arith.extui %ge3A_140 : i1 to i32
      %cond3A_142 = arith.constant 0 : i32
      %cond3A_143 = arith.cmpi ne, %convert_element_type3A_141, %cond3A_142 : i32
      scf.if %cond3A_143 {
        %dma_wait3A_185 = arith.constant 0 : i32
        %dma_wait3A_186 = arith.constant 0 : i32
        %dma_wait3A_187 = arith.constant 0 : i32
        %dma_wait3A_188 = tpu.memref_slice %arg4[%dma_wait3A_185, %dma_wait3A_186, %dma_wait3A_187] : memref<2x8192x2048xf32, #tpu.memory_space<hbm>> -> memref<1x8x2048xf32, #tpu.memory_space<hbm>>
        %dma_wait3A_189 = tpu.memref_squeeze %dma_wait3A_188 : memref<1x8x2048xf32, #tpu.memory_space<hbm>> -> memref<8x2048xf32, #tpu.memory_space<hbm>>
        %dma_wait3A_190 = arith.constant 0 : i32
        %dma_wait3A_191 = arith.constant 0 : i32
        %dma_wait3A_192 = tpu.memref_slice %arg4[%dma_wait3A_185, %dma_wait3A_190, %dma_wait3A_191] : memref<2x8192x2048xf32, #tpu.memory_space<hbm>> -> memref<1x8x2048xf32, #tpu.memory_space<hbm>>
        %dma_wait3A_193 = tpu.memref_squeeze %dma_wait3A_192 : memref<1x8x2048xf32, #tpu.memory_space<hbm>> -> memref<8x2048xf32, #tpu.memory_space<hbm>>
        tpu.wait_dma2 semaphore(%arg13 : memref<!tpu.dma_semaphore, #tpu.memory_space<semaphore_mem>>) src(%arg9 : memref<8x2048xf32, #tpu.memory_space<vmem>>) dst(%dma_wait3A_193 : memref<8x2048xf32, #tpu.memory_space<hbm>>)
      } else {
      }
      %parallel_loop3A_144 = arith.constant 0 : i32
      %parallel_loop3A_145 = arith.constant 2048 : i32
      %parallel_loop3A_146 = arith.constant 16 : i32
      scf.for %parallel_loop3A_185 = %parallel_loop3A_144 to %parallel_loop3A_145 step %parallel_loop3A_146  : i32 {
        %parallel_loop3A_186 = arith.constant 0 : i32
        %parallel_loop3A_187 = arith.index_cast %parallel_loop3A_186 : i32 to index
        %parallel_loop3A_188 = arith.index_cast %parallel_loop3A_185 : i32 to index
        %parallel_loop3A_189 = tpu.vector_load %arg7[%parallel_loop3A_187, %parallel_loop3A_188] {strides = array<i32>} : memref<8x2048xf32, #tpu.memory_space<vmem>>, vector<16xf32>,
        %parallel_loop3A_190 = arith.constant -1.000000e+00 : f32
        %parallel_loop3A_191 = vector.broadcast %parallel_loop3A_190 : f32 to vector<16xf32>
        %parallel_loop3A_192 = arith.maximumf %parallel_loop3A_189, %parallel_loop3A_191 : vector<16xf32>
        %parallel_loop3A_193 = arith.constant 1.000000e+00 : f32
        %parallel_loop3A_194 = vector.broadcast %parallel_loop3A_193 : f32 to vector<16xf32>
        %parallel_loop3A_195 = arith.minimumf %parallel_loop3A_192, %parallel_loop3A_194 : vector<16xf32>
        %parallel_loop3A_196 = arith.constant 1.275000e+02 : f32
        %parallel_loop3A_197 = vector.broadcast %parallel_loop3A_196 : f32 to vector<16xf32>
        %parallel_loop3A_198 = arith.mulf %parallel_loop3A_195, %parallel_loop3A_197 : vector<16xf32>
        %parallel_loop3A_199 = arith.constant 1.280000e+02 : f32
        %parallel_loop3A_200 = vector.broadcast %parallel_loop3A_199 : f32 to vector<16xf32>
        %parallel_loop3A_201 = arith.addf %parallel_loop3A_198, %parallel_loop3A_200 : vector<16xf32>
        %parallel_loop3A_202 = arith.fptosi %parallel_loop3A_201 : vector<16xf32> to vector<16xi32>
        %parallel_loop3A_203 = tpu.vector_load_idx %arg5[%parallel_loop3A_202] : memref<256xf32, #tpu.memory_space<vmem>>[vector<16xi32>], vector<16xf32>,
        %parallel_loop3A_204 = arith.constant 0 : i32
        %parallel_loop3A_205 = arith.index_cast %parallel_loop3A_204 : i32 to index
        %parallel_loop3A_206 = arith.index_cast %parallel_loop3A_185 : i32 to index
        %parallel_loop3A_207 = tpu.vector_load %arg9[%parallel_loop3A_205, %parallel_loop3A_206] {strides = array<i32>} : memref<8x2048xf32, #tpu.memory_space<vmem>>, vector<16xf32>,
        tpu.vector_store %arg9[%parallel_loop3A_205, %parallel_loop3A_206], %parallel_loop3A_203 {strides = array<i32>} : memref<8x2048xf32, #tpu.memory_space<vmem>>, vector<16xf32>,
      } {sc.loop_unroll_factor = 8 : i64, sc.parallel_access}
      %parallel_loop3A_147 = arith.constant 0 : i32
      %parallel_loop3A_148 = arith.constant 2048 : i32
      %parallel_loop3A_149 = arith.constant 16 : i32
      scf.for %parallel_loop3A_185 = %parallel_loop3A_147 to %parallel_loop3A_148 step %parallel_loop3A_149  : i32 {
        %parallel_loop3A_186 = arith.constant 1 : i32
        %parallel_loop3A_187 = arith.index_cast %parallel_loop3A_186 : i32 to index
        %parallel_loop3A_188 = arith.index_cast %parallel_loop3A_185 : i32 to index
        %parallel_loop3A_189 = tpu.vector_load %arg7[%parallel_loop3A_187, %parallel_loop3A_188] {strides = array<i32>} : memref<8x2048xf32, #tpu.memory_space<vmem>>, vector<16xf32>,
        %parallel_loop3A_190 = arith.constant -1.000000e+00 : f32
        %parallel_loop3A_191 = vector.broadcast %parallel_loop3A_190 : f32 to vector<16xf32>
        %parallel_loop3A_192 = arith.maximumf %parallel_loop3A_189, %parallel_loop3A_191 : vector<16xf32>
        %parallel_loop3A_193 = arith.constant 1.000000e+00 : f32
        %parallel_loop3A_194 = vector.broadcast %parallel_loop3A_193 : f32 to vector<16xf32>
        %parallel_loop3A_195 = arith.minimumf %parallel_loop3A_192, %parallel_loop3A_194 : vector<16xf32>
        %parallel_loop3A_196 = arith.constant 1.275000e+02 : f32
        %parallel_loop3A_197 = vector.broadcast %parallel_loop3A_196 : f32 to vector<16xf32>
        %parallel_loop3A_198 = arith.mulf %parallel_loop3A_195, %parallel_loop3A_197 : vector<16xf32>
        %parallel_loop3A_199 = arith.constant 1.280000e+02 : f32
        %parallel_loop3A_200 = vector.broadcast %parallel_loop3A_199 : f32 to vector<16xf32>
        %parallel_loop3A_201 = arith.addf %parallel_loop3A_198, %parallel_loop3A_200 : vector<16xf32>
        %parallel_loop3A_202 = arith.fptosi %parallel_loop3A_201 : vector<16xf32> to vector<16xi32>
        %parallel_loop3A_203 = tpu.vector_load_idx %arg5[%parallel_loop3A_202] : memref<256xf32, #tpu.memory_space<vmem>>[vector<16xi32>], vector<16xf32>,
        %parallel_loop3A_204 = arith.constant 1 : i32
        %parallel_loop3A_205 = arith.index_cast %parallel_loop3A_204 : i32 to index
        %parallel_loop3A_206 = arith.index_cast %parallel_loop3A_185 : i32 to index
        %parallel_loop3A_207 = tpu.vector_load %arg9[%parallel_loop3A_205, %parallel_loop3A_206] {strides = array<i32>} : memref<8x2048xf32, #tpu.memory_space<vmem>>, vector<16xf32>,
        tpu.vector_store %arg9[%parallel_loop3A_205, %parallel_loop3A_206], %parallel_loop3A_203 {strides = array<i32>} : memref<8x2048xf32, #tpu.memory_space<vmem>>, vector<16xf32>,
      } {sc.loop_unroll_factor = 8 : i64, sc.parallel_access}
      %parallel_loop3A_150 = arith.constant 0 : i32
      %parallel_loop3A_151 = arith.constant 2048 : i32
      %parallel_loop3A_152 = arith.constant 16 : i32
      scf.for %parallel_loop3A_185 = %parallel_loop3A_150 to %parallel_loop3A_151 step %parallel_loop3A_152  : i32 {
        %parallel_loop3A_186 = arith.constant 2 : i32
        %parallel_loop3A_187 = arith.index_cast %parallel_loop3A_186 : i32 to index
        %parallel_loop3A_188 = arith.index_cast %parallel_loop3A_185 : i32 to index
        %parallel_loop3A_189 = tpu.vector_load %arg7[%parallel_loop3A_187, %parallel_loop3A_188] {strides = array<i32>} : memref<8x2048xf32, #tpu.memory_space<vmem>>, vector<16xf32>,
        %parallel_loop3A_190 = arith.constant -1.000000e+00 : f32
        %parallel_loop3A_191 = vector.broadcast %parallel_loop3A_190 : f32 to vector<16xf32>
        %parallel_loop3A_192 = arith.maximumf %parallel_loop3A_189, %parallel_loop3A_191 : vector<16xf32>
        %parallel_loop3A_193 = arith.constant 1.000000e+00 : f32
        %parallel_loop3A_194 = vector.broadcast %parallel_loop3A_193 : f32 to vector<16xf32>
        %parallel_loop3A_195 = arith.minimumf %parallel_loop3A_192, %parallel_loop3A_194 : vector<16xf32>
        %parallel_loop3A_196 = arith.constant 1.275000e+02 : f32
        %parallel_loop3A_197 = vector.broadcast %parallel_loop3A_196 : f32 to vector<16xf32>
        %parallel_loop3A_198 = arith.mulf %parallel_loop3A_195, %parallel_loop3A_197 : vector<16xf32>
        %parallel_loop3A_199 = arith.constant 1.280000e+02 : f32
        %parallel_loop3A_200 = vector.broadcast %parallel_loop3A_199 : f32 to vector<16xf32>
        %parallel_loop3A_201 = arith.addf %parallel_loop3A_198, %parallel_loop3A_200 : vector<16xf32>
        %parallel_loop3A_202 = arith.fptosi %parallel_loop3A_201 : vector<16xf32> to vector<16xi32>
        %parallel_loop3A_203 = tpu.vector_load_idx %arg5[%parallel_loop3A_202] : memref<256xf32, #tpu.memory_space<vmem>>[vector<16xi32>], vector<16xf32>,
        %parallel_loop3A_204 = arith.constant 2 : i32
        %parallel_loop3A_205 = arith.index_cast %parallel_loop3A_204 : i32 to index
        %parallel_loop3A_206 = arith.index_cast %parallel_loop3A_185 : i32 to index
        %parallel_loop3A_207 = tpu.vector_load %arg9[%parallel_loop3A_205, %parallel_loop3A_206] {strides = array<i32>} : memref<8x2048xf32, #tpu.memory_space<vmem>>, vector<16xf32>,
        tpu.vector_store %arg9[%parallel_loop3A_205, %parallel_loop3A_206], %parallel_loop3A_203 {strides = array<i32>} : memref<8x2048xf32, #tpu.memory_space<vmem>>, vector<16xf32>,
      } {sc.loop_unroll_factor = 8 : i64, sc.parallel_access}
      %parallel_loop3A_153 = arith.constant 0 : i32
      %parallel_loop3A_154 = arith.constant 2048 : i32
      %parallel_loop3A_155 = arith.constant 16 : i32
      scf.for %parallel_loop3A_185 = %parallel_loop3A_153 to %parallel_loop3A_154 step %parallel_loop3A_155  : i32 {
        %parallel_loop3A_186 = arith.constant 3 : i32
        %parallel_loop3A_187 = arith.index_cast %parallel_loop3A_186 : i32 to index
        %parallel_loop3A_188 = arith.index_cast %parallel_loop3A_185 : i32 to index
        %parallel_loop3A_189 = tpu.vector_load %arg7[%parallel_loop3A_187, %parallel_loop3A_188] {strides = array<i32>} : memref<8x2048xf32, #tpu.memory_space<vmem>>, vector<16xf32>,
        %parallel_loop3A_190 = arith.constant -1.000000e+00 : f32
        %parallel_loop3A_191 = vector.broadcast %parallel_loop3A_190 : f32 to vector<16xf32>
        %parallel_loop3A_192 = arith.maximumf %parallel_loop3A_189, %parallel_loop3A_191 : vector<16xf32>
        %parallel_loop3A_193 = arith.constant 1.000000e+00 : f32
        %parallel_loop3A_194 = vector.broadcast %parallel_loop3A_193 : f32 to vector<16xf32>
        %parallel_loop3A_195 = arith.minimumf %parallel_loop3A_192, %parallel_loop3A_194 : vector<16xf32>
        %parallel_loop3A_196 = arith.constant 1.275000e+02 : f32
        %parallel_loop3A_197 = vector.broadcast %parallel_loop3A_196 : f32 to vector<16xf32>
        %parallel_loop3A_198 = arith.mulf %parallel_loop3A_195, %parallel_loop3A_197 : vector<16xf32>
        %parallel_loop3A_199 = arith.constant 1.280000e+02 : f32
        %parallel_loop3A_200 = vector.broadcast %parallel_loop3A_199 : f32 to vector<16xf32>
        %parallel_loop3A_201 = arith.addf %parallel_loop3A_198, %parallel_loop3A_200 : vector<16xf32>
        %parallel_loop3A_202 = arith.fptosi %parallel_loop3A_201 : vector<16xf32> to vector<16xi32>
        %parallel_loop3A_203 = tpu.vector_load_idx %arg5[%parallel_loop3A_202] : memref<256xf32, #tpu.memory_space<vmem>>[vector<16xi32>], vector<16xf32>,
        %parallel_loop3A_204 = arith.constant 3 : i32
        %parallel_loop3A_205 = arith.index_cast %parallel_loop3A_204 : i32 to index
        %parallel_loop3A_206 = arith.index_cast %parallel_loop3A_185 : i32 to index
        %parallel_loop3A_207 = tpu.vector_load %arg9[%parallel_loop3A_205, %parallel_loop3A_206] {strides = array<i32>} : memref<8x2048xf32, #tpu.memory_space<vmem>>, vector<16xf32>,
        tpu.vector_store %arg9[%parallel_loop3A_205, %parallel_loop3A_206], %parallel_loop3A_203 {strides = array<i32>} : memref<8x2048xf32, #tpu.memory_space<vmem>>, vector<16xf32>,
      } {sc.loop_unroll_factor = 8 : i64, sc.parallel_access}
      %parallel_loop3A_156 = arith.constant 0 : i32
      %parallel_loop3A_157 = arith.constant 2048 : i32
      %parallel_loop3A_158 = arith.constant 16 : i32
      scf.for %parallel_loop3A_185 = %parallel_loop3A_156 to %parallel_loop3A_157 step %parallel_loop3A_158  : i32 {
        %parallel_loop3A_186 = arith.constant 4 : i32
        %parallel_loop3A_187 = arith.index_cast %parallel_loop3A_186 : i32 to index
        %parallel_loop3A_188 = arith.index_cast %parallel_loop3A_185 : i32 to index
        %parallel_loop3A_189 = tpu.vector_load %arg7[%parallel_loop3A_187, %parallel_loop3A_188] {strides = array<i32>} : memref<8x2048xf32, #tpu.memory_space<vmem>>, vector<16xf32>,
        %parallel_loop3A_190 = arith.constant -1.000000e+00 : f32
        %parallel_loop3A_191 = vector.broadcast %parallel_loop3A_190 : f32 to vector<16xf32>
        %parallel_loop3A_192 = arith.maximumf %parallel_loop3A_189, %parallel_loop3A_191 : vector<16xf32>
        %parallel_loop3A_193 = arith.constant 1.000000e+00 : f32
        %parallel_loop3A_194 = vector.broadcast %parallel_loop3A_193 : f32 to vector<16xf32>
        %parallel_loop3A_195 = arith.minimumf %parallel_loop3A_192, %parallel_loop3A_194 : vector<16xf32>
        %parallel_loop3A_196 = arith.constant 1.275000e+02 : f32
        %parallel_loop3A_197 = vector.broadcast %parallel_loop3A_196 : f32 to vector<16xf32>
        %parallel_loop3A_198 = arith.mulf %parallel_loop3A_195, %parallel_loop3A_197 : vector<16xf32>
        %parallel_loop3A_199 = arith.constant 1.280000e+02 : f32
        %parallel_loop3A_200 = vector.broadcast %parallel_loop3A_199 : f32 to vector<16xf32>
        %parallel_loop3A_201 = arith.addf %parallel_loop3A_198, %parallel_loop3A_200 : vector<16xf32>
        %parallel_loop3A_202 = arith.fptosi %parallel_loop3A_201 : vector<16xf32> to vector<16xi32>
        %parallel_loop3A_203 = tpu.vector_load_idx %arg5[%parallel_loop3A_202] : memref<256xf32, #tpu.memory_space<vmem>>[vector<16xi32>], vector<16xf32>,
        %parallel_loop3A_204 = arith.constant 4 : i32
        %parallel_loop3A_205 = arith.index_cast %parallel_loop3A_204 : i32 to index
        %parallel_loop3A_206 = arith.index_cast %parallel_loop3A_185 : i32 to index
        %parallel_loop3A_207 = tpu.vector_load %arg9[%parallel_loop3A_205, %parallel_loop3A_206] {strides = array<i32>} : memref<8x2048xf32, #tpu.memory_space<vmem>>, vector<16xf32>,
        tpu.vector_store %arg9[%parallel_loop3A_205, %parallel_loop3A_206], %parallel_loop3A_203 {strides = array<i32>} : memref<8x2048xf32, #tpu.memory_space<vmem>>, vector<16xf32>,
      } {sc.loop_unroll_factor = 8 : i64, sc.parallel_access}
      %parallel_loop3A_159 = arith.constant 0 : i32
      %parallel_loop3A_160 = arith.constant 2048 : i32
      %parallel_loop3A_161 = arith.constant 16 : i32
      scf.for %parallel_loop3A_185 = %parallel_loop3A_159 to %parallel_loop3A_160 step %parallel_loop3A_161  : i32 {
        %parallel_loop3A_186 = arith.constant 5 : i32
        %parallel_loop3A_187 = arith.index_cast %parallel_loop3A_186 : i32 to index
        %parallel_loop3A_188 = arith.index_cast %parallel_loop3A_185 : i32 to index
        %parallel_loop3A_189 = tpu.vector_load %arg7[%parallel_loop3A_187, %parallel_loop3A_188] {strides = array<i32>} : memref<8x2048xf32, #tpu.memory_space<vmem>>, vector<16xf32>,
        %parallel_loop3A_190 = arith.constant -1.000000e+00 : f32
        %parallel_loop3A_191 = vector.broadcast %parallel_loop3A_190 : f32 to vector<16xf32>
        %parallel_loop3A_192 = arith.maximumf %parallel_loop3A_189, %parallel_loop3A_191 : vector<16xf32>
        %parallel_loop3A_193 = arith.constant 1.000000e+00 : f32
        %parallel_loop3A_194 = vector.broadcast %parallel_loop3A_193 : f32 to vector<16xf32>
        %parallel_loop3A_195 = arith.minimumf %parallel_loop3A_192, %parallel_loop3A_194 : vector<16xf32>
        %parallel_loop3A_196 = arith.constant 1.275000e+02 : f32
        %parallel_loop3A_197 = vector.broadcast %parallel_loop3A_196 : f32 to vector<16xf32>
        %parallel_loop3A_198 = arith.mulf %parallel_loop3A_195, %parallel_loop3A_197 : vector<16xf32>
        %parallel_loop3A_199 = arith.constant 1.280000e+02 : f32
        %parallel_loop3A_200 = vector.broadcast %parallel_loop3A_199 : f32 to vector<16xf32>
        %parallel_loop3A_201 = arith.addf %parallel_loop3A_198, %parallel_loop3A_200 : vector<16xf32>
        %parallel_loop3A_202 = arith.fptosi %parallel_loop3A_201 : vector<16xf32> to vector<16xi32>
        %parallel_loop3A_203 = tpu.vector_load_idx %arg5[%parallel_loop3A_202] : memref<256xf32, #tpu.memory_space<vmem>>[vector<16xi32>], vector<16xf32>,
        %parallel_loop3A_204 = arith.constant 5 : i32
        %parallel_loop3A_205 = arith.index_cast %parallel_loop3A_204 : i32 to index
        %parallel_loop3A_206 = arith.index_cast %parallel_loop3A_185 : i32 to index
        %parallel_loop3A_207 = tpu.vector_load %arg9[%parallel_loop3A_205, %parallel_loop3A_206] {strides = array<i32>} : memref<8x2048xf32, #tpu.memory_space<vmem>>, vector<16xf32>,
        tpu.vector_store %arg9[%parallel_loop3A_205, %parallel_loop3A_206], %parallel_loop3A_203 {strides = array<i32>} : memref<8x2048xf32, #tpu.memory_space<vmem>>, vector<16xf32>,
      } {sc.loop_unroll_factor = 8 : i64, sc.parallel_access}
      %parallel_loop3A_162 = arith.constant 0 : i32
      %parallel_loop3A_163 = arith.constant 2048 : i32
      %parallel_loop3A_164 = arith.constant 16 : i32
      scf.for %parallel_loop3A_185 = %parallel_loop3A_162 to %parallel_loop3A_163 step %parallel_loop3A_164  : i32 {
        %parallel_loop3A_186 = arith.constant 6 : i32
        %parallel_loop3A_187 = arith.index_cast %parallel_loop3A_186 : i32 to index
        %parallel_loop3A_188 = arith.index_cast %parallel_loop3A_185 : i32 to index
        %parallel_loop3A_189 = tpu.vector_load %arg7[%parallel_loop3A_187, %parallel_loop3A_188] {strides = array<i32>} : memref<8x2048xf32, #tpu.memory_space<vmem>>, vector<16xf32>,
        %parallel_loop3A_190 = arith.constant -1.000000e+00 : f32
        %parallel_loop3A_191 = vector.broadcast %parallel_loop3A_190 : f32 to vector<16xf32>
        %parallel_loop3A_192 = arith.maximumf %parallel_loop3A_189, %parallel_loop3A_191 : vector<16xf32>
        %parallel_loop3A_193 = arith.constant 1.000000e+00 : f32
        %parallel_loop3A_194 = vector.broadcast %parallel_loop3A_193 : f32 to vector<16xf32>
        %parallel_loop3A_195 = arith.minimumf %parallel_loop3A_192, %parallel_loop3A_194 : vector<16xf32>
        %parallel_loop3A_196 = arith.constant 1.275000e+02 : f32
        %parallel_loop3A_197 = vector.broadcast %parallel_loop3A_196 : f32 to vector<16xf32>
        %parallel_loop3A_198 = arith.mulf %parallel_loop3A_195, %parallel_loop3A_197 : vector<16xf32>
        %parallel_loop3A_199 = arith.constant 1.280000e+02 : f32
        %parallel_loop3A_200 = vector.broadcast %parallel_loop3A_199 : f32 to vector<16xf32>
        %parallel_loop3A_201 = arith.addf %parallel_loop3A_198, %parallel_loop3A_200 : vector<16xf32>
        %parallel_loop3A_202 = arith.fptosi %parallel_loop3A_201 : vector<16xf32> to vector<16xi32>
        %parallel_loop3A_203 = tpu.vector_load_idx %arg5[%parallel_loop3A_202] : memref<256xf32, #tpu.memory_space<vmem>>[vector<16xi32>], vector<16xf32>,
        %parallel_loop3A_204 = arith.constant 6 : i32
        %parallel_loop3A_205 = arith.index_cast %parallel_loop3A_204 : i32 to index
        %parallel_loop3A_206 = arith.index_cast %parallel_loop3A_185 : i32 to index
        %parallel_loop3A_207 = tpu.vector_load %arg9[%parallel_loop3A_205, %parallel_loop3A_206] {strides = array<i32>} : memref<8x2048xf32, #tpu.memory_space<vmem>>, vector<16xf32>,
        tpu.vector_store %arg9[%parallel_loop3A_205, %parallel_loop3A_206], %parallel_loop3A_203 {strides = array<i32>} : memref<8x2048xf32, #tpu.memory_space<vmem>>, vector<16xf32>,
      } {sc.loop_unroll_factor = 8 : i64, sc.parallel_access}
      %parallel_loop3A_165 = arith.constant 0 : i32
      %parallel_loop3A_166 = arith.constant 2048 : i32
      %parallel_loop3A_167 = arith.constant 16 : i32
      scf.for %parallel_loop3A_185 = %parallel_loop3A_165 to %parallel_loop3A_166 step %parallel_loop3A_167  : i32 {
        %parallel_loop3A_186 = arith.constant 7 : i32
        %parallel_loop3A_187 = arith.index_cast %parallel_loop3A_186 : i32 to index
        %parallel_loop3A_188 = arith.index_cast %parallel_loop3A_185 : i32 to index
        %parallel_loop3A_189 = tpu.vector_load %arg7[%parallel_loop3A_187, %parallel_loop3A_188] {strides = array<i32>} : memref<8x2048xf32, #tpu.memory_space<vmem>>, vector<16xf32>,
        %parallel_loop3A_190 = arith.constant -1.000000e+00 : f32
        %parallel_loop3A_191 = vector.broadcast %parallel_loop3A_190 : f32 to vector<16xf32>
        %parallel_loop3A_192 = arith.maximumf %parallel_loop3A_189, %parallel_loop3A_191 : vector<16xf32>
        %parallel_loop3A_193 = arith.constant 1.000000e+00 : f32
        %parallel_loop3A_194 = vector.broadcast %parallel_loop3A_193 : f32 to vector<16xf32>
        %parallel_loop3A_195 = arith.minimumf %parallel_loop3A_192, %parallel_loop3A_194 : vector<16xf32>
        %parallel_loop3A_196 = arith.constant 1.275000e+02 : f32
        %parallel_loop3A_197 = vector.broadcast %parallel_loop3A_196 : f32 to vector<16xf32>
        %parallel_loop3A_198 = arith.mulf %parallel_loop3A_195, %parallel_loop3A_197 : vector<16xf32>
        %parallel_loop3A_199 = arith.constant 1.280000e+02 : f32
        %parallel_loop3A_200 = vector.broadcast %parallel_loop3A_199 : f32 to vector<16xf32>
        %parallel_loop3A_201 = arith.addf %parallel_loop3A_198, %parallel_loop3A_200 : vector<16xf32>
        %parallel_loop3A_202 = arith.fptosi %parallel_loop3A_201 : vector<16xf32> to vector<16xi32>
        %parallel_loop3A_203 = tpu.vector_load_idx %arg5[%parallel_loop3A_202] : memref<256xf32, #tpu.memory_space<vmem>>[vector<16xi32>], vector<16xf32>,
        %parallel_loop3A_204 = arith.constant 7 : i32
        %parallel_loop3A_205 = arith.index_cast %parallel_loop3A_204 : i32 to index
        %parallel_loop3A_206 = arith.index_cast %parallel_loop3A_185 : i32 to index
        %parallel_loop3A_207 = tpu.vector_load %arg9[%parallel_loop3A_205, %parallel_loop3A_206] {strides = array<i32>} : memref<8x2048xf32, #tpu.memory_space<vmem>>, vector<16xf32>,
        tpu.vector_store %arg9[%parallel_loop3A_205, %parallel_loop3A_206], %parallel_loop3A_203 {strides = array<i32>} : memref<8x2048xf32, #tpu.memory_space<vmem>>, vector<16xf32>,
      } {sc.loop_unroll_factor = 8 : i64, sc.parallel_access}
      %mul3A_168 = arith.constant 8 : i32
      %mul3A_169 = arith.muli %add3A_129, %mul3A_168 : i32
      %add3A_170 = arith.addi %mul3A_32, %mul3A_169 : i32
      %multiple_of3A_171 = tpu.assume_multiple %add3A_170, 8 : i32
      %dma_start3A_172 = arith.constant 0 : i32
      %dma_start3A_173 = tpu.memref_slice %arg4[%select_n3A, %multiple_of3A_171, %dma_start3A_172] : memref<2x8192x2048xf32, #tpu.memory_space<hbm>> -> memref<1x8x2048xf32, #tpu.memory_space<hbm>>
      %dma_start3A_174 = tpu.memref_squeeze %dma_start3A_173 : memref<1x8x2048xf32, #tpu.memory_space<hbm>> -> memref<8x2048xf32, #tpu.memory_space<hbm>>
      %dma_start3A_175 = arith.constant 0 : i32
      %dma_start3A_176 = tpu.memref_slice %arg4[%select_n3A, %multiple_of3A_171, %dma_start3A_175] : memref<2x8192x2048xf32, #tpu.memory_space<hbm>> -> memref<1x8x2048xf32, #tpu.memory_space<hbm>>
      %dma_start3A_177 = tpu.memref_squeeze %dma_start3A_176 : memref<1x8x2048xf32, #tpu.memory_space<hbm>> -> memref<8x2048xf32, #tpu.memory_space<hbm>>
      tpu.enqueue_dma source(%arg9 : memref<8x2048xf32, #tpu.memory_space<vmem>>) target(%dma_start3A_177 : memref<8x2048xf32, #tpu.memory_space<hbm>>) target_semaphore(%arg13 : memref<!tpu.dma_semaphore, #tpu.memory_space<semaphore_mem>>)
      %add3A_178 = arith.constant 2 : i32
      %add3A_179 = arith.addi %add3A_129, %add3A_178 : i32
      %lt3A_180 = arith.constant 64 : i32
      %lt3A_181 = arith.cmpi slt, %add3A_179, %lt3A_180 : i32
      %convert_element_type3A_182 = arith.extui %lt3A_181 : i1 to i32
      %cond3A_183 = arith.constant 0 : i32
      %cond3A_184 = arith.cmpi ne, %convert_element_type3A_182, %cond3A_183 : i32
      scf.if %cond3A_184 {
        %add3A_185 = arith.constant 2 : i32
        %add3A_186 = arith.addi %add3A_129, %add3A_185 : i32
        %mul3A_187 = arith.constant 8 : i32
        %mul3A_188 = arith.muli %add3A_186, %mul3A_187 : i32
        %add3A_189 = arith.addi %mul3A_32, %mul3A_188 : i32
        %multiple_of3A_190 = tpu.assume_multiple %add3A_189, 8 : i32
        %dma_start3A_191 = arith.constant 0 : i32
        %dma_start3A_192 = tpu.memref_slice %arg2[%select_n3A, %multiple_of3A_190, %dma_start3A_191] : memref<2x8192x2048xf32, #tpu.memory_space<hbm>> -> memref<1x8x2048xf32, #tpu.memory_space<hbm>>
        %dma_start3A_193 = tpu.memref_squeeze %dma_start3A_192 : memref<1x8x2048xf32, #tpu.memory_space<hbm>> -> memref<8x2048xf32, #tpu.memory_space<hbm>>
        %dma_start3A_194 = arith.constant 0 : i32
        %dma_start3A_195 = tpu.memref_slice %arg2[%select_n3A, %multiple_of3A_190, %dma_start3A_194] : memref<2x8192x2048xf32, #tpu.memory_space<hbm>> -> memref<1x8x2048xf32, #tpu.memory_space<hbm>>
        %dma_start3A_196 = tpu.memref_squeeze %dma_start3A_195 : memref<1x8x2048xf32, #tpu.memory_space<hbm>> -> memref<8x2048xf32, #tpu.memory_space<hbm>>
        tpu.enqueue_dma source(%dma_start3A_196 : memref<8x2048xf32, #tpu.memory_space<hbm>>) target(%arg7 : memref<8x2048xf32, #tpu.memory_space<vmem>>) target_semaphore(%arg11 : memref<!tpu.dma_semaphore, #tpu.memory_space<semaphore_mem>>)
      } else {
      }
    }
    %scan3A_52 = arith.constant 32 : i32
    %dma_wait3A = arith.constant 0 : i32
    %dma_wait3A_53 = arith.constant 0 : i32
    %dma_wait3A_54 = arith.constant 0 : i32
    %dma_wait3A_55 = tpu.memref_slice %arg4[%dma_wait3A, %dma_wait3A_53, %dma_wait3A_54] : memref<2x8192x2048xf32, #tpu.memory_space<hbm>> -> memref<1x8x2048xf32, #tpu.memory_space<hbm>>
    %dma_wait3A_56 = tpu.memref_squeeze %dma_wait3A_55 : memref<1x8x2048xf32, #tpu.memory_space<hbm>> -> memref<8x2048xf32, #tpu.memory_space<hbm>>
    %dma_wait3A_57 = arith.constant 0 : i32
    %dma_wait3A_58 = arith.constant 0 : i32
    %dma_wait3A_59 = tpu.memref_slice %arg4[%dma_wait3A, %dma_wait3A_57, %dma_wait3A_58] : memref<2x8192x2048xf32, #tpu.memory_space<hbm>> -> memref<1x8x2048xf32, #tpu.memory_space<hbm>>
    %dma_wait3A_60 = tpu.memref_squeeze %dma_wait3A_59 : memref<1x8x2048xf32, #tpu.memory_space<hbm>> -> memref<8x2048xf32, #tpu.memory_space<hbm>>
    tpu.wait_dma2 semaphore(%arg12 : memref<!tpu.dma_semaphore, #tpu.memory_space<semaphore_mem>>) src(%arg8 : memref<8x2048xf32, #tpu.memory_space<vmem>>) dst(%dma_wait3A_60 : memref<8x2048xf32, #tpu.memory_space<hbm>>)
    %dma_wait3A_61 = arith.constant 0 : i32
    %dma_wait3A_62 = arith.constant 0 : i32
    %dma_wait3A_63 = arith.constant 0 : i32
    %dma_wait3A_64 = tpu.memref_slice %arg4[%dma_wait3A_61, %dma_wait3A_62, %dma_wait3A_63] : memref<2x8192x2048xf32, #tpu.memory_space<hbm>> -> memref<1x8x2048xf32, #tpu.memory_space<hbm>>
    %dma_wait3A_65 = tpu.memref_squeeze %dma_wait3A_64 : memref<1x8x2048xf32, #tpu.memory_space<hbm>> -> memref<8x2048xf32, #tpu.memory_space<hbm>>
    %dma_wait3A_66 = arith.constant 0 : i32
    %dma_wait3A_67 = arith.constant 0 : i32
    %dma_wait3A_68 = tpu.memref_slice %arg4[%dma_wait3A_61, %dma_wait3A_66, %dma_wait3A_67] : memref<2x8192x2048xf32, #tpu.memory_space<hbm>> -> memref<1x8x2048xf32, #tpu.memory_space<hbm>>
    %dma_wait3A_69 = tpu.memref_squeeze %dma_wait3A_68 : memref<1x8x2048xf32, #tpu.memory_space<hbm>> -> memref<8x2048xf32, #tpu.memory_space<hbm>>
    tpu.wait_dma2 semaphore(%arg13 : memref<!tpu.dma_semaphore, #tpu.memory_space<semaphore_mem>>) src(%arg9 : memref<8x2048xf32, #tpu.memory_space<vmem>>) dst(%dma_wait3A_69 : memref<8x2048xf32, #tpu.memory_space<hbm>>)
    return
  }
}

</mosaic_0001>

<sc_bundles>
// kernel: kernel.3.cloned.1.call-start
scs
__scs_entry_jumppad:
0x0: {  	(pc) =	sbr.rel $0x88, $3  }
0x1: {  	(tag) =	ssettag $0x0;
	lr =	simm.s32 $0x1  }
0x2: {  	[smem:$0x3F9F] =	sst lr;
	_ =	strace $0xD0000000  }
0x3: {  	_ = 	snop  }
0x4: {  	_ = 	snop  }
0x5: {  	_ = 	snop  }
0x6: {  	_ = 	snop  }
0x7: {  	_ = 	snop  }
__scs_overlays_trampoline_lowered:
0x8: {  	[smem:$0x3FAE] =	sst s0  }
0x9: {  	[smem:$0x3FAF] =	sst s1  }
0xa: {  	[smem:$0x3FB0] =	sst s2  }
0xb: {  	[smem:$0x3FB1] =	sst s3  }
0xc: {  	[smem:$0x3FB2] =	sst s4  }
0xd: {  	[smem:$0x3FB3] =	sst s5  }
0xe: {  	[smem:$0x3FB4] =	sst s6  }
0xf: {  	[smem:$0x3FB5] =	sst s7  }
0x10: {  	[smem:$0x3FB6] =	sst s8  }
0x11: {  	[smem:$0x3FB7] =	sst s9;
	s0 =	simm.s32 @!p0 $0x0  }
0x12: {  	s1 =	sld [smem:$0x3F9D];
	s0 =	simm.s32 @p0 $0x1  }
0x13: {  	[smem:$0x3FB8] =	sst s0;
	s0 =	simm.s32 @!p1 $0x0  }
0x14: {  	s2 =	sld [smem:$0x3F9C];
	s0 =	simm.s32 @p1 $0x1  }
0x15: {  	[smem:$0x3FB9] =	sst s0;
	s0 =	simm.s32 @!p2 $0x0  }
0x16: {  	s3 =	sld [smem:$0x3FDB];
	s0 =	simm.s32 @p2 $0x1  }
0x17: {  	s4 =	simm.s32 $0x1BF5;
	[smem:$0x3FBB] =	sst s0  }
0x18: {  	s0 =	sld [smem:$0x3F9E];
	_ =	swait.ge [sflag:s4], $0x0  }
0x19: {  	s7 =	sld [smem:$0x3F9F]  }
0x1a: {  	s8 =	sadd.s32 $0xFFFFE003, lr  }
0x1b: {  	s9 =	sadd.s32 $0xFFFFFEF7, lr;
	s5 =	simm.s32 $0xFFFFFFFF;
	p2 =	slt.u32 s8, $0xFFFFF086  }
0x1c: {  	p1 =	slt.u32 s9, $0xF7A;
	s5 =	simm.s32 @!p2 $0x0  }
0x1d: {  	s5 =	simm.s32 @p1 $0x1;
	p0 =	seq.s32 s7, s2  }
0x1e: {  	s7 =	smul.u32 @!p0 $0xF7A, s2;
	p2 =	seq.s32 @!p0 s5, $0x0  }
0x1f: {  	s9 =	smul.u32 $0xF7A, s1;
	s8 =	simm.s32 @!p0 $0x1BF5;
	p2 =	por !p2, p0  }
0x20: {  	[sflag:s8] =	ssyncset.s32 @!p0 $0xFFFFF086;
	s6 =	sadd.s32 @!p0 s3, s7;
	s7 =	simm.s32 @!p0 $0x108  }
0x21: {  	s3 =	sadd.s32 s3, s9;
	s6 =	sadd.s32 @!p0 $0x88, s6;
	s7 =	simm.s32 @p2 $0x1082  }
0x22: {  	[simem:s7], [sflag:s8] =	dma.local @!p0 [hbm:s6], $0xF7A  }
0x23: {  	s9 =	sor.u32 $0xD0000000, s2;
	s6 =	simm.s32 $0x108;
	_ =	swait.ge @!p0 [sflag:s8], $0x0  }
0x24: {  	s3 =	sadd.s32 $0x88, s3;
	s6 =	simm.s32 @!p1 $0x1082;
	[sflag:s4] =	ssyncset.s32 $0xFFFFF086  }
0x25: {  	[simem:s6], [sflag:s4] =	dma.local [hbm:s3], $0xF7A  }
0x26: {  	[smem:$0x3F9F] =	sst s1;
	(tag) =	ssettag s2;
	_ =	strace s9  }
0x27: {  	s1 =	sld [smem:$0x3FAF]  }
0x28: {  	s2 =	sld [smem:$0x3FB0]  }
0x29: {  	s4 =	sld [smem:$0x3FB2]  }
0x2a: {  	p0 =	seq.s32 s5, $0x0;
	s5 =	sld [smem:$0x3FB3]  }
0x2b: {  	s6 =	sld [smem:$0x3FB4]  }
0x2c: {  	s7 =	sld [smem:$0x3FB5]  }
0x2d: {  	s3 =	simm.s32 $0x108;
	s8 =	sld [smem:$0x3FB6]  }
0x2e: {  	s3 =	simm.s32 @!p0 $0x1082;
	s9 =	sld [smem:$0x3FB7]  }
0x2f: {  	lr =	sadd.s32 s0, s3;
	s0 =	sld [smem:$0x3FAE]  }
0x30: {  	s3 =	sld [smem:$0x3FB1]  }
0x31: {  	[smem:$0x3FBA] =	sst s10  }
0x32: {  	s10 =	sld [smem:$0x3FB8];
	_ =	sdelay $0x3  }
0x33: {  	p0 =	seq.s32 s10, $0x1;
	s10 =	sld [smem:$0x3FBA];
	_ =	sdelay $0x3  }
0x34: {  	[smem:$0x3FBA] =	sst s10  }
0x35: {  	s10 =	sld [smem:$0x3FB9];
	_ =	sdelay $0x3  }
0x36: {  	p1 =	seq.s32 s10, $0x1;
	s10 =	sld [smem:$0x3FBA];
	_ =	sdelay $0x3  }
0x37: {  	[smem:$0x3FBA] =	sst s10  }
0x38: {  	s10 =	sld [smem:$0x3FBB]  }
0x39: {  	_ = 	snop;
	(pc) =	sbr.ind lr, $3  }
0x3a: {  	_ = 	snop  }
0x3b: {  	_ = 	snop  }
0x3c: {  	p2 =	seq.s32 s10, $0x1;
	s10 =	sld [smem:$0x3FBA]  }
0x3d: {  	_ =	shalt  }
0x3e: {  	_ =	shalt  }
0x3f: {  	_ =	shalt  }
0x40: {  	_ =	shalt  }
0x41: {  	_ =	shalt  }
0x42: {  	_ =	shalt  }
0x43: {  	_ =	shalt  }
0x44: {  	_ =	shalt  }
0x45: {  	_ =	shalt  }
0x46: {  	_ =	shalt  }
0x47: {  	_ =	shalt  }
0x48: {  	_ =	shalt  }
0x49: {  	_ =	shalt  }
0x4a: {  	_ =	shalt  }
0x4b: {  	_ =	shalt  }
0x4c: {  	_ =	shalt  }
0x4d: {  	_ =	shalt  }
0x4e: {  	_ =	shalt  }
0x4f: {  	_ =	shalt  }
0x50: {  	_ =	shalt  }
0x51: {  	_ =	shalt  }
0x52: {  	_ =	shalt  }
0x53: {  	_ =	shalt  }
0x54: {  	_ =	shalt  }
0x55: {  	_ =	shalt  }
0x56: {  	_ =	shalt  }
0x57: {  	_ =	shalt  }
0x58: {  	_ =	shalt  }
0x59: {  	_ =	shalt  }
0x5a: {  	_ =	shalt  }
0x5b: {  	_ =	shalt  }
0x5c: {  	_ =	shalt  }
0x5d: {  	_ =	shalt  }
0x5e: {  	_ =	shalt  }
0x5f: {  	_ =	shalt  }
0x60: {  	_ =	shalt  }
0x61: {  	_ =	shalt  }
0x62: {  	_ =	shalt  }
0x63: {  	_ =	shalt  }
0x64: {  	_ =	shalt  }
0x65: {  	_ =	shalt  }
0x66: {  	_ =	shalt  }
0x67: {  	_ =	shalt  }
0x68: {  	_ =	shalt  }
0x69: {  	_ =	shalt  }
0x6a: {  	_ =	shalt  }
0x6b: {  	_ =	shalt  }
0x6c: {  	_ =	shalt  }
0x6d: {  	_ =	shalt  }
0x6e: {  	_ =	shalt  }
0x6f: {  	_ =	shalt  }
0x70: {  	_ =	shalt  }
0x71: {  	_ =	shalt  }
0x72: {  	_ =	shalt  }
0x73: {  	_ =	shalt  }
0x74: {  	_ =	shalt  }
0x75: {  	_ =	shalt  }
0x76: {  	_ =	shalt  }
0x77: {  	_ =	shalt  }
0x78: {  	_ =	shalt  }
0x79: {  	_ =	shalt  }
0x7a: {  	_ =	shalt  }
0x7b: {  	_ =	shalt  }
0x7c: {  	_ =	shalt  }
0x7d: {  	_ =	shalt  }
0x7e: {  	_ =	shalt  }
0x7f: {  	_ =	shalt  }
0x80: {  	_ =	shalt  }
0x81: {  	_ =	shalt  }
0x82: {  	_ =	shalt  }
0x83: {  	_ =	shalt  }
0x84: {  	_ =	shalt  }
0x85: {  	_ =	shalt  }
0x86: {  	_ =	shalt  }
0x87: {  	_ =	shalt  }
.Lfunc_end0:
.L_simem_size_0:
called_computation_lowered:
.L_overlay_start_0:
0x88: {  	s2 =	sld [smem:$0x3FD9]  }
0x89: {  	s3 =	sld [smem:$0x3FFE];
	_ =	sdelay $0x1  }
0x8a: {  	s1 =	srdreg.scid  }
0x8b: {  	s0 =	sand.u32 $0x1, s1  }
0x8c: {  	s18 =	sshll.u32 s0, $0xA;
	s2 =	sadd.s32 s3, s2  }
0x8d: {  	s2 =	sadd.s32 s2, s18  }
0x8e: {  	[smem:$0x3FC6] =	sst s2  }
0x8f: {  	_ = 	snop  }
0x90: {  	s2 =	sld [smem:$0x3FC9]  }
0x91: {  	s19 =	sld [smem:$0x3FC8]  }
0x92: {  	s4 =	sld [smem:$0x3FD0];
	(tm) =	ssettm $0x1  }
0x93: {  	s5 =	sld [smem:$0x3FFB];
	_ =	sdelay $0x3  }
0x94: {  	_ =	strace s5  }
0x95: {  	s5 =	sld [smem:$0x3FFC];
	_ =	sdelay $0x3  }
0x96: {  	_ =	strace s5  }
0x97: {  	s5 =	sld [smem:$0x3FFD];
	_ =	sdelay $0x3  }
0x98: {  	_ =	strace s5  }
0x99: {  	_ =	strace $0x8FFFFFFF  }
0x9a: {  	s20 =	sld [smem:$0x3FDB];
	_ =	sdelay $0x1  }
0x9b: {  	s6 =	simm.s32 $_scs_section_size  }
0x9c: {  	s7 =	simm.s32 $_size__tile_overlayer_lowered;
	s8 =	simm.s32 $_tile_overlayer_lowered  }
0x9d: {  	s23 =	simm.s32 $0x1BFF;
	s22 =	sshll.u32 s8, $0x1;
	s5 =	sadd.s32 s6, s20  }
0x9e: {  	s9 =	simm.s32 $0x0;
	s21 =	sshll.u32 s7, $0x1;
	s7 =	sadd.s32 s22, s5  }
0x9f: {  	[timem:s9], [sflag:s23] =	dma.local [hbm:s7], s21  }
0xa0: {  	_ =	swait.ge [sflag:s23], s21  }
0xa1: {  	s6 =	ssub.s32 $0x0, s21;
	[sflag:s23] =	ssyncset.done $0x0  }
0xa2: {  	[sflag:s23] =	ssyncadd.s32 s6;
	_ =	sdelay $0x1  }
0xa3: {  	s24 =	simm.s32 $0x1B8B  }
0xa4: {  	_ =	swait.ge [sflag:s24], $0x1  }
0xa5: {  	[sflag:s24] =	ssyncset.done $0x0  }
0xa6: {  	s25 =	simm.s32 $0x1B8E;
	[sflag:s24] =	ssyncadd.s32 $0xFFFFFFFF  }
0xa7: {  	s26 =	simm.s32 $execute0_lowered;
	[smem:$0x3FD2] =	sst s25  }
0xa8: {  	s6 =	sshll.u32 s26, $0x1;
	_ =	strace $0x80000046;
	[dreg:$0x1] =	wrdreg $0xFFFFFFFF  }
0xa9: {  	s28 =	simm.s32 $_size_execute0_lowered;
	s5 =	sadd.s32 s5, s6;
	[dreg:$0x0] =	wrdreg $0x0  }
0xaa: {  	s6 =	sshll.u32 s28, $0x1;
	[dreg:$0x2] =	wrdreg s5  }
0xab: {  	[dreg:$0x3] =	wrdreg s6  }
0xac: {  	[dreg:$0x4] =	wrdreg $0xC0  }
0xad: {  	_ =	task [dreg:s9], $0x5FFFF  }
0xae: {  	[dreg:$0x1] =	wrdreg $0xFFFFFFFF  }
0xaf: {  	[dreg:$0x0] =	wrdreg $0x60  }
0xb0: {  	[dreg:$0x2] =	wrdreg s2  }
0xb1: {  	[dreg:$0x3] =	wrdreg s19  }
0xb2: {  	[dreg:$0x4] =	wrdreg s4  }
0xb3: {  	[dreg:$0x5] =	wrdreg $0x9  }
0xb4: {  	_ =	task.clear_ibuf [dreg:s9], $0x6FFFF;
	_ =	strace $0x90000046  }
0xb5: {  	s29 =	simm.s32 $0x9;
	_ =	strace $0x80000048  }
0xb6: {  	_ =	swait.ge [sflag:s29], $0x1  }
0xb7: {  	[sflag:s29] =	ssyncadd.s32 $0xFFFFFFFF  }
0xb8: {  	_ =	strace $0x90000048  }
0xb9: {  	_ =	sfence  }
0xba: {  	s30 =	sld [smem:$0x0];
	_ =	sdelay $0x2  }
0xbb: {  	s31 =	sshll.u32 s1, $0xD;
	s1 =	sshrl.u32 s1, $0x2  }
0xbc: {  	s3 =	sand.u32 $0x4000, s31;
	s1 =	sadd.s32 s1, s30  }
0xbd: {  	s0 =	sor.u32 s3, s0;
	s1 =	sshll.u32 s1, $0x11  }
0xbe: {  	s0 =	sor.u32 s1, s0  }
0xbf: {  	s0 =	sadd.s32 $0x8F2B, s0  }
0xc0: {  	[sflag:s0] =	ssyncadd.remote.s32 $0x1  }
0xc1: {  	_ =	sfence.sel $0xFFFF  }
0xc2: {  	[dreg:$0x0] =	wrdreg $0xFFFFFFFF;
	(pc) =	sbr.abs _section_cstart, $3  }
0xc3: {  	[dreg:$0x1] =	wrdreg $0xFFFFFFFF  }
0xc4: {  	_ =	task.clear_ibuf [dreg:s9], $0x2FFFF;
	_ =	strace $0x9FFFFFFF  }
0xc5: {  	(tm) =	ssettm $0x7FFFFFFF  }
tec
execute0_lowered:
.L_overlay_start_1:
0x0: {  	(tag) =	ssettag $0x1  }
0x1: {  	s0 =	stileid.u32;
	s1 =	rddreg [dreg:$0x0]  }
0x2: {  	s2 =	srdreg.scid;
	s3 =	rddreg [dreg:$0x1];
	s13 =	simm.s32 $0x5  }
0x3: {  	s14 =	simm.s32 $0x100;
	s15 =	simm.s32 $0x4100;
	s16 =	simm.s32 $0x1  }
0x4: {  	s17 =	simm.s32 $0x8100;
	s18 =	simm.s32 $0x2;
	s19 =	simm.s32 $0x4  }
0x5: {  	s20 =	simm.s32 $0xC100;
	s21 =	simm.s32 $0x3;
	s22 =	simm.s32 $0x0  }
0x6: {  	s4 =	sshll.u32 s0, $0x1;
	s6 =	sand.u32 $0x1, s2;
	s2 =	rddreg [dreg:$0x3]  }
0x7: {  	s7 =	sshll.u32 s0, $0x15;
	s30 =	sand.u32 $0xE, s4;
	s4 =	rddreg [dreg:$0x2]  }
0x8: {  	s7 =	sand.u32 $0x1000000, s7;
	s9 =	ssub.s32 $0x2, s6;
	s5 =	sor.u32 s6, s30  }
.Ltmp0:
0x9: {  	s31 =	sshrl.u32 s9, $0x1;
	s8 =	sshll.u32 s5, $0x14;
	(pc) =	sbr.rel .LBB2_1-.Ltmp0, $4  }
0xa: {  	s5 =	simm.s32 $0x0;
	s12 =	ssub.s32 s9, s31;
	s6 =	sor.u32 s7, s8  }
0xb: {  	[smem:$0x7FF] =	sst s5;
	s12 =	smax.u32 s12, $0x1;
	s8 =	sshrl.u32 s6, $0x3  }
0xc: {  	_ =	strace $0x80000047;
	s9 =	sor.u32 $0x4000, s6;
	s7 =	sadd.s32 s1, s8  }
0xd: {  	s10 =	sor.u32 $0x8000, s6;
	s11 =	sor.u32 $0xC000, s6;
	s8 =	sadd.s32 $0x800, s7  }
.LBB2_100:
0xe: {  	s22 =	sadd.s32 $0x1, s22  }
0xf: {  	_ =	swait.ge [sflag:s21], $0x4000;
	p0 =	sne.s32 s22, s12  }
.Ltmp1:
0x10: {  	[sflag:s21] =	ssyncset.done $0x0;
	(pc) =	sbr.rel @!p0 .LBB2_101-.Ltmp1, $4  }
0x11: {  	[sflag:s21] =	ssyncadd.s32 $0xFFFFC000  }
0x12: {  	_ =	swait.ge [sflag:s19], $0x4000  }
0x13: {  	[sflag:s19] =	ssyncset.done $0x0  }
0x14: {  	[sflag:s19] =	ssyncadd.s32 $0xFFFFC000  }
.LBB2_1:
0x15: {  	[tilespmem:s5], [sflag:$0x5] =	stream.linear.gather [hbm4b:s3+s5], $0x100, $0x38;
	[tilespmem:$0x10100] =	vst v63  }
0x16: {  	_ =	swait.ge [sflag:s13], $0x100  }
0x17: {  	[sflag:s13] =	ssyncset.done $0x0  }
0x18: {  	[sflag:s13] =	ssyncadd.s32 $0xFFFFFF00  }
0x19: {  	[tilespmem:s14], [sflag:$0x1] =	stream.linear.gather [hbm4b:s7+s5], $0x4000, $0x38;
	[tilespmem:$0x10100] =	vst v63  }
0x1a: {  	s23 =	simm.s32 $0x0  }
0x1b: {  	[tilespmem:s15], [sflag:$0x2] =	stream.linear.gather [hbm4b:s8+s5], $0x4000, $0x38;
	[tilespmem:$0x10100] =	vst v63  }
.LBB2_2:
0x1c: {  	_ =	swait.ge [sflag:s16], $0x4000  }
0x1d: {  	p0 =	seq.s32 s23, $0x0;
	[sflag:s16] =	ssyncset.done $0x0  }
0x1e: {  	s24 =	simm.s32 @!p0 $0x3;
	[sflag:s16] =	ssyncadd.s32 $0xFFFFC000  }
0x1f: {  	_ =	swait.ge @!p0 [sflag:s24], $0x4000  }
0x20: {  	[sflag:s24] =	ssyncset.done @!p0 $0x0  }
0x21: {  	s26 =	simm.s32 $0x140;
	[sflag:s24] =	ssyncadd.s32 @!p0 $0xFFFFC000  }
0x22: {  	v0 =	vld [tilespmem:s26+$0xFFFFFFD0]  }
0x23: {  	v1 =	vld [tilespmem:s26+$0xFFFFFFE0]  }
0x24: {  	v2 =	vld [tilespmem:s26+$0xFFFFFFF0]  }
0x25: {  	v3 =	vld [tilespmem:s26+$0x0]  }
0x26: {  	v4 =	vld [tilespmem:s26+$0x10]  }
0x27: {  	v5 =	vld [tilespmem:s26+$0xFFFFFFC0]  }
0x28: {  	v6 =	vld [tilespmem:s26+$0x20];
	_ =	sdelay $0x2  }
0x29: {  	v1 =	vmax.f32 v1, $-1.000000000e+00;
	v2 =	vmax.f32 v2, $-1.000000000e+00;
	v3 =	vmax.f32 v3, $-1.000000000e+00  }
0x2a: {  	v0 =	vmax.f32 v0, $-1.000000000e+00;
	v4 =	vmax.f32 v4, $-1.000000000e+00;
	v5 =	vmax.f32 v5, $-1.000000000e+00  }
0x2b: {  	v6 =	vmax.f32 v6, $-1.000000000e+00;
	v1 =	vmin.f32 v1, $1.000000000e+00;
	v2 =	vmin.f32 v2, $1.000000000e+00  }
0x2c: {  	v0 =	vmin.f32 v0, $1.000000000e+00;
	v4 =	vmin.f32 v4, $1.000000000e+00;
	v5 =	vmin.f32 v5, $1.000000000e+00  }
0x2d: {  	v3 =	vmin.f32 v3, $1.000000000e+00;
	v1 =	vmul.f32 $1.275000000e+02, v1;
	v4 =	vmul.f32 $1.275000000e+02, v4  }
0x2e: {  	s31 =	simm.s32 $0x540;
	v7 =	vld [tilespmem:s26+$0x30];
	v6 =	vmin.f32 v6, $1.000000000e+00;
	v0 =	vmul.f32 $1.275000000e+02, v0;
	v3 =	vmul.f32 $1.275000000e+02, v3  }
0x2f: {  	v9 =	vld [tilespmem:s31+$0xFFFFFFF0];
	v5 =	vmul.f32 $1.275000000e+02, v5;
	v2 =	vmul.f32 $1.275000000e+02, v2;
	v1 =	vadd.f32 $1.280000000e+02, v1  }
0x30: {  	v8 =	vld [tilespmem:s31+$0xFFFFFFE0];
	v6 =	vmul.f32 $1.275000000e+02, v6;
	v0 =	vadd.f32 $1.280000000e+02, v0;
	v3 =	vadd.f32 $1.280000000e+02, v3  }
0x31: {  	v11 =	vld [tilespmem:s31+$0xFFFFFFD0];
	s26 =	simm.s32 $0x940;
	v5 =	vadd.f32 $1.280000000e+02, v5;
	v2 =	vadd.f32 $1.280000000e+02, v2;
	v1 =	vtrunc.f32 v1  }
0x32: {  	v18 =	vld [tilespmem:s26+$0xFFFFFFD0];
	v6 =	vadd.f32 $1.280000000e+02, v6;
	v0 =	vtrunc.f32 v0;
	v3 =	vtrunc.f32 v3  }
0x33: {  	v12 =	vld [tilespmem:s31+$0x10];
	v5 =	vtrunc.f32 v5;
	v2 =	vtrunc.f32 v2  }
0x34: {  	v9 =	vmax.f32 v9, $-1.000000000e+00;
	v6 =	vtrunc.f32 v6;
	v10 =	vcvt.f32.s32 v1  }
0x35: {  	v1 =	vmax.f32 v7, $-1.000000000e+00;
	v7 =	vld [tilespmem:s31+$0x0];
	v14 =	vcvt.f32.s32 v3;
	v3 =	vmax.f32 v8, $-1.000000000e+00  }
0x36: {  	v2 =	vcvt.f32.s32 v2;
	v1 =	vmin.f32 v1, $1.000000000e+00;
	v3 =	vmin.f32 v3, $1.000000000e+00  }
0x37: {  	v18 =	vmax.f32 v18, $-1.000000000e+00;
	v1 =	vmul.f32 $1.275000000e+02, v1;
	v3 =	vmul.f32 $1.275000000e+02, v3  }
0x38: {  	v8 =	vmin.f32 v9, $1.000000000e+00;
	v9 =	vmax.f32 v11, $-1.000000000e+00;
	v11 =	vmax.f32 v12, $-1.000000000e+00  }
0x39: {  	v11 =	vmin.f32 v11, $1.000000000e+00;
	v13 =	vadd.f32 $1.280000000e+02, v1;
	v1 =	vld [tilespmem:s31+$0xFFFFFFC0];
	v3 =	vadd.f32 $1.280000000e+02, v3  }
0x3a: {  	v15 =	vld [tilespmem:s31+$0x30];
	v9 =	vmin.f32 v9, $1.000000000e+00;
	v17 =	vmul.f32 $1.275000000e+02, v11;
	v7 =	vmax.f32 v7, $-1.000000000e+00  }
0x3b: {  	v12 =	vld [tilespmem:s31+$0x20];
	v9 =	vmul.f32 $1.275000000e+02, v9;
	v11 =	vtrunc.f32 v3;
	v3 =	vmin.f32 v7, $1.000000000e+00  }
0x3c: {  	v4 =	vadd.f32 $1.280000000e+02, v4;
	v7 =	vld.idx.msk [tilespmem:v2+s5+$0x0], $0xffff;
	v2 =	vcvt.f32.s32 v6;
	v16 =	vmul.f32 $1.275000000e+02, v3  }
0x3d: {  	v21 =	vld [tilespmem:s26+$0xFFFFFFF0];
	v20 =	vcvt.f32.s32 v0;
	v9 =	vadd.f32 $1.280000000e+02, v9;
	v0 =	vcvt.f32.s32 v11  }
0x3e: {  	v6 =	vld [tilespmem:s26+$0xFFFFFFE0];
	v1 =	vmax.f32 v1, $-1.000000000e+00;
	v11 =	vadd.f32 $1.280000000e+02, v16;
	v16 =	vcvt.f32.s32 v5  }
0x3f: {  	v5 =	vmul.f32 $1.275000000e+02, v8;
	v8 =	vmax.f32 v15, $-1.000000000e+00;
	v15 =	vld.idx.msk [tilespmem:v14+s5+$0x0], $0xffff;
	v1 =	vmin.f32 v1, $1.000000000e+00  }
0x40: {  	v18 =	vmin.f32 v18, $1.000000000e+00;
	v4 =	vtrunc.f32 v4;
	v3 =	vld [tilespmem:s26+$0xFFFFFFC0];
	v19 =	vmul.f32 $1.275000000e+02, v1  }
0x41: {  	v12 =	vmax.f32 v12, $-1.000000000e+00;
	v14 =	vld [tilespmem:s26+$0x0];
	v8 =	vmin.f32 v8, $1.000000000e+00;
	v1 =	vtrunc.f32 v9  }
0x42: {  	v8 =	vmul.f32 $1.275000000e+02, v8;
	v22 =	vld.idx.msk [tilespmem:v2+s5+$0x0], $0xffff;
	v9 =	vadd.f32 $1.280000000e+02, v19;
	v19 =	vcvt.f32.s32 v4  }
0x43: {  	s28 =	simm.s32 $0x8140;
	v23 =	vadd.f32 $1.280000000e+02, v5;
	v4 =	vmin.f32 v12, $1.000000000e+00;
	v12 =	vtrunc.f32 v13;
	v13 =	vld [tilespmem:s26+$0x10]  }
0x44: {  	v17 =	vadd.f32 $1.280000000e+02, v17;
	v24 =	vtrunc.f32 v11;
	v11 =	vcvt.f32.s32 v12;
	[tilespmem:s28+$0x0] =	vst v15;
	v15 =	vld [tilespmem:s26+$0x20]  }
0x45: {  	v2 =	vadd.f32 $1.280000000e+02, v8;
	v12 =	vtrunc.f32 v23;
	v5 =	vtrunc.f32 v9;
	v9 =	vld.idx.msk [tilespmem:v10+s5+$0x0], $0xffff  }
0x46: {  	v25 =	vmul.f32 $1.275000000e+02, v4;
	v8 =	vld.idx.msk [tilespmem:v16+s5+$0x0], $0xffff;
	v16 =	vmax.f32 v6, $-1.000000000e+00;
	v12 =	vcvt.f32.s32 v12  }
0x47: {  	v4 =	vcvt.f32.s32 v24;
	v14 =	vmax.f32 v14, $-1.000000000e+00;
	v6 =	vld.idx.msk [tilespmem:v20+s5+$0x0], $0xffff;
	v20 =	vmin.f32 v16, $1.000000000e+00  }
0x48: {  	s29 =	simm.s32 $0x100;
	s25 =	simm.s32 $0x8540;
	[tilespmem:s28+$0xFFFFFFF0] =	vst v7;
	v10 =	vmax.f32 v21, $-1.000000000e+00;
	v13 =	vmax.f32 v13, $-1.000000000e+00;
	v7 =	vld.idx.msk [tilespmem:v19+s5+$0x0], $0xffff;
	v19 =	vmul.f32 $1.275000000e+02, v20  }
0x49: {  	s30 =	simm.s32 $0xD40;
	s24 =	sshll.u32 s23, $0xF;
	v10 =	vmin.f32 v10, $1.000000000e+00;
	v16 =	vadd.f32 $1.280000000e+02, v25;
	[tilespmem:s28+$0x20] =	vst v22;
	v20 =	vmin.f32 v13, $1.000000000e+00;
	v13 =	vld [tilespmem:s26+$0x30];
	s26 =	simm.s32 $0x8540  }
.LBB2_3:
0x4a: {  	s29 =	sadd.s32 $0x80, s29;
	v3 =	vmax.f32 v3, $-1.000000000e+00;
	v19 =	vadd.f32 $1.280000000e+02, v19;
	v21 =	vmul.f32 $1.275000000e+02, v20;
	s25 =	sadd.s32 $0x400, s25;
	[tilespmem:s28+$0xFFFFFFE0] =	vst v9;
	v9 =	vld.idx.msk [tilespmem:v11+s5+$0x0], $0xffff  }
0x4b: {  	v16 =	vtrunc.f32 v16;
	v20 =	vld [tilespmem:s30+$0xFFFFFFD0];
	p1 =	slt.u32 s29, $0x780;
	v11 =	vmin.f32 v3, $1.000000000e+00;
	v3 =	vmul.f32 $1.275000000e+02, v18;
	[tilespmem:s28+$0xFFFFFFC0] =	vst v8  }
0x4c: {  	v14 =	vmin.f32 v14, $1.000000000e+00;
	v16 =	vcvt.f32.s32 v16;
	v8 =	vtrunc.f32 v19;
	v12 =	vld.idx.msk [tilespmem:v12+s5+$0x0], $0xffff;
	[tilespmem:s28+$0xFFFFFFD0] =	vst v6  }
0x4d: {  	v14 =	vmul.f32 $1.275000000e+02, v14;
	v17 =	vtrunc.f32 v17;
	v6 =	vld [tilespmem:s30+$0xFFFFFFE0];
	v18 =	vadd.f32 $1.280000000e+02, v3;
	[tilespmem:s28+$0x10] =	vst v7  }
0x4e: {  	v7 =	vmul.f32 $1.275000000e+02, v11;
	v11 =	vmax.f32 v15, $-1.000000000e+00;
	v15 =	vcvt.f32.s32 v1;
	v3 =	vld [tilespmem:s30+$0xFFFFFFC0]  }
0x4f: {  	v22 =	vcvt.f32.s32 v5;
	v8 =	vcvt.f32.s32 v8;
	v14 =	vadd.f32 $1.280000000e+02, v14;
	v19 =	vld [tilespmem:s30+$0xFFFFFFF0]  }
0x50: {  	v5 =	vmul.f32 $1.275000000e+02, v10;
	v10 =	vmax.f32 v13, $-1.000000000e+00;
	v1 =	vtrunc.f32 v18;
	v13 =	vld.idx.msk [tilespmem:v4+s5+$0x0], $0xffff;
	[tilespmem:s28+$0x30] =	vst v9;
	s28 =	smov.u32 s26;
	s26 =	smov.u32 s25  }
0x51: {  	v17 =	vcvt.f32.s32 v17;
	v4 =	vadd.f32 $1.280000000e+02, v7;
	v7 =	vmin.f32 v10, $1.000000000e+00;
	v18 =	vld [tilespmem:s30+$0x0]  }
0x52: {  	v9 =	vmin.f32 v11, $1.000000000e+00;
	v10 =	vtrunc.f32 v2;
	v7 =	vmul.f32 $1.275000000e+02, v7;
	[tilespmem:s28+$0xFFFFFFF0] =	vst v12;
	v23 =	vld.idx.msk [tilespmem:v16+s5+$0x0], $0xffff  }
0x53: {  	v14 =	vtrunc.f32 v14;
	v12 =	vadd.f32 $1.280000000e+02, v5;
	v16 =	vmul.f32 $1.275000000e+02, v9;
	v24 =	vld [tilespmem:s30+$0x10]  }
0x54: {  	v11 =	vcvt.f32.s32 v10;
	v5 =	vtrunc.f32 v4;
	v2 =	vadd.f32 $1.280000000e+02, v7;
	v9 =	vld.idx.msk [tilespmem:v0+s5+$0x0], $0xffff;
	v0 =	vmovc v8  }
.Ltmp2:
0x55: {  	v4 =	vcvt.f32.s32 v14;
	v7 =	vmax.f32 v19, $-1.000000000e+00;
	v10 =	vtrunc.f32 v12;
	v8 =	vld.idx.msk [tilespmem:v22+s5+$0x0], $0xffff;
	(pc) =	sbr.rel @p1 .LBB2_3-.Ltmp2, $4  }
0x56: {  	v19 =	vmax.f32 v6, $-1.000000000e+00;
	v12 =	vcvt.f32.s32 v10;
	v14 =	vmax.f32 v18, $-1.000000000e+00;
	v6 =	vld.idx.msk [tilespmem:v15+s5+$0x0], $0xffff;
	[tilespmem:s28+$0x0] =	vst v13  }
0x57: {  	v16 =	vadd.f32 $1.280000000e+02, v16;
	v10 =	vmin.f32 v7, $1.000000000e+00;
	v13 =	vmin.f32 v19, $1.000000000e+00;
	v7 =	vld.idx.msk [tilespmem:v17+s5+$0x0], $0xffff  }
0x58: {  	v17 =	vmax.f32 v20, $-1.000000000e+00;
	v19 =	vmul.f32 $1.275000000e+02, v13;
	v13 =	vmax.f32 v24, $-1.000000000e+00;
	v15 =	vld [tilespmem:s30+$0x20];
	[tilespmem:s28+$0x20] =	vst v23  }
0x59: {  	v18 =	vmin.f32 v17, $1.000000000e+00;
	v17 =	vadd.f32 $1.280000000e+02, v21;
	v20 =	vmin.f32 v13, $1.000000000e+00;
	v13 =	vld [tilespmem:s30+$0x30];
	s30 =	sadd.s32 $0x400, s30  }
0x5a: {  	v20 =	vmul.f32 $1.275000000e+02, v20;
	v18 =	vmul.f32 $1.275000000e+02, v18  }
0x5b: {  	v3 =	vmax.f32 v3, $-1.000000000e+00;
	v16 =	vtrunc.f32 v16;
	v10 =	vmul.f32 $1.275000000e+02, v10  }
0x5c: {  	v14 =	vmin.f32 v14, $1.000000000e+00;
	v1 =	vcvt.f32.s32 v1;
	v5 =	vcvt.f32.s32 v5  }
0x5d: {  	v2 =	vtrunc.f32 v2;
	v16 =	vcvt.f32.s32 v16;
	v3 =	vmin.f32 v3, $1.000000000e+00  }
0x5e: {  	v14 =	vmul.f32 $1.275000000e+02, v14;
	v17 =	vtrunc.f32 v17;
	v15 =	vmax.f32 v15, $-1.000000000e+00  }
0x5f: {  	v2 =	vcvt.f32.s32 v2;
	v10 =	vadd.f32 $1.280000000e+02, v10;
	v15 =	vmin.f32 v15, $1.000000000e+00  }
0x60: {  	v11 =	vld.idx.msk [tilespmem:v11+s5+$0x0], $0xffff;
	[tilespmem:s28+$0xFFFFFFE0] =	vst v9;
	v3 =	vmul.f32 $1.275000000e+02, v3;
	v14 =	vadd.f32 $1.280000000e+02, v14;
	v15 =	vmul.f32 $1.275000000e+02, v15  }
0x61: {  	v9 =	vld.idx.msk [tilespmem:v12+s5+$0x0], $0xffff;
	[tilespmem:s28+$0xFFFFFFC0] =	vst v8;
	v12 =	vmax.f32 v13, $-1.000000000e+00;
	v13 =	vcvt.f32.s32 v17;
	v8 =	vtrunc.f32 v10  }
0x62: {  	v4 =	vld.idx.msk [tilespmem:v4+s5+$0x0], $0xffff;
	[tilespmem:s28+$0xFFFFFFD0] =	vst v6;
	v3 =	vadd.f32 $1.280000000e+02, v3;
	v14 =	vtrunc.f32 v14;
	v10 =	vadd.f32 $1.280000000e+02, v15  }
0x63: {  	[tilespmem:s28+$0x10] =	vst v7;
	v8 =	vcvt.f32.s32 v8;
	v7 =	vmin.f32 v12, $1.000000000e+00;
	v12 =	vcvt.f32.s32 v14;
	v6 =	vld.idx.msk [tilespmem:v16+s5+$0x0], $0xffff  }
0x64: {  	v19 =	vadd.f32 $1.280000000e+02, v19;
	v0 =	vld.idx.msk [tilespmem:v0+s5+$0x0], $0xffff;
	v7 =	vmul.f32 $1.275000000e+02, v7;
	v10 =	vtrunc.f32 v10  }
0x65: {  	[tilespmem:s28+$0x30] =	vst v11;
	v14 =	vadd.f32 $1.280000000e+02, v18;
	v5 =	vld.idx.msk [tilespmem:v5+s5+$0x0], $0xffff;
	v3 =	vtrunc.f32 v3;
	v10 =	vcvt.f32.s32 v10  }
0x66: {  	v19 =	vtrunc.f32 v19;
	[tilespmem:s26+$0xFFFFFFF0] =	vst v9;
	v9 =	vadd.f32 $1.280000000e+02, v20;
	v1 =	vld.idx.msk [tilespmem:v1+s5+$0x0], $0xffff;
	v3 =	vcvt.f32.s32 v3  }
0x67: {  	v11 =	vcvt.f32.s32 v19;
	[tilespmem:s26+$0x0] =	vst v4;
	v2 =	vld.idx.msk [tilespmem:v2+s5+$0x0], $0xffff;
	v14 =	vtrunc.f32 v14;
	v7 =	vadd.f32 $1.280000000e+02, v7  }
0x68: {  	v4 =	vld.idx.msk [tilespmem:v13+s5+$0x0], $0xffff;
	[tilespmem:s26+$0x20] =	vst v6;
	v6 =	vtrunc.f32 v9;
	v9 =	vcvt.f32.s32 v14  }
0x69: {  	[tilespmem:s26+$0xFFFFFFE0] =	vst v0;
	v7 =	vtrunc.f32 v7;
	v0 =	vld.idx.msk [tilespmem:v8+s5+$0x0], $0xffff;
	v6 =	vcvt.f32.s32 v6  }
0x6a: {  	[tilespmem:s26+$0xFFFFFFC0] =	vst v5;
	v7 =	vcvt.f32.s32 v7;
	v5 =	vld.idx.msk [tilespmem:v12+s5+$0x0], $0xffff  }
0x6b: {  	[tilespmem:s26+$0xFFFFFFD0] =	vst v1;
	v1 =	vld.idx.msk [tilespmem:v10+s5+$0x0], $0xffff  }
0x6c: {  	[tilespmem:s26+$0x30] =	vst v2;
	v2 =	vld.idx.msk [tilespmem:v3+s5+$0x0], $0xffff  }
0x6d: {  	s25 =	sadd.s32 $0x400, s25;
	[tilespmem:s26+$0x10] =	vst v4;
	v4 =	vld.idx.msk [tilespmem:v11+s5+$0x0], $0xffff  }
0x6e: {  	[tilespmem:s25+$0xFFFFFFF0] =	vst v0;
	v0 =	vld.idx.msk [tilespmem:v9+s5+$0x0], $0xffff  }
0x6f: {  	[tilespmem:s25+$0x0] =	vst v5;
	v3 =	vld.idx.msk [tilespmem:v6+s5+$0x0], $0xffff  }
0x70: {  	[tilespmem:s25+$0x20] =	vst v1;
	v1 =	vld.idx.msk [tilespmem:v7+s5+$0x0], $0xffff  }
0x71: {  	[tilespmem:s25+$0xFFFFFFC0] =	vst v2  }
0x72: {  	[tilespmem:s25+$0xFFFFFFE0] =	vst v4  }
0x73: {  	[tilespmem:s25+$0xFFFFFFD0] =	vst v0  }
0x74: {  	[tilespmem:s25+$0x10] =	vst v3  }
0x75: {  	s31 =	simm.s32 $0x1F0;
	[tilespmem:s25+$0x30] =	vst v1  }
0x76: {  	v0 =	vld [tilespmem:s31+$0x0]  }
0x77: {  	v1 =	vld [tilespmem:s31+$0xFFFFFFA0]  }
0x78: {  	v2 =	vld [tilespmem:s31+$0xFFFFFFE0]  }
0x79: {  	v3 =	vld [tilespmem:s31+$0xFFFFFFB0]  }
0x7a: {  	v4 =	vld [tilespmem:s31+$0xFFFFFFC0]  }
0x7b: {  	v5 =	vld [tilespmem:s31+$0xFFFFFFD0]  }
0x7c: {  	v6 =	vld [tilespmem:s31+$0xFFFFFF90]  }
0x7d: {  	s26 =	simm.s32 $0x5F0;
	v7 =	vld [tilespmem:s31+$0xFFFFFFF0]  }
0x7e: {  	v8 =	vld [tilespmem:s26+$0x0]  }
0x7f: {  	v9 =	vld [tilespmem:s26+$0xFFFFFFE0]  }
0x80: {  	v10 =	vld [tilespmem:s26+$0xFFFFFFB0]  }
0x81: {  	v11 =	vld [tilespmem:s26+$0xFFFFFFC0];
	_ =	sdelay $0x1  }
0x82: {  	v0 =	vmax.f32 v0, $-1.000000000e+00;
	v2 =	vmax.f32 v2, $-1.000000000e+00;
	v3 =	vmax.f32 v3, $-1.000000000e+00  }
0x83: {  	v4 =	vmax.f32 v4, $-1.000000000e+00;
	v5 =	vmax.f32 v5, $-1.000000000e+00;
	v1 =	vmax.f32 v1, $-1.000000000e+00  }
0x84: {  	v6 =	vmax.f32 v6, $-1.000000000e+00;
	v7 =	vmax.f32 v7, $-1.000000000e+00;
	v8 =	vmax.f32 v8, $-1.000000000e+00  }
0x85: {  	v9 =	vmax.f32 v9, $-1.000000000e+00;
	v11 =	vmax.f32 v11, $-1.000000000e+00;
	v10 =	vmax.f32 v10, $-1.000000000e+00  }
0x86: {  	v0 =	vmin.f32 v0, $1.000000000e+00;
	v2 =	vmin.f32 v2, $1.000000000e+00;
	v3 =	vmin.f32 v3, $1.000000000e+00  }
0x87: {  	v4 =	vmin.f32 v4, $1.000000000e+00;
	v1 =	vmin.f32 v1, $1.000000000e+00;
	v5 =	vmin.f32 v5, $1.000000000e+00  }
0x88: {  	v12 =	vld [tilespmem:s26+$0xFFFFFFD0];
	v6 =	vmin.f32 v6, $1.000000000e+00;
	v8 =	vmin.f32 v8, $1.000000000e+00;
	v0 =	vmul.f32 $1.275000000e+02, v0  }
0x89: {  	v7 =	vmin.f32 v7, $1.000000000e+00;
	v2 =	vmul.f32 $1.275000000e+02, v2;
	v3 =	vmul.f32 $1.275000000e+02, v3  }
0x8a: {  	v9 =	vmin.f32 v9, $1.000000000e+00;
	v1 =	vmul.f32 $1.275000000e+02, v1;
	v4 =	vmul.f32 $1.275000000e+02, v4  }
0x8b: {  	v6 =	vmul.f32 $1.275000000e+02, v6;
	v5 =	vmul.f32 $1.275000000e+02, v5;
	v2 =	vadd.f32 $1.280000000e+02, v2  }
0x8c: {  	v8 =	vmul.f32 $1.275000000e+02, v8;
	v9 =	vmul.f32 $1.275000000e+02, v9;
	v3 =	vadd.f32 $1.280000000e+02, v3  }
0x8d: {  	v12 =	vmax.f32 v12, $-1.000000000e+00;
	v7 =	vmul.f32 $1.275000000e+02, v7;
	v2 =	vtrunc.f32 v2  }
0x8e: {  	s31 =	simm.s32 $0x9F0;
	v12 =	vmin.f32 v12, $1.000000000e+00;
	v3 =	vtrunc.f32 v3;
	v2 =	vcvt.f32.s32 v2  }
0x8f: {  	v17 =	vld [tilespmem:s31+$0x0];
	v0 =	vadd.f32 $1.280000000e+02, v0;
	v1 =	vadd.f32 $1.280000000e+02, v1;
	v3 =	vcvt.f32.s32 v3  }
0x90: {  	v23 =	vmul.f32 $1.275000000e+02, v12;
	v4 =	vadd.f32 $1.280000000e+02, v4;
	v6 =	vadd.f32 $1.280000000e+02, v6  }
0x91: {  	v13 =	vld [tilespmem:s26+$0xFFFFFFA0];
	v5 =	vadd.f32 $1.280000000e+02, v5;
	v0 =	vtrunc.f32 v0;
	v1 =	vtrunc.f32 v1  }
0x92: {  	v14 =	vld [tilespmem:s26+$0xFFFFFF90];
	v9 =	vadd.f32 $1.280000000e+02, v9;
	v4 =	vtrunc.f32 v4;
	v0 =	vcvt.f32.s32 v0  }
0x93: {  	v18 =	vld [tilespmem:s31+$0xFFFFFFB0];
	v7 =	vadd.f32 $1.280000000e+02, v7;
	v5 =	vtrunc.f32 v5;
	v6 =	vtrunc.f32 v6  }
0x94: {  	v12 =	vmax.f32 v17, $-1.000000000e+00;
	v9 =	vtrunc.f32 v9;
	v1 =	vcvt.f32.s32 v1;
	v15 =	vld.idx.msk [tilespmem:v2+s5+$0x0], $0xffff  }
0x95: {  	v7 =	vtrunc.f32 v7;
	v4 =	vcvt.f32.s32 v4;
	v2 =	vmin.f32 v10, $1.000000000e+00;
	v20 =	vld.idx.msk [tilespmem:v3+s5+$0x0], $0xffff  }
0x96: {  	v10 =	vmin.f32 v11, $1.000000000e+00;
	v11 =	vmax.f32 v13, $-1.000000000e+00;
	v3 =	vld [tilespmem:s31+$0xFFFFFFE0];
	v2 =	vmul.f32 $1.275000000e+02, v2  }
0x97: {  	v19 =	vcvt.f32.s32 v9;
	v13 =	vld [tilespmem:s26+$0xFFFFFFF0];
	v11 =	vmin.f32 v11, $1.000000000e+00;
	v10 =	vmul.f32 $1.275000000e+02, v10  }
0x98: {  	v16 =	vld.idx.msk [tilespmem:v0+s5+$0x0], $0xffff;
	v11 =	vmul.f32 $1.275000000e+02, v11;
	v0 =	vadd.f32 $1.280000000e+02, v2;
	v2 =	vadd.f32 $1.280000000e+02, v8  }
0x99: {  	v21 =	vld [tilespmem:s31+$0xFFFFFFD0];
	v63 =	vadd.f32 $1.280000000e+02, v23;
	v5 =	vcvt.f32.s32 v5;
	v7 =	vcvt.f32.s32 v7  }
0x9a: {  	v17 =	vld.idx.msk [tilespmem:v1+s5+$0x0], $0xffff;
	v10 =	vadd.f32 $1.280000000e+02, v10;
	v11 =	vadd.f32 $1.280000000e+02, v11;
	v9 =	vtrunc.f32 v2  }
0x9b: {  	v8 =	vld [tilespmem:s31+$0xFFFFFFA0];
	v2 =	vmax.f32 v14, $-1.000000000e+00;
	v0 =	vtrunc.f32 v0;
	v3 =	vmax.f32 v3, $-1.000000000e+00  }
0x9c: {  	v14 =	vld [tilespmem:s31+$0xFFFFFFC0];
	v2 =	vmin.f32 v2, $1.000000000e+00;
	v0 =	vcvt.f32.s32 v0;
	v25 =	vcvt.f32.s32 v9  }
0x9d: {  	v9 =	vld.idx.msk [tilespmem:v4+s5+$0x0], $0xffff;
	v22 =	vmul.f32 $1.275000000e+02, v2;
	v2 =	vmax.f32 v13, $-1.000000000e+00;
	v13 =	vcvt.f32.s32 v6  }
0x9e: {  	v24 =	vtrunc.f32 v11;
	v3 =	vmin.f32 v3, $1.000000000e+00;
	v4 =	vld.idx.msk [tilespmem:v19+s5+$0x0], $0xffff;
	v19 =	vtrunc.f32 v63  }
0x9f: {  	v1 =	vld [tilespmem:s31+$0xFFFFFF90];
	v6 =	vmin.f32 v12, $1.000000000e+00;
	v26 =	vmul.f32 $1.275000000e+02, v3;
	v3 =	vmax.f32 v18, $-1.000000000e+00  }
0xa0: {  	s28 =	simm.s32 $0x81F0;
	v12 =	vmin.f32 v2, $1.000000000e+00;
	v2 =	vld.idx.msk [tilespmem:v5+s5+$0x0], $0xffff;
	v11 =	vmul.f32 $1.275000000e+02, v6;
	v6 =	vtrunc.f32 v10  }
0xa1: {  	[tilespmem:s28+$0x0] =	vst v16;
	v5 =	vld.idx.msk [tilespmem:v7+s5+$0x0], $0xffff;
	v16 =	vmin.f32 v3, $1.000000000e+00;
	v3 =	vcvt.f32.s32 v24;
	v10 =	vmax.f32 v14, $-1.000000000e+00  }
0xa2: {  	[tilespmem:s28+$0xFFFFFFE0] =	vst v15;
	v8 =	vmax.f32 v8, $-1.000000000e+00;
	v22 =	vadd.f32 $1.280000000e+02, v22;
	v15 =	vmin.f32 v10, $1.000000000e+00;
	v10 =	vld [tilespmem:s31+$0xFFFFFFF0]  }
0xa3: {  	s29 =	simm.s32 $0x100;
	[tilespmem:s28+$0xFFFFFFA0] =	vst v17;
	v12 =	vmul.f32 $1.275000000e+02, v12;
	v18 =	vmul.f32 $1.275000000e+02, v16;
	v17 =	vmin.f32 v8, $1.000000000e+00;
	v7 =	vld.idx.msk [tilespmem:v13+s5+$0x0], $0xffff  }
0xa4: {  	s30 =	simm.s32 $0xDF0;
	s25 =	simm.s32 $0x85F0;
	s26 =	simm.s32 $0x85F0;
	[tilespmem:s28+$0xFFFFFFB0] =	vst v20;
	v16 =	vadd.f32 $1.280000000e+02, v26;
	v14 =	vmax.f32 v21, $-1.000000000e+00;
	v8 =	vld.idx.msk [tilespmem:v25+s5+$0x0], $0xffff;
	v13 =	vtrunc.f32 v22  }
.LBB2_5:
0xa5: {  	v20 =	vld [tilespmem:s30+$0x0];
	s29 =	sadd.s32 $0x80, s29;
	v18 =	vadd.f32 $1.280000000e+02, v18;
	v11 =	vadd.f32 $1.280000000e+02, v11;
	v19 =	vcvt.f32.s32 v19;
	s25 =	sadd.s32 $0x400, s25;
	[tilespmem:s28+$0xFFFFFFC0] =	vst v9  }
0xa6: {  	v9 =	vmul.f32 $1.275000000e+02, v17;
	v15 =	vmul.f32 $1.275000000e+02, v15;
	v14 =	vmin.f32 v14, $1.000000000e+00;
	v21 =	vld [tilespmem:s30+$0xFFFFFFA0];
	p1 =	slt.u32 s29, $0x780;
	[tilespmem:s28+$0xFFFFFFD0] =	vst v2  }
0xa7: {  	v2 =	vtrunc.f32 v16;
	v16 =	vcvt.f32.s32 v6;
	v6 =	vadd.f32 $1.280000000e+02, v12;
	v17 =	vld [tilespmem:s30+$0xFFFFFFB0];
	[tilespmem:s28+$0xFFFFFFF0] =	vst v5  }
0xa8: {  	v5 =	vadd.f32 $1.280000000e+02, v9;
	v22 =	vcvt.f32.s32 v2;
	v9 =	vtrunc.f32 v11;
	v12 =	vld.idx.msk [tilespmem:v0+s5+$0x0], $0xffff;
	[tilespmem:s28+$0xFFFFFF90] =	vst v7;
	s28 =	smov.u32 s26;
	s26 =	smov.u32 s25  }
0xa9: {  	v0 =	vmax.f32 v1, $-1.000000000e+00;
	v1 =	vtrunc.f32 v18;
	v2 =	vtrunc.f32 v6;
	v7 =	vld [tilespmem:s30+$0xFFFFFFE0];
	[tilespmem:s28+$0xFFFFFFE0] =	vst v4  }
0xaa: {  	v6 =	vmin.f32 v0, $1.000000000e+00;
	v0 =	vcvt.f32.s32 v1;
	v18 =	vcvt.f32.s32 v2;
	v4 =	vld [tilespmem:s30+$0xFFFFFFC0];
	[tilespmem:s28+$0x0] =	vst v8  }
0xab: {  	v23 =	vmul.f32 $1.275000000e+02, v14;
	v1 =	vmax.f32 v10, $-1.000000000e+00;
	v6 =	vmul.f32 $1.275000000e+02, v6;
	v8 =	vld [tilespmem:s30+$0xFFFFFFD0]  }
0xac: {  	v13 =	vcvt.f32.s32 v13;
	v10 =	vadd.f32 $1.280000000e+02, v15;
	v2 =	vmax.f32 v20, $-1.000000000e+00;
	v20 =	vld.idx.msk [tilespmem:v3+s5+$0x0], $0xffff  }
0xad: {  	v24 =	vtrunc.f32 v5;
	v5 =	vmin.f32 v1, $1.000000000e+00;
	v3 =	vmin.f32 v2, $1.000000000e+00;
	v2 =	vld.idx.msk [tilespmem:v19+s5+$0x0], $0xffff  }
0xae: {  	v25 =	vcvt.f32.s32 v9;
	v11 =	vmul.f32 $1.275000000e+02, v3;
	v1 =	vld [tilespmem:s30+$0xFFFFFF90];
	v7 =	vmax.f32 v7, $-1.000000000e+00;
	[tilespmem:s28+$0xFFFFFFB0] =	vst v12  }
0xaf: {  	v26 =	vadd.f32 $1.280000000e+02, v6;
	v6 =	vtrunc.f32 v10;
	v3 =	vmin.f32 v7, $1.000000000e+00;
	v9 =	vld.idx.msk [tilespmem:v16+s5+$0x0], $0xffff  }
.Ltmp3:
0xb0: {  	v12 =	vmul.f32 $1.275000000e+02, v5;
	v7 =	vmax.f32 v4, $-1.000000000e+00;
	v16 =	vmul.f32 $1.275000000e+02, v3;
	v5 =	vld.idx.msk [tilespmem:v18+s5+$0x0], $0xffff;
	(pc) =	sbr.rel @p1 .LBB2_5-.Ltmp3, $4  }
0xb1: {  	v3 =	vmax.f32 v17, $-1.000000000e+00;
	v14 =	vmax.f32 v8, $-1.000000000e+00;
	v8 =	vadd.f32 $1.280000000e+02, v23;
	v4 =	vld.idx.msk [tilespmem:v22+s5+$0x0], $0xffff  }
0xb2: {  	v15 =	vmin.f32 v7, $1.000000000e+00;
	v10 =	vmin.f32 v3, $1.000000000e+00;
	v3 =	vcvt.f32.s32 v24;
	v7 =	vld.idx.msk [tilespmem:v13+s5+$0x0], $0xffff;
	[tilespmem:s28+$0xFFFFFFA0] =	vst v20  }
0xb3: {  	v13 =	vmax.f32 v21, $-1.000000000e+00;
	v18 =	vmul.f32 $1.275000000e+02, v10;
	v19 =	vtrunc.f32 v8;
	v10 =	vld [tilespmem:s30+$0xFFFFFFF0]  }
0xb4: {  	v16 =	vadd.f32 $1.280000000e+02, v16;
	v17 =	vmin.f32 v13, $1.000000000e+00;
	s30 =	sadd.s32 $0x400, s30;
	v13 =	vtrunc.f32 v26;
	v8 =	vld.idx.msk [tilespmem:v25+s5+$0x0], $0xffff  }
0xb5: {  	v18 =	vadd.f32 $1.280000000e+02, v18  }
0xb6: {  	v11 =	vadd.f32 $1.280000000e+02, v11;
	v19 =	vcvt.f32.s32 v19;
	v17 =	vmul.f32 $1.275000000e+02, v17  }
0xb7: {  	v15 =	vmul.f32 $1.275000000e+02, v15;
	v12 =	vadd.f32 $1.280000000e+02, v12;
	v16 =	vtrunc.f32 v16  }
0xb8: {  	v14 =	vmin.f32 v14, $1.000000000e+00;
	v6 =	vcvt.f32.s32 v6;
	v16 =	vcvt.f32.s32 v16  }
0xb9: {  	v1 =	vmax.f32 v1, $-1.000000000e+00;
	v11 =	vtrunc.f32 v11;
	v12 =	vtrunc.f32 v12  }
0xba: {  	v1 =	vmin.f32 v1, $1.000000000e+00;
	v18 =	vtrunc.f32 v18;
	v12 =	vcvt.f32.s32 v12  }
0xbb: {  	[tilespmem:s28+$0xFFFFFFC0] =	vst v9;
	v1 =	vmul.f32 $1.275000000e+02, v1;
	v9 =	vmax.f32 v10, $-1.000000000e+00;
	v10 =	vcvt.f32.s32 v13  }
0xbc: {  	[tilespmem:s28+$0xFFFFFFD0] =	vst v2;
	v0 =	vld.idx.msk [tilespmem:v0+s5+$0x0], $0xffff;
	v17 =	vadd.f32 $1.280000000e+02, v17;
	v2 =	vcvt.f32.s32 v18;
	v13 =	vmul.f32 $1.275000000e+02, v14  }
0xbd: {  	[tilespmem:s28+$0xFFFFFFF0] =	vst v5;
	v3 =	vld.idx.msk [tilespmem:v3+s5+$0x0], $0xffff;
	v11 =	vcvt.f32.s32 v11;
	v9 =	vmin.f32 v9, $1.000000000e+00;
	v1 =	vadd.f32 $1.280000000e+02, v1  }
0xbe: {  	v5 =	vadd.f32 $1.280000000e+02, v15;
	[tilespmem:s28+$0xFFFFFF90] =	vst v7;
	v7 =	vtrunc.f32 v17;
	v9 =	vmul.f32 $1.275000000e+02, v9;
	v6 =	vld.idx.msk [tilespmem:v6+s5+$0x0], $0xffff  }
0xbf: {  	[tilespmem:s26+$0xFFFFFFE0] =	vst v4;
	v13 =	vadd.f32 $1.280000000e+02, v13;
	v7 =	vcvt.f32.s32 v7;
	v4 =	vld.idx.msk [tilespmem:v19+s5+$0x0], $0xffff;
	v1 =	vtrunc.f32 v1  }
0xc0: {  	v5 =	vtrunc.f32 v5;
	[tilespmem:s26+$0x0] =	vst v8;
	v9 =	vadd.f32 $1.280000000e+02, v9;
	v1 =	vcvt.f32.s32 v1;
	v8 =	vld.idx.msk [tilespmem:v12+s5+$0x0], $0xffff  }
0xc1: {  	v5 =	vcvt.f32.s32 v5;
	[tilespmem:s26+$0xFFFFFFB0] =	vst v0;
	v12 =	vtrunc.f32 v13;
	v0 =	vld.idx.msk [tilespmem:v10+s5+$0x0], $0xffff  }
0xc2: {  	[tilespmem:s26+$0xFFFFFFA0] =	vst v3;
	v9 =	vtrunc.f32 v9;
	v2 =	vld.idx.msk [tilespmem:v2+s5+$0x0], $0xffff;
	v10 =	vcvt.f32.s32 v12  }
0xc3: {  	v12 =	vld.idx.msk [tilespmem:v16+s5+$0x0], $0xffff;
	v3 =	vcvt.f32.s32 v9;
	[tilespmem:s26+$0xFFFFFFC0] =	vst v6  }
0xc4: {  	v9 =	vld.idx.msk [tilespmem:v11+s5+$0x0], $0xffff;
	[tilespmem:s26+$0xFFFFFFD0] =	vst v4  }
0xc5: {  	v4 =	vld.idx.msk [tilespmem:v7+s5+$0x0], $0xffff;
	[tilespmem:s26+$0xFFFFFFF0] =	vst v8  }
0xc6: {  	s25 =	sadd.s32 $0x400, s25;
	v1 =	vld.idx.msk [tilespmem:v1+s5+$0x0], $0xffff;
	[tilespmem:s26+$0xFFFFFF90] =	vst v0  }
0xc7: {  	v0 =	vld.idx.msk [tilespmem:v5+s5+$0x0], $0xffff;
	[tilespmem:s25+$0xFFFFFFB0] =	vst v2  }
0xc8: {  	[tilespmem:s25+$0xFFFFFFE0] =	vst v12;
	v5 =	vld.idx.msk [tilespmem:v10+s5+$0x0], $0xffff  }
0xc9: {  	[tilespmem:s25+$0x0] =	vst v9;
	v3 =	vld.idx.msk [tilespmem:v3+s5+$0x0], $0xffff  }
0xca: {  	[tilespmem:s25+$0xFFFFFFA0] =	vst v4  }
0xcb: {  	[tilespmem:s25+$0xFFFFFF90] =	vst v1  }
0xcc: {  	[tilespmem:s25+$0xFFFFFFC0] =	vst v0  }
0xcd: {  	[tilespmem:s25+$0xFFFFFFD0] =	vst v5  }
0xce: {  	s31 =	simm.s32 $0x270;
	[tilespmem:s25+$0xFFFFFFF0] =	vst v3  }
0xcf: {  	v0 =	vld [tilespmem:s31+$0xFFFFFFB0]  }
0xd0: {  	v1 =	vld [tilespmem:s31+$0xFFFFFFA0]  }
0xd1: {  	v2 =	vld [tilespmem:s31+$0xFFFFFFC0]  }
0xd2: {  	v6 =	vld [tilespmem:s31+$0xFFFFFFF0]  }
0xd3: {  	p2 =	por $0x1, $0x1  }
.Ltmp4:
0xd4: {  	_ = 	snop;
	(pc) =	sbr.rel @!p2 .LBB2_7-.Ltmp4, $4  }
0xd5: {  	v5 =	vld [tilespmem:s31+$0xFFFFFF90]  }
0xd6: {  	v3 =	vld [tilespmem:s31+$0xFFFFFFD0];
	v0 =	vmax.f32 v0, $-1.000000000e+00;
	v2 =	vmax.f32 v2, $-1.000000000e+00;
	v1 =	vmax.f32 v1, $-1.000000000e+00  }
0xd7: {  	p3 =	por $0x0, $0x0;
	v4 =	vld [tilespmem:s31+$0x0];
	v0 =	vmin.f32 v0, $1.000000000e+00;
	v7 =	vmin.f32 v2, $1.000000000e+00;
	v2 =	vmax.f32 v6, $-1.000000000e+00  }
0xd8: {  	p1 =	por $0x0, $0x0;
	s26 =	simm.s32 $0x670;
	s25 =	simm.s32 $0x8270;
	v8 =	vld [tilespmem:s31+$0xFFFFFFE0];
	v16 =	vmin.f32 v1, $1.000000000e+00;
	v15 =	vmul.f32 $1.275000000e+02, v0;
	v17 =	vmin.f32 v2, $1.000000000e+00  }
0xd9: {  	_ = 	snop  }
0xda: {  	v2 =	vmul.f32 $1.275000000e+02, v16;
	v6 =	vmul.f32 $1.275000000e+02, v7;
	v1 =	vmax.f32 v5, $-1.000000000e+00  }
0xdb: {  	v10 =	vld [tilespmem:s26+$0xFFFFFFB0];
	v0 =	vadd.f32 $1.280000000e+02, v15;
	v5 =	vmul.f32 $1.275000000e+02, v17;
	v1 =	vmin.f32 v1, $1.000000000e+00  }
0xdc: {  	v12 =	vld [tilespmem:s26+$0xFFFFFFA0];
	v3 =	vmax.f32 v3, $-1.000000000e+00;
	v2 =	vadd.f32 $1.280000000e+02, v2;
	v6 =	vadd.f32 $1.280000000e+02, v6  }
0xdd: {  	v13 =	vld [tilespmem:s26+$0xFFFFFFF0];
	v0 =	vtrunc.f32 v0;
	v1 =	vmul.f32 $1.275000000e+02, v1;
	v3 =	vmin.f32 v3, $1.000000000e+00  }
0xde: {  	v4 =	vmax.f32 v4, $-1.000000000e+00;
	v7 =	vmax.f32 v8, $-1.000000000e+00;
	v0 =	vcvt.f32.s32 v0  }
0xdf: {  	v2 =	vtrunc.f32 v2;
	v4 =	vmin.f32 v4, $1.000000000e+00;
	v3 =	vmul.f32 $1.275000000e+02, v3  }
0xe0: {  	v8 =	vld [tilespmem:s26+$0xFFFFFFC0];
	v9 =	vadd.f32 $1.280000000e+02, v1;
	v2 =	vcvt.f32.s32 v2;
	v1 =	vadd.f32 $1.280000000e+02, v5  }
0xe1: {  	v4 =	vmul.f32 $1.275000000e+02, v4;
	v5 =	vtrunc.f32 v6;
	v7 =	vmin.f32 v7, $1.000000000e+00  }
0xe2: {  	p4 =	por $0x1, $0x1;
	v14 =	vmax.f32 v10, $-1.000000000e+00;
	v12 =	vmax.f32 v12, $-1.000000000e+00;
	v13 =	vmax.f32 v13, $-1.000000000e+00  }
.Ltmp5:
0xe3: {  	v6 =	vcvt.f32.s32 v5;
	v7 =	vmul.f32 $1.275000000e+02, v7;
	v5 =	vld [tilespmem:s26+$0xFFFFFF90];
	v4 =	vadd.f32 $1.280000000e+02, v4;
	(pc) =	sbr.rel @!p4 .LBB2_9-.Ltmp5, $4  }
0xe4: {  	v11 =	vadd.f32 $1.280000000e+02, v3;
	v3 =	vld [tilespmem:s26+$0xFFFFFFD0];
	v14 =	vmin.f32 v14, $1.000000000e+00;
	v16 =	vmin.f32 v12, $1.000000000e+00  }
0xe5: {  	v18 =	vadd.f32 $1.280000000e+02, v7;
	v8 =	vmax.f32 v8, $-1.000000000e+00;
	v10 =	vtrunc.f32 v4;
	v4 =	vld [tilespmem:s26+$0x0]  }
0xe6: {  	v9 =	vtrunc.f32 v9;
	v15 =	vmul.f32 $1.275000000e+02, v14;
	v7 =	vmin.f32 v8, $1.000000000e+00;
	v8 =	vld [tilespmem:s26+$0xFFFFFFE0]  }
0xe7: {  	s28 =	simm.s32 $0xA70;
	p3 =	por $0x1, $0x1;
	v17 =	vmin.f32 v13, $1.000000000e+00;
	v11 =	vtrunc.f32 v11;
	v18 =	vtrunc.f32 v18;
	v2 =	vld.idx.msk [tilespmem:v2+s5+$0x0], $0xffff  }
0xe8: {  	_ = 	snop  }
0xe9: {  	v13 =	vmul.f32 $1.275000000e+02, v17  }
0xea: {  	v14 =	vld [tilespmem:s28+$0xFFFFFFB0];
	v5 =	vmax.f32 v5, $-1.000000000e+00;
	v9 =	vcvt.f32.s32 v9;
	v7 =	vmul.f32 $1.275000000e+02, v7  }
0xeb: {  	v12 =	vadd.f32 $1.280000000e+02, v15;
	v17 =	vld [tilespmem:s28+$0xFFFFFFA0];
	v10 =	vcvt.f32.s32 v10;
	v11 =	vcvt.f32.s32 v11  }
0xec: {  	v19 =	vld.idx.msk [tilespmem:v0+s5+$0x0], $0xffff;
	v1 =	vtrunc.f32 v1;
	v15 =	vmin.f32 v5, $1.000000000e+00;
	v5 =	vmul.f32 $1.275000000e+02, v16  }
0xed: {  	v16 =	vld.idx.msk [tilespmem:v6+s5+$0x0], $0xffff;
	v6 =	vcvt.f32.s32 v18;
	v22 =	vcvt.f32.s32 v1  }
0xee: {  	v20 =	vld [tilespmem:s28+$0xFFFFFFC0];
	v3 =	vmax.f32 v3, $-1.000000000e+00;
	v12 =	vtrunc.f32 v12;
	v15 =	vmul.f32 $1.275000000e+02, v15  }
0xef: {  	v24 =	vld [tilespmem:s28+$0xFFFFFFF0];
	v7 =	vadd.f32 $1.280000000e+02, v7;
	v4 =	vmax.f32 v4, $-1.000000000e+00;
	v1 =	vadd.f32 $1.280000000e+02, v13  }
0xf0: {  	v18 =	vadd.f32 $1.280000000e+02, v5;
	v5 =	vld [tilespmem:s28+$0xFFFFFF90];
	v8 =	vmax.f32 v8, $-1.000000000e+00;
	v0 =	vcvt.f32.s32 v12  }
0xf1: {  	v12 =	vmin.f32 v3, $1.000000000e+00;
	v3 =	vld [tilespmem:s28+$0xFFFFFFD0];
	v4 =	vmin.f32 v4, $1.000000000e+00;
	v15 =	vadd.f32 $1.280000000e+02, v15  }
0xf2: {  	v4 =	vmul.f32 $1.275000000e+02, v4;
	v8 =	vmin.f32 v8, $1.000000000e+00;
	v18 =	vtrunc.f32 v18;
	v23 =	vld.idx.msk [tilespmem:v9+s5+$0x0], $0xffff  }
0xf3: {  	[tilespmem:s25+$0xFFFFFFA0] =	vst v2;
	v8 =	vmul.f32 $1.275000000e+02, v8;
	v2 =	vmax.f32 v17, $-1.000000000e+00;
	v18 =	vcvt.f32.s32 v18;
	v13 =	vld.idx.msk [tilespmem:v11+s5+$0x0], $0xffff  }
0xf4: {  	p5 =	por $0x1, $0x1;
	v17 =	vmax.f32 v24, $-1.000000000e+00;
	v21 =	vld.idx.msk [tilespmem:v6+s5+$0x0], $0xffff;
	v6 =	vtrunc.f32 v7;
	v7 =	vmul.f32 $1.275000000e+02, v12  }
.Ltmp6:
0xf5: {  	v25 =	vadd.f32 $1.280000000e+02, v4;
	[tilespmem:s25+$0xFFFFFFC0] =	vst v16;
	v16 =	vmax.f32 v20, $-1.000000000e+00;
	v12 =	vld.idx.msk [tilespmem:v10+s5+$0x0], $0xffff;
	v6 =	vcvt.f32.s32 v6;
	(pc) =	sbr.rel @!p5 .LBB2_11-.Ltmp6, $4  }
0xf6: {  	v9 =	vtrunc.f32 v15;
	v4 =	vld [tilespmem:s28+$0x0];
	v15 =	vadd.f32 $1.280000000e+02, v7;
	v7 =	vmax.f32 v14, $-1.000000000e+00  }
0xf7: {  	[tilespmem:s25+$0xFFFFFFB0] =	vst v19;
	v19 =	vadd.f32 $1.280000000e+02, v8;
	v10 =	vtrunc.f32 v25;
	v14 =	vld.idx.msk [tilespmem:v22+s5+$0x0], $0xffff;
	v8 =	vmin.f32 v7, $1.000000000e+00  }
0xf8: {  	s30 =	simm.s32 $0x100;
	s26 =	simm.s32 $0x8670;
	s31 =	simm.s32 $0xE70;
	v17 =	vmin.f32 v17, $1.000000000e+00;
	v11 =	vtrunc.f32 v15;
	v15 =	vmul.f32 $1.275000000e+02, v8;
	v8 =	vld [tilespmem:s28+$0xFFFFFFE0];
	[tilespmem:s25+$0xFFFFFF90] =	vst v23  }
0xf9: {  	p4 =	por $0x1, $0x1;
	s29 =	simm.s32 $0x8670;
	v7 =	vmin.f32 v16, $1.000000000e+00;
	v16 =	vmin.f32 v2, $1.000000000e+00;
	s28 =	simm.s32 $0x8270;
	v2 =	vld.idx.msk [tilespmem:v18+s5+$0x0], $0xffff;
	v18 =	vtrunc.f32 v19;
	[tilespmem:s25+$0xFFFFFFE0] =	vst v21  }
.LBB2_12:
0xfa: {  	v19 =	vld [tilespmem:s31+$0xFFFFFFB0];
	s30 =	sadd.s32 $0x80, s30;
	v5 =	vmax.f32 v5, $-1.000000000e+00;
	v15 =	vadd.f32 $1.280000000e+02, v15;
	v17 =	vmul.f32 $1.275000000e+02, v17;
	s26 =	sadd.s32 $0x400, s26;
	[tilespmem:s28+$0x0] =	vst v12  }
0xfb: {  	p5 =	slt.u32 s30, $0x780;
	v12 =	vmin.f32 v5, $1.000000000e+00;
	v5 =	vmul.f32 $1.275000000e+02, v16;
	v6 =	vld.idx.msk [tilespmem:v6+s5+$0x0], $0xffff;
	v16 =	vcvt.f32.s32 v18;
	[tilespmem:s28+$0xFFFFFFD0] =	vst v13  }
0xfc: {  	v3 =	vmax.f32 v3, $-1.000000000e+00;
	v9 =	vcvt.f32.s32 v9;
	v18 =	vld [tilespmem:s31+$0xFFFFFFA0];
	v13 =	vtrunc.f32 v15  }
0xfd: {  	v7 =	vmul.f32 $1.275000000e+02, v7;
	v10 =	vcvt.f32.s32 v10;
	v15 =	vadd.f32 $1.280000000e+02, v5;
	v20 =	vld.idx.msk [tilespmem:v0+s5+$0x0], $0xffff;
	[tilespmem:s28+$0xFFFFFFF0] =	vst v14;
	s28 =	smov.u32 s29;
	s29 =	smov.u32 s26  }
0xfe: {  	v11 =	vcvt.f32.s32 v11;
	v12 =	vmul.f32 $1.275000000e+02, v12;
	v8 =	vmax.f32 v8, $-1.000000000e+00;
	v5 =	vld [tilespmem:s31+$0xFFFFFF90]  }
0xff: {  	v7 =	vadd.f32 $1.280000000e+02, v7;
	v0 =	vcvt.f32.s32 v13;
	v13 =	vmin.f32 v3, $1.000000000e+00;
	v14 =	vld [tilespmem:s31+$0xFFFFFFC0]  }
0x100: {  	v1 =	vtrunc.f32 v1;
	v4 =	vmax.f32 v4, $-1.000000000e+00;
	v15 =	vtrunc.f32 v15;
	v3 =	vld [tilespmem:s31+$0xFFFFFFD0]  }
0x101: {  	v4 =	vmin.f32 v4, $1.000000000e+00;
	v21 =	vadd.f32 $1.280000000e+02, v12;
	[tilespmem:s28+$0xFFFFFFC0] =	vst v6;
	v22 =	vld.idx.msk [tilespmem:v16+s5+$0x0], $0xffff;
	v16 =	vcvt.f32.s32 v1  }
0x102: {  	v4 =	vmul.f32 $1.275000000e+02, v4;
	v23 =	vcvt.f32.s32 v15;
	v1 =	vadd.f32 $1.280000000e+02, v17;
	v17 =	vld.idx.msk [tilespmem:v9+s5+$0x0], $0xffff  }
0x103: {  	v8 =	vmin.f32 v8, $1.000000000e+00;
	v6 =	vtrunc.f32 v7;
	v7 =	vmul.f32 $1.275000000e+02, v13;
	v24 =	vld [tilespmem:s31+$0xFFFFFFF0];
	[tilespmem:s28+$0xFFFFFFB0] =	vst v20  }
0x104: {  	v8 =	vmul.f32 $1.275000000e+02, v8;
	v15 =	vadd.f32 $1.280000000e+02, v4;
	v6 =	vcvt.f32.s32 v6;
	v12 =	vld.idx.msk [tilespmem:v10+s5+$0x0], $0xffff  }
.Ltmp7:
0x105: {  	v9 =	vtrunc.f32 v21;
	v20 =	vadd.f32 $1.280000000e+02, v7;
	v14 =	vmax.f32 v14, $-1.000000000e+00;
	v13 =	vld.idx.msk [tilespmem:v11+s5+$0x0], $0xffff;
	(pc) =	sbr.rel @p5 .LBB2_12-.Ltmp7, $4  }
0x106: {  	v7 =	vmax.f32 v19, $-1.000000000e+00;
	v19 =	vadd.f32 $1.280000000e+02, v8;
	v10 =	vtrunc.f32 v15;
	v4 =	vld [tilespmem:s31+$0x0]  }
0x107: {  	v8 =	vmin.f32 v7, $1.000000000e+00;
	v7 =	vmin.f32 v14, $1.000000000e+00;
	v11 =	vtrunc.f32 v20;
	[tilespmem:s28+$0xFFFFFFA0] =	vst v2;
	v14 =	vld.idx.msk [tilespmem:v16+s5+$0x0], $0xffff  }
0x108: {  	v15 =	vmul.f32 $1.275000000e+02, v8;
	v2 =	vmax.f32 v18, $-1.000000000e+00;
	v8 =	vld [tilespmem:s31+$0xFFFFFFE0];
	v18 =	vmax.f32 v24, $-1.000000000e+00;
	[tilespmem:s28+$0xFFFFFF90] =	vst v17  }
0x109: {  	v16 =	vmin.f32 v2, $1.000000000e+00;
	s31 =	sadd.s32 $0x400, s31;
	v17 =	vmin.f32 v18, $1.000000000e+00;
	v2 =	vld.idx.msk [tilespmem:v23+s5+$0x0], $0xffff;
	v18 =	vtrunc.f32 v19;
	[tilespmem:s28+$0xFFFFFFE0] =	vst v22  }
.LBB2_13:
0x10a: {  	v17 =	vmul.f32 $1.275000000e+02, v17  }
0x10b: {  	v15 =	vadd.f32 $1.280000000e+02, v15;
	v16 =	vmul.f32 $1.275000000e+02, v16;
	v18 =	vcvt.f32.s32 @p3 v18  }
0x10c: {  	v5 =	vmax.f32 v5, $-1.000000000e+00;
	v9 =	vcvt.f32.s32 @p3 v9;
	v7 =	vmul.f32 $1.275000000e+02, v7  }
0x10d: {  	v3 =	vmax.f32 v3, $-1.000000000e+00;
	v10 =	vcvt.f32.s32 @p3 v10;
	v11 =	vcvt.f32.s32 @p3 v11  }
0x10e: {  	v1 =	vtrunc.f32 @p3 v1;
	v5 =	vmin.f32 v5, $1.000000000e+00;
	v3 =	vmin.f32 v3, $1.000000000e+00  }
0x10f: {  	v4 =	vmax.f32 v4, $-1.000000000e+00;
	v1 =	vcvt.f32.s32 @p3 v1;
	v15 =	vtrunc.f32 v15  }
0x110: {  	v6 =	vld.idx.msk @p3 [tilespmem:v6+s5+$0x0], $0xffff;
	v16 =	vadd.f32 $1.280000000e+02, v16;
	v5 =	vmul.f32 $1.275000000e+02, v5;
	v7 =	vadd.f32 $1.280000000e+02, v7  }
0x111: {  	v0 =	vld.idx.msk @p3 [tilespmem:v0+s5+$0x0], $0xffff;
	v4 =	vmin.f32 v4, $1.000000000e+00;
	v3 =	vmul.f32 $1.275000000e+02, v3;
	v8 =	vmax.f32 v8, $-1.000000000e+00  }
0x112: {  	[tilespmem:s28+$0x0] =	vst @p4 v12;
	v4 =	vmul.f32 $1.275000000e+02, v4;
	v8 =	vmin.f32 v8, $1.000000000e+00;
	v7 =	vtrunc.f32 v7  }
0x113: {  	[tilespmem:s28+$0xFFFFFFD0] =	vst @p4 v13;
	v5 =	vadd.f32 $1.280000000e+02, v5;
	v8 =	vmul.f32 $1.275000000e+02, v8;
	v7 =	vcvt.f32.s32 v7;
	v12 =	vld.idx.msk @p3 [tilespmem:v18+s5+$0x0], $0xffff  }
0x114: {  	[tilespmem:s28+$0xFFFFFFF0] =	vst @p4 v14;
	s28 =	smov.u32 @p3 s29;
	v15 =	vcvt.f32.s32 v15;
	v13 =	vtrunc.f32 v16;
	v4 =	vadd.f32 $1.280000000e+02, v4;
	v9 =	vld.idx.msk @p3 [tilespmem:v9+s5+$0x0], $0xffff  }
0x115: {  	v13 =	vcvt.f32.s32 v13;
	[tilespmem:s28+$0xFFFFFFC0] =	vst @p3 v6;
	v10 =	vld.idx.msk @p3 [tilespmem:v10+s5+$0x0], $0xffff;
	v5 =	vtrunc.f32 v5;
	v8 =	vadd.f32 $1.280000000e+02, v8  }
0x116: {  	v3 =	vadd.f32 $1.280000000e+02, v3;
	[tilespmem:s28+$0xFFFFFFB0] =	vst @p3 v0;
	v6 =	vld.idx.msk @p3 [tilespmem:v11+s5+$0x0], $0xffff;
	v5 =	vcvt.f32.s32 v5;
	v0 =	vtrunc.f32 v4  }
0x117: {  	v11 =	vadd.f32 $1.280000000e+02, v17;
	v1 =	vld.idx.msk @p3 [tilespmem:v1+s5+$0x0], $0xffff;
	v0 =	vcvt.f32.s32 v0;
	v8 =	vtrunc.f32 v8  }
0x118: {  	[tilespmem:s28+$0xFFFFFFA0] =	vst @p3 v2;
	v3 =	vtrunc.f32 v3;
	v4 =	vcvt.f32.s32 v8  }
0x119: {  	v3 =	vcvt.f32.s32 v3;
	[tilespmem:s28+$0xFFFFFF90] =	vst @p3 v9;
	v2 =	vld.idx.msk [tilespmem:v7+s5+$0x0], $0xffff;
	v7 =	vtrunc.f32 v11  }
0x11a: {  	[tilespmem:s28+$0xFFFFFFE0] =	vst @p3 v12;
	v8 =	vpsel p3, v10, v0;
	s28 =	smov.u32 @p3 s28;
	v9 =	vld.idx.msk [tilespmem:v15+s5+$0x0], $0xffff;
	v7 =	vcvt.f32.s32 v7  }
0x11b: {  	v10 =	vld.idx.msk [tilespmem:v13+s5+$0x0], $0xffff;
	v6 =	vpsel p3, v6, v0;
	[tilespmem:s28+$0x0] =	vst @p3 v8  }
0x11c: {  	s26 =	sadd.s32 @p3 $0x400, s26;
	v1 =	vpsel p3, v1, v0;
	[tilespmem:s28+$0xFFFFFFD0] =	vst @p3 v6;
	v5 =	vld.idx.msk [tilespmem:v5+s5+$0x0], $0xffff  }
0x11d: {  	s25 =	smov.u32 @p3 s26;
	[tilespmem:s28+$0xFFFFFFF0] =	vst @p3 v1;
	v0 =	vld.idx.msk [tilespmem:v0+s5+$0x0], $0xffff  }
0x11e: {  	v1 =	vld.idx.msk [tilespmem:v4+s5+$0x0], $0xffff;
	[tilespmem:s25+$0xFFFFFFC0] =	vst v2  }
0x11f: {  	[tilespmem:s25+$0xFFFFFFB0] =	vst v9;
	v2 =	vld.idx.msk [tilespmem:v3+s5+$0x0], $0xffff  }
0x120: {  	[tilespmem:s25+$0xFFFFFFA0] =	vst v10;
	v3 =	vld.idx.msk [tilespmem:v7+s5+$0x0], $0xffff  }
0x121: {  	[tilespmem:s25+$0xFFFFFF90] =	vst v5  }
0x122: {  	[tilespmem:s25+$0x0] =	vst v0  }
0x123: {  	[tilespmem:s25+$0xFFFFFFE0] =	vst v1  }
0x124: {  	[tilespmem:s25+$0xFFFFFFD0] =	vst v2  }
0x125: {  	s31 =	simm.s32 $0x2F0;
	[tilespmem:s25+$0xFFFFFFF0] =	vst v3  }
0x126: {  	v0 =	vld [tilespmem:s31+$0x0]  }
0x127: {  	v1 =	vld [tilespmem:s31+$0xFFFFFFB0]  }
0x128: {  	v2 =	vld [tilespmem:s31+$0xFFFFFFE0]  }
0x129: {  	v4 =	vld [tilespmem:s31+$0xFFFFFFD0]  }
0x12a: {  	v3 =	vld [tilespmem:s31+$0xFFFFFFC0]  }
0x12b: {  	v6 =	vld [tilespmem:s31+$0xFFFFFFA0]  }
0x12c: {  	v0 =	vmax.f32 v0, $-1.000000000e+00  }
.Ltmp8:
0x12d: {  	v2 =	vmax.f32 v2, $-1.000000000e+00;
	v0 =	vmin.f32 v0, $1.000000000e+00;
	(pc) =	sbr.rel @!p2 .LBB2_14-.Ltmp8, $4  }
0x12e: {  	v8 =	vmax.f32 v4, $-1.000000000e+00;
	v5 =	vmul.f32 $1.275000000e+02, v0;
	v0 =	vmin.f32 v2, $1.000000000e+00  }
0x12f: {  	v2 =	vmax.f32 v3, $-1.000000000e+00;
	v3 =	vmax.f32 v1, $-1.000000000e+00;
	v0 =	vmul.f32 $1.275000000e+02, v0  }
0x130: {  	v1 =	vld [tilespmem:s31+$0xFFFFFF90];
	v3 =	vmin.f32 v3, $1.000000000e+00;
	v12 =	vmin.f32 v2, $1.000000000e+00;
	v2 =	vmax.f32 v6, $-1.000000000e+00  }
0x131: {  	s26 =	simm.s32 $0x6F0;
	s25 =	simm.s32 $0x82F0;
	v18 =	vmul.f32 $1.275000000e+02, v3;
	v3 =	vld [tilespmem:s31+$0xFFFFFFF0];
	v17 =	vmin.f32 v2, $1.000000000e+00;
	v16 =	vadd.f32 $1.280000000e+02, v0  }
0x132: {  	v4 =	vadd.f32 $1.280000000e+02, v5  }
0x133: {  	v2 =	vld [tilespmem:s26+$0x0];
	v5 =	vmul.f32 $1.275000000e+02, v17;
	v6 =	vmul.f32 $1.275000000e+02, v12;
	v7 =	vmin.f32 v8, $1.000000000e+00  }
0x134: {  	v10 =	vld [tilespmem:s26+$0xFFFFFFC0];
	v0 =	vadd.f32 $1.280000000e+02, v18;
	v8 =	vtrunc.f32 v16;
	v12 =	vmul.f32 $1.275000000e+02, v7  }
0x135: {  	v11 =	vld [tilespmem:s26+$0xFFFFFFB0];
	v9 =	vcvt.f32.s32 v8;
	v4 =	vtrunc.f32 v4;
	v5 =	vadd.f32 $1.280000000e+02, v5  }
0x136: {  	v6 =	vadd.f32 $1.280000000e+02, v6;
	v1 =	vmax.f32 v1, $-1.000000000e+00;
	v0 =	vtrunc.f32 v0  }
0x137: {  	v8 =	vld [tilespmem:s26+$0xFFFFFFE0];
	v20 =	vcvt.f32.s32 v4;
	v1 =	vmin.f32 v1, $1.000000000e+00;
	v0 =	vcvt.f32.s32 v0  }
0x138: {  	v3 =	vmax.f32 v3, $-1.000000000e+00;
	v14 =	vtrunc.f32 v5;
	v1 =	vmul.f32 $1.275000000e+02, v1  }
0x139: {  	v13 =	vld [tilespmem:s26+$0xFFFFFFD0];
	v2 =	vmax.f32 v2, $-1.000000000e+00;
	v3 =	vmin.f32 v3, $1.000000000e+00;
	v4 =	vmax.f32 v10, $-1.000000000e+00  }
0x13a: {  	v15 =	vld [tilespmem:s26+$0xFFFFFFA0];
	v2 =	vmin.f32 v2, $1.000000000e+00;
	v10 =	vmul.f32 $1.275000000e+02, v3;
	v3 =	vmax.f32 v11, $-1.000000000e+00  }
0x13b: {  	p3 =	por $0x1, $0x1;
	v11 =	vadd.f32 $1.280000000e+02, v12;
	v12 =	vmin.f32 v4, $1.000000000e+00;
	v4 =	vcvt.f32.s32 v14  }
.Ltmp9:
0x13c: {  	v7 =	vmax.f32 v8, $-1.000000000e+00;
	v5 =	vmul.f32 $1.275000000e+02, v2;
	v21 =	vadd.f32 $1.280000000e+02, v1;
	(pc) =	sbr.rel @!p3 .LBB2_16-.Ltmp9, $4  }
0x13d: {  	v1 =	vld [tilespmem:s26+$0xFFFFFF90];
	v3 =	vmin.f32 v3, $1.000000000e+00;
	v2 =	vmin.f32 v7, $1.000000000e+00;
	v7 =	vtrunc.f32 v6  }
0x13e: {  	v18 =	vmul.f32 $1.275000000e+02, v3;
	v3 =	vld [tilespmem:s26+$0xFFFFFFF0];
	v6 =	vmul.f32 $1.275000000e+02, v2  }
0x13f: {  	v8 =	vmax.f32 v13, $-1.000000000e+00;
	v19 =	vtrunc.f32 v11;
	v2 =	vld.idx.msk [tilespmem:v9+s5+$0x0], $0xffff;
	v9 =	vmax.f32 v15, $-1.000000000e+00  }
0x140: {  	s28 =	simm.s32 $0xAF0;
	p2 =	por $0x1, $0x1;
	v11 =	vtrunc.f32 v21;
	v17 =	vmin.f32 v9, $1.000000000e+00;
	v16 =	vadd.f32 $1.280000000e+02, v6;
	v6 =	vld.idx.msk [tilespmem:v20+s5+$0x0], $0xffff  }
0x141: {  	_ = 	snop  }
0x142: {  	v9 =	vld [tilespmem:s28+$0x0];
	v13 =	vadd.f32 $1.280000000e+02, v18;
	v5 =	vadd.f32 $1.280000000e+02, v5;
	v14 =	vcvt.f32.s32 v19  }
0x143: {  	v18 =	vld [tilespmem:s28+$0xFFFFFFA0];
	v15 =	vmul.f32 $1.275000000e+02, v17;
	v12 =	vmul.f32 $1.275000000e+02, v12;
	v8 =	vmin.f32 v8, $1.000000000e+00  }
0x144: {  	v17 =	vld [tilespmem:s28+$0xFFFFFFB0];
	v19 =	vcvt.f32.s32 v7;
	v7 =	vadd.f32 $1.280000000e+02, v10;
	v11 =	vcvt.f32.s32 v11  }
0x145: {  	v20 =	vld.idx.msk [tilespmem:v0+s5+$0x0], $0xffff;
	v16 =	vtrunc.f32 v16;
	v0 =	vmax.f32 v1, $-1.000000000e+00;
	v63 =	vmul.f32 $1.275000000e+02, v8  }
0x146: {  	v23 =	vld [tilespmem:s28+$0xFFFFFFD0];
	v10 =	vadd.f32 $1.280000000e+02, v15;
	v15 =	vcvt.f32.s32 v16;
	v16 =	vtrunc.f32 v5  }
0x147: {  	v5 =	vld [tilespmem:s28+$0xFFFFFFE0];
	v1 =	vtrunc.f32 v13;
	v7 =	vtrunc.f32 v7;
	v21 =	vmin.f32 v0, $1.000000000e+00  }
0x148: {  	v24 =	vld.idx.msk [tilespmem:v4+s5+$0x0], $0xffff;
	v8 =	vadd.f32 $1.280000000e+02, v12;
	v0 =	vcvt.f32.s32 v1;
	v22 =	vcvt.f32.s32 v7  }
0x149: {  	v13 =	vld [tilespmem:s28+$0xFFFFFFC0];
	v7 =	vmul.f32 $1.275000000e+02, v21;
	v1 =	vmax.f32 v3, $-1.000000000e+00;
	v25 =	vcvt.f32.s32 v16  }
0x14a: {  	v4 =	vtrunc.f32 v10;
	v10 =	vmin.f32 v1, $1.000000000e+00;
	v1 =	vld [tilespmem:s28+$0xFFFFFF90];
	v3 =	vmax.f32 v9, $-1.000000000e+00  }
0x14b: {  	v26 =	vadd.f32 $1.280000000e+02, v7;
	v7 =	vtrunc.f32 v8;
	v10 =	vmul.f32 $1.275000000e+02, v10;
	v9 =	vld.idx.msk [tilespmem:v14+s5+$0x0], $0xffff  }
0x14c: {  	p3 =	por $0x1, $0x1;
	v8 =	vmax.f32 v23, $-1.000000000e+00;
	v3 =	vmin.f32 v3, $1.000000000e+00;
	v14 =	vld.idx.msk [tilespmem:v19+s5+$0x0], $0xffff;
	v12 =	vmax.f32 v5, $-1.000000000e+00  }
.Ltmp10:
0x14d: {  	[tilespmem:s25+$0xFFFFFFE0] =	vst v2;
	v4 =	vcvt.f32.s32 v4;
	v5 =	vmul.f32 $1.275000000e+02, v3;
	v3 =	vmin.f32 v12, $1.000000000e+00;
	v2 =	vld.idx.msk [tilespmem:v15+s5+$0x0], $0xffff;
	(pc) =	sbr.rel @!p3 .LBB2_18-.Ltmp10, $4  }
0x14e: {  	[tilespmem:s25+$0x0] =	vst v6;
	v6 =	vmax.f32 v18, $-1.000000000e+00;
	v15 =	vld.idx.msk [tilespmem:v11+s5+$0x0], $0xffff;
	v16 =	vmul.f32 $1.275000000e+02, v3;
	v3 =	vmax.f32 v17, $-1.000000000e+00  }
0x14f: {  	v12 =	vmax.f32 v13, $-1.000000000e+00;
	v13 =	vld.idx.msk [tilespmem:v22+s5+$0x0], $0xffff;
	v17 =	vadd.f32 $1.280000000e+02, v63;
	v3 =	vmin.f32 v3, $1.000000000e+00  }
0x150: {  	s30 =	simm.s32 $0x100;
	s26 =	simm.s32 $0x86F0;
	s31 =	simm.s32 $0xEF0;
	[tilespmem:s25+$0xFFFFFFB0] =	vst v20;
	v11 =	vtrunc.f32 v26;
	v12 =	vmin.f32 v12, $1.000000000e+00;
	v18 =	vmul.f32 $1.275000000e+02, v3;
	v3 =	vld [tilespmem:s28+$0xFFFFFFF0]  }
0x151: {  	p1 =	por $0x1, $0x1;
	s29 =	simm.s32 $0x86F0;
	[tilespmem:s25+$0xFFFFFFA0] =	vst v24;
	v19 =	vtrunc.f32 v17;
	v17 =	vmin.f32 v6, $1.000000000e+00;
	v16 =	vadd.f32 $1.280000000e+02, v16;
	v6 =	vld.idx.msk [tilespmem:v25+s5+$0x0], $0xffff;
	s28 =	simm.s32 $0x82F0  }
.LBB2_19:
0x152: {  	v20 =	vld [tilespmem:s31+$0x0];
	s30 =	sadd.s32 $0x80, s30;
	v18 =	vadd.f32 $1.280000000e+02, v18;
	v5 =	vadd.f32 $1.280000000e+02, v5;
	v19 =	vcvt.f32.s32 v19;
	s26 =	sadd.s32 $0x400, s26;
	[tilespmem:s28+$0xFFFFFFC0] =	vst v14  }
0x153: {  	v14 =	vmul.f32 $1.275000000e+02, v17;
	v12 =	vmul.f32 $1.275000000e+02, v12;
	v8 =	vmin.f32 v8, $1.000000000e+00;
	v21 =	vld [tilespmem:s31+$0xFFFFFFA0];
	p3 =	slt.u32 s30, $0x780;
	[tilespmem:s28+$0xFFFFFFD0] =	vst v9  }
0x154: {  	v9 =	vtrunc.f32 v16;
	v16 =	vcvt.f32.s32 v7;
	v7 =	vadd.f32 $1.280000000e+02, v10;
	v17 =	vld [tilespmem:s31+$0xFFFFFFB0];
	[tilespmem:s28+$0xFFFFFFF0] =	vst v13  }
0x155: {  	v10 =	vadd.f32 $1.280000000e+02, v14;
	v22 =	vcvt.f32.s32 v9;
	v13 =	vtrunc.f32 v5;
	v14 =	vld.idx.msk [tilespmem:v0+s5+$0x0], $0xffff;
	[tilespmem:s28+$0xFFFFFF90] =	vst v15;
	s28 =	smov.u32 s29;
	s29 =	smov.u32 s26  }
0x156: {  	v0 =	vmax.f32 v1, $-1.000000000e+00;
	v1 =	vtrunc.f32 v18;
	v5 =	vld [tilespmem:s31+$0xFFFFFFE0];
	[tilespmem:s28+$0xFFFFFFE0] =	vst v2;
	v2 =	vtrunc.f32 v7  }
0x157: {  	v7 =	vmin.f32 v0, $1.000000000e+00;
	v0 =	vcvt.f32.s32 v1;
	v15 =	vld [tilespmem:s31+$0xFFFFFFC0];
	v2 =	vcvt.f32.s32 v2;
	[tilespmem:s28+$0x0] =	vst v6  }
0x158: {  	v18 =	vmul.f32 $1.275000000e+02, v8;
	v1 =	vmax.f32 v3, $-1.000000000e+00;
	v7 =	vmul.f32 $1.275000000e+02, v7;
	v6 =	vld [tilespmem:s31+$0xFFFFFFD0]  }
0x159: {  	v11 =	vcvt.f32.s32 v11;
	v8 =	vadd.f32 $1.280000000e+02, v12;
	v3 =	vmax.f32 v20, $-1.000000000e+00;
	v20 =	vld.idx.msk [tilespmem:v4+s5+$0x0], $0xffff  }
0x15a: {  	v3 =	vmin.f32 v3, $1.000000000e+00;
	v4 =	vtrunc.f32 v10;
	v10 =	vmin.f32 v1, $1.000000000e+00;
	v9 =	vld.idx.msk [tilespmem:v19+s5+$0x0], $0xffff  }
0x15b: {  	v23 =	vcvt.f32.s32 v13;
	v1 =	vld [tilespmem:s31+$0xFFFFFF90];
	v12 =	vmax.f32 v5, $-1.000000000e+00;
	v5 =	vmul.f32 $1.275000000e+02, v3;
	[tilespmem:s28+$0xFFFFFFB0] =	vst v14  }
0x15c: {  	v24 =	vadd.f32 $1.280000000e+02, v7;
	v7 =	vtrunc.f32 v8;
	v3 =	vmin.f32 v12, $1.000000000e+00;
	v14 =	vld.idx.msk [tilespmem:v16+s5+$0x0], $0xffff  }
.Ltmp11:
0x15d: {  	v10 =	vmul.f32 $1.275000000e+02, v10;
	v12 =	vmax.f32 v15, $-1.000000000e+00;
	v16 =	vmul.f32 $1.275000000e+02, v3;
	v13 =	vld.idx.msk [tilespmem:v2+s5+$0x0], $0xffff;
	(pc) =	sbr.rel @p3 .LBB2_19-.Ltmp11, $4  }
0x15e: {  	v3 =	vmax.f32 v17, $-1.000000000e+00;
	v8 =	vmax.f32 v6, $-1.000000000e+00;
	v6 =	vadd.f32 $1.280000000e+02, v18;
	v2 =	vld.idx.msk [tilespmem:v22+s5+$0x0], $0xffff  }
0x15f: {  	v4 =	vcvt.f32.s32 v4;
	v12 =	vmin.f32 v12, $1.000000000e+00;
	v3 =	vmin.f32 v3, $1.000000000e+00;
	v15 =	vld.idx.msk [tilespmem:v11+s5+$0x0], $0xffff;
	[tilespmem:s28+$0xFFFFFFA0] =	vst v20  }
0x160: {  	v11 =	vmax.f32 v21, $-1.000000000e+00;
	v18 =	vmul.f32 $1.275000000e+02, v3;
	v19 =	vtrunc.f32 v6;
	v3 =	vld [tilespmem:s31+$0xFFFFFFF0]  }
0x161: {  	v16 =	vadd.f32 $1.280000000e+02, v16;
	v17 =	vmin.f32 v11, $1.000000000e+00;
	s31 =	sadd.s32 $0x400, s31;
	v11 =	vtrunc.f32 v24;
	v6 =	vld.idx.msk [tilespmem:v23+s5+$0x0], $0xffff  }
.LBB2_20:
0x162: {  	v18 =	vadd.f32 $1.280000000e+02, v18;
	v19 =	vcvt.f32.s32 @p2 v19;
	v17 =	vmul.f32 $1.275000000e+02, v17  }
0x163: {  	v10 =	vadd.f32 @p2 $1.280000000e+02, v10;
	v5 =	vadd.f32 $1.280000000e+02, v5;
	v12 =	vmul.f32 $1.275000000e+02, v12  }
0x164: {  	v7 =	vcvt.f32.s32 @p2 v7;
	v8 =	vmin.f32 v8, $1.000000000e+00;
	v11 =	vcvt.f32.s32 @p2 v11  }
0x165: {  	v1 =	vmax.f32 v1, $-1.000000000e+00;
	v16 =	vtrunc.f32 v16;
	v8 =	vmul.f32 $1.275000000e+02, v8  }
0x166: {  	[tilespmem:s28+$0xFFFFFFC0] =	vst @p1 v14;
	v1 =	vmin.f32 v1, $1.000000000e+00;
	v10 =	vtrunc.f32 @p2 v10;
	v16 =	vcvt.f32.s32 v16  }
0x167: {  	[tilespmem:s28+$0xFFFFFFD0] =	vst @p1 v9;
	v5 =	vtrunc.f32 v5;
	v14 =	vtrunc.f32 v18;
	v12 =	vadd.f32 $1.280000000e+02, v12  }
0x168: {  	v0 =	vld.idx.msk @p2 [tilespmem:v0+s5+$0x0], $0xffff;
	[tilespmem:s28+$0xFFFFFFF0] =	vst @p1 v13;
	v1 =	vmul.f32 $1.275000000e+02, v1;
	v10 =	vcvt.f32.s32 @p2 v10;
	v3 =	vmax.f32 v3, $-1.000000000e+00  }
0x169: {  	v4 =	vld.idx.msk @p2 [tilespmem:v4+s5+$0x0], $0xffff;
	[tilespmem:s28+$0xFFFFFF90] =	vst @p1 v15;
	s28 =	smov.u32 @p2 s29;
	v9 =	vcvt.f32.s32 v14;
	v5 =	vcvt.f32.s32 v5;
	v8 =	vadd.f32 $1.280000000e+02, v8  }
0x16a: {  	[tilespmem:s28+$0xFFFFFFE0] =	vst @p2 v2;
	v3 =	vmin.f32 v3, $1.000000000e+00;
	v2 =	vtrunc.f32 v12;
	v1 =	vadd.f32 $1.280000000e+02, v1;
	v7 =	vld.idx.msk @p2 [tilespmem:v7+s5+$0x0], $0xffff  }
0x16b: {  	v3 =	vmul.f32 $1.275000000e+02, v3;
	v2 =	vcvt.f32.s32 v2;
	v14 =	vld.idx.msk @p2 [tilespmem:v19+s5+$0x0], $0xffff  }
0x16c: {  	v17 =	vadd.f32 $1.280000000e+02, v17;
	[tilespmem:s28+$0x0] =	vst @p2 v6;
	v8 =	vtrunc.f32 v8;
	v6 =	vld.idx.msk @p2 [tilespmem:v11+s5+$0x0], $0xffff;
	v1 =	vtrunc.f32 v1  }
0x16d: {  	[tilespmem:s28+$0xFFFFFFB0] =	vst @p2 v0;
	v0 =	vcvt.f32.s32 v8;
	v3 =	vadd.f32 $1.280000000e+02, v3;
	v1 =	vcvt.f32.s32 v1;
	v8 =	vld.idx.msk [tilespmem:v16+s5+$0x0], $0xffff  }
0x16e: {  	v13 =	vtrunc.f32 v17;
	v10 =	vld.idx.msk @p2 [tilespmem:v10+s5+$0x0], $0xffff  }
0x16f: {  	v12 =	vcvt.f32.s32 v13;
	[tilespmem:s28+$0xFFFFFFA0] =	vst @p2 v4;
	s28 =	smov.u32 @p2 s28;
	v3 =	vtrunc.f32 v3;
	v5 =	vld.idx.msk [tilespmem:v5+s5+$0x0], $0xffff;
	v4 =	vpsel p2, v7, v0  }
0x170: {  	v3 =	vcvt.f32.s32 v3;
	v7 =	vpsel p2, v14, v0;
	[tilespmem:s28+$0xFFFFFFC0] =	vst @p2 v4  }
0x171: {  	s26 =	sadd.s32 @p2 $0x400, s26;
	v6 =	vpsel p2, v6, v0;
	v2 =	vld.idx.msk [tilespmem:v2+s5+$0x0], $0xffff;
	[tilespmem:s28+$0xFFFFFFD0] =	vst @p2 v7  }
0x172: {  	s25 =	smov.u32 @p2 s26;
	v7 =	vld.idx.msk [tilespmem:v9+s5+$0x0], $0xffff;
	[tilespmem:s28+$0xFFFFFF90] =	vst @p2 v6  }
0x173: {  	[tilespmem:s25+$0xFFFFFFE0] =	vst v8;
	v1 =	vld.idx.msk [tilespmem:v1+s5+$0x0], $0xffff  }
0x174: {  	v4 =	vpsel p2, v10, v0;
	v0 =	vld.idx.msk [tilespmem:v0+s5+$0x0], $0xffff;
	[tilespmem:s25+$0x0] =	vst v5  }
0x175: {  	[tilespmem:s28+$0xFFFFFFF0] =	vst @p2 v4;
	v4 =	vld.idx.msk [tilespmem:v12+s5+$0x0], $0xffff  }
0x176: {  	v3 =	vld.idx.msk [tilespmem:v3+s5+$0x0], $0xffff;
	[tilespmem:s25+$0xFFFFFFC0] =	vst v2  }
0x177: {  	[tilespmem:s25+$0xFFFFFFB0] =	vst v7  }
0x178: {  	[tilespmem:s25+$0xFFFFFF90] =	vst v1  }
0x179: {  	[tilespmem:s25+$0xFFFFFFD0] =	vst v0  }
0x17a: {  	[tilespmem:s25+$0xFFFFFFA0] =	vst v4  }
0x17b: {  	s31 =	simm.s32 $0x370;
	[tilespmem:s25+$0xFFFFFFF0] =	vst v3  }
0x17c: {  	v0 =	vld [tilespmem:s31+$0xFFFFFFB0]  }
0x17d: {  	v1 =	vld [tilespmem:s31+$0xFFFFFFA0]  }
0x17e: {  	v2 =	vld [tilespmem:s31+$0xFFFFFFC0]  }
0x17f: {  	v6 =	vld [tilespmem:s31+$0xFFFFFFF0]  }
0x180: {  	p2 =	por $0x1, $0x1  }
.Ltmp12:
0x181: {  	_ = 	snop;
	(pc) =	sbr.rel @!p2 .LBB2_21-.Ltmp12, $4  }
0x182: {  	v5 =	vld [tilespmem:s31+$0xFFFFFF90]  }
0x183: {  	v3 =	vld [tilespmem:s31+$0xFFFFFFD0];
	v0 =	vmax.f32 v0, $-1.000000000e+00;
	v2 =	vmax.f32 v2, $-1.000000000e+00;
	v1 =	vmax.f32 v1, $-1.000000000e+00  }
0x184: {  	p3 =	por $0x0, $0x0;
	v4 =	vld [tilespmem:s31+$0x0];
	v0 =	vmin.f32 v0, $1.000000000e+00;
	v7 =	vmin.f32 v2, $1.000000000e+00;
	v2 =	vmax.f32 v6, $-1.000000000e+00  }
0x185: {  	s26 =	simm.s32 $0x770;
	p1 =	por $0x0, $0x0;
	s25 =	simm.s32 $0x8370;
	v8 =	vld [tilespmem:s31+$0xFFFFFFE0];
	v16 =	vmin.f32 v1, $1.000000000e+00;
	v15 =	vmul.f32 $1.275000000e+02, v0;
	v17 =	vmin.f32 v2, $1.000000000e+00  }
0x186: {  	_ = 	snop  }
0x187: {  	v2 =	vmul.f32 $1.275000000e+02, v16;
	v6 =	vmul.f32 $1.275000000e+02, v7;
	v1 =	vmax.f32 v5, $-1.000000000e+00  }
0x188: {  	v10 =	vld [tilespmem:s26+$0xFFFFFFB0];
	v0 =	vadd.f32 $1.280000000e+02, v15;
	v5 =	vmul.f32 $1.275000000e+02, v17;
	v1 =	vmin.f32 v1, $1.000000000e+00  }
0x189: {  	v12 =	vld [tilespmem:s26+$0xFFFFFFA0];
	v3 =	vmax.f32 v3, $-1.000000000e+00;
	v2 =	vadd.f32 $1.280000000e+02, v2;
	v6 =	vadd.f32 $1.280000000e+02, v6  }
0x18a: {  	v13 =	vld [tilespmem:s26+$0xFFFFFFF0];
	v0 =	vtrunc.f32 v0;
	v1 =	vmul.f32 $1.275000000e+02, v1;
	v3 =	vmin.f32 v3, $1.000000000e+00  }
0x18b: {  	v4 =	vmax.f32 v4, $-1.000000000e+00;
	v7 =	vmax.f32 v8, $-1.000000000e+00;
	v0 =	vcvt.f32.s32 v0  }
0x18c: {  	v2 =	vtrunc.f32 v2;
	v4 =	vmin.f32 v4, $1.000000000e+00;
	v3 =	vmul.f32 $1.275000000e+02, v3  }
0x18d: {  	v8 =	vld [tilespmem:s26+$0xFFFFFFC0];
	v9 =	vadd.f32 $1.280000000e+02, v1;
	v2 =	vcvt.f32.s32 v2;
	v1 =	vadd.f32 $1.280000000e+02, v5  }
0x18e: {  	v4 =	vmul.f32 $1.275000000e+02, v4;
	v5 =	vtrunc.f32 v6;
	v7 =	vmin.f32 v7, $1.000000000e+00  }
0x18f: {  	p4 =	por $0x1, $0x1;
	v14 =	vmax.f32 v10, $-1.000000000e+00;
	v12 =	vmax.f32 v12, $-1.000000000e+00;
	v13 =	vmax.f32 v13, $-1.000000000e+00  }
.Ltmp13:
0x190: {  	v6 =	vcvt.f32.s32 v5;
	v7 =	vmul.f32 $1.275000000e+02, v7;
	v5 =	vld [tilespmem:s26+$0xFFFFFF90];
	v4 =	vadd.f32 $1.280000000e+02, v4;
	(pc) =	sbr.rel @!p4 .LBB2_23-.Ltmp13, $4  }
0x191: {  	v11 =	vadd.f32 $1.280000000e+02, v3;
	v3 =	vld [tilespmem:s26+$0xFFFFFFD0];
	v14 =	vmin.f32 v14, $1.000000000e+00;
	v16 =	vmin.f32 v12, $1.000000000e+00  }
0x192: {  	v18 =	vadd.f32 $1.280000000e+02, v7;
	v8 =	vmax.f32 v8, $-1.000000000e+00;
	v10 =	vtrunc.f32 v4;
	v4 =	vld [tilespmem:s26+$0x0]  }
0x193: {  	v9 =	vtrunc.f32 v9;
	v15 =	vmul.f32 $1.275000000e+02, v14;
	v7 =	vmin.f32 v8, $1.000000000e+00;
	v8 =	vld [tilespmem:s26+$0xFFFFFFE0]  }
0x194: {  	s28 =	simm.s32 $0xB70;
	p3 =	por $0x1, $0x1;
	v17 =	vmin.f32 v13, $1.000000000e+00;
	v11 =	vtrunc.f32 v11;
	v18 =	vtrunc.f32 v18;
	v2 =	vld.idx.msk [tilespmem:v2+s5+$0x0], $0xffff  }
0x195: {  	_ = 	snop  }
0x196: {  	v13 =	vmul.f32 $1.275000000e+02, v17  }
0x197: {  	v14 =	vld [tilespmem:s28+$0xFFFFFFB0];
	v5 =	vmax.f32 v5, $-1.000000000e+00;
	v9 =	vcvt.f32.s32 v9;
	v7 =	vmul.f32 $1.275000000e+02, v7  }
0x198: {  	v12 =	vadd.f32 $1.280000000e+02, v15;
	v17 =	vld [tilespmem:s28+$0xFFFFFFA0];
	v10 =	vcvt.f32.s32 v10;
	v11 =	vcvt.f32.s32 v11  }
0x199: {  	v19 =	vld.idx.msk [tilespmem:v0+s5+$0x0], $0xffff;
	v1 =	vtrunc.f32 v1;
	v15 =	vmin.f32 v5, $1.000000000e+00;
	v5 =	vmul.f32 $1.275000000e+02, v16  }
0x19a: {  	v16 =	vld.idx.msk [tilespmem:v6+s5+$0x0], $0xffff;
	v6 =	vcvt.f32.s32 v18;
	v22 =	vcvt.f32.s32 v1  }
0x19b: {  	v20 =	vld [tilespmem:s28+$0xFFFFFFC0];
	v3 =	vmax.f32 v3, $-1.000000000e+00;
	v12 =	vtrunc.f32 v12;
	v15 =	vmul.f32 $1.275000000e+02, v15  }
0x19c: {  	v24 =	vld [tilespmem:s28+$0xFFFFFFF0];
	v7 =	vadd.f32 $1.280000000e+02, v7;
	v4 =	vmax.f32 v4, $-1.000000000e+00;
	v1 =	vadd.f32 $1.280000000e+02, v13  }
0x19d: {  	v18 =	vadd.f32 $1.280000000e+02, v5;
	v5 =	vld [tilespmem:s28+$0xFFFFFF90];
	v8 =	vmax.f32 v8, $-1.000000000e+00;
	v0 =	vcvt.f32.s32 v12  }
0x19e: {  	v12 =	vmin.f32 v3, $1.000000000e+00;
	v3 =	vld [tilespmem:s28+$0xFFFFFFD0];
	v4 =	vmin.f32 v4, $1.000000000e+00;
	v15 =	vadd.f32 $1.280000000e+02, v15  }
0x19f: {  	v4 =	vmul.f32 $1.275000000e+02, v4;
	v8 =	vmin.f32 v8, $1.000000000e+00;
	v18 =	vtrunc.f32 v18;
	v23 =	vld.idx.msk [tilespmem:v9+s5+$0x0], $0xffff  }
0x1a0: {  	[tilespmem:s25+$0xFFFFFFA0] =	vst v2;
	v8 =	vmul.f32 $1.275000000e+02, v8;
	v2 =	vmax.f32 v17, $-1.000000000e+00;
	v18 =	vcvt.f32.s32 v18;
	v13 =	vld.idx.msk [tilespmem:v11+s5+$0x0], $0xffff  }
0x1a1: {  	p5 =	por $0x1, $0x1;
	v17 =	vmax.f32 v24, $-1.000000000e+00;
	v21 =	vld.idx.msk [tilespmem:v6+s5+$0x0], $0xffff;
	v6 =	vtrunc.f32 v7;
	v7 =	vmul.f32 $1.275000000e+02, v12  }
.Ltmp14:
0x1a2: {  	v25 =	vadd.f32 $1.280000000e+02, v4;
	[tilespmem:s25+$0xFFFFFFC0] =	vst v16;
	v16 =	vmax.f32 v20, $-1.000000000e+00;
	v12 =	vld.idx.msk [tilespmem:v10+s5+$0x0], $0xffff;
	v6 =	vcvt.f32.s32 v6;
	(pc) =	sbr.rel @!p5 .LBB2_25-.Ltmp14, $4  }
0x1a3: {  	v9 =	vtrunc.f32 v15;
	v4 =	vld [tilespmem:s28+$0x0];
	v15 =	vadd.f32 $1.280000000e+02, v7;
	v7 =	vmax.f32 v14, $-1.000000000e+00  }
0x1a4: {  	[tilespmem:s25+$0xFFFFFFB0] =	vst v19;
	v19 =	vadd.f32 $1.280000000e+02, v8;
	v10 =	vtrunc.f32 v25;
	v14 =	vld.idx.msk [tilespmem:v22+s5+$0x0], $0xffff;
	v8 =	vmin.f32 v7, $1.000000000e+00  }
0x1a5: {  	s30 =	simm.s32 $0x100;
	s26 =	simm.s32 $0x8770;
	s31 =	simm.s32 $0xF70;
	v17 =	vmin.f32 v17, $1.000000000e+00;
	v11 =	vtrunc.f32 v15;
	v15 =	vmul.f32 $1.275000000e+02, v8;
	v8 =	vld [tilespmem:s28+$0xFFFFFFE0];
	[tilespmem:s25+$0xFFFFFF90] =	vst v23  }
0x1a6: {  	p4 =	por $0x1, $0x1;
	s29 =	simm.s32 $0x8770;
	v7 =	vmin.f32 v16, $1.000000000e+00;
	v16 =	vmin.f32 v2, $1.000000000e+00;
	s28 =	simm.s32 $0x8370;
	v2 =	vld.idx.msk [tilespmem:v18+s5+$0x0], $0xffff;
	v18 =	vtrunc.f32 v19;
	[tilespmem:s25+$0xFFFFFFE0] =	vst v21  }
.LBB2_26:
0x1a7: {  	v19 =	vld [tilespmem:s31+$0xFFFFFFB0];
	s30 =	sadd.s32 $0x80, s30;
	v5 =	vmax.f32 v5, $-1.000000000e+00;
	v15 =	vadd.f32 $1.280000000e+02, v15;
	v17 =	vmul.f32 $1.275000000e+02, v17;
	s26 =	sadd.s32 $0x400, s26;
	[tilespmem:s28+$0x0] =	vst v12  }
0x1a8: {  	p5 =	slt.u32 s30, $0x780;
	v12 =	vmin.f32 v5, $1.000000000e+00;
	v5 =	vmul.f32 $1.275000000e+02, v16;
	v6 =	vld.idx.msk [tilespmem:v6+s5+$0x0], $0xffff;
	v16 =	vcvt.f32.s32 v18;
	[tilespmem:s28+$0xFFFFFFD0] =	vst v13  }
0x1a9: {  	v3 =	vmax.f32 v3, $-1.000000000e+00;
	v9 =	vcvt.f32.s32 v9;
	v18 =	vld [tilespmem:s31+$0xFFFFFFA0];
	v13 =	vtrunc.f32 v15  }
0x1aa: {  	v7 =	vmul.f32 $1.275000000e+02, v7;
	v10 =	vcvt.f32.s32 v10;
	v15 =	vadd.f32 $1.280000000e+02, v5;
	v20 =	vld.idx.msk [tilespmem:v0+s5+$0x0], $0xffff;
	[tilespmem:s28+$0xFFFFFFF0] =	vst v14;
	s28 =	smov.u32 s29;
	s29 =	smov.u32 s26  }
0x1ab: {  	v11 =	vcvt.f32.s32 v11;
	v12 =	vmul.f32 $1.275000000e+02, v12;
	v8 =	vmax.f32 v8, $-1.000000000e+00;
	v5 =	vld [tilespmem:s31+$0xFFFFFF90]  }
0x1ac: {  	v7 =	vadd.f32 $1.280000000e+02, v7;
	v0 =	vcvt.f32.s32 v13;
	v13 =	vmin.f32 v3, $1.000000000e+00;
	v14 =	vld [tilespmem:s31+$0xFFFFFFC0]  }
0x1ad: {  	v1 =	vtrunc.f32 v1;
	v4 =	vmax.f32 v4, $-1.000000000e+00;
	v15 =	vtrunc.f32 v15;
	v3 =	vld [tilespmem:s31+$0xFFFFFFD0]  }
0x1ae: {  	v4 =	vmin.f32 v4, $1.000000000e+00;
	v21 =	vadd.f32 $1.280000000e+02, v12;
	[tilespmem:s28+$0xFFFFFFC0] =	vst v6;
	v22 =	vld.idx.msk [tilespmem:v16+s5+$0x0], $0xffff;
	v16 =	vcvt.f32.s32 v1  }
0x1af: {  	v4 =	vmul.f32 $1.275000000e+02, v4;
	v23 =	vcvt.f32.s32 v15;
	v1 =	vadd.f32 $1.280000000e+02, v17;
	v17 =	vld.idx.msk [tilespmem:v9+s5+$0x0], $0xffff  }
0x1b0: {  	v8 =	vmin.f32 v8, $1.000000000e+00;
	v6 =	vtrunc.f32 v7;
	v7 =	vmul.f32 $1.275000000e+02, v13;
	v24 =	vld [tilespmem:s31+$0xFFFFFFF0];
	[tilespmem:s28+$0xFFFFFFB0] =	vst v20  }
0x1b1: {  	v8 =	vmul.f32 $1.275000000e+02, v8;
	v15 =	vadd.f32 $1.280000000e+02, v4;
	v6 =	vcvt.f32.s32 v6;
	v12 =	vld.idx.msk [tilespmem:v10+s5+$0x0], $0xffff  }
.Ltmp15:
0x1b2: {  	v9 =	vtrunc.f32 v21;
	v20 =	vadd.f32 $1.280000000e+02, v7;
	v14 =	vmax.f32 v14, $-1.000000000e+00;
	v13 =	vld.idx.msk [tilespmem:v11+s5+$0x0], $0xffff;
	(pc) =	sbr.rel @p5 .LBB2_26-.Ltmp15, $4  }
0x1b3: {  	v7 =	vmax.f32 v19, $-1.000000000e+00;
	v19 =	vadd.f32 $1.280000000e+02, v8;
	v10 =	vtrunc.f32 v15;
	v4 =	vld [tilespmem:s31+$0x0]  }
0x1b4: {  	v8 =	vmin.f32 v7, $1.000000000e+00;
	v7 =	vmin.f32 v14, $1.000000000e+00;
	v11 =	vtrunc.f32 v20;
	[tilespmem:s28+$0xFFFFFFA0] =	vst v2;
	v14 =	vld.idx.msk [tilespmem:v16+s5+$0x0], $0xffff  }
0x1b5: {  	v15 =	vmul.f32 $1.275000000e+02, v8;
	v2 =	vmax.f32 v18, $-1.000000000e+00;
	v8 =	vld [tilespmem:s31+$0xFFFFFFE0];
	v18 =	vmax.f32 v24, $-1.000000000e+00;
	[tilespmem:s28+$0xFFFFFF90] =	vst v17  }
0x1b6: {  	v16 =	vmin.f32 v2, $1.000000000e+00;
	s31 =	sadd.s32 $0x400, s31;
	v17 =	vmin.f32 v18, $1.000000000e+00;
	v2 =	vld.idx.msk [tilespmem:v23+s5+$0x0], $0xffff;
	v18 =	vtrunc.f32 v19;
	[tilespmem:s28+$0xFFFFFFE0] =	vst v22  }
.LBB2_27:
0x1b7: {  	v17 =	vmul.f32 $1.275000000e+02, v17  }
0x1b8: {  	v15 =	vadd.f32 $1.280000000e+02, v15;
	v16 =	vmul.f32 $1.275000000e+02, v16;
	v18 =	vcvt.f32.s32 @p3 v18  }
0x1b9: {  	v5 =	vmax.f32 v5, $-1.000000000e+00;
	v9 =	vcvt.f32.s32 @p3 v9;
	v7 =	vmul.f32 $1.275000000e+02, v7  }
0x1ba: {  	v3 =	vmax.f32 v3, $-1.000000000e+00;
	v10 =	vcvt.f32.s32 @p3 v10;
	v11 =	vcvt.f32.s32 @p3 v11  }
0x1bb: {  	v1 =	vtrunc.f32 @p3 v1;
	v5 =	vmin.f32 v5, $1.000000000e+00;
	v3 =	vmin.f32 v3, $1.000000000e+00  }
0x1bc: {  	v4 =	vmax.f32 v4, $-1.000000000e+00;
	v1 =	vcvt.f32.s32 @p3 v1;
	v15 =	vtrunc.f32 v15  }
0x1bd: {  	v6 =	vld.idx.msk @p3 [tilespmem:v6+s5+$0x0], $0xffff;
	v16 =	vadd.f32 $1.280000000e+02, v16;
	v5 =	vmul.f32 $1.275000000e+02, v5;
	v7 =	vadd.f32 $1.280000000e+02, v7  }
0x1be: {  	v0 =	vld.idx.msk @p3 [tilespmem:v0+s5+$0x0], $0xffff;
	v4 =	vmin.f32 v4, $1.000000000e+00;
	v3 =	vmul.f32 $1.275000000e+02, v3;
	v8 =	vmax.f32 v8, $-1.000000000e+00  }
0x1bf: {  	[tilespmem:s28+$0x0] =	vst @p4 v12;
	v4 =	vmul.f32 $1.275000000e+02, v4;
	v8 =	vmin.f32 v8, $1.000000000e+00;
	v7 =	vtrunc.f32 v7  }
0x1c0: {  	[tilespmem:s28+$0xFFFFFFD0] =	vst @p4 v13;
	v5 =	vadd.f32 $1.280000000e+02, v5;
	v8 =	vmul.f32 $1.275000000e+02, v8;
	v7 =	vcvt.f32.s32 v7;
	v12 =	vld.idx.msk @p3 [tilespmem:v18+s5+$0x0], $0xffff  }
0x1c1: {  	[tilespmem:s28+$0xFFFFFFF0] =	vst @p4 v14;
	s28 =	smov.u32 @p3 s29;
	v15 =	vcvt.f32.s32 v15;
	v13 =	vtrunc.f32 v16;
	v4 =	vadd.f32 $1.280000000e+02, v4;
	v9 =	vld.idx.msk @p3 [tilespmem:v9+s5+$0x0], $0xffff  }
0x1c2: {  	v13 =	vcvt.f32.s32 v13;
	[tilespmem:s28+$0xFFFFFFC0] =	vst @p3 v6;
	v10 =	vld.idx.msk @p3 [tilespmem:v10+s5+$0x0], $0xffff;
	v5 =	vtrunc.f32 v5;
	v8 =	vadd.f32 $1.280000000e+02, v8  }
0x1c3: {  	v3 =	vadd.f32 $1.280000000e+02, v3;
	[tilespmem:s28+$0xFFFFFFB0] =	vst @p3 v0;
	v6 =	vld.idx.msk @p3 [tilespmem:v11+s5+$0x0], $0xffff;
	v5 =	vcvt.f32.s32 v5;
	v0 =	vtrunc.f32 v4  }
0x1c4: {  	v11 =	vadd.f32 $1.280000000e+02, v17;
	v1 =	vld.idx.msk @p3 [tilespmem:v1+s5+$0x0], $0xffff;
	v0 =	vcvt.f32.s32 v0;
	v8 =	vtrunc.f32 v8  }
0x1c5: {  	[tilespmem:s28+$0xFFFFFFA0] =	vst @p3 v2;
	v3 =	vtrunc.f32 v3;
	v4 =	vcvt.f32.s32 v8  }
0x1c6: {  	v3 =	vcvt.f32.s32 v3;
	[tilespmem:s28+$0xFFFFFF90] =	vst @p3 v9;
	v2 =	vld.idx.msk [tilespmem:v7+s5+$0x0], $0xffff;
	v7 =	vtrunc.f32 v11  }
0x1c7: {  	[tilespmem:s28+$0xFFFFFFE0] =	vst @p3 v12;
	v8 =	vpsel p3, v10, v0;
	s28 =	smov.u32 @p3 s28;
	v9 =	vld.idx.msk [tilespmem:v15+s5+$0x0], $0xffff;
	v7 =	vcvt.f32.s32 v7  }
0x1c8: {  	v10 =	vld.idx.msk [tilespmem:v13+s5+$0x0], $0xffff;
	v6 =	vpsel p3, v6, v0;
	[tilespmem:s28+$0x0] =	vst @p3 v8  }
0x1c9: {  	s26 =	sadd.s32 @p3 $0x400, s26;
	v1 =	vpsel p3, v1, v0;
	[tilespmem:s28+$0xFFFFFFD0] =	vst @p3 v6;
	v5 =	vld.idx.msk [tilespmem:v5+s5+$0x0], $0xffff  }
0x1ca: {  	s25 =	smov.u32 @p3 s26;
	[tilespmem:s28+$0xFFFFFFF0] =	vst @p3 v1;
	v0 =	vld.idx.msk [tilespmem:v0+s5+$0x0], $0xffff  }
0x1cb: {  	v1 =	vld.idx.msk [tilespmem:v4+s5+$0x0], $0xffff;
	[tilespmem:s25+$0xFFFFFFC0] =	vst v2  }
0x1cc: {  	[tilespmem:s25+$0xFFFFFFB0] =	vst v9;
	v2 =	vld.idx.msk [tilespmem:v3+s5+$0x0], $0xffff  }
0x1cd: {  	[tilespmem:s25+$0xFFFFFFA0] =	vst v10;
	v3 =	vld.idx.msk [tilespmem:v7+s5+$0x0], $0xffff  }
0x1ce: {  	[tilespmem:s25+$0xFFFFFF90] =	vst v5  }
0x1cf: {  	[tilespmem:s25+$0x0] =	vst v0  }
0x1d0: {  	[tilespmem:s25+$0xFFFFFFE0] =	vst v1  }
0x1d1: {  	[tilespmem:s25+$0xFFFFFFD0] =	vst v2  }
0x1d2: {  	s31 =	simm.s32 $0x3F0;
	[tilespmem:s25+$0xFFFFFFF0] =	vst v3  }
0x1d3: {  	v0 =	vld [tilespmem:s31+$0x0]  }
0x1d4: {  	v1 =	vld [tilespmem:s31+$0xFFFFFFB0]  }
0x1d5: {  	v2 =	vld [tilespmem:s31+$0xFFFFFFE0]  }
0x1d6: {  	v4 =	vld [tilespmem:s31+$0xFFFFFFD0]  }
0x1d7: {  	v3 =	vld [tilespmem:s31+$0xFFFFFFC0]  }
0x1d8: {  	v6 =	vld [tilespmem:s31+$0xFFFFFFA0]  }
0x1d9: {  	v0 =	vmax.f32 v0, $-1.000000000e+00  }
.Ltmp16:
0x1da: {  	v2 =	vmax.f32 v2, $-1.000000000e+00;
	v0 =	vmin.f32 v0, $1.000000000e+00;
	(pc) =	sbr.rel @!p2 .LBB2_28-.Ltmp16, $4  }
0x1db: {  	v8 =	vmax.f32 v4, $-1.000000000e+00;
	v5 =	vmul.f32 $1.275000000e+02, v0;
	v0 =	vmin.f32 v2, $1.000000000e+00  }
0x1dc: {  	v2 =	vmax.f32 v3, $-1.000000000e+00;
	v3 =	vmax.f32 v1, $-1.000000000e+00;
	v0 =	vmul.f32 $1.275000000e+02, v0  }
0x1dd: {  	v1 =	vld [tilespmem:s31+$0xFFFFFF90];
	v3 =	vmin.f32 v3, $1.000000000e+00;
	v12 =	vmin.f32 v2, $1.000000000e+00;
	v2 =	vmax.f32 v6, $-1.000000000e+00  }
0x1de: {  	s26 =	simm.s32 $0x7F0;
	s25 =	simm.s32 $0x83F0;
	v18 =	vmul.f32 $1.275000000e+02, v3;
	v3 =	vld [tilespmem:s31+$0xFFFFFFF0];
	v17 =	vmin.f32 v2, $1.000000000e+00;
	v16 =	vadd.f32 $1.280000000e+02, v0  }
0x1df: {  	v4 =	vadd.f32 $1.280000000e+02, v5  }
0x1e0: {  	v2 =	vld [tilespmem:s26+$0x0];
	v5 =	vmul.f32 $1.275000000e+02, v17;
	v6 =	vmul.f32 $1.275000000e+02, v12;
	v7 =	vmin.f32 v8, $1.000000000e+00  }
0x1e1: {  	v10 =	vld [tilespmem:s26+$0xFFFFFFC0];
	v0 =	vadd.f32 $1.280000000e+02, v18;
	v8 =	vtrunc.f32 v16;
	v12 =	vmul.f32 $1.275000000e+02, v7  }
0x1e2: {  	v11 =	vld [tilespmem:s26+$0xFFFFFFB0];
	v9 =	vcvt.f32.s32 v8;
	v4 =	vtrunc.f32 v4;
	v5 =	vadd.f32 $1.280000000e+02, v5  }
0x1e3: {  	v6 =	vadd.f32 $1.280000000e+02, v6;
	v1 =	vmax.f32 v1, $-1.000000000e+00;
	v0 =	vtrunc.f32 v0  }
0x1e4: {  	v8 =	vld [tilespmem:s26+$0xFFFFFFE0];
	v20 =	vcvt.f32.s32 v4;
	v1 =	vmin.f32 v1, $1.000000000e+00;
	v0 =	vcvt.f32.s32 v0  }
0x1e5: {  	v3 =	vmax.f32 v3, $-1.000000000e+00;
	v14 =	vtrunc.f32 v5;
	v1 =	vmul.f32 $1.275000000e+02, v1  }
0x1e6: {  	v13 =	vld [tilespmem:s26+$0xFFFFFFD0];
	v2 =	vmax.f32 v2, $-1.000000000e+00;
	v3 =	vmin.f32 v3, $1.000000000e+00;
	v4 =	vmax.f32 v10, $-1.000000000e+00  }
0x1e7: {  	v15 =	vld [tilespmem:s26+$0xFFFFFFA0];
	v2 =	vmin.f32 v2, $1.000000000e+00;
	v10 =	vmul.f32 $1.275000000e+02, v3;
	v3 =	vmax.f32 v11, $-1.000000000e+00  }
0x1e8: {  	p3 =	por $0x1, $0x1;
	v11 =	vadd.f32 $1.280000000e+02, v12;
	v12 =	vmin.f32 v4, $1.000000000e+00;
	v4 =	vcvt.f32.s32 v14  }
.Ltmp17:
0x1e9: {  	v7 =	vmax.f32 v8, $-1.000000000e+00;
	v5 =	vmul.f32 $1.275000000e+02, v2;
	v21 =	vadd.f32 $1.280000000e+02, v1;
	(pc) =	sbr.rel @!p3 .LBB2_30-.Ltmp17, $4  }
0x1ea: {  	v1 =	vld [tilespmem:s26+$0xFFFFFF90];
	v3 =	vmin.f32 v3, $1.000000000e+00;
	v2 =	vmin.f32 v7, $1.000000000e+00;
	v7 =	vtrunc.f32 v6  }
0x1eb: {  	v18 =	vmul.f32 $1.275000000e+02, v3;
	v3 =	vld [tilespmem:s26+$0xFFFFFFF0];
	v6 =	vmul.f32 $1.275000000e+02, v2  }
0x1ec: {  	v8 =	vmax.f32 v13, $-1.000000000e+00;
	v19 =	vtrunc.f32 v11;
	v2 =	vld.idx.msk [tilespmem:v9+s5+$0x0], $0xffff;
	v9 =	vmax.f32 v15, $-1.000000000e+00  }
0x1ed: {  	s28 =	simm.s32 $0xBF0;
	p2 =	por $0x1, $0x1;
	v11 =	vtrunc.f32 v21;
	v17 =	vmin.f32 v9, $1.000000000e+00;
	v16 =	vadd.f32 $1.280000000e+02, v6;
	v6 =	vld.idx.msk [tilespmem:v20+s5+$0x0], $0xffff  }
0x1ee: {  	_ = 	snop  }
0x1ef: {  	v9 =	vld [tilespmem:s28+$0x0];
	v13 =	vadd.f32 $1.280000000e+02, v18;
	v5 =	vadd.f32 $1.280000000e+02, v5;
	v14 =	vcvt.f32.s32 v19  }
0x1f0: {  	v18 =	vld [tilespmem:s28+$0xFFFFFFA0];
	v15 =	vmul.f32 $1.275000000e+02, v17;
	v12 =	vmul.f32 $1.275000000e+02, v12;
	v8 =	vmin.f32 v8, $1.000000000e+00  }
0x1f1: {  	v17 =	vld [tilespmem:s28+$0xFFFFFFB0];
	v19 =	vcvt.f32.s32 v7;
	v7 =	vadd.f32 $1.280000000e+02, v10;
	v11 =	vcvt.f32.s32 v11  }
0x1f2: {  	v20 =	vld.idx.msk [tilespmem:v0+s5+$0x0], $0xffff;
	v16 =	vtrunc.f32 v16;
	v0 =	vmax.f32 v1, $-1.000000000e+00;
	v63 =	vmul.f32 $1.275000000e+02, v8  }
0x1f3: {  	v23 =	vld [tilespmem:s28+$0xFFFFFFD0];
	v10 =	vadd.f32 $1.280000000e+02, v15;
	v15 =	vcvt.f32.s32 v16;
	v16 =	vtrunc.f32 v5  }
0x1f4: {  	v5 =	vld [tilespmem:s28+$0xFFFFFFE0];
	v1 =	vtrunc.f32 v13;
	v7 =	vtrunc.f32 v7;
	v21 =	vmin.f32 v0, $1.000000000e+00  }
0x1f5: {  	v24 =	vld.idx.msk [tilespmem:v4+s5+$0x0], $0xffff;
	v8 =	vadd.f32 $1.280000000e+02, v12;
	v0 =	vcvt.f32.s32 v1;
	v22 =	vcvt.f32.s32 v7  }
0x1f6: {  	v13 =	vld [tilespmem:s28+$0xFFFFFFC0];
	v7 =	vmul.f32 $1.275000000e+02, v21;
	v1 =	vmax.f32 v3, $-1.000000000e+00;
	v25 =	vcvt.f32.s32 v16  }
0x1f7: {  	v4 =	vtrunc.f32 v10;
	v10 =	vmin.f32 v1, $1.000000000e+00;
	v1 =	vld [tilespmem:s28+$0xFFFFFF90];
	v3 =	vmax.f32 v9, $-1.000000000e+00  }
0x1f8: {  	v26 =	vadd.f32 $1.280000000e+02, v7;
	v7 =	vtrunc.f32 v8;
	v10 =	vmul.f32 $1.275000000e+02, v10;
	v9 =	vld.idx.msk [tilespmem:v14+s5+$0x0], $0xffff  }
0x1f9: {  	p3 =	por $0x1, $0x1;
	v8 =	vmax.f32 v23, $-1.000000000e+00;
	v3 =	vmin.f32 v3, $1.000000000e+00;
	v14 =	vld.idx.msk [tilespmem:v19+s5+$0x0], $0xffff;
	v12 =	vmax.f32 v5, $-1.000000000e+00  }
.Ltmp18:
0x1fa: {  	[tilespmem:s25+$0xFFFFFFE0] =	vst v2;
	v4 =	vcvt.f32.s32 v4;
	v5 =	vmul.f32 $1.275000000e+02, v3;
	v3 =	vmin.f32 v12, $1.000000000e+00;
	v2 =	vld.idx.msk [tilespmem:v15+s5+$0x0], $0xffff;
	(pc) =	sbr.rel @!p3 .LBB2_32-.Ltmp18, $4  }
0x1fb: {  	[tilespmem:s25+$0x0] =	vst v6;
	v6 =	vmax.f32 v18, $-1.000000000e+00;
	v15 =	vld.idx.msk [tilespmem:v11+s5+$0x0], $0xffff;
	v16 =	vmul.f32 $1.275000000e+02, v3;
	v3 =	vmax.f32 v17, $-1.000000000e+00  }
0x1fc: {  	v12 =	vmax.f32 v13, $-1.000000000e+00;
	v13 =	vld.idx.msk [tilespmem:v22+s5+$0x0], $0xffff;
	v17 =	vadd.f32 $1.280000000e+02, v63;
	v3 =	vmin.f32 v3, $1.000000000e+00  }
0x1fd: {  	s30 =	simm.s32 $0x100;
	s26 =	simm.s32 $0x87F0;
	s31 =	simm.s32 $0xFF0;
	[tilespmem:s25+$0xFFFFFFB0] =	vst v20;
	v11 =	vtrunc.f32 v26;
	v12 =	vmin.f32 v12, $1.000000000e+00;
	v18 =	vmul.f32 $1.275000000e+02, v3;
	v3 =	vld [tilespmem:s28+$0xFFFFFFF0]  }
0x1fe: {  	p1 =	por $0x1, $0x1;
	s29 =	simm.s32 $0x87F0;
	[tilespmem:s25+$0xFFFFFFA0] =	vst v24;
	v19 =	vtrunc.f32 v17;
	v17 =	vmin.f32 v6, $1.000000000e+00;
	v16 =	vadd.f32 $1.280000000e+02, v16;
	v6 =	vld.idx.msk [tilespmem:v25+s5+$0x0], $0xffff;
	s28 =	simm.s32 $0x83F0  }
.LBB2_33:
0x1ff: {  	v20 =	vld [tilespmem:s31+$0x0];
	s30 =	sadd.s32 $0x80, s30;
	v18 =	vadd.f32 $1.280000000e+02, v18;
	v5 =	vadd.f32 $1.280000000e+02, v5;
	v19 =	vcvt.f32.s32 v19;
	s26 =	sadd.s32 $0x400, s26;
	[tilespmem:s28+$0xFFFFFFC0] =	vst v14  }
0x200: {  	v14 =	vmul.f32 $1.275000000e+02, v17;
	v12 =	vmul.f32 $1.275000000e+02, v12;
	v8 =	vmin.f32 v8, $1.000000000e+00;
	v21 =	vld [tilespmem:s31+$0xFFFFFFA0];
	p3 =	slt.u32 s30, $0x780;
	[tilespmem:s28+$0xFFFFFFD0] =	vst v9  }
0x201: {  	v9 =	vtrunc.f32 v16;
	v16 =	vcvt.f32.s32 v7;
	v7 =	vadd.f32 $1.280000000e+02, v10;
	v17 =	vld [tilespmem:s31+$0xFFFFFFB0];
	[tilespmem:s28+$0xFFFFFFF0] =	vst v13  }
0x202: {  	v10 =	vadd.f32 $1.280000000e+02, v14;
	v22 =	vcvt.f32.s32 v9;
	v13 =	vtrunc.f32 v5;
	v14 =	vld.idx.msk [tilespmem:v0+s5+$0x0], $0xffff;
	[tilespmem:s28+$0xFFFFFF90] =	vst v15;
	s28 =	smov.u32 s29;
	s29 =	smov.u32 s26  }
0x203: {  	v0 =	vmax.f32 v1, $-1.000000000e+00;
	v1 =	vtrunc.f32 v18;
	v5 =	vld [tilespmem:s31+$0xFFFFFFE0];
	[tilespmem:s28+$0xFFFFFFE0] =	vst v2;
	v2 =	vtrunc.f32 v7  }
0x204: {  	v7 =	vmin.f32 v0, $1.000000000e+00;
	v0 =	vcvt.f32.s32 v1;
	v15 =	vld [tilespmem:s31+$0xFFFFFFC0];
	v2 =	vcvt.f32.s32 v2;
	[tilespmem:s28+$0x0] =	vst v6  }
0x205: {  	v18 =	vmul.f32 $1.275000000e+02, v8;
	v1 =	vmax.f32 v3, $-1.000000000e+00;
	v7 =	vmul.f32 $1.275000000e+02, v7;
	v6 =	vld [tilespmem:s31+$0xFFFFFFD0]  }
0x206: {  	v11 =	vcvt.f32.s32 v11;
	v8 =	vadd.f32 $1.280000000e+02, v12;
	v3 =	vmax.f32 v20, $-1.000000000e+00;
	v20 =	vld.idx.msk [tilespmem:v4+s5+$0x0], $0xffff  }
0x207: {  	v3 =	vmin.f32 v3, $1.000000000e+00;
	v4 =	vtrunc.f32 v10;
	v10 =	vmin.f32 v1, $1.000000000e+00;
	v9 =	vld.idx.msk [tilespmem:v19+s5+$0x0], $0xffff  }
0x208: {  	v23 =	vcvt.f32.s32 v13;
	v1 =	vld [tilespmem:s31+$0xFFFFFF90];
	v12 =	vmax.f32 v5, $-1.000000000e+00;
	v5 =	vmul.f32 $1.275000000e+02, v3;
	[tilespmem:s28+$0xFFFFFFB0] =	vst v14  }
0x209: {  	v24 =	vadd.f32 $1.280000000e+02, v7;
	v7 =	vtrunc.f32 v8;
	v3 =	vmin.f32 v12, $1.000000000e+00;
	v14 =	vld.idx.msk [tilespmem:v16+s5+$0x0], $0xffff  }
.Ltmp19:
0x20a: {  	v10 =	vmul.f32 $1.275000000e+02, v10;
	v12 =	vmax.f32 v15, $-1.000000000e+00;
	v16 =	vmul.f32 $1.275000000e+02, v3;
	v13 =	vld.idx.msk [tilespmem:v2+s5+$0x0], $0xffff;
	(pc) =	sbr.rel @p3 .LBB2_33-.Ltmp19, $4  }
0x20b: {  	v3 =	vmax.f32 v17, $-1.000000000e+00;
	v8 =	vmax.f32 v6, $-1.000000000e+00;
	v6 =	vadd.f32 $1.280000000e+02, v18;
	v2 =	vld.idx.msk [tilespmem:v22+s5+$0x0], $0xffff  }
0x20c: {  	v4 =	vcvt.f32.s32 v4;
	v12 =	vmin.f32 v12, $1.000000000e+00;
	v3 =	vmin.f32 v3, $1.000000000e+00;
	v15 =	vld.idx.msk [tilespmem:v11+s5+$0x0], $0xffff;
	[tilespmem:s28+$0xFFFFFFA0] =	vst v20  }
0x20d: {  	v11 =	vmax.f32 v21, $-1.000000000e+00;
	v18 =	vmul.f32 $1.275000000e+02, v3;
	v19 =	vtrunc.f32 v6;
	v3 =	vld [tilespmem:s31+$0xFFFFFFF0]  }
0x20e: {  	v16 =	vadd.f32 $1.280000000e+02, v16;
	v17 =	vmin.f32 v11, $1.000000000e+00;
	s31 =	sadd.s32 $0x400, s31;
	v11 =	vtrunc.f32 v24;
	v6 =	vld.idx.msk [tilespmem:v23+s5+$0x0], $0xffff  }
.LBB2_34:
0x20f: {  	v18 =	vadd.f32 $1.280000000e+02, v18;
	v19 =	vcvt.f32.s32 @p2 v19;
	v17 =	vmul.f32 $1.275000000e+02, v17  }
0x210: {  	v10 =	vadd.f32 @p2 $1.280000000e+02, v10;
	v5 =	vadd.f32 $1.280000000e+02, v5;
	v12 =	vmul.f32 $1.275000000e+02, v12  }
0x211: {  	v7 =	vcvt.f32.s32 @p2 v7;
	v8 =	vmin.f32 v8, $1.000000000e+00;
	v11 =	vcvt.f32.s32 @p2 v11  }
0x212: {  	v1 =	vmax.f32 v1, $-1.000000000e+00;
	v16 =	vtrunc.f32 v16;
	v8 =	vmul.f32 $1.275000000e+02, v8  }
0x213: {  	[tilespmem:s28+$0xFFFFFFC0] =	vst @p1 v14;
	v1 =	vmin.f32 v1, $1.000000000e+00;
	v10 =	vtrunc.f32 @p2 v10;
	v16 =	vcvt.f32.s32 v16  }
0x214: {  	[tilespmem:s28+$0xFFFFFFD0] =	vst @p1 v9;
	v5 =	vtrunc.f32 v5;
	v14 =	vtrunc.f32 v18;
	v12 =	vadd.f32 $1.280000000e+02, v12  }
0x215: {  	v0 =	vld.idx.msk @p2 [tilespmem:v0+s5+$0x0], $0xffff;
	[tilespmem:s28+$0xFFFFFFF0] =	vst @p1 v13;
	v1 =	vmul.f32 $1.275000000e+02, v1;
	v10 =	vcvt.f32.s32 @p2 v10;
	v3 =	vmax.f32 v3, $-1.000000000e+00  }
0x216: {  	v4 =	vld.idx.msk @p2 [tilespmem:v4+s5+$0x0], $0xffff;
	[tilespmem:s28+$0xFFFFFF90] =	vst @p1 v15;
	s28 =	smov.u32 @p2 s29;
	v9 =	vcvt.f32.s32 v14;
	v5 =	vcvt.f32.s32 v5;
	v8 =	vadd.f32 $1.280000000e+02, v8  }
0x217: {  	[tilespmem:s28+$0xFFFFFFE0] =	vst @p2 v2;
	v3 =	vmin.f32 v3, $1.000000000e+00;
	v2 =	vtrunc.f32 v12;
	v1 =	vadd.f32 $1.280000000e+02, v1;
	v7 =	vld.idx.msk @p2 [tilespmem:v7+s5+$0x0], $0xffff  }
0x218: {  	v3 =	vmul.f32 $1.275000000e+02, v3;
	v2 =	vcvt.f32.s32 v2;
	v14 =	vld.idx.msk @p2 [tilespmem:v19+s5+$0x0], $0xffff  }
0x219: {  	v17 =	vadd.f32 $1.280000000e+02, v17;
	[tilespmem:s28+$0x0] =	vst @p2 v6;
	v8 =	vtrunc.f32 v8;
	v6 =	vld.idx.msk @p2 [tilespmem:v11+s5+$0x0], $0xffff;
	v1 =	vtrunc.f32 v1  }
0x21a: {  	[tilespmem:s28+$0xFFFFFFB0] =	vst @p2 v0;
	v0 =	vcvt.f32.s32 v8;
	v3 =	vadd.f32 $1.280000000e+02, v3;
	v1 =	vcvt.f32.s32 v1;
	v8 =	vld.idx.msk [tilespmem:v16+s5+$0x0], $0xffff  }
0x21b: {  	v13 =	vtrunc.f32 v17;
	v10 =	vld.idx.msk @p2 [tilespmem:v10+s5+$0x0], $0xffff  }
0x21c: {  	v12 =	vcvt.f32.s32 v13;
	[tilespmem:s28+$0xFFFFFFA0] =	vst @p2 v4;
	s28 =	smov.u32 @p2 s28;
	v3 =	vtrunc.f32 v3;
	v5 =	vld.idx.msk [tilespmem:v5+s5+$0x0], $0xffff;
	v4 =	vpsel p2, v7, v0  }
0x21d: {  	v3 =	vcvt.f32.s32 v3;
	v7 =	vpsel p2, v14, v0;
	[tilespmem:s28+$0xFFFFFFC0] =	vst @p2 v4  }
0x21e: {  	s26 =	sadd.s32 @p2 $0x400, s26;
	v6 =	vpsel p2, v6, v0;
	v2 =	vld.idx.msk [tilespmem:v2+s5+$0x0], $0xffff;
	[tilespmem:s28+$0xFFFFFFD0] =	vst @p2 v7  }
0x21f: {  	s25 =	smov.u32 @p2 s26;
	v7 =	vld.idx.msk [tilespmem:v9+s5+$0x0], $0xffff;
	[tilespmem:s28+$0xFFFFFF90] =	vst @p2 v6  }
0x220: {  	[tilespmem:s25+$0xFFFFFFE0] =	vst v8;
	v1 =	vld.idx.msk [tilespmem:v1+s5+$0x0], $0xffff  }
0x221: {  	v4 =	vpsel p2, v10, v0;
	v0 =	vld.idx.msk [tilespmem:v0+s5+$0x0], $0xffff;
	[tilespmem:s25+$0x0] =	vst v5  }
0x222: {  	[tilespmem:s28+$0xFFFFFFF0] =	vst @p2 v4;
	v4 =	vld.idx.msk [tilespmem:v12+s5+$0x0], $0xffff  }
0x223: {  	v3 =	vld.idx.msk [tilespmem:v3+s5+$0x0], $0xffff;
	[tilespmem:s25+$0xFFFFFFC0] =	vst v2  }
0x224: {  	[tilespmem:s25+$0xFFFFFFB0] =	vst v7  }
0x225: {  	[tilespmem:s25+$0xFFFFFF90] =	vst v1  }
0x226: {  	[tilespmem:s25+$0xFFFFFFD0] =	vst v0  }
0x227: {  	[tilespmem:s25+$0xFFFFFFA0] =	vst v4  }
0x228: {  	s31 =	simm.s32 $0x470;
	[tilespmem:s25+$0xFFFFFFF0] =	vst v3  }
0x229: {  	v0 =	vld [tilespmem:s31+$0xFFFFFFB0]  }
0x22a: {  	v1 =	vld [tilespmem:s31+$0xFFFFFFA0]  }
0x22b: {  	v2 =	vld [tilespmem:s31+$0xFFFFFFC0]  }
0x22c: {  	v6 =	vld [tilespmem:s31+$0xFFFFFFF0]  }
0x22d: {  	p2 =	por $0x1, $0x1  }
.Ltmp20:
0x22e: {  	_ = 	snop;
	(pc) =	sbr.rel @!p2 .LBB2_35-.Ltmp20, $4  }
0x22f: {  	v5 =	vld [tilespmem:s31+$0xFFFFFF90]  }
0x230: {  	v3 =	vld [tilespmem:s31+$0xFFFFFFD0];
	v0 =	vmax.f32 v0, $-1.000000000e+00;
	v2 =	vmax.f32 v2, $-1.000000000e+00;
	v1 =	vmax.f32 v1, $-1.000000000e+00  }
0x231: {  	p3 =	por $0x0, $0x0;
	v4 =	vld [tilespmem:s31+$0x0];
	v0 =	vmin.f32 v0, $1.000000000e+00;
	v7 =	vmin.f32 v2, $1.000000000e+00;
	v2 =	vmax.f32 v6, $-1.000000000e+00  }
0x232: {  	s26 =	simm.s32 $0x870;
	p1 =	por $0x0, $0x0;
	s25 =	simm.s32 $0x8470;
	v8 =	vld [tilespmem:s31+$0xFFFFFFE0];
	v16 =	vmin.f32 v1, $1.000000000e+00;
	v15 =	vmul.f32 $1.275000000e+02, v0;
	v17 =	vmin.f32 v2, $1.000000000e+00  }
0x233: {  	_ = 	snop  }
0x234: {  	v2 =	vmul.f32 $1.275000000e+02, v16;
	v6 =	vmul.f32 $1.275000000e+02, v7;
	v1 =	vmax.f32 v5, $-1.000000000e+00  }
0x235: {  	v10 =	vld [tilespmem:s26+$0xFFFFFFB0];
	v0 =	vadd.f32 $1.280000000e+02, v15;
	v5 =	vmul.f32 $1.275000000e+02, v17;
	v1 =	vmin.f32 v1, $1.000000000e+00  }
0x236: {  	v12 =	vld [tilespmem:s26+$0xFFFFFFA0];
	v3 =	vmax.f32 v3, $-1.000000000e+00;
	v2 =	vadd.f32 $1.280000000e+02, v2;
	v6 =	vadd.f32 $1.280000000e+02, v6  }
0x237: {  	v13 =	vld [tilespmem:s26+$0xFFFFFFF0];
	v0 =	vtrunc.f32 v0;
	v1 =	vmul.f32 $1.275000000e+02, v1;
	v3 =	vmin.f32 v3, $1.000000000e+00  }
0x238: {  	v4 =	vmax.f32 v4, $-1.000000000e+00;
	v7 =	vmax.f32 v8, $-1.000000000e+00;
	v0 =	vcvt.f32.s32 v0  }
0x239: {  	v2 =	vtrunc.f32 v2;
	v4 =	vmin.f32 v4, $1.000000000e+00;
	v3 =	vmul.f32 $1.275000000e+02, v3  }
0x23a: {  	v8 =	vld [tilespmem:s26+$0xFFFFFFC0];
	v9 =	vadd.f32 $1.280000000e+02, v1;
	v2 =	vcvt.f32.s32 v2;
	v1 =	vadd.f32 $1.280000000e+02, v5  }
0x23b: {  	v4 =	vmul.f32 $1.275000000e+02, v4;
	v5 =	vtrunc.f32 v6;
	v7 =	vmin.f32 v7, $1.000000000e+00  }
0x23c: {  	p4 =	por $0x1, $0x1;
	v14 =	vmax.f32 v10, $-1.000000000e+00;
	v12 =	vmax.f32 v12, $-1.000000000e+00;
	v13 =	vmax.f32 v13, $-1.000000000e+00  }
.Ltmp21:
0x23d: {  	v6 =	vcvt.f32.s32 v5;
	v7 =	vmul.f32 $1.275000000e+02, v7;
	v5 =	vld [tilespmem:s26+$0xFFFFFF90];
	v4 =	vadd.f32 $1.280000000e+02, v4;
	(pc) =	sbr.rel @!p4 .LBB2_37-.Ltmp21, $4  }
0x23e: {  	v11 =	vadd.f32 $1.280000000e+02, v3;
	v3 =	vld [tilespmem:s26+$0xFFFFFFD0];
	v14 =	vmin.f32 v14, $1.000000000e+00;
	v16 =	vmin.f32 v12, $1.000000000e+00  }
0x23f: {  	v18 =	vadd.f32 $1.280000000e+02, v7;
	v8 =	vmax.f32 v8, $-1.000000000e+00;
	v10 =	vtrunc.f32 v4;
	v4 =	vld [tilespmem:s26+$0x0]  }
0x240: {  	v9 =	vtrunc.f32 v9;
	v15 =	vmul.f32 $1.275000000e+02, v14;
	v7 =	vmin.f32 v8, $1.000000000e+00;
	v8 =	vld [tilespmem:s26+$0xFFFFFFE0]  }
0x241: {  	s28 =	simm.s32 $0xC70;
	p3 =	por $0x1, $0x1;
	v17 =	vmin.f32 v13, $1.000000000e+00;
	v11 =	vtrunc.f32 v11;
	v18 =	vtrunc.f32 v18;
	v2 =	vld.idx.msk [tilespmem:v2+s5+$0x0], $0xffff  }
0x242: {  	_ = 	snop  }
0x243: {  	v13 =	vmul.f32 $1.275000000e+02, v17  }
0x244: {  	v14 =	vld [tilespmem:s28+$0xFFFFFFB0];
	v5 =	vmax.f32 v5, $-1.000000000e+00;
	v9 =	vcvt.f32.s32 v9;
	v7 =	vmul.f32 $1.275000000e+02, v7  }
0x245: {  	v12 =	vadd.f32 $1.280000000e+02, v15;
	v17 =	vld [tilespmem:s28+$0xFFFFFFA0];
	v10 =	vcvt.f32.s32 v10;
	v11 =	vcvt.f32.s32 v11  }
0x246: {  	v19 =	vld.idx.msk [tilespmem:v0+s5+$0x0], $0xffff;
	v1 =	vtrunc.f32 v1;
	v15 =	vmin.f32 v5, $1.000000000e+00;
	v5 =	vmul.f32 $1.275000000e+02, v16  }
0x247: {  	v16 =	vld.idx.msk [tilespmem:v6+s5+$0x0], $0xffff;
	v6 =	vcvt.f32.s32 v18;
	v22 =	vcvt.f32.s32 v1  }
0x248: {  	v20 =	vld [tilespmem:s28+$0xFFFFFFC0];
	v3 =	vmax.f32 v3, $-1.000000000e+00;
	v12 =	vtrunc.f32 v12;
	v15 =	vmul.f32 $1.275000000e+02, v15  }
0x249: {  	v24 =	vld [tilespmem:s28+$0xFFFFFFF0];
	v7 =	vadd.f32 $1.280000000e+02, v7;
	v4 =	vmax.f32 v4, $-1.000000000e+00;
	v1 =	vadd.f32 $1.280000000e+02, v13  }
0x24a: {  	v18 =	vadd.f32 $1.280000000e+02, v5;
	v5 =	vld [tilespmem:s28+$0xFFFFFF90];
	v8 =	vmax.f32 v8, $-1.000000000e+00;
	v0 =	vcvt.f32.s32 v12  }
0x24b: {  	v12 =	vmin.f32 v3, $1.000000000e+00;
	v3 =	vld [tilespmem:s28+$0xFFFFFFD0];
	v4 =	vmin.f32 v4, $1.000000000e+00;
	v15 =	vadd.f32 $1.280000000e+02, v15  }
0x24c: {  	v4 =	vmul.f32 $1.275000000e+02, v4;
	v8 =	vmin.f32 v8, $1.000000000e+00;
	v18 =	vtrunc.f32 v18;
	v23 =	vld.idx.msk [tilespmem:v9+s5+$0x0], $0xffff  }
0x24d: {  	[tilespmem:s25+$0xFFFFFFA0] =	vst v2;
	v8 =	vmul.f32 $1.275000000e+02, v8;
	v2 =	vmax.f32 v17, $-1.000000000e+00;
	v18 =	vcvt.f32.s32 v18;
	v13 =	vld.idx.msk [tilespmem:v11+s5+$0x0], $0xffff  }
0x24e: {  	p5 =	por $0x1, $0x1;
	v17 =	vmax.f32 v24, $-1.000000000e+00;
	v21 =	vld.idx.msk [tilespmem:v6+s5+$0x0], $0xffff;
	v6 =	vtrunc.f32 v7;
	v7 =	vmul.f32 $1.275000000e+02, v12  }
.Ltmp22:
0x24f: {  	v25 =	vadd.f32 $1.280000000e+02, v4;
	[tilespmem:s25+$0xFFFFFFC0] =	vst v16;
	v16 =	vmax.f32 v20, $-1.000000000e+00;
	v12 =	vld.idx.msk [tilespmem:v10+s5+$0x0], $0xffff;
	v6 =	vcvt.f32.s32 v6;
	(pc) =	sbr.rel @!p5 .LBB2_39-.Ltmp22, $4  }
0x250: {  	v9 =	vtrunc.f32 v15;
	v4 =	vld [tilespmem:s28+$0x0];
	v15 =	vadd.f32 $1.280000000e+02, v7;
	v7 =	vmax.f32 v14, $-1.000000000e+00  }
0x251: {  	[tilespmem:s25+$0xFFFFFFB0] =	vst v19;
	v19 =	vadd.f32 $1.280000000e+02, v8;
	v10 =	vtrunc.f32 v25;
	v14 =	vld.idx.msk [tilespmem:v22+s5+$0x0], $0xffff;
	v8 =	vmin.f32 v7, $1.000000000e+00  }
0x252: {  	s30 =	simm.s32 $0x100;
	s26 =	simm.s32 $0x8870;
	s31 =	simm.s32 $0x1070;
	v17 =	vmin.f32 v17, $1.000000000e+00;
	v11 =	vtrunc.f32 v15;
	v15 =	vmul.f32 $1.275000000e+02, v8;
	v8 =	vld [tilespmem:s28+$0xFFFFFFE0];
	[tilespmem:s25+$0xFFFFFF90] =	vst v23  }
0x253: {  	p4 =	por $0x1, $0x1;
	s29 =	simm.s32 $0x8870;
	v7 =	vmin.f32 v16, $1.000000000e+00;
	v16 =	vmin.f32 v2, $1.000000000e+00;
	s28 =	simm.s32 $0x8470;
	v2 =	vld.idx.msk [tilespmem:v18+s5+$0x0], $0xffff;
	v18 =	vtrunc.f32 v19;
	[tilespmem:s25+$0xFFFFFFE0] =	vst v21  }
.LBB2_40:
0x254: {  	v19 =	vld [tilespmem:s31+$0xFFFFFFB0];
	s30 =	sadd.s32 $0x80, s30;
	v5 =	vmax.f32 v5, $-1.000000000e+00;
	v15 =	vadd.f32 $1.280000000e+02, v15;
	v17 =	vmul.f32 $1.275000000e+02, v17;
	s26 =	sadd.s32 $0x400, s26;
	[tilespmem:s28+$0x0] =	vst v12  }
0x255: {  	p5 =	slt.u32 s30, $0x780;
	v12 =	vmin.f32 v5, $1.000000000e+00;
	v5 =	vmul.f32 $1.275000000e+02, v16;
	v6 =	vld.idx.msk [tilespmem:v6+s5+$0x0], $0xffff;
	v16 =	vcvt.f32.s32 v18;
	[tilespmem:s28+$0xFFFFFFD0] =	vst v13  }
0x256: {  	v3 =	vmax.f32 v3, $-1.000000000e+00;
	v9 =	vcvt.f32.s32 v9;
	v18 =	vld [tilespmem:s31+$0xFFFFFFA0];
	v13 =	vtrunc.f32 v15  }
0x257: {  	v7 =	vmul.f32 $1.275000000e+02, v7;
	v10 =	vcvt.f32.s32 v10;
	v15 =	vadd.f32 $1.280000000e+02, v5;
	v20 =	vld.idx.msk [tilespmem:v0+s5+$0x0], $0xffff;
	[tilespmem:s28+$0xFFFFFFF0] =	vst v14;
	s28 =	smov.u32 s29;
	s29 =	smov.u32 s26  }
0x258: {  	v11 =	vcvt.f32.s32 v11;
	v12 =	vmul.f32 $1.275000000e+02, v12;
	v8 =	vmax.f32 v8, $-1.000000000e+00;
	v5 =	vld [tilespmem:s31+$0xFFFFFF90]  }
0x259: {  	v7 =	vadd.f32 $1.280000000e+02, v7;
	v0 =	vcvt.f32.s32 v13;
	v13 =	vmin.f32 v3, $1.000000000e+00;
	v14 =	vld [tilespmem:s31+$0xFFFFFFC0]  }
0x25a: {  	v1 =	vtrunc.f32 v1;
	v4 =	vmax.f32 v4, $-1.000000000e+00;
	v15 =	vtrunc.f32 v15;
	v3 =	vld [tilespmem:s31+$0xFFFFFFD0]  }
0x25b: {  	v4 =	vmin.f32 v4, $1.000000000e+00;
	v21 =	vadd.f32 $1.280000000e+02, v12;
	[tilespmem:s28+$0xFFFFFFC0] =	vst v6;
	v22 =	vld.idx.msk [tilespmem:v16+s5+$0x0], $0xffff;
	v16 =	vcvt.f32.s32 v1  }
0x25c: {  	v4 =	vmul.f32 $1.275000000e+02, v4;
	v23 =	vcvt.f32.s32 v15;
	v1 =	vadd.f32 $1.280000000e+02, v17;
	v17 =	vld.idx.msk [tilespmem:v9+s5+$0x0], $0xffff  }
0x25d: {  	v8 =	vmin.f32 v8, $1.000000000e+00;
	v6 =	vtrunc.f32 v7;
	v7 =	vmul.f32 $1.275000000e+02, v13;
	v24 =	vld [tilespmem:s31+$0xFFFFFFF0];
	[tilespmem:s28+$0xFFFFFFB0] =	vst v20  }
0x25e: {  	v8 =	vmul.f32 $1.275000000e+02, v8;
	v15 =	vadd.f32 $1.280000000e+02, v4;
	v6 =	vcvt.f32.s32 v6;
	v12 =	vld.idx.msk [tilespmem:v10+s5+$0x0], $0xffff  }
.Ltmp23:
0x25f: {  	v9 =	vtrunc.f32 v21;
	v20 =	vadd.f32 $1.280000000e+02, v7;
	v14 =	vmax.f32 v14, $-1.000000000e+00;
	v13 =	vld.idx.msk [tilespmem:v11+s5+$0x0], $0xffff;
	(pc) =	sbr.rel @p5 .LBB2_40-.Ltmp23, $4  }
0x260: {  	v7 =	vmax.f32 v19, $-1.000000000e+00;
	v19 =	vadd.f32 $1.280000000e+02, v8;
	v10 =	vtrunc.f32 v15;
	v4 =	vld [tilespmem:s31+$0x0]  }
0x261: {  	v8 =	vmin.f32 v7, $1.000000000e+00;
	v7 =	vmin.f32 v14, $1.000000000e+00;
	v11 =	vtrunc.f32 v20;
	[tilespmem:s28+$0xFFFFFFA0] =	vst v2;
	v14 =	vld.idx.msk [tilespmem:v16+s5+$0x0], $0xffff  }
0x262: {  	v15 =	vmul.f32 $1.275000000e+02, v8;
	v2 =	vmax.f32 v18, $-1.000000000e+00;
	v8 =	vld [tilespmem:s31+$0xFFFFFFE0];
	v18 =	vmax.f32 v24, $-1.000000000e+00;
	[tilespmem:s28+$0xFFFFFF90] =	vst v17  }
0x263: {  	v16 =	vmin.f32 v2, $1.000000000e+00;
	s31 =	sadd.s32 $0x400, s31;
	v17 =	vmin.f32 v18, $1.000000000e+00;
	v2 =	vld.idx.msk [tilespmem:v23+s5+$0x0], $0xffff;
	v18 =	vtrunc.f32 v19;
	[tilespmem:s28+$0xFFFFFFE0] =	vst v22  }
.LBB2_41:
0x264: {  	v17 =	vmul.f32 $1.275000000e+02, v17  }
0x265: {  	v15 =	vadd.f32 $1.280000000e+02, v15;
	v16 =	vmul.f32 $1.275000000e+02, v16;
	v18 =	vcvt.f32.s32 @p3 v18  }
0x266: {  	v5 =	vmax.f32 v5, $-1.000000000e+00;
	v9 =	vcvt.f32.s32 @p3 v9;
	v7 =	vmul.f32 $1.275000000e+02, v7  }
0x267: {  	v3 =	vmax.f32 v3, $-1.000000000e+00;
	v10 =	vcvt.f32.s32 @p3 v10;
	v11 =	vcvt.f32.s32 @p3 v11  }
0x268: {  	v1 =	vtrunc.f32 @p3 v1;
	v5 =	vmin.f32 v5, $1.000000000e+00;
	v3 =	vmin.f32 v3, $1.000000000e+00  }
0x269: {  	v4 =	vmax.f32 v4, $-1.000000000e+00;
	v1 =	vcvt.f32.s32 @p3 v1;
	v15 =	vtrunc.f32 v15  }
0x26a: {  	v6 =	vld.idx.msk @p3 [tilespmem:v6+s5+$0x0], $0xffff;
	v16 =	vadd.f32 $1.280000000e+02, v16;
	v5 =	vmul.f32 $1.275000000e+02, v5;
	v7 =	vadd.f32 $1.280000000e+02, v7  }
0x26b: {  	v0 =	vld.idx.msk @p3 [tilespmem:v0+s5+$0x0], $0xffff;
	v4 =	vmin.f32 v4, $1.000000000e+00;
	v3 =	vmul.f32 $1.275000000e+02, v3;
	v8 =	vmax.f32 v8, $-1.000000000e+00  }
0x26c: {  	[tilespmem:s28+$0x0] =	vst @p4 v12;
	v4 =	vmul.f32 $1.275000000e+02, v4;
	v8 =	vmin.f32 v8, $1.000000000e+00;
	v7 =	vtrunc.f32 v7  }
0x26d: {  	[tilespmem:s28+$0xFFFFFFD0] =	vst @p4 v13;
	v5 =	vadd.f32 $1.280000000e+02, v5;
	v8 =	vmul.f32 $1.275000000e+02, v8;
	v7 =	vcvt.f32.s32 v7;
	v12 =	vld.idx.msk @p3 [tilespmem:v18+s5+$0x0], $0xffff  }
0x26e: {  	[tilespmem:s28+$0xFFFFFFF0] =	vst @p4 v14;
	s28 =	smov.u32 @p3 s29;
	v15 =	vcvt.f32.s32 v15;
	v13 =	vtrunc.f32 v16;
	v4 =	vadd.f32 $1.280000000e+02, v4;
	v9 =	vld.idx.msk @p3 [tilespmem:v9+s5+$0x0], $0xffff  }
0x26f: {  	v13 =	vcvt.f32.s32 v13;
	[tilespmem:s28+$0xFFFFFFC0] =	vst @p3 v6;
	v10 =	vld.idx.msk @p3 [tilespmem:v10+s5+$0x0], $0xffff;
	v5 =	vtrunc.f32 v5;
	v8 =	vadd.f32 $1.280000000e+02, v8  }
0x270: {  	v3 =	vadd.f32 $1.280000000e+02, v3;
	[tilespmem:s28+$0xFFFFFFB0] =	vst @p3 v0;
	v6 =	vld.idx.msk @p3 [tilespmem:v11+s5+$0x0], $0xffff;
	v5 =	vcvt.f32.s32 v5;
	v0 =	vtrunc.f32 v4  }
0x271: {  	v11 =	vadd.f32 $1.280000000e+02, v17;
	v1 =	vld.idx.msk @p3 [tilespmem:v1+s5+$0x0], $0xffff;
	v0 =	vcvt.f32.s32 v0;
	v8 =	vtrunc.f32 v8  }
0x272: {  	[tilespmem:s28+$0xFFFFFFA0] =	vst @p3 v2;
	v3 =	vtrunc.f32 v3;
	v4 =	vcvt.f32.s32 v8  }
0x273: {  	v3 =	vcvt.f32.s32 v3;
	v62 =	vtrunc.f32 v11;
	[tilespmem:s28+$0xFFFFFF90] =	vst @p3 v9;
	v2 =	vld.idx.msk [tilespmem:v7+s5+$0x0], $0xffff  }
0x274: {  	[tilespmem:s28+$0xFFFFFFE0] =	vst @p3 v12;
	v8 =	vpsel p3, v10, v0;
	s28 =	smov.u32 @p3 s28;
	v9 =	vld.idx.msk [tilespmem:v15+s5+$0x0], $0xffff;
	v7 =	vcvt.f32.s32 v62  }
0x275: {  	v10 =	vld.idx.msk [tilespmem:v13+s5+$0x0], $0xffff;
	v6 =	vpsel p3, v6, v0;
	[tilespmem:s28+$0x0] =	vst @p3 v8  }
0x276: {  	s26 =	sadd.s32 @p3 $0x400, s26;
	v1 =	vpsel p3, v1, v0;
	[tilespmem:s28+$0xFFFFFFD0] =	vst @p3 v6;
	v5 =	vld.idx.msk [tilespmem:v5+s5+$0x0], $0xffff  }
0x277: {  	s25 =	smov.u32 @p3 s26;
	[tilespmem:s28+$0xFFFFFFF0] =	vst @p3 v1;
	v0 =	vld.idx.msk [tilespmem:v0+s5+$0x0], $0xffff  }
0x278: {  	v1 =	vld.idx.msk [tilespmem:v4+s5+$0x0], $0xffff;
	[tilespmem:s25+$0xFFFFFFC0] =	vst v2  }
0x279: {  	[tilespmem:s25+$0xFFFFFFB0] =	vst v9;
	v2 =	vld.idx.msk [tilespmem:v3+s5+$0x0], $0xffff  }
0x27a: {  	[tilespmem:s25+$0xFFFFFFA0] =	vst v10;
	v3 =	vld.idx.msk [tilespmem:v7+s5+$0x0], $0xffff  }
0x27b: {  	[tilespmem:s25+$0xFFFFFF90] =	vst v5  }
0x27c: {  	[tilespmem:s25+$0x0] =	vst v0  }
0x27d: {  	[tilespmem:s25+$0xFFFFFFE0] =	vst v1  }
0x27e: {  	[tilespmem:s25+$0xFFFFFFD0] =	vst v2  }
0x27f: {  	s31 =	simm.s32 $0x4F0;
	[tilespmem:s25+$0xFFFFFFF0] =	vst v3  }
0x280: {  	v0 =	vld [tilespmem:s31+$0xFFFFFFB0]  }
0x281: {  	v1 =	vld [tilespmem:s31+$0xFFFFFF90]  }
0x282: {  	v3 =	vld [tilespmem:s31+$0xFFFFFFC0]  }
0x283: {  	v4 =	vld [tilespmem:s31+$0xFFFFFFD0]  }
0x284: {  	v5 =	vld [tilespmem:s31+$0xFFFFFFF0];
	_ =	sdelay $0x2  }
.Ltmp24:
0x285: {  	_ = 	snop;
	(pc) =	sbr.rel @!p2 .LBB2_42-.Ltmp24, $4  }
0x286: {  	v1 =	vmax.f32 v1, $-1.000000000e+00;
	v63 =	vmax.f32 v3, $-1.000000000e+00  }
0x287: {  	v2 =	vld [tilespmem:s31+$0xFFFFFFA0];
	v0 =	vmax.f32 v0, $-1.000000000e+00;
	v3 =	vmax.f32 v4, $-1.000000000e+00;
	v5 =	vmax.f32 v5, $-1.000000000e+00  }
0x288: {  	v10 =	vld [tilespmem:s31+$0x0];
	v9 =	vmin.f32 v1, $1.000000000e+00;
	v0 =	vmin.f32 v0, $1.000000000e+00;
	v4 =	vmin.f32 v63, $1.000000000e+00  }
0x289: {  	s26 =	simm.s32 $0x8F0;
	s25 =	simm.s32 $0x84F0;
	v1 =	vld [tilespmem:s31+$0xFFFFFFE0];
	v14 =	vmul.f32 $1.275000000e+02, v0;
	v15 =	vmul.f32 $1.275000000e+02, v4;
	v0 =	vmin.f32 v5, $1.000000000e+00  }
0x28a: {  	v4 =	vmul.f32 $1.275000000e+02, v9  }
0x28b: {  	v3 =	vmin.f32 v3, $1.000000000e+00;
	v5 =	vadd.f32 $1.280000000e+02, v14  }
0x28c: {  	v7 =	vld [tilespmem:s26+$0xFFFFFF90];
	v6 =	vadd.f32 $1.280000000e+02, v15;
	v3 =	vmul.f32 $1.275000000e+02, v3;
	v4 =	vadd.f32 $1.280000000e+02, v4  }
0x28d: {  	v11 =	vld [tilespmem:s26+$0xFFFFFFC0];
	v2 =	vmax.f32 v2, $-1.000000000e+00;
	v8 =	vmax.f32 v10, $-1.000000000e+00;
	v5 =	vtrunc.f32 v5  }
0x28e: {  	v2 =	vmin.f32 v2, $1.000000000e+00;
	v10 =	vld [tilespmem:s26+$0xFFFFFFB0];
	v6 =	vtrunc.f32 v6;
	v8 =	vmin.f32 v8, $1.000000000e+00  }
0x28f: {  	v12 =	vmax.f32 v1, $-1.000000000e+00;
	v1 =	vmul.f32 $1.275000000e+02, v2;
	v6 =	vcvt.f32.s32 v6  }
0x290: {  	v13 =	vld [tilespmem:s26+$0xFFFFFFD0];
	v3 =	vadd.f32 $1.280000000e+02, v3;
	v4 =	vtrunc.f32 v4;
	v8 =	vmul.f32 $1.275000000e+02, v8  }
0x291: {  	v5 =	vcvt.f32.s32 v5;
	v17 =	vcvt.f32.s32 v4;
	v4 =	vadd.f32 $1.280000000e+02, v1  }
0x292: {  	v15 =	vld [tilespmem:s26+$0xFFFFFFF0];
	v7 =	vmax.f32 v7, $-1.000000000e+00;
	v14 =	vmax.f32 v11, $-1.000000000e+00;
	v2 =	vadd.f32 $1.280000000e+02, v8  }
0x293: {  	p3 =	por $0x1, $0x1;
	v11 =	vtrunc.f32 v4;
	v4 =	vmin.f32 v12, $1.000000000e+00;
	v12 =	vmax.f32 v10, $-1.000000000e+00;
	v10 =	vld [tilespmem:s26+$0x0]  }
.Ltmp25:
0x294: {  	v16 =	vmul.f32 $1.275000000e+02, v0;
	v9 =	vmin.f32 v7, $1.000000000e+00;
	v1 =	vtrunc.f32 v2;
	v2 =	vld [tilespmem:s26+$0xFFFFFFA0];
	(pc) =	sbr.rel @!p3 .LBB2_44-.Ltmp25, $4  }
0x295: {  	v7 =	vtrunc.f32 v3;
	v3 =	vmax.f32 v13, $-1.000000000e+00;
	v8 =	vcvt.f32.s32 v1;
	v1 =	vld [tilespmem:s26+$0xFFFFFFE0]  }
0x296: {  	v18 =	vmin.f32 v14, $1.000000000e+00;
	v13 =	vmul.f32 $1.275000000e+02, v4;
	v12 =	vmin.f32 v12, $1.000000000e+00;
	v4 =	vld.idx.msk [tilespmem:v6+s5+$0x0], $0xffff  }
0x297: {  	v7 =	vcvt.f32.s32 v7;
	v14 =	vmul.f32 $1.275000000e+02, v12;
	v6 =	vmax.f32 v15, $-1.000000000e+00;
	v5 =	vld.idx.msk [tilespmem:v5+s5+$0x0], $0xffff  }
0x298: {  	p2 =	por $0x1, $0x1;
	v15 =	vmul.f32 $1.275000000e+02, v18;
	s26 =	simm.s32 $0xCF0;
	v0 =	vmin.f32 v6, $1.000000000e+00;
	v6 =	vld.idx.msk [tilespmem:v17+s5+$0x0], $0xffff;
	v17 =	vadd.f32 $1.280000000e+02, v13  }
0x299: {  	_ =	sdelay $0x3  }
0x29a: {  	v9 =	vmul.f32 $1.275000000e+02, v9;
	v12 =	vadd.f32 $1.280000000e+02, v14;
	v13 =	vadd.f32 $1.280000000e+02, v16;
	v14 =	vld.idx.msk [tilespmem:v8+s5+$0x0], $0xffff  }
0x29b: {  	v16 =	vld [tilespmem:s26+$0xFFFFFFB0];
	v11 =	vcvt.f32.s32 v11;
	v10 =	vmax.f32 v10, $-1.000000000e+00;
	v2 =	vmax.f32 v2, $-1.000000000e+00  }
0x29c: {  	v18 =	vld [tilespmem:s26+$0xFFFFFFC0];
	v3 =	vmin.f32 v3, $1.000000000e+00;
	v8 =	vadd.f32 $1.280000000e+02, v15;
	v15 =	vtrunc.f32 v17  }
0x29d: {  	v17 =	vld [tilespmem:s26+$0xFFFFFF90];
	v20 =	vmin.f32 v2, $1.000000000e+00;
	v3 =	vmul.f32 $1.275000000e+02, v3;
	v15 =	vcvt.f32.s32 v15  }
0x29e: {  	v19 =	vld [tilespmem:s26+$0xFFFFFFD0];
	v10 =	vmin.f32 v10, $1.000000000e+00;
	v12 =	vtrunc.f32 v12;
	v13 =	vtrunc.f32 v13  }
0x29f: {  	v23 =	vld.idx.msk [tilespmem:v7+s5+$0x0], $0xffff;
	v22 =	vmax.f32 v1, $-1.000000000e+00;
	v10 =	vmul.f32 $1.275000000e+02, v10;
	v7 =	vmul.f32 $1.275000000e+02, v20  }
0x2a0: {  	v2 =	vld [tilespmem:s26+$0xFFFFFFA0];
	v9 =	vadd.f32 $1.280000000e+02, v9;
	v13 =	vcvt.f32.s32 v13;
	v8 =	vtrunc.f32 v8  }
0x2a1: {  	v1 =	vld [tilespmem:s26+$0xFFFFFFE0];
	v21 =	vcvt.f32.s32 v12;
	v63 =	vcvt.f32.s32 v8;
	v8 =	vadd.f32 $1.280000000e+02, v10  }
0x2a2: {  	v3 =	vadd.f32 $1.280000000e+02, v3;
	v9 =	vtrunc.f32 v9;
	v10 =	vmax.f32 v17, $-1.000000000e+00;
	v17 =	vld [tilespmem:s26+$0xFFFFFFF0]  }
0x2a3: {  	[tilespmem:s25+$0xFFFFFFB0] =	vst v5;
	v5 =	vmin.f32 v22, $1.000000000e+00;
	v24 =	vcvt.f32.s32 v9;
	v8 =	vtrunc.f32 v8;
	v12 =	vld.idx.msk [tilespmem:v11+s5+$0x0], $0xffff  }
0x2a4: {  	p3 =	por $0x1, $0x1;
	[tilespmem:s25+$0xFFFFFFC0] =	vst v4;
	v7 =	vadd.f32 $1.280000000e+02, v7;
	v4 =	vmax.f32 v18, $-1.000000000e+00;
	v8 =	vcvt.f32.s32 v8;
	v25 =	vld.idx.msk [tilespmem:v15+s5+$0x0], $0xffff  }
.Ltmp26:
0x2a5: {  	[tilespmem:s25+$0xFFFFFF90] =	vst v6;
	v6 =	vmax.f32 v16, $-1.000000000e+00;
	v18 =	vmul.f32 $1.275000000e+02, v5;
	v9 =	vmin.f32 v10, $1.000000000e+00;
	v10 =	vld [tilespmem:s26+$0x0];
	(pc) =	sbr.rel @!p3 .LBB2_46-.Ltmp26, $4  }
0x2a6: {  	v16 =	vmul.f32 $1.275000000e+02, v0;
	v11 =	vtrunc.f32 v7;
	v5 =	vmin.f32 v6, $1.000000000e+00;
	v13 =	vld.idx.msk [tilespmem:v13+s5+$0x0], $0xffff  }
0x2a7: {  	[tilespmem:s25+$0x0] =	vst v14;
	v6 =	vmin.f32 v4, $1.000000000e+00;
	v14 =	vmul.f32 $1.275000000e+02, v5;
	v15 =	vtrunc.f32 v3;
	v5 =	vld.idx.msk [tilespmem:v21+s5+$0x0], $0xffff  }
0x2a8: {  	s30 =	simm.s32 $0x100;
	s31 =	simm.s32 $0x10F0;
	p1 =	por $0x1, $0x1;
	[tilespmem:s25+$0xFFFFFFD0] =	vst v23;
	v3 =	vmax.f32 v19, $-1.000000000e+00;
	v7 =	vcvt.f32.s32 v15;
	v4 =	vld.idx.msk [tilespmem:v63+s5+$0x0], $0xffff;
	v17 =	vmax.f32 v17, $-1.000000000e+00  }
0x2a9: {  	s28 =	simm.s32 $0x84F0;
	s29 =	simm.s32 $0x88F0;
	s26 =	simm.s32 $0x88F0;
	v15 =	vmul.f32 $1.275000000e+02, v6;
	v6 =	vld.idx.msk [tilespmem:v24+s5+$0x0], $0xffff;
	v0 =	vmin.f32 v17, $1.000000000e+00;
	v17 =	vadd.f32 $1.280000000e+02, v18;
	[tilespmem:s25+$0xFFFFFFE0] =	vst v25  }
.LBB2_47:
0x2aa: {  	s30 =	sadd.s32 $0x80, s30;
	v9 =	vmul.f32 $1.275000000e+02, v9;
	v14 =	vadd.f32 $1.280000000e+02, v14;
	v16 =	vadd.f32 $1.280000000e+02, v16;
	v8 =	vld.idx.msk [tilespmem:v8+s5+$0x0], $0xffff;
	s26 =	sadd.s32 $0x400, s26;
	[tilespmem:s28+$0xFFFFFFA0] =	vst v12  }
0x2ab: {  	v11 =	vcvt.f32.s32 v11;
	v18 =	vld [tilespmem:s31+$0xFFFFFFB0];
	p3 =	slt.u32 s30, $0x780;
	v12 =	vadd.f32 $1.280000000e+02, v15;
	v15 =	vtrunc.f32 v17;
	[tilespmem:s28+$0xFFFFFFF0] =	vst v13;
	s28 =	smov.u32 s29;
	s29 =	smov.u32 s26  }
0x2ac: {  	v10 =	vmax.f32 v10, $-1.000000000e+00;
	v13 =	vld [tilespmem:s31+$0xFFFFFF90];
	v9 =	vadd.f32 $1.280000000e+02, v9;
	v15 =	vcvt.f32.s32 v15  }
0x2ad: {  	v2 =	vmax.f32 v2, $-1.000000000e+00;
	v14 =	vtrunc.f32 v14;
	v17 =	vld [tilespmem:s31+$0xFFFFFFC0];
	[tilespmem:s28+$0xFFFFFFC0] =	vst v4;
	v4 =	vtrunc.f32 v16  }
0x2ae: {  	v19 =	vmin.f32 v2, $1.000000000e+00;
	v10 =	vmin.f32 v10, $1.000000000e+00;
	v16 =	vld [tilespmem:s31+$0xFFFFFFD0];
	[tilespmem:s28+$0xFFFFFFB0] =	vst v5;
	v4 =	vcvt.f32.s32 v4  }
0x2af: {  	v3 =	vmin.f32 v3, $1.000000000e+00;
	v10 =	vmul.f32 $1.275000000e+02, v10;
	v5 =	vcvt.f32.s32 v14;
	v2 =	vld [tilespmem:s31+$0xFFFFFFA0];
	[tilespmem:s28+$0xFFFFFF90] =	vst v6  }
0x2b0: {  	v3 =	vmul.f32 $1.275000000e+02, v3;
	v14 =	vmax.f32 v1, $-1.000000000e+00;
	v6 =	vtrunc.f32 v12;
	v7 =	vld.idx.msk [tilespmem:v7+s5+$0x0], $0xffff;
	[tilespmem:s28+$0x0] =	vst v8  }
0x2b1: {  	v10 =	vadd.f32 $1.280000000e+02, v10;
	v8 =	vmul.f32 $1.275000000e+02, v19;
	v6 =	vcvt.f32.s32 v6;
	v1 =	vld [tilespmem:s31+$0xFFFFFFE0]  }
0x2b2: {  	v3 =	vadd.f32 $1.280000000e+02, v3;
	v9 =	vtrunc.f32 v9;
	v12 =	vmax.f32 v13, $-1.000000000e+00;
	v19 =	vld [tilespmem:s31+$0xFFFFFFF0]  }
0x2b3: {  	v20 =	vcvt.f32.s32 v9;
	v13 =	vadd.f32 $1.280000000e+02, v8;
	v8 =	vtrunc.f32 v10;
	v21 =	vld.idx.msk [tilespmem:v15+s5+$0x0], $0xffff  }
0x2b4: {  	v9 =	vmin.f32 v12, $1.000000000e+00;
	v15 =	vtrunc.f32 v3;
	v8 =	vcvt.f32.s32 v8;
	v12 =	vld.idx.msk [tilespmem:v11+s5+$0x0], $0xffff  }
.Ltmp27:
0x2b5: {  	v14 =	vmin.f32 v14, $1.000000000e+00;
	v17 =	vmax.f32 v17, $-1.000000000e+00;
	v11 =	vtrunc.f32 v13;
	v13 =	vld.idx.msk [tilespmem:v4+s5+$0x0], $0xffff;
	(pc) =	sbr.rel @p3 .LBB2_47-.Ltmp27, $4  }
0x2b6: {  	v3 =	vmax.f32 v16, $-1.000000000e+00;
	v4 =	vmax.f32 v18, $-1.000000000e+00;
	v18 =	vmul.f32 $1.275000000e+02, v14;
	v10 =	vld [tilespmem:s31+$0x0];
	[tilespmem:s28+$0xFFFFFFD0] =	vst v7  }
0x2b7: {  	v17 =	vmin.f32 v17, $1.000000000e+00;
	v14 =	vmin.f32 v4, $1.000000000e+00;
	v7 =	vcvt.f32.s32 v15;
	v4 =	vld.idx.msk [tilespmem:v6+s5+$0x0], $0xffff  }
0x2b8: {  	v16 =	vmul.f32 $1.275000000e+02, v0;
	v14 =	vmul.f32 $1.275000000e+02, v14;
	v6 =	vmax.f32 v19, $-1.000000000e+00;
	v5 =	vld.idx.msk [tilespmem:v5+s5+$0x0], $0xffff  }
0x2b9: {  	v15 =	vmul.f32 $1.275000000e+02, v17;
	s31 =	sadd.s32 $0x400, s31;
	v17 =	vadd.f32 $1.280000000e+02, v18;
	v0 =	vmin.f32 v6, $1.000000000e+00;
	v6 =	vld.idx.msk [tilespmem:v20+s5+$0x0], $0xffff;
	[tilespmem:s28+$0xFFFFFFE0] =	vst v21  }
.LBB2_48:
0x2ba: {  	v9 =	vmul.f32 $1.275000000e+02, v9;
	v14 =	vadd.f32 $1.280000000e+02, v14  }
0x2bb: {  	v16 =	vadd.f32 @p2 $1.280000000e+02, v16;
	v11 =	vcvt.f32.s32 @p2 v11;
	v2 =	vmax.f32 v2, $-1.000000000e+00  }
0x2bc: {  	v3 =	vmin.f32 v3, $1.000000000e+00;
	v1 =	vmax.f32 v1, $-1.000000000e+00;
	v0 =	vmul.f32 $1.275000000e+02, v0  }
0x2bd: {  	v15 =	vadd.f32 $1.280000000e+02, v15;
	v17 =	vtrunc.f32 @p2 v17;
	v10 =	vmax.f32 v10, $-1.000000000e+00  }
0x2be: {  	v2 =	vmin.f32 v2, $1.000000000e+00;
	v3 =	vmul.f32 $1.275000000e+02, v3;
	v17 =	vcvt.f32.s32 @p2 v17  }
0x2bf: {  	v1 =	vmin.f32 v1, $1.000000000e+00;
	v14 =	vtrunc.f32 v14;
	v16 =	vtrunc.f32 @p2 v16  }
0x2c0: {  	v10 =	vmin.f32 v10, $1.000000000e+00;
	v1 =	vmul.f32 $1.275000000e+02, v1;
	v2 =	vmul.f32 $1.275000000e+02, v2  }
0x2c1: {  	v9 =	vadd.f32 $1.280000000e+02, v9;
	v16 =	vcvt.f32.s32 @p2 v16;
	v10 =	vmul.f32 $1.275000000e+02, v10  }
0x2c2: {  	v14 =	vcvt.f32.s32 v14;
	v15 =	vtrunc.f32 v15;
	v3 =	vadd.f32 $1.280000000e+02, v3  }
0x2c3: {  	v8 =	vld.idx.msk @p2 [tilespmem:v8+s5+$0x0], $0xffff;
	v15 =	vcvt.f32.s32 v15;
	v9 =	vtrunc.f32 v9;
	v10 =	vadd.f32 $1.280000000e+02, v10  }
0x2c4: {  	[tilespmem:s28+$0xFFFFFFA0] =	vst @p1 v12;
	v7 =	vld.idx.msk @p2 [tilespmem:v7+s5+$0x0], $0xffff;
	v1 =	vadd.f32 $1.280000000e+02, v1;
	v9 =	vcvt.f32.s32 v9;
	v3 =	vtrunc.f32 v3  }
0x2c5: {  	[tilespmem:s28+$0xFFFFFFF0] =	vst @p1 v13;
	s28 =	smov.u32 @p2 s29;
	v2 =	vadd.f32 $1.280000000e+02, v2;
	v3 =	vcvt.f32.s32 v3;
	v10 =	vtrunc.f32 v10;
	v12 =	vld.idx.msk @p2 [tilespmem:v17+s5+$0x0], $0xffff  }
0x2c6: {  	[tilespmem:s28+$0xFFFFFFC0] =	vst @p2 v4;
	v0 =	vadd.f32 $1.280000000e+02, v0;
	v1 =	vtrunc.f32 v1;
	v60 =	vcvt.f32.s32 v10;
	v10 =	vld.idx.msk @p2 [tilespmem:v11+s5+$0x0], $0xffff  }
0x2c7: {  	[tilespmem:s28+$0xFFFFFFB0] =	vst @p2 v5;
	v2 =	vtrunc.f32 v2;
	v1 =	vcvt.f32.s32 v1;
	v5 =	vld.idx.msk @p2 [tilespmem:v16+s5+$0x0], $0xffff  }
0x2c8: {  	[tilespmem:s28+$0xFFFFFF90] =	vst @p2 v6;
	v0 =	vtrunc.f32 v0;
	v2 =	vcvt.f32.s32 v2;
	v62 =	vld.idx.msk [tilespmem:v14+s5+$0x0], $0xffff  }
0x2c9: {  	[tilespmem:s28+$0x0] =	vst @p2 v8;
	v0 =	vcvt.f32.s32 v0  }
0x2ca: {  	[tilespmem:s28+$0xFFFFFFD0] =	vst @p2 v7;
	v61 =	vld.idx.msk [tilespmem:v15+s5+$0x0], $0xffff  }
0x2cb: {  	s26 =	sadd.s32 @p2 $0x400, s26;
	v63 =	vld.idx.msk [tilespmem:v9+s5+$0x0], $0xffff;
	[tilespmem:s28+$0xFFFFFFE0] =	vst @p2 v12;
	v9 =	vpsel p2, v10, v0;
	s28 =	smov.u32 @p2 s28  }
0x2cc: {  	s25 =	smov.u32 @p2 s26;
	v3 =	vld.idx.msk [tilespmem:v3+s5+$0x0], $0xffff;
	[tilespmem:s28+$0xFFFFFFA0] =	vst @p2 v9  }
0x2cd: {  	v1 =	vld.idx.msk [tilespmem:v1+s5+$0x0], $0xffff;
	v5 =	vpsel p2, v5, v0;
	[tilespmem:s25+$0xFFFFFFB0] =	vst v62  }
0x2ce: {  	v2 =	vld.idx.msk [tilespmem:v2+s5+$0x0], $0xffff;
	[tilespmem:s28+$0xFFFFFFF0] =	vst @p2 v5  }
0x2cf: {  	v4 =	vld.idx.msk [tilespmem:v60+s5+$0x0], $0xffff;
	[tilespmem:s25+$0xFFFFFFC0] =	vst v61  }
0x2d0: {  	v0 =	vld.idx.msk [tilespmem:v0+s5+$0x0], $0xffff;
	[tilespmem:s25+$0xFFFFFF90] =	vst v63  }
0x2d1: {  	p1 =	sne.s32 s23, $0x1F;
	[tilespmem:s25+$0xFFFFFFD0] =	vst v3  }
.Ltmp28:
0x2d2: {  	[tilespmem:s25+$0xFFFFFFE0] =	vst v1;
	(pc) =	sbr.rel @p1 .LBB2_50-.Ltmp28, $4  }
0x2d3: {  	s30 =	sor.u32 s24, s6;
	[tilespmem:s25+$0xFFFFFFA0] =	vst v2  }
0x2d4: {  	s26 =	sshrl.u32 s30, $0x3;
	[tilespmem:s25+$0x0] =	vst v4  }
0x2d5: {  	s31 =	sadd.s32 s4, s26;
	[tilespmem:s25+$0xFFFFFFF0] =	vst v0  }
0x2d6: {  	[hbm4b:s31+s5] =	stream.linear.scatter [tilespmem:s17], [sflag:$0x3], $0x4000, $0x38;
	[tilespmem:$0x10100] =	vst v63  }
.Ltmp29:
0x2d7: {  	(pc) =	sbr.rel .LBB2_51-.Ltmp29, $4  }
0x2d8: {  	_ = 	snop  }
0x2d9: {  	_ =	swait.ge [sflag:s18], $0x4000  }
0x2da: {  	[sflag:s18] =	ssyncset.done $0x0  }
0x2db: {  	[sflag:s18] =	ssyncadd.s32 $0xFFFFC000  }
.LBB2_50:
0x2dc: {  	s25 =	sadd.s32 s24, s10  }
0x2dd: {  	s25 =	sshrl.u32 s25, $0x3  }
.Ltmp30:
0x2de: {  	s25 =	sadd.s32 s1, s25;
	(pc) =	sbr.rel @p0 .LBB2_52-.Ltmp30, $4  }
0x2df: {  	[tilespmem:s14], [sflag:$0x1] =	stream.linear.gather [hbm4b:s25+s5], $0x4000, $0x38;
	[tilespmem:$0x10100] =	vst v63  }
0x2e0: {  	_ =	swait.ge [sflag:s18], $0x4000  }
0x2e1: {  	[sflag:s18] =	ssyncset.done $0x0  }
0x2e2: {  	[sflag:s18] =	ssyncadd.s32 $0xFFFFC000  }
.LBB2_51:
0x2e3: {  	_ =	swait.ge [sflag:s19], $0x4000  }
0x2e4: {  	[sflag:s19] =	ssyncset.done $0x0  }
0x2e5: {  	[sflag:s19] =	ssyncadd.s32 $0xFFFFC000  }
.LBB2_52:
0x2e6: {  	s25 =	simm.s32 $0x4140  }
0x2e7: {  	v0 =	vld [tilespmem:s25+$0xFFFFFFD0]  }
0x2e8: {  	v1 =	vld [tilespmem:s25+$0xFFFFFFE0]  }
0x2e9: {  	v2 =	vld [tilespmem:s25+$0xFFFFFFF0]  }
0x2ea: {  	v3 =	vld [tilespmem:s25+$0x0]  }
0x2eb: {  	v4 =	vld [tilespmem:s25+$0x10]  }
0x2ec: {  	v5 =	vld [tilespmem:s25+$0xFFFFFFC0]  }
0x2ed: {  	v6 =	vld [tilespmem:s25+$0x20];
	_ =	sdelay $0x2  }
0x2ee: {  	v1 =	vmax.f32 v1, $-1.000000000e+00;
	v2 =	vmax.f32 v2, $-1.000000000e+00;
	v3 =	vmax.f32 v3, $-1.000000000e+00  }
0x2ef: {  	v0 =	vmax.f32 v0, $-1.000000000e+00;
	v4 =	vmax.f32 v4, $-1.000000000e+00;
	v5 =	vmax.f32 v5, $-1.000000000e+00  }
0x2f0: {  	v6 =	vmax.f32 v6, $-1.000000000e+00;
	v1 =	vmin.f32 v1, $1.000000000e+00;
	v2 =	vmin.f32 v2, $1.000000000e+00  }
0x2f1: {  	v0 =	vmin.f32 v0, $1.000000000e+00;
	v4 =	vmin.f32 v4, $1.000000000e+00;
	v5 =	vmin.f32 v5, $1.000000000e+00  }
0x2f2: {  	v3 =	vmin.f32 v3, $1.000000000e+00;
	v1 =	vmul.f32 $1.275000000e+02, v1;
	v4 =	vmul.f32 $1.275000000e+02, v4  }
0x2f3: {  	s31 =	simm.s32 $0x4540;
	v7 =	vld [tilespmem:s25+$0x30];
	v6 =	vmin.f32 v6, $1.000000000e+00;
	v0 =	vmul.f32 $1.275000000e+02, v0;
	v3 =	vmul.f32 $1.275000000e+02, v3  }
0x2f4: {  	v9 =	vld [tilespmem:s31+$0xFFFFFFF0];
	v5 =	vmul.f32 $1.275000000e+02, v5;
	v2 =	vmul.f32 $1.275000000e+02, v2;
	v1 =	vadd.f32 $1.280000000e+02, v1  }
0x2f5: {  	v8 =	vld [tilespmem:s31+$0xFFFFFFE0];
	v6 =	vmul.f32 $1.275000000e+02, v6;
	v0 =	vadd.f32 $1.280000000e+02, v0;
	v3 =	vadd.f32 $1.280000000e+02, v3  }
0x2f6: {  	s26 =	simm.s32 $0x4940;
	v11 =	vld [tilespmem:s31+$0xFFFFFFD0];
	v5 =	vadd.f32 $1.280000000e+02, v5;
	v2 =	vadd.f32 $1.280000000e+02, v2;
	v1 =	vtrunc.f32 v1  }
0x2f7: {  	v18 =	vld [tilespmem:s26+$0xFFFFFFD0];
	v6 =	vadd.f32 $1.280000000e+02, v6;
	v0 =	vtrunc.f32 v0;
	v3 =	vtrunc.f32 v3  }
0x2f8: {  	v12 =	vld [tilespmem:s31+$0x10];
	v5 =	vtrunc.f32 v5;
	v2 =	vtrunc.f32 v2  }
0x2f9: {  	v9 =	vmax.f32 v9, $-1.000000000e+00;
	v6 =	vtrunc.f32 v6;
	v10 =	vcvt.f32.s32 v1  }
0x2fa: {  	v1 =	vmax.f32 v7, $-1.000000000e+00;
	v7 =	vld [tilespmem:s31+$0x0];
	v14 =	vcvt.f32.s32 v3;
	v3 =	vmax.f32 v8, $-1.000000000e+00  }
0x2fb: {  	v2 =	vcvt.f32.s32 v2;
	v1 =	vmin.f32 v1, $1.000000000e+00;
	v3 =	vmin.f32 v3, $1.000000000e+00  }
0x2fc: {  	v18 =	vmax.f32 v18, $-1.000000000e+00;
	v1 =	vmul.f32 $1.275000000e+02, v1;
	v3 =	vmul.f32 $1.275000000e+02, v3  }
0x2fd: {  	v8 =	vmin.f32 v9, $1.000000000e+00;
	v9 =	vmax.f32 v11, $-1.000000000e+00;
	v11 =	vmax.f32 v12, $-1.000000000e+00  }
0x2fe: {  	v11 =	vmin.f32 v11, $1.000000000e+00;
	v13 =	vadd.f32 $1.280000000e+02, v1;
	v1 =	vld [tilespmem:s31+$0xFFFFFFC0];
	v3 =	vadd.f32 $1.280000000e+02, v3  }
0x2ff: {  	v15 =	vld [tilespmem:s31+$0x30];
	v9 =	vmin.f32 v9, $1.000000000e+00;
	v17 =	vmul.f32 $1.275000000e+02, v11;
	v7 =	vmax.f32 v7, $-1.000000000e+00  }
0x300: {  	v12 =	vld [tilespmem:s31+$0x20];
	v9 =	vmul.f32 $1.275000000e+02, v9;
	v11 =	vtrunc.f32 v3;
	v3 =	vmin.f32 v7, $1.000000000e+00  }
0x301: {  	v4 =	vadd.f32 $1.280000000e+02, v4;
	v7 =	vld.idx.msk [tilespmem:v2+s5+$0x0], $0xffff;
	v2 =	vcvt.f32.s32 v6;
	v16 =	vmul.f32 $1.275000000e+02, v3  }
0x302: {  	v21 =	vld [tilespmem:s26+$0xFFFFFFF0];
	v20 =	vcvt.f32.s32 v0;
	v9 =	vadd.f32 $1.280000000e+02, v9;
	v0 =	vcvt.f32.s32 v11  }
0x303: {  	v6 =	vld [tilespmem:s26+$0xFFFFFFE0];
	v1 =	vmax.f32 v1, $-1.000000000e+00;
	v11 =	vadd.f32 $1.280000000e+02, v16;
	v16 =	vcvt.f32.s32 v5  }
0x304: {  	v5 =	vmul.f32 $1.275000000e+02, v8;
	v8 =	vmax.f32 v15, $-1.000000000e+00;
	v15 =	vld.idx.msk [tilespmem:v14+s5+$0x0], $0xffff;
	v1 =	vmin.f32 v1, $1.000000000e+00  }
0x305: {  	v18 =	vmin.f32 v18, $1.000000000e+00;
	v4 =	vtrunc.f32 v4;
	v3 =	vld [tilespmem:s26+$0xFFFFFFC0];
	v19 =	vmul.f32 $1.275000000e+02, v1  }
0x306: {  	v12 =	vmax.f32 v12, $-1.000000000e+00;
	v14 =	vld [tilespmem:s26+$0x0];
	v8 =	vmin.f32 v8, $1.000000000e+00;
	v1 =	vtrunc.f32 v9  }
0x307: {  	v8 =	vmul.f32 $1.275000000e+02, v8;
	v22 =	vld.idx.msk [tilespmem:v2+s5+$0x0], $0xffff;
	v9 =	vadd.f32 $1.280000000e+02, v19;
	v19 =	vcvt.f32.s32 v4  }
0x308: {  	s28 =	simm.s32 $0xC140;
	v23 =	vadd.f32 $1.280000000e+02, v5;
	v4 =	vmin.f32 v12, $1.000000000e+00;
	v12 =	vtrunc.f32 v13;
	v13 =	vld [tilespmem:s26+$0x10]  }
0x309: {  	v17 =	vadd.f32 $1.280000000e+02, v17;
	v24 =	vtrunc.f32 v11;
	v11 =	vcvt.f32.s32 v12;
	[tilespmem:s28+$0x0] =	vst v15;
	v15 =	vld [tilespmem:s26+$0x20]  }
0x30a: {  	v2 =	vadd.f32 $1.280000000e+02, v8;
	v12 =	vtrunc.f32 v23;
	v5 =	vtrunc.f32 v9;
	v9 =	vld.idx.msk [tilespmem:v10+s5+$0x0], $0xffff  }
0x30b: {  	v25 =	vmul.f32 $1.275000000e+02, v4;
	v8 =	vld.idx.msk [tilespmem:v16+s5+$0x0], $0xffff;
	v16 =	vmax.f32 v6, $-1.000000000e+00;
	v12 =	vcvt.f32.s32 v12  }
0x30c: {  	v4 =	vcvt.f32.s32 v24;
	v14 =	vmax.f32 v14, $-1.000000000e+00;
	v6 =	vld.idx.msk [tilespmem:v20+s5+$0x0], $0xffff;
	v20 =	vmin.f32 v16, $1.000000000e+00  }
0x30d: {  	s29 =	simm.s32 $0x100;
	[tilespmem:s28+$0xFFFFFFF0] =	vst v7;
	v10 =	vmax.f32 v21, $-1.000000000e+00;
	v13 =	vmax.f32 v13, $-1.000000000e+00;
	v7 =	vld.idx.msk [tilespmem:v19+s5+$0x0], $0xffff;
	v19 =	vmul.f32 $1.275000000e+02, v20  }
0x30e: {  	s30 =	simm.s32 $0x4D40;
	s25 =	simm.s32 $0xC540;
	v10 =	vmin.f32 v10, $1.000000000e+00;
	v16 =	vadd.f32 $1.280000000e+02, v25;
	[tilespmem:s28+$0x20] =	vst v22;
	v20 =	vmin.f32 v13, $1.000000000e+00;
	v13 =	vld [tilespmem:s26+$0x30];
	s26 =	simm.s32 $0xC540  }
.LBB2_53:
0x30f: {  	s29 =	sadd.s32 $0x80, s29;
	v3 =	vmax.f32 v3, $-1.000000000e+00;
	v19 =	vadd.f32 $1.280000000e+02, v19;
	v21 =	vmul.f32 $1.275000000e+02, v20;
	s25 =	sadd.s32 $0x400, s25;
	[tilespmem:s28+$0xFFFFFFE0] =	vst v9;
	v9 =	vld.idx.msk [tilespmem:v11+s5+$0x0], $0xffff  }
0x310: {  	v16 =	vtrunc.f32 v16;
	v20 =	vld [tilespmem:s30+$0xFFFFFFD0];
	p0 =	slt.u32 s29, $0x780;
	v11 =	vmin.f32 v3, $1.000000000e+00;
	v3 =	vmul.f32 $1.275000000e+02, v18;
	[tilespmem:s28+$0xFFFFFFC0] =	vst v8  }
0x311: {  	v14 =	vmin.f32 v14, $1.000000000e+00;
	v16 =	vcvt.f32.s32 v16;
	v8 =	vtrunc.f32 v19;
	v12 =	vld.idx.msk [tilespmem:v12+s5+$0x0], $0xffff;
	[tilespmem:s28+$0xFFFFFFD0] =	vst v6  }
0x312: {  	v14 =	vmul.f32 $1.275000000e+02, v14;
	v17 =	vtrunc.f32 v17;
	v6 =	vld [tilespmem:s30+$0xFFFFFFE0];
	v18 =	vadd.f32 $1.280000000e+02, v3;
	[tilespmem:s28+$0x10] =	vst v7  }
0x313: {  	v7 =	vmul.f32 $1.275000000e+02, v11;
	v11 =	vmax.f32 v15, $-1.000000000e+00;
	v15 =	vcvt.f32.s32 v1;
	v3 =	vld [tilespmem:s30+$0xFFFFFFC0]  }
0x314: {  	v22 =	vcvt.f32.s32 v5;
	v8 =	vcvt.f32.s32 v8;
	v14 =	vadd.f32 $1.280000000e+02, v14;
	v19 =	vld [tilespmem:s30+$0xFFFFFFF0]  }
0x315: {  	v5 =	vmul.f32 $1.275000000e+02, v10;
	v10 =	vmax.f32 v13, $-1.000000000e+00;
	v1 =	vtrunc.f32 v18;
	v13 =	vld.idx.msk [tilespmem:v4+s5+$0x0], $0xffff;
	[tilespmem:s28+$0x30] =	vst v9;
	s28 =	smov.u32 s26;
	s26 =	smov.u32 s25  }
0x316: {  	v17 =	vcvt.f32.s32 v17;
	v4 =	vadd.f32 $1.280000000e+02, v7;
	v7 =	vmin.f32 v10, $1.000000000e+00;
	v18 =	vld [tilespmem:s30+$0x0]  }
0x317: {  	v9 =	vmin.f32 v11, $1.000000000e+00;
	v10 =	vtrunc.f32 v2;
	v7 =	vmul.f32 $1.275000000e+02, v7;
	[tilespmem:s28+$0xFFFFFFF0] =	vst v12;
	v23 =	vld.idx.msk [tilespmem:v16+s5+$0x0], $0xffff  }
0x318: {  	v14 =	vtrunc.f32 v14;
	v12 =	vadd.f32 $1.280000000e+02, v5;
	v16 =	vmul.f32 $1.275000000e+02, v9;
	v24 =	vld [tilespmem:s30+$0x10]  }
0x319: {  	v11 =	vcvt.f32.s32 v10;
	v5 =	vtrunc.f32 v4;
	v2 =	vadd.f32 $1.280000000e+02, v7;
	v9 =	vld.idx.msk [tilespmem:v0+s5+$0x0], $0xffff;
	v0 =	vmovc v8  }
.Ltmp31:
0x31a: {  	v4 =	vcvt.f32.s32 v14;
	v7 =	vmax.f32 v19, $-1.000000000e+00;
	v10 =	vtrunc.f32 v12;
	v8 =	vld.idx.msk [tilespmem:v22+s5+$0x0], $0xffff;
	(pc) =	sbr.rel @p0 .LBB2_53-.Ltmp31, $4  }
0x31b: {  	v19 =	vmax.f32 v6, $-1.000000000e+00;
	v12 =	vcvt.f32.s32 v10;
	v14 =	vmax.f32 v18, $-1.000000000e+00;
	v6 =	vld.idx.msk [tilespmem:v15+s5+$0x0], $0xffff;
	[tilespmem:s28+$0x0] =	vst v13  }
0x31c: {  	v16 =	vadd.f32 $1.280000000e+02, v16;
	v10 =	vmin.f32 v7, $1.000000000e+00;
	v13 =	vmin.f32 v19, $1.000000000e+00;
	v7 =	vld.idx.msk [tilespmem:v17+s5+$0x0], $0xffff  }
0x31d: {  	v17 =	vmax.f32 v20, $-1.000000000e+00;
	v19 =	vmul.f32 $1.275000000e+02, v13;
	v13 =	vmax.f32 v24, $-1.000000000e+00;
	v15 =	vld [tilespmem:s30+$0x20];
	[tilespmem:s28+$0x20] =	vst v23  }
0x31e: {  	v18 =	vmin.f32 v17, $1.000000000e+00;
	v17 =	vadd.f32 $1.280000000e+02, v21;
	v20 =	vmin.f32 v13, $1.000000000e+00;
	v13 =	vld [tilespmem:s30+$0x30];
	s30 =	sadd.s32 $0x400, s30  }
0x31f: {  	v20 =	vmul.f32 $1.275000000e+02, v20;
	v18 =	vmul.f32 $1.275000000e+02, v18  }
0x320: {  	v3 =	vmax.f32 v3, $-1.000000000e+00;
	v16 =	vtrunc.f32 v16;
	v10 =	vmul.f32 $1.275000000e+02, v10  }
0x321: {  	v14 =	vmin.f32 v14, $1.000000000e+00;
	v1 =	vcvt.f32.s32 v1;
	v5 =	vcvt.f32.s32 v5  }
0x322: {  	v2 =	vtrunc.f32 v2;
	v16 =	vcvt.f32.s32 v16;
	v3 =	vmin.f32 v3, $1.000000000e+00  }
0x323: {  	v14 =	vmul.f32 $1.275000000e+02, v14;
	v17 =	vtrunc.f32 v17;
	v15 =	vmax.f32 v15, $-1.000000000e+00  }
0x324: {  	v2 =	vcvt.f32.s32 v2;
	v10 =	vadd.f32 $1.280000000e+02, v10;
	v15 =	vmin.f32 v15, $1.000000000e+00  }
0x325: {  	v11 =	vld.idx.msk [tilespmem:v11+s5+$0x0], $0xffff;
	[tilespmem:s28+$0xFFFFFFE0] =	vst v9;
	v3 =	vmul.f32 $1.275000000e+02, v3;
	v14 =	vadd.f32 $1.280000000e+02, v14;
	v15 =	vmul.f32 $1.275000000e+02, v15  }
0x326: {  	v9 =	vld.idx.msk [tilespmem:v12+s5+$0x0], $0xffff;
	[tilespmem:s28+$0xFFFFFFC0] =	vst v8;
	v12 =	vmax.f32 v13, $-1.000000000e+00;
	v13 =	vcvt.f32.s32 v17;
	v8 =	vtrunc.f32 v10  }
0x327: {  	v4 =	vld.idx.msk [tilespmem:v4+s5+$0x0], $0xffff;
	[tilespmem:s28+$0xFFFFFFD0] =	vst v6;
	v3 =	vadd.f32 $1.280000000e+02, v3;
	v14 =	vtrunc.f32 v14;
	v10 =	vadd.f32 $1.280000000e+02, v15  }
0x328: {  	[tilespmem:s28+$0x10] =	vst v7;
	v8 =	vcvt.f32.s32 v8;
	v7 =	vmin.f32 v12, $1.000000000e+00;
	v12 =	vcvt.f32.s32 v14;
	v6 =	vld.idx.msk [tilespmem:v16+s5+$0x0], $0xffff  }
0x329: {  	v19 =	vadd.f32 $1.280000000e+02, v19;
	v0 =	vld.idx.msk [tilespmem:v0+s5+$0x0], $0xffff;
	v7 =	vmul.f32 $1.275000000e+02, v7;
	v10 =	vtrunc.f32 v10  }
0x32a: {  	[tilespmem:s28+$0x30] =	vst v11;
	v14 =	vadd.f32 $1.280000000e+02, v18;
	v5 =	vld.idx.msk [tilespmem:v5+s5+$0x0], $0xffff;
	v3 =	vtrunc.f32 v3;
	v10 =	vcvt.f32.s32 v10  }
0x32b: {  	v19 =	vtrunc.f32 v19;
	[tilespmem:s26+$0xFFFFFFF0] =	vst v9;
	v9 =	vadd.f32 $1.280000000e+02, v20;
	v1 =	vld.idx.msk [tilespmem:v1+s5+$0x0], $0xffff;
	v3 =	vcvt.f32.s32 v3  }
0x32c: {  	v11 =	vcvt.f32.s32 v19;
	[tilespmem:s26+$0x0] =	vst v4;
	v2 =	vld.idx.msk [tilespmem:v2+s5+$0x0], $0xffff;
	v14 =	vtrunc.f32 v14;
	v7 =	vadd.f32 $1.280000000e+02, v7  }
0x32d: {  	v4 =	vld.idx.msk [tilespmem:v13+s5+$0x0], $0xffff;
	[tilespmem:s26+$0x20] =	vst v6;
	v6 =	vtrunc.f32 v9;
	v9 =	vcvt.f32.s32 v14  }
0x32e: {  	[tilespmem:s26+$0xFFFFFFE0] =	vst v0;
	v7 =	vtrunc.f32 v7;
	v0 =	vld.idx.msk [tilespmem:v8+s5+$0x0], $0xffff;
	v6 =	vcvt.f32.s32 v6  }
0x32f: {  	[tilespmem:s26+$0xFFFFFFC0] =	vst v5;
	v7 =	vcvt.f32.s32 v7;
	v5 =	vld.idx.msk [tilespmem:v12+s5+$0x0], $0xffff  }
0x330: {  	[tilespmem:s26+$0xFFFFFFD0] =	vst v1;
	v1 =	vld.idx.msk [tilespmem:v10+s5+$0x0], $0xffff  }
0x331: {  	[tilespmem:s26+$0x30] =	vst v2;
	v2 =	vld.idx.msk [tilespmem:v3+s5+$0x0], $0xffff  }
0x332: {  	s25 =	sadd.s32 $0x400, s25;
	[tilespmem:s26+$0x10] =	vst v4;
	v4 =	vld.idx.msk [tilespmem:v11+s5+$0x0], $0xffff  }
0x333: {  	[tilespmem:s25+$0xFFFFFFF0] =	vst v0;
	v0 =	vld.idx.msk [tilespmem:v9+s5+$0x0], $0xffff  }
0x334: {  	[tilespmem:s25+$0x0] =	vst v5;
	v3 =	vld.idx.msk [tilespmem:v6+s5+$0x0], $0xffff  }
0x335: {  	[tilespmem:s25+$0x20] =	vst v1;
	v1 =	vld.idx.msk [tilespmem:v7+s5+$0x0], $0xffff  }
0x336: {  	[tilespmem:s25+$0xFFFFFFC0] =	vst v2  }
0x337: {  	[tilespmem:s25+$0xFFFFFFE0] =	vst v4  }
0x338: {  	[tilespmem:s25+$0xFFFFFFD0] =	vst v0  }
0x339: {  	[tilespmem:s25+$0x10] =	vst v3  }
0x33a: {  	s31 =	simm.s32 $0x41F0;
	[tilespmem:s25+$0x30] =	vst v1  }
0x33b: {  	v0 =	vld [tilespmem:s31+$0x0]  }
0x33c: {  	v1 =	vld [tilespmem:s31+$0xFFFFFFA0]  }
0x33d: {  	v2 =	vld [tilespmem:s31+$0xFFFFFFE0]  }
0x33e: {  	v3 =	vld [tilespmem:s31+$0xFFFFFFB0]  }
0x33f: {  	v4 =	vld [tilespmem:s31+$0xFFFFFFC0]  }
0x340: {  	v5 =	vld [tilespmem:s31+$0xFFFFFFD0]  }
0x341: {  	v6 =	vld [tilespmem:s31+$0xFFFFFF90]  }
0x342: {  	s26 =	simm.s32 $0x45F0;
	v7 =	vld [tilespmem:s31+$0xFFFFFFF0]  }
0x343: {  	v8 =	vld [tilespmem:s26+$0x0]  }
0x344: {  	v9 =	vld [tilespmem:s26+$0xFFFFFFE0]  }
0x345: {  	v10 =	vld [tilespmem:s26+$0xFFFFFFB0]  }
0x346: {  	v11 =	vld [tilespmem:s26+$0xFFFFFFC0];
	_ =	sdelay $0x1  }
0x347: {  	v0 =	vmax.f32 v0, $-1.000000000e+00;
	v2 =	vmax.f32 v2, $-1.000000000e+00;
	v3 =	vmax.f32 v3, $-1.000000000e+00  }
0x348: {  	v4 =	vmax.f32 v4, $-1.000000000e+00;
	v5 =	vmax.f32 v5, $-1.000000000e+00;
	v1 =	vmax.f32 v1, $-1.000000000e+00  }
0x349: {  	v6 =	vmax.f32 v6, $-1.000000000e+00;
	v7 =	vmax.f32 v7, $-1.000000000e+00;
	v8 =	vmax.f32 v8, $-1.000000000e+00  }
0x34a: {  	v9 =	vmax.f32 v9, $-1.000000000e+00;
	v11 =	vmax.f32 v11, $-1.000000000e+00;
	v10 =	vmax.f32 v10, $-1.000000000e+00  }
0x34b: {  	v0 =	vmin.f32 v0, $1.000000000e+00;
	v2 =	vmin.f32 v2, $1.000000000e+00;
	v3 =	vmin.f32 v3, $1.000000000e+00  }
0x34c: {  	v4 =	vmin.f32 v4, $1.000000000e+00;
	v1 =	vmin.f32 v1, $1.000000000e+00;
	v5 =	vmin.f32 v5, $1.000000000e+00  }
0x34d: {  	v12 =	vld [tilespmem:s26+$0xFFFFFFD0];
	v6 =	vmin.f32 v6, $1.000000000e+00;
	v8 =	vmin.f32 v8, $1.000000000e+00;
	v0 =	vmul.f32 $1.275000000e+02, v0  }
0x34e: {  	v7 =	vmin.f32 v7, $1.000000000e+00;
	v2 =	vmul.f32 $1.275000000e+02, v2;
	v3 =	vmul.f32 $1.275000000e+02, v3  }
0x34f: {  	v9 =	vmin.f32 v9, $1.000000000e+00;
	v1 =	vmul.f32 $1.275000000e+02, v1;
	v4 =	vmul.f32 $1.275000000e+02, v4  }
0x350: {  	v6 =	vmul.f32 $1.275000000e+02, v6;
	v5 =	vmul.f32 $1.275000000e+02, v5;
	v2 =	vadd.f32 $1.280000000e+02, v2  }
0x351: {  	v8 =	vmul.f32 $1.275000000e+02, v8;
	v9 =	vmul.f32 $1.275000000e+02, v9;
	v3 =	vadd.f32 $1.280000000e+02, v3  }
0x352: {  	v12 =	vmax.f32 v12, $-1.000000000e+00;
	v7 =	vmul.f32 $1.275000000e+02, v7;
	v2 =	vtrunc.f32 v2  }
0x353: {  	s31 =	simm.s32 $0x49F0;
	v12 =	vmin.f32 v12, $1.000000000e+00;
	v3 =	vtrunc.f32 v3;
	v2 =	vcvt.f32.s32 v2  }
0x354: {  	v17 =	vld [tilespmem:s31+$0x0];
	v0 =	vadd.f32 $1.280000000e+02, v0;
	v1 =	vadd.f32 $1.280000000e+02, v1;
	v3 =	vcvt.f32.s32 v3  }
0x355: {  	v23 =	vmul.f32 $1.275000000e+02, v12;
	v4 =	vadd.f32 $1.280000000e+02, v4;
	v6 =	vadd.f32 $1.280000000e+02, v6  }
0x356: {  	v13 =	vld [tilespmem:s26+$0xFFFFFFA0];
	v5 =	vadd.f32 $1.280000000e+02, v5;
	v0 =	vtrunc.f32 v0;
	v1 =	vtrunc.f32 v1  }
0x357: {  	v14 =	vld [tilespmem:s26+$0xFFFFFF90];
	v9 =	vadd.f32 $1.280000000e+02, v9;
	v4 =	vtrunc.f32 v4;
	v0 =	vcvt.f32.s32 v0  }
0x358: {  	v18 =	vld [tilespmem:s31+$0xFFFFFFB0];
	v7 =	vadd.f32 $1.280000000e+02, v7;
	v5 =	vtrunc.f32 v5;
	v6 =	vtrunc.f32 v6  }
0x359: {  	v12 =	vmax.f32 v17, $-1.000000000e+00;
	v9 =	vtrunc.f32 v9;
	v1 =	vcvt.f32.s32 v1;
	v15 =	vld.idx.msk [tilespmem:v2+s5+$0x0], $0xffff  }
0x35a: {  	v7 =	vtrunc.f32 v7;
	v4 =	vcvt.f32.s32 v4;
	v2 =	vmin.f32 v10, $1.000000000e+00;
	v20 =	vld.idx.msk [tilespmem:v3+s5+$0x0], $0xffff  }
0x35b: {  	v10 =	vmin.f32 v11, $1.000000000e+00;
	v11 =	vmax.f32 v13, $-1.000000000e+00;
	v3 =	vld [tilespmem:s31+$0xFFFFFFE0];
	v2 =	vmul.f32 $1.275000000e+02, v2  }
0x35c: {  	v19 =	vcvt.f32.s32 v9;
	v13 =	vld [tilespmem:s26+$0xFFFFFFF0];
	v11 =	vmin.f32 v11, $1.000000000e+00;
	v10 =	vmul.f32 $1.275000000e+02, v10  }
0x35d: {  	v16 =	vld.idx.msk [tilespmem:v0+s5+$0x0], $0xffff;
	v11 =	vmul.f32 $1.275000000e+02, v11;
	v0 =	vadd.f32 $1.280000000e+02, v2;
	v2 =	vadd.f32 $1.280000000e+02, v8  }
0x35e: {  	v21 =	vld [tilespmem:s31+$0xFFFFFFD0];
	v63 =	vadd.f32 $1.280000000e+02, v23;
	v5 =	vcvt.f32.s32 v5;
	v7 =	vcvt.f32.s32 v7  }
0x35f: {  	v17 =	vld.idx.msk [tilespmem:v1+s5+$0x0], $0xffff;
	v10 =	vadd.f32 $1.280000000e+02, v10;
	v11 =	vadd.f32 $1.280000000e+02, v11;
	v9 =	vtrunc.f32 v2  }
0x360: {  	v8 =	vld [tilespmem:s31+$0xFFFFFFA0];
	v2 =	vmax.f32 v14, $-1.000000000e+00;
	v0 =	vtrunc.f32 v0;
	v3 =	vmax.f32 v3, $-1.000000000e+00  }
0x361: {  	v14 =	vld [tilespmem:s31+$0xFFFFFFC0];
	v2 =	vmin.f32 v2, $1.000000000e+00;
	v0 =	vcvt.f32.s32 v0;
	v25 =	vcvt.f32.s32 v9  }
0x362: {  	v9 =	vld.idx.msk [tilespmem:v4+s5+$0x0], $0xffff;
	v22 =	vmul.f32 $1.275000000e+02, v2;
	v2 =	vmax.f32 v13, $-1.000000000e+00;
	v13 =	vcvt.f32.s32 v6  }
0x363: {  	v24 =	vtrunc.f32 v11;
	v3 =	vmin.f32 v3, $1.000000000e+00;
	v4 =	vld.idx.msk [tilespmem:v19+s5+$0x0], $0xffff;
	v19 =	vtrunc.f32 v63  }
0x364: {  	v1 =	vld [tilespmem:s31+$0xFFFFFF90];
	v6 =	vmin.f32 v12, $1.000000000e+00;
	v26 =	vmul.f32 $1.275000000e+02, v3;
	v3 =	vmax.f32 v18, $-1.000000000e+00  }
0x365: {  	s28 =	simm.s32 $0xC1F0;
	v12 =	vmin.f32 v2, $1.000000000e+00;
	v2 =	vld.idx.msk [tilespmem:v5+s5+$0x0], $0xffff;
	v11 =	vmul.f32 $1.275000000e+02, v6;
	v6 =	vtrunc.f32 v10  }
0x366: {  	[tilespmem:s28+$0x0] =	vst v16;
	v5 =	vld.idx.msk [tilespmem:v7+s5+$0x0], $0xffff;
	v16 =	vmin.f32 v3, $1.000000000e+00;
	v3 =	vcvt.f32.s32 v24;
	v10 =	vmax.f32 v14, $-1.000000000e+00  }
0x367: {  	[tilespmem:s28+$0xFFFFFFE0] =	vst v15;
	v8 =	vmax.f32 v8, $-1.000000000e+00;
	v22 =	vadd.f32 $1.280000000e+02, v22;
	v15 =	vmin.f32 v10, $1.000000000e+00;
	v10 =	vld [tilespmem:s31+$0xFFFFFFF0]  }
0x368: {  	s29 =	simm.s32 $0x100;
	[tilespmem:s28+$0xFFFFFFA0] =	vst v17;
	v12 =	vmul.f32 $1.275000000e+02, v12;
	v18 =	vmul.f32 $1.275000000e+02, v16;
	v17 =	vmin.f32 v8, $1.000000000e+00;
	v7 =	vld.idx.msk [tilespmem:v13+s5+$0x0], $0xffff  }
0x369: {  	s30 =	simm.s32 $0x4DF0;
	s25 =	simm.s32 $0xC5F0;
	s26 =	simm.s32 $0xC5F0;
	[tilespmem:s28+$0xFFFFFFB0] =	vst v20;
	v16 =	vadd.f32 $1.280000000e+02, v26;
	v14 =	vmax.f32 v21, $-1.000000000e+00;
	v8 =	vld.idx.msk [tilespmem:v25+s5+$0x0], $0xffff;
	v13 =	vtrunc.f32 v22  }
.LBB2_55:
0x36a: {  	v20 =	vld [tilespmem:s30+$0x0];
	s29 =	sadd.s32 $0x80, s29;
	v18 =	vadd.f32 $1.280000000e+02, v18;
	v11 =	vadd.f32 $1.280000000e+02, v11;
	v19 =	vcvt.f32.s32 v19;
	s25 =	sadd.s32 $0x400, s25;
	[tilespmem:s28+$0xFFFFFFC0] =	vst v9  }
0x36b: {  	v9 =	vmul.f32 $1.275000000e+02, v17;
	v15 =	vmul.f32 $1.275000000e+02, v15;
	v14 =	vmin.f32 v14, $1.000000000e+00;
	v21 =	vld [tilespmem:s30+$0xFFFFFFA0];
	p0 =	slt.u32 s29, $0x780;
	[tilespmem:s28+$0xFFFFFFD0] =	vst v2  }
0x36c: {  	v2 =	vtrunc.f32 v16;
	v16 =	vcvt.f32.s32 v6;
	v6 =	vadd.f32 $1.280000000e+02, v12;
	v17 =	vld [tilespmem:s30+$0xFFFFFFB0];
	[tilespmem:s28+$0xFFFFFFF0] =	vst v5  }
0x36d: {  	v5 =	vadd.f32 $1.280000000e+02, v9;
	v22 =	vcvt.f32.s32 v2;
	v9 =	vtrunc.f32 v11;
	v12 =	vld.idx.msk [tilespmem:v0+s5+$0x0], $0xffff;
	[tilespmem:s28+$0xFFFFFF90] =	vst v7;
	s28 =	smov.u32 s26;
	s26 =	smov.u32 s25  }
0x36e: {  	v0 =	vmax.f32 v1, $-1.000000000e+00;
	v1 =	vtrunc.f32 v18;
	v2 =	vtrunc.f32 v6;
	v7 =	vld [tilespmem:s30+$0xFFFFFFE0];
	[tilespmem:s28+$0xFFFFFFE0] =	vst v4  }
0x36f: {  	v6 =	vmin.f32 v0, $1.000000000e+00;
	v0 =	vcvt.f32.s32 v1;
	v18 =	vcvt.f32.s32 v2;
	v4 =	vld [tilespmem:s30+$0xFFFFFFC0];
	[tilespmem:s28+$0x0] =	vst v8  }
0x370: {  	v23 =	vmul.f32 $1.275000000e+02, v14;
	v1 =	vmax.f32 v10, $-1.000000000e+00;
	v6 =	vmul.f32 $1.275000000e+02, v6;
	v8 =	vld [tilespmem:s30+$0xFFFFFFD0]  }
0x371: {  	v13 =	vcvt.f32.s32 v13;
	v10 =	vadd.f32 $1.280000000e+02, v15;
	v2 =	vmax.f32 v20, $-1.000000000e+00;
	v20 =	vld.idx.msk [tilespmem:v3+s5+$0x0], $0xffff  }
0x372: {  	v24 =	vtrunc.f32 v5;
	v5 =	vmin.f32 v1, $1.000000000e+00;
	v3 =	vmin.f32 v2, $1.000000000e+00;
	v2 =	vld.idx.msk [tilespmem:v19+s5+$0x0], $0xffff  }
0x373: {  	v25 =	vcvt.f32.s32 v9;
	v11 =	vmul.f32 $1.275000000e+02, v3;
	v1 =	vld [tilespmem:s30+$0xFFFFFF90];
	v7 =	vmax.f32 v7, $-1.000000000e+00;
	[tilespmem:s28+$0xFFFFFFB0] =	vst v12  }
0x374: {  	v26 =	vadd.f32 $1.280000000e+02, v6;
	v6 =	vtrunc.f32 v10;
	v3 =	vmin.f32 v7, $1.000000000e+00;
	v9 =	vld.idx.msk [tilespmem:v16+s5+$0x0], $0xffff  }
.Ltmp32:
0x375: {  	v12 =	vmul.f32 $1.275000000e+02, v5;
	v7 =	vmax.f32 v4, $-1.000000000e+00;
	v16 =	vmul.f32 $1.275000000e+02, v3;
	v5 =	vld.idx.msk [tilespmem:v18+s5+$0x0], $0xffff;
	(pc) =	sbr.rel @p0 .LBB2_55-.Ltmp32, $4  }
0x376: {  	v3 =	vmax.f32 v17, $-1.000000000e+00;
	v14 =	vmax.f32 v8, $-1.000000000e+00;
	v8 =	vadd.f32 $1.280000000e+02, v23;
	v4 =	vld.idx.msk [tilespmem:v22+s5+$0x0], $0xffff  }
0x377: {  	v15 =	vmin.f32 v7, $1.000000000e+00;
	v10 =	vmin.f32 v3, $1.000000000e+00;
	v3 =	vcvt.f32.s32 v24;
	v7 =	vld.idx.msk [tilespmem:v13+s5+$0x0], $0xffff;
	[tilespmem:s28+$0xFFFFFFA0] =	vst v20  }
0x378: {  	v13 =	vmax.f32 v21, $-1.000000000e+00;
	v18 =	vmul.f32 $1.275000000e+02, v10;
	v19 =	vtrunc.f32 v8;
	v10 =	vld [tilespmem:s30+$0xFFFFFFF0]  }
0x379: {  	v16 =	vadd.f32 $1.280000000e+02, v16;
	v17 =	vmin.f32 v13, $1.000000000e+00;
	s30 =	sadd.s32 $0x400, s30;
	v13 =	vtrunc.f32 v26;
	v8 =	vld.idx.msk [tilespmem:v25+s5+$0x0], $0xffff  }
0x37a: {  	v18 =	vadd.f32 $1.280000000e+02, v18  }
0x37b: {  	v11 =	vadd.f32 $1.280000000e+02, v11;
	v19 =	vcvt.f32.s32 v19;
	v17 =	vmul.f32 $1.275000000e+02, v17  }
0x37c: {  	v15 =	vmul.f32 $1.275000000e+02, v15;
	v12 =	vadd.f32 $1.280000000e+02, v12;
	v16 =	vtrunc.f32 v16  }
0x37d: {  	v14 =	vmin.f32 v14, $1.000000000e+00;
	v6 =	vcvt.f32.s32 v6;
	v16 =	vcvt.f32.s32 v16  }
0x37e: {  	v1 =	vmax.f32 v1, $-1.000000000e+00;
	v11 =	vtrunc.f32 v11;
	v12 =	vtrunc.f32 v12  }
0x37f: {  	v1 =	vmin.f32 v1, $1.000000000e+00;
	v18 =	vtrunc.f32 v18;
	v12 =	vcvt.f32.s32 v12  }
0x380: {  	[tilespmem:s28+$0xFFFFFFC0] =	vst v9;
	v1 =	vmul.f32 $1.275000000e+02, v1;
	v9 =	vmax.f32 v10, $-1.000000000e+00;
	v10 =	vcvt.f32.s32 v13  }
0x381: {  	[tilespmem:s28+$0xFFFFFFD0] =	vst v2;
	v0 =	vld.idx.msk [tilespmem:v0+s5+$0x0], $0xffff;
	v17 =	vadd.f32 $1.280000000e+02, v17;
	v2 =	vcvt.f32.s32 v18;
	v13 =	vmul.f32 $1.275000000e+02, v14  }
0x382: {  	[tilespmem:s28+$0xFFFFFFF0] =	vst v5;
	v3 =	vld.idx.msk [tilespmem:v3+s5+$0x0], $0xffff;
	v11 =	vcvt.f32.s32 v11;
	v9 =	vmin.f32 v9, $1.000000000e+00;
	v1 =	vadd.f32 $1.280000000e+02, v1  }
0x383: {  	v5 =	vadd.f32 $1.280000000e+02, v15;
	[tilespmem:s28+$0xFFFFFF90] =	vst v7;
	v7 =	vtrunc.f32 v17;
	v9 =	vmul.f32 $1.275000000e+02, v9;
	v6 =	vld.idx.msk [tilespmem:v6+s5+$0x0], $0xffff  }
0x384: {  	[tilespmem:s26+$0xFFFFFFE0] =	vst v4;
	v13 =	vadd.f32 $1.280000000e+02, v13;
	v7 =	vcvt.f32.s32 v7;
	v4 =	vld.idx.msk [tilespmem:v19+s5+$0x0], $0xffff;
	v1 =	vtrunc.f32 v1  }
0x385: {  	v5 =	vtrunc.f32 v5;
	[tilespmem:s26+$0x0] =	vst v8;
	v9 =	vadd.f32 $1.280000000e+02, v9;
	v1 =	vcvt.f32.s32 v1;
	v8 =	vld.idx.msk [tilespmem:v12+s5+$0x0], $0xffff  }
0x386: {  	v5 =	vcvt.f32.s32 v5;
	[tilespmem:s26+$0xFFFFFFB0] =	vst v0;
	v12 =	vtrunc.f32 v13;
	v0 =	vld.idx.msk [tilespmem:v10+s5+$0x0], $0xffff  }
0x387: {  	[tilespmem:s26+$0xFFFFFFA0] =	vst v3;
	v9 =	vtrunc.f32 v9;
	v2 =	vld.idx.msk [tilespmem:v2+s5+$0x0], $0xffff;
	v10 =	vcvt.f32.s32 v12  }
0x388: {  	v12 =	vld.idx.msk [tilespmem:v16+s5+$0x0], $0xffff;
	v3 =	vcvt.f32.s32 v9;
	[tilespmem:s26+$0xFFFFFFC0] =	vst v6  }
0x389: {  	v9 =	vld.idx.msk [tilespmem:v11+s5+$0x0], $0xffff;
	[tilespmem:s26+$0xFFFFFFD0] =	vst v4  }
0x38a: {  	v4 =	vld.idx.msk [tilespmem:v7+s5+$0x0], $0xffff;
	[tilespmem:s26+$0xFFFFFFF0] =	vst v8  }
0x38b: {  	s25 =	sadd.s32 $0x400, s25;
	v1 =	vld.idx.msk [tilespmem:v1+s5+$0x0], $0xffff;
	[tilespmem:s26+$0xFFFFFF90] =	vst v0  }
0x38c: {  	v0 =	vld.idx.msk [tilespmem:v5+s5+$0x0], $0xffff;
	[tilespmem:s25+$0xFFFFFFB0] =	vst v2  }
0x38d: {  	[tilespmem:s25+$0xFFFFFFE0] =	vst v12;
	v5 =	vld.idx.msk [tilespmem:v10+s5+$0x0], $0xffff  }
0x38e: {  	[tilespmem:s25+$0x0] =	vst v9;
	v3 =	vld.idx.msk [tilespmem:v3+s5+$0x0], $0xffff  }
0x38f: {  	[tilespmem:s25+$0xFFFFFFA0] =	vst v4  }
0x390: {  	[tilespmem:s25+$0xFFFFFF90] =	vst v1  }
0x391: {  	[tilespmem:s25+$0xFFFFFFC0] =	vst v0  }
0x392: {  	[tilespmem:s25+$0xFFFFFFD0] =	vst v5  }
0x393: {  	s31 =	simm.s32 $0x4270;
	[tilespmem:s25+$0xFFFFFFF0] =	vst v3  }
0x394: {  	v0 =	vld [tilespmem:s31+$0xFFFFFFB0]  }
0x395: {  	v1 =	vld [tilespmem:s31+$0xFFFFFFA0]  }
0x396: {  	v2 =	vld [tilespmem:s31+$0xFFFFFFC0]  }
0x397: {  	v6 =	vld [tilespmem:s31+$0xFFFFFFF0]  }
0x398: {  	p1 =	por $0x1, $0x1  }
.Ltmp33:
0x399: {  	_ = 	snop;
	(pc) =	sbr.rel @!p1 .LBB2_57-.Ltmp33, $4  }
0x39a: {  	v5 =	vld [tilespmem:s31+$0xFFFFFF90]  }
0x39b: {  	v3 =	vld [tilespmem:s31+$0xFFFFFFD0];
	v0 =	vmax.f32 v0, $-1.000000000e+00;
	v2 =	vmax.f32 v2, $-1.000000000e+00;
	v1 =	vmax.f32 v1, $-1.000000000e+00  }
0x39c: {  	p2 =	por $0x0, $0x0;
	v4 =	vld [tilespmem:s31+$0x0];
	v0 =	vmin.f32 v0, $1.000000000e+00;
	v7 =	vmin.f32 v2, $1.000000000e+00;
	v2 =	vmax.f32 v6, $-1.000000000e+00  }
0x39d: {  	p0 =	por $0x0, $0x0;
	s26 =	simm.s32 $0x4670;
	s25 =	simm.s32 $0xC270;
	v8 =	vld [tilespmem:s31+$0xFFFFFFE0];
	v16 =	vmin.f32 v1, $1.000000000e+00;
	v15 =	vmul.f32 $1.275000000e+02, v0;
	v17 =	vmin.f32 v2, $1.000000000e+00  }
0x39e: {  	_ = 	snop  }
0x39f: {  	v2 =	vmul.f32 $1.275000000e+02, v16;
	v6 =	vmul.f32 $1.275000000e+02, v7;
	v1 =	vmax.f32 v5, $-1.000000000e+00  }
0x3a0: {  	v10 =	vld [tilespmem:s26+$0xFFFFFFB0];
	v0 =	vadd.f32 $1.280000000e+02, v15;
	v5 =	vmul.f32 $1.275000000e+02, v17;
	v1 =	vmin.f32 v1, $1.000000000e+00  }
0x3a1: {  	v12 =	vld [tilespmem:s26+$0xFFFFFFA0];
	v3 =	vmax.f32 v3, $-1.000000000e+00;
	v2 =	vadd.f32 $1.280000000e+02, v2;
	v6 =	vadd.f32 $1.280000000e+02, v6  }
0x3a2: {  	v13 =	vld [tilespmem:s26+$0xFFFFFFF0];
	v0 =	vtrunc.f32 v0;
	v1 =	vmul.f32 $1.275000000e+02, v1;
	v3 =	vmin.f32 v3, $1.000000000e+00  }
0x3a3: {  	v4 =	vmax.f32 v4, $-1.000000000e+00;
	v7 =	vmax.f32 v8, $-1.000000000e+00;
	v0 =	vcvt.f32.s32 v0  }
0x3a4: {  	v2 =	vtrunc.f32 v2;
	v4 =	vmin.f32 v4, $1.000000000e+00;
	v3 =	vmul.f32 $1.275000000e+02, v3  }
0x3a5: {  	v8 =	vld [tilespmem:s26+$0xFFFFFFC0];
	v9 =	vadd.f32 $1.280000000e+02, v1;
	v2 =	vcvt.f32.s32 v2;
	v1 =	vadd.f32 $1.280000000e+02, v5  }
0x3a6: {  	v4 =	vmul.f32 $1.275000000e+02, v4;
	v5 =	vtrunc.f32 v6;
	v7 =	vmin.f32 v7, $1.000000000e+00  }
0x3a7: {  	p3 =	por $0x1, $0x1;
	v14 =	vmax.f32 v10, $-1.000000000e+00;
	v12 =	vmax.f32 v12, $-1.000000000e+00;
	v13 =	vmax.f32 v13, $-1.000000000e+00  }
.Ltmp34:
0x3a8: {  	v6 =	vcvt.f32.s32 v5;
	v7 =	vmul.f32 $1.275000000e+02, v7;
	v5 =	vld [tilespmem:s26+$0xFFFFFF90];
	v4 =	vadd.f32 $1.280000000e+02, v4;
	(pc) =	sbr.rel @!p3 .LBB2_59-.Ltmp34, $4  }
0x3a9: {  	v11 =	vadd.f32 $1.280000000e+02, v3;
	v3 =	vld [tilespmem:s26+$0xFFFFFFD0];
	v14 =	vmin.f32 v14, $1.000000000e+00;
	v16 =	vmin.f32 v12, $1.000000000e+00  }
0x3aa: {  	v18 =	vadd.f32 $1.280000000e+02, v7;
	v8 =	vmax.f32 v8, $-1.000000000e+00;
	v10 =	vtrunc.f32 v4;
	v4 =	vld [tilespmem:s26+$0x0]  }
0x3ab: {  	v9 =	vtrunc.f32 v9;
	v15 =	vmul.f32 $1.275000000e+02, v14;
	v7 =	vmin.f32 v8, $1.000000000e+00;
	v8 =	vld [tilespmem:s26+$0xFFFFFFE0]  }
0x3ac: {  	s28 =	simm.s32 $0x4A70;
	p2 =	por $0x1, $0x1;
	v17 =	vmin.f32 v13, $1.000000000e+00;
	v11 =	vtrunc.f32 v11;
	v18 =	vtrunc.f32 v18;
	v2 =	vld.idx.msk [tilespmem:v2+s5+$0x0], $0xffff  }
0x3ad: {  	_ = 	snop  }
0x3ae: {  	v13 =	vmul.f32 $1.275000000e+02, v17  }
0x3af: {  	v14 =	vld [tilespmem:s28+$0xFFFFFFB0];
	v5 =	vmax.f32 v5, $-1.000000000e+00;
	v9 =	vcvt.f32.s32 v9;
	v7 =	vmul.f32 $1.275000000e+02, v7  }
0x3b0: {  	v12 =	vadd.f32 $1.280000000e+02, v15;
	v17 =	vld [tilespmem:s28+$0xFFFFFFA0];
	v10 =	vcvt.f32.s32 v10;
	v11 =	vcvt.f32.s32 v11  }
0x3b1: {  	v19 =	vld.idx.msk [tilespmem:v0+s5+$0x0], $0xffff;
	v1 =	vtrunc.f32 v1;
	v15 =	vmin.f32 v5, $1.000000000e+00;
	v5 =	vmul.f32 $1.275000000e+02, v16  }
0x3b2: {  	v16 =	vld.idx.msk [tilespmem:v6+s5+$0x0], $0xffff;
	v6 =	vcvt.f32.s32 v18;
	v22 =	vcvt.f32.s32 v1  }
0x3b3: {  	v20 =	vld [tilespmem:s28+$0xFFFFFFC0];
	v3 =	vmax.f32 v3, $-1.000000000e+00;
	v12 =	vtrunc.f32 v12;
	v15 =	vmul.f32 $1.275000000e+02, v15  }
0x3b4: {  	v24 =	vld [tilespmem:s28+$0xFFFFFFF0];
	v7 =	vadd.f32 $1.280000000e+02, v7;
	v4 =	vmax.f32 v4, $-1.000000000e+00;
	v1 =	vadd.f32 $1.280000000e+02, v13  }
0x3b5: {  	v18 =	vadd.f32 $1.280000000e+02, v5;
	v5 =	vld [tilespmem:s28+$0xFFFFFF90];
	v8 =	vmax.f32 v8, $-1.000000000e+00;
	v0 =	vcvt.f32.s32 v12  }
0x3b6: {  	v12 =	vmin.f32 v3, $1.000000000e+00;
	v3 =	vld [tilespmem:s28+$0xFFFFFFD0];
	v4 =	vmin.f32 v4, $1.000000000e+00;
	v15 =	vadd.f32 $1.280000000e+02, v15  }
0x3b7: {  	v4 =	vmul.f32 $1.275000000e+02, v4;
	v8 =	vmin.f32 v8, $1.000000000e+00;
	v18 =	vtrunc.f32 v18;
	v23 =	vld.idx.msk [tilespmem:v9+s5+$0x0], $0xffff  }
0x3b8: {  	[tilespmem:s25+$0xFFFFFFA0] =	vst v2;
	v8 =	vmul.f32 $1.275000000e+02, v8;
	v2 =	vmax.f32 v17, $-1.000000000e+00;
	v18 =	vcvt.f32.s32 v18;
	v13 =	vld.idx.msk [tilespmem:v11+s5+$0x0], $0xffff  }
0x3b9: {  	p4 =	por $0x1, $0x1;
	v17 =	vmax.f32 v24, $-1.000000000e+00;
	v21 =	vld.idx.msk [tilespmem:v6+s5+$0x0], $0xffff;
	v6 =	vtrunc.f32 v7;
	v7 =	vmul.f32 $1.275000000e+02, v12  }
.Ltmp35:
0x3ba: {  	v25 =	vadd.f32 $1.280000000e+02, v4;
	[tilespmem:s25+$0xFFFFFFC0] =	vst v16;
	v16 =	vmax.f32 v20, $-1.000000000e+00;
	v12 =	vld.idx.msk [tilespmem:v10+s5+$0x0], $0xffff;
	v6 =	vcvt.f32.s32 v6;
	(pc) =	sbr.rel @!p4 .LBB2_61-.Ltmp35, $4  }
0x3bb: {  	v9 =	vtrunc.f32 v15;
	v4 =	vld [tilespmem:s28+$0x0];
	v15 =	vadd.f32 $1.280000000e+02, v7;
	v7 =	vmax.f32 v14, $-1.000000000e+00  }
0x3bc: {  	[tilespmem:s25+$0xFFFFFFB0] =	vst v19;
	v19 =	vadd.f32 $1.280000000e+02, v8;
	v10 =	vtrunc.f32 v25;
	v14 =	vld.idx.msk [tilespmem:v22+s5+$0x0], $0xffff;
	v8 =	vmin.f32 v7, $1.000000000e+00  }
0x3bd: {  	s30 =	simm.s32 $0x100;
	s26 =	simm.s32 $0xC670;
	s31 =	simm.s32 $0x4E70;
	v17 =	vmin.f32 v17, $1.000000000e+00;
	v11 =	vtrunc.f32 v15;
	v15 =	vmul.f32 $1.275000000e+02, v8;
	v8 =	vld [tilespmem:s28+$0xFFFFFFE0];
	[tilespmem:s25+$0xFFFFFF90] =	vst v23  }
0x3be: {  	p3 =	por $0x1, $0x1;
	s29 =	simm.s32 $0xC670;
	v7 =	vmin.f32 v16, $1.000000000e+00;
	v16 =	vmin.f32 v2, $1.000000000e+00;
	s28 =	simm.s32 $0xC270;
	v2 =	vld.idx.msk [tilespmem:v18+s5+$0x0], $0xffff;
	v18 =	vtrunc.f32 v19;
	[tilespmem:s25+$0xFFFFFFE0] =	vst v21  }
.LBB2_62:
0x3bf: {  	v19 =	vld [tilespmem:s31+$0xFFFFFFB0];
	s30 =	sadd.s32 $0x80, s30;
	v5 =	vmax.f32 v5, $-1.000000000e+00;
	v15 =	vadd.f32 $1.280000000e+02, v15;
	v17 =	vmul.f32 $1.275000000e+02, v17;
	s26 =	sadd.s32 $0x400, s26;
	[tilespmem:s28+$0x0] =	vst v12  }
0x3c0: {  	p4 =	slt.u32 s30, $0x780;
	v12 =	vmin.f32 v5, $1.000000000e+00;
	v5 =	vmul.f32 $1.275000000e+02, v16;
	v6 =	vld.idx.msk [tilespmem:v6+s5+$0x0], $0xffff;
	v16 =	vcvt.f32.s32 v18;
	[tilespmem:s28+$0xFFFFFFD0] =	vst v13  }
0x3c1: {  	v3 =	vmax.f32 v3, $-1.000000000e+00;
	v9 =	vcvt.f32.s32 v9;
	v18 =	vld [tilespmem:s31+$0xFFFFFFA0];
	v13 =	vtrunc.f32 v15  }
0x3c2: {  	v7 =	vmul.f32 $1.275000000e+02, v7;
	v10 =	vcvt.f32.s32 v10;
	v15 =	vadd.f32 $1.280000000e+02, v5;
	v20 =	vld.idx.msk [tilespmem:v0+s5+$0x0], $0xffff;
	[tilespmem:s28+$0xFFFFFFF0] =	vst v14;
	s28 =	smov.u32 s29;
	s29 =	smov.u32 s26  }
0x3c3: {  	v11 =	vcvt.f32.s32 v11;
	v12 =	vmul.f32 $1.275000000e+02, v12;
	v8 =	vmax.f32 v8, $-1.000000000e+00;
	v5 =	vld [tilespmem:s31+$0xFFFFFF90]  }
0x3c4: {  	v7 =	vadd.f32 $1.280000000e+02, v7;
	v0 =	vcvt.f32.s32 v13;
	v13 =	vmin.f32 v3, $1.000000000e+00;
	v14 =	vld [tilespmem:s31+$0xFFFFFFC0]  }
0x3c5: {  	v1 =	vtrunc.f32 v1;
	v4 =	vmax.f32 v4, $-1.000000000e+00;
	v15 =	vtrunc.f32 v15;
	v3 =	vld [tilespmem:s31+$0xFFFFFFD0]  }
0x3c6: {  	v4 =	vmin.f32 v4, $1.000000000e+00;
	v21 =	vadd.f32 $1.280000000e+02, v12;
	[tilespmem:s28+$0xFFFFFFC0] =	vst v6;
	v22 =	vld.idx.msk [tilespmem:v16+s5+$0x0], $0xffff;
	v16 =	vcvt.f32.s32 v1  }
0x3c7: {  	v4 =	vmul.f32 $1.275000000e+02, v4;
	v23 =	vcvt.f32.s32 v15;
	v1 =	vadd.f32 $1.280000000e+02, v17;
	v17 =	vld.idx.msk [tilespmem:v9+s5+$0x0], $0xffff  }
0x3c8: {  	v8 =	vmin.f32 v8, $1.000000000e+00;
	v6 =	vtrunc.f32 v7;
	v7 =	vmul.f32 $1.275000000e+02, v13;
	v24 =	vld [tilespmem:s31+$0xFFFFFFF0];
	[tilespmem:s28+$0xFFFFFFB0] =	vst v20  }
0x3c9: {  	v8 =	vmul.f32 $1.275000000e+02, v8;
	v15 =	vadd.f32 $1.280000000e+02, v4;
	v6 =	vcvt.f32.s32 v6;
	v12 =	vld.idx.msk [tilespmem:v10+s5+$0x0], $0xffff  }
.Ltmp36:
0x3ca: {  	v9 =	vtrunc.f32 v21;
	v20 =	vadd.f32 $1.280000000e+02, v7;
	v14 =	vmax.f32 v14, $-1.000000000e+00;
	v13 =	vld.idx.msk [tilespmem:v11+s5+$0x0], $0xffff;
	(pc) =	sbr.rel @p4 .LBB2_62-.Ltmp36, $4  }
0x3cb: {  	v7 =	vmax.f32 v19, $-1.000000000e+00;
	v19 =	vadd.f32 $1.280000000e+02, v8;
	v10 =	vtrunc.f32 v15;
	v4 =	vld [tilespmem:s31+$0x0]  }
0x3cc: {  	v8 =	vmin.f32 v7, $1.000000000e+00;
	v7 =	vmin.f32 v14, $1.000000000e+00;
	v11 =	vtrunc.f32 v20;
	[tilespmem:s28+$0xFFFFFFA0] =	vst v2;
	v14 =	vld.idx.msk [tilespmem:v16+s5+$0x0], $0xffff  }
0x3cd: {  	v15 =	vmul.f32 $1.275000000e+02, v8;
	v2 =	vmax.f32 v18, $-1.000000000e+00;
	v8 =	vld [tilespmem:s31+$0xFFFFFFE0];
	v18 =	vmax.f32 v24, $-1.000000000e+00;
	[tilespmem:s28+$0xFFFFFF90] =	vst v17  }
0x3ce: {  	v16 =	vmin.f32 v2, $1.000000000e+00;
	s31 =	sadd.s32 $0x400, s31;
	v17 =	vmin.f32 v18, $1.000000000e+00;
	v2 =	vld.idx.msk [tilespmem:v23+s5+$0x0], $0xffff;
	v18 =	vtrunc.f32 v19;
	[tilespmem:s28+$0xFFFFFFE0] =	vst v22  }
.LBB2_63:
0x3cf: {  	v17 =	vmul.f32 $1.275000000e+02, v17  }
0x3d0: {  	v15 =	vadd.f32 $1.280000000e+02, v15;
	v16 =	vmul.f32 $1.275000000e+02, v16;
	v18 =	vcvt.f32.s32 @p2 v18  }
0x3d1: {  	v5 =	vmax.f32 v5, $-1.000000000e+00;
	v9 =	vcvt.f32.s32 @p2 v9;
	v7 =	vmul.f32 $1.275000000e+02, v7  }
0x3d2: {  	v3 =	vmax.f32 v3, $-1.000000000e+00;
	v10 =	vcvt.f32.s32 @p2 v10;
	v11 =	vcvt.f32.s32 @p2 v11  }
0x3d3: {  	v1 =	vtrunc.f32 @p2 v1;
	v5 =	vmin.f32 v5, $1.000000000e+00;
	v3 =	vmin.f32 v3, $1.000000000e+00  }
0x3d4: {  	v4 =	vmax.f32 v4, $-1.000000000e+00;
	v1 =	vcvt.f32.s32 @p2 v1;
	v15 =	vtrunc.f32 v15  }
0x3d5: {  	v6 =	vld.idx.msk @p2 [tilespmem:v6+s5+$0x0], $0xffff;
	v16 =	vadd.f32 $1.280000000e+02, v16;
	v5 =	vmul.f32 $1.275000000e+02, v5;
	v7 =	vadd.f32 $1.280000000e+02, v7  }
0x3d6: {  	v0 =	vld.idx.msk @p2 [tilespmem:v0+s5+$0x0], $0xffff;
	v4 =	vmin.f32 v4, $1.000000000e+00;
	v3 =	vmul.f32 $1.275000000e+02, v3;
	v8 =	vmax.f32 v8, $-1.000000000e+00  }
0x3d7: {  	[tilespmem:s28+$0x0] =	vst @p3 v12;
	v4 =	vmul.f32 $1.275000000e+02, v4;
	v8 =	vmin.f32 v8, $1.000000000e+00;
	v7 =	vtrunc.f32 v7  }
0x3d8: {  	[tilespmem:s28+$0xFFFFFFD0] =	vst @p3 v13;
	v5 =	vadd.f32 $1.280000000e+02, v5;
	v8 =	vmul.f32 $1.275000000e+02, v8;
	v7 =	vcvt.f32.s32 v7;
	v12 =	vld.idx.msk @p2 [tilespmem:v18+s5+$0x0], $0xffff  }
0x3d9: {  	[tilespmem:s28+$0xFFFFFFF0] =	vst @p3 v14;
	s28 =	smov.u32 @p2 s29;
	v15 =	vcvt.f32.s32 v15;
	v13 =	vtrunc.f32 v16;
	v4 =	vadd.f32 $1.280000000e+02, v4;
	v9 =	vld.idx.msk @p2 [tilespmem:v9+s5+$0x0], $0xffff  }
0x3da: {  	v13 =	vcvt.f32.s32 v13;
	[tilespmem:s28+$0xFFFFFFC0] =	vst @p2 v6;
	v10 =	vld.idx.msk @p2 [tilespmem:v10+s5+$0x0], $0xffff;
	v5 =	vtrunc.f32 v5;
	v8 =	vadd.f32 $1.280000000e+02, v8  }
0x3db: {  	v3 =	vadd.f32 $1.280000000e+02, v3;
	[tilespmem:s28+$0xFFFFFFB0] =	vst @p2 v0;
	v6 =	vld.idx.msk @p2 [tilespmem:v11+s5+$0x0], $0xffff;
	v5 =	vcvt.f32.s32 v5;
	v0 =	vtrunc.f32 v4  }
0x3dc: {  	v11 =	vadd.f32 $1.280000000e+02, v17;
	v1 =	vld.idx.msk @p2 [tilespmem:v1+s5+$0x0], $0xffff;
	v0 =	vcvt.f32.s32 v0;
	v8 =	vtrunc.f32 v8  }
0x3dd: {  	[tilespmem:s28+$0xFFFFFFA0] =	vst @p2 v2;
	v3 =	vtrunc.f32 v3;
	v4 =	vcvt.f32.s32 v8  }
0x3de: {  	v3 =	vcvt.f32.s32 v3;
	[tilespmem:s28+$0xFFFFFF90] =	vst @p2 v9;
	v2 =	vld.idx.msk [tilespmem:v7+s5+$0x0], $0xffff;
	v7 =	vtrunc.f32 v11  }
0x3df: {  	[tilespmem:s28+$0xFFFFFFE0] =	vst @p2 v12;
	v8 =	vpsel p2, v10, v0;
	s28 =	smov.u32 @p2 s28;
	v9 =	vld.idx.msk [tilespmem:v15+s5+$0x0], $0xffff;
	v7 =	vcvt.f32.s32 v7  }
0x3e0: {  	v10 =	vld.idx.msk [tilespmem:v13+s5+$0x0], $0xffff;
	v6 =	vpsel p2, v6, v0;
	[tilespmem:s28+$0x0] =	vst @p2 v8  }
0x3e1: {  	s26 =	sadd.s32 @p2 $0x400, s26;
	v1 =	vpsel p2, v1, v0;
	[tilespmem:s28+$0xFFFFFFD0] =	vst @p2 v6;
	v5 =	vld.idx.msk [tilespmem:v5+s5+$0x0], $0xffff  }
0x3e2: {  	s25 =	smov.u32 @p2 s26;
	[tilespmem:s28+$0xFFFFFFF0] =	vst @p2 v1;
	v0 =	vld.idx.msk [tilespmem:v0+s5+$0x0], $0xffff  }
0x3e3: {  	v1 =	vld.idx.msk [tilespmem:v4+s5+$0x0], $0xffff;
	[tilespmem:s25+$0xFFFFFFC0] =	vst v2  }
0x3e4: {  	[tilespmem:s25+$0xFFFFFFB0] =	vst v9;
	v2 =	vld.idx.msk [tilespmem:v3+s5+$0x0], $0xffff  }
0x3e5: {  	[tilespmem:s25+$0xFFFFFFA0] =	vst v10;
	v3 =	vld.idx.msk [tilespmem:v7+s5+$0x0], $0xffff  }
0x3e6: {  	[tilespmem:s25+$0xFFFFFF90] =	vst v5  }
0x3e7: {  	[tilespmem:s25+$0x0] =	vst v0  }
0x3e8: {  	[tilespmem:s25+$0xFFFFFFE0] =	vst v1  }
0x3e9: {  	[tilespmem:s25+$0xFFFFFFD0] =	vst v2  }
0x3ea: {  	s31 =	simm.s32 $0x42F0;
	[tilespmem:s25+$0xFFFFFFF0] =	vst v3  }
0x3eb: {  	v0 =	vld [tilespmem:s31+$0x0]  }
0x3ec: {  	v1 =	vld [tilespmem:s31+$0xFFFFFFB0]  }
0x3ed: {  	v2 =	vld [tilespmem:s31+$0xFFFFFFE0]  }
0x3ee: {  	v4 =	vld [tilespmem:s31+$0xFFFFFFD0]  }
0x3ef: {  	v3 =	vld [tilespmem:s31+$0xFFFFFFC0]  }
0x3f0: {  	v6 =	vld [tilespmem:s31+$0xFFFFFFA0]  }
0x3f1: {  	v0 =	vmax.f32 v0, $-1.000000000e+00  }
.Ltmp37:
0x3f2: {  	v2 =	vmax.f32 v2, $-1.000000000e+00;
	v0 =	vmin.f32 v0, $1.000000000e+00;
	(pc) =	sbr.rel @!p1 .LBB2_64-.Ltmp37, $4  }
0x3f3: {  	v8 =	vmax.f32 v4, $-1.000000000e+00;
	v5 =	vmul.f32 $1.275000000e+02, v0;
	v0 =	vmin.f32 v2, $1.000000000e+00  }
0x3f4: {  	v2 =	vmax.f32 v3, $-1.000000000e+00;
	v3 =	vmax.f32 v1, $-1.000000000e+00;
	v0 =	vmul.f32 $1.275000000e+02, v0  }
0x3f5: {  	v1 =	vld [tilespmem:s31+$0xFFFFFF90];
	v3 =	vmin.f32 v3, $1.000000000e+00;
	v12 =	vmin.f32 v2, $1.000000000e+00;
	v2 =	vmax.f32 v6, $-1.000000000e+00  }
0x3f6: {  	s26 =	simm.s32 $0x46F0;
	s25 =	simm.s32 $0xC2F0;
	v18 =	vmul.f32 $1.275000000e+02, v3;
	v3 =	vld [tilespmem:s31+$0xFFFFFFF0];
	v17 =	vmin.f32 v2, $1.000000000e+00;
	v16 =	vadd.f32 $1.280000000e+02, v0  }
0x3f7: {  	v4 =	vadd.f32 $1.280000000e+02, v5  }
0x3f8: {  	v2 =	vld [tilespmem:s26+$0x0];
	v5 =	vmul.f32 $1.275000000e+02, v17;
	v6 =	vmul.f32 $1.275000000e+02, v12;
	v7 =	vmin.f32 v8, $1.000000000e+00  }
0x3f9: {  	v10 =	vld [tilespmem:s26+$0xFFFFFFC0];
	v0 =	vadd.f32 $1.280000000e+02, v18;
	v8 =	vtrunc.f32 v16;
	v12 =	vmul.f32 $1.275000000e+02, v7  }
0x3fa: {  	v11 =	vld [tilespmem:s26+$0xFFFFFFB0];
	v9 =	vcvt.f32.s32 v8;
	v4 =	vtrunc.f32 v4;
	v5 =	vadd.f32 $1.280000000e+02, v5  }
0x3fb: {  	v6 =	vadd.f32 $1.280000000e+02, v6;
	v1 =	vmax.f32 v1, $-1.000000000e+00;
	v0 =	vtrunc.f32 v0  }
0x3fc: {  	v8 =	vld [tilespmem:s26+$0xFFFFFFE0];
	v20 =	vcvt.f32.s32 v4;
	v1 =	vmin.f32 v1, $1.000000000e+00;
	v0 =	vcvt.f32.s32 v0  }
0x3fd: {  	v3 =	vmax.f32 v3, $-1.000000000e+00;
	v14 =	vtrunc.f32 v5;
	v1 =	vmul.f32 $1.275000000e+02, v1  }
0x3fe: {  	v13 =	vld [tilespmem:s26+$0xFFFFFFD0];
	v2 =	vmax.f32 v2, $-1.000000000e+00;
	v3 =	vmin.f32 v3, $1.000000000e+00;
	v4 =	vmax.f32 v10, $-1.000000000e+00  }
0x3ff: {  	v15 =	vld [tilespmem:s26+$0xFFFFFFA0];
	v2 =	vmin.f32 v2, $1.000000000e+00;
	v10 =	vmul.f32 $1.275000000e+02, v3;
	v3 =	vmax.f32 v11, $-1.000000000e+00  }
0x400: {  	p2 =	por $0x1, $0x1;
	v11 =	vadd.f32 $1.280000000e+02, v12;
	v12 =	vmin.f32 v4, $1.000000000e+00;
	v4 =	vcvt.f32.s32 v14  }
.Ltmp38:
0x401: {  	v7 =	vmax.f32 v8, $-1.000000000e+00;
	v5 =	vmul.f32 $1.275000000e+02, v2;
	v21 =	vadd.f32 $1.280000000e+02, v1;
	(pc) =	sbr.rel @!p2 .LBB2_66-.Ltmp38, $4  }
0x402: {  	v1 =	vld [tilespmem:s26+$0xFFFFFF90];
	v3 =	vmin.f32 v3, $1.000000000e+00;
	v2 =	vmin.f32 v7, $1.000000000e+00;
	v7 =	vtrunc.f32 v6  }
0x403: {  	v18 =	vmul.f32 $1.275000000e+02, v3;
	v3 =	vld [tilespmem:s26+$0xFFFFFFF0];
	v6 =	vmul.f32 $1.275000000e+02, v2  }
0x404: {  	v8 =	vmax.f32 v13, $-1.000000000e+00;
	v19 =	vtrunc.f32 v11;
	v2 =	vld.idx.msk [tilespmem:v9+s5+$0x0], $0xffff;
	v9 =	vmax.f32 v15, $-1.000000000e+00  }
0x405: {  	s28 =	simm.s32 $0x4AF0;
	p1 =	por $0x1, $0x1;
	v11 =	vtrunc.f32 v21;
	v17 =	vmin.f32 v9, $1.000000000e+00;
	v16 =	vadd.f32 $1.280000000e+02, v6;
	v6 =	vld.idx.msk [tilespmem:v20+s5+$0x0], $0xffff  }
0x406: {  	_ = 	snop  }
0x407: {  	v9 =	vld [tilespmem:s28+$0x0];
	v13 =	vadd.f32 $1.280000000e+02, v18;
	v5 =	vadd.f32 $1.280000000e+02, v5;
	v14 =	vcvt.f32.s32 v19  }
0x408: {  	v18 =	vld [tilespmem:s28+$0xFFFFFFA0];
	v15 =	vmul.f32 $1.275000000e+02, v17;
	v12 =	vmul.f32 $1.275000000e+02, v12;
	v8 =	vmin.f32 v8, $1.000000000e+00  }
0x409: {  	v17 =	vld [tilespmem:s28+$0xFFFFFFB0];
	v19 =	vcvt.f32.s32 v7;
	v7 =	vadd.f32 $1.280000000e+02, v10;
	v11 =	vcvt.f32.s32 v11  }
0x40a: {  	v20 =	vld.idx.msk [tilespmem:v0+s5+$0x0], $0xffff;
	v16 =	vtrunc.f32 v16;
	v0 =	vmax.f32 v1, $-1.000000000e+00;
	v63 =	vmul.f32 $1.275000000e+02, v8  }
0x40b: {  	v23 =	vld [tilespmem:s28+$0xFFFFFFD0];
	v10 =	vadd.f32 $1.280000000e+02, v15;
	v15 =	vcvt.f32.s32 v16;
	v16 =	vtrunc.f32 v5  }
0x40c: {  	v5 =	vld [tilespmem:s28+$0xFFFFFFE0];
	v1 =	vtrunc.f32 v13;
	v7 =	vtrunc.f32 v7;
	v21 =	vmin.f32 v0, $1.000000000e+00  }
0x40d: {  	v24 =	vld.idx.msk [tilespmem:v4+s5+$0x0], $0xffff;
	v8 =	vadd.f32 $1.280000000e+02, v12;
	v0 =	vcvt.f32.s32 v1;
	v22 =	vcvt.f32.s32 v7  }
0x40e: {  	v13 =	vld [tilespmem:s28+$0xFFFFFFC0];
	v7 =	vmul.f32 $1.275000000e+02, v21;
	v1 =	vmax.f32 v3, $-1.000000000e+00;
	v25 =	vcvt.f32.s32 v16  }
0x40f: {  	v4 =	vtrunc.f32 v10;
	v10 =	vmin.f32 v1, $1.000000000e+00;
	v1 =	vld [tilespmem:s28+$0xFFFFFF90];
	v3 =	vmax.f32 v9, $-1.000000000e+00  }
0x410: {  	v26 =	vadd.f32 $1.280000000e+02, v7;
	v7 =	vtrunc.f32 v8;
	v10 =	vmul.f32 $1.275000000e+02, v10;
	v9 =	vld.idx.msk [tilespmem:v14+s5+$0x0], $0xffff  }
0x411: {  	p2 =	por $0x1, $0x1;
	v8 =	vmax.f32 v23, $-1.000000000e+00;
	v3 =	vmin.f32 v3, $1.000000000e+00;
	v14 =	vld.idx.msk [tilespmem:v19+s5+$0x0], $0xffff;
	v12 =	vmax.f32 v5, $-1.000000000e+00  }
.Ltmp39:
0x412: {  	[tilespmem:s25+$0xFFFFFFE0] =	vst v2;
	v4 =	vcvt.f32.s32 v4;
	v5 =	vmul.f32 $1.275000000e+02, v3;
	v3 =	vmin.f32 v12, $1.000000000e+00;
	v2 =	vld.idx.msk [tilespmem:v15+s5+$0x0], $0xffff;
	(pc) =	sbr.rel @!p2 .LBB2_68-.Ltmp39, $4  }
0x413: {  	[tilespmem:s25+$0x0] =	vst v6;
	v6 =	vmax.f32 v18, $-1.000000000e+00;
	v15 =	vld.idx.msk [tilespmem:v11+s5+$0x0], $0xffff;
	v16 =	vmul.f32 $1.275000000e+02, v3;
	v3 =	vmax.f32 v17, $-1.000000000e+00  }
0x414: {  	v12 =	vmax.f32 v13, $-1.000000000e+00;
	v13 =	vld.idx.msk [tilespmem:v22+s5+$0x0], $0xffff;
	v17 =	vadd.f32 $1.280000000e+02, v63;
	v3 =	vmin.f32 v3, $1.000000000e+00  }
0x415: {  	s30 =	simm.s32 $0x100;
	s26 =	simm.s32 $0xC6F0;
	s31 =	simm.s32 $0x4EF0;
	[tilespmem:s25+$0xFFFFFFB0] =	vst v20;
	v11 =	vtrunc.f32 v26;
	v12 =	vmin.f32 v12, $1.000000000e+00;
	v18 =	vmul.f32 $1.275000000e+02, v3;
	v3 =	vld [tilespmem:s28+$0xFFFFFFF0]  }
0x416: {  	p0 =	por $0x1, $0x1;
	s29 =	simm.s32 $0xC6F0;
	[tilespmem:s25+$0xFFFFFFA0] =	vst v24;
	v19 =	vtrunc.f32 v17;
	v17 =	vmin.f32 v6, $1.000000000e+00;
	v16 =	vadd.f32 $1.280000000e+02, v16;
	v6 =	vld.idx.msk [tilespmem:v25+s5+$0x0], $0xffff;
	s28 =	simm.s32 $0xC2F0  }
.LBB2_69:
0x417: {  	v20 =	vld [tilespmem:s31+$0x0];
	s30 =	sadd.s32 $0x80, s30;
	v18 =	vadd.f32 $1.280000000e+02, v18;
	v5 =	vadd.f32 $1.280000000e+02, v5;
	v19 =	vcvt.f32.s32 v19;
	s26 =	sadd.s32 $0x400, s26;
	[tilespmem:s28+$0xFFFFFFC0] =	vst v14  }
0x418: {  	v14 =	vmul.f32 $1.275000000e+02, v17;
	v12 =	vmul.f32 $1.275000000e+02, v12;
	v8 =	vmin.f32 v8, $1.000000000e+00;
	v21 =	vld [tilespmem:s31+$0xFFFFFFA0];
	p2 =	slt.u32 s30, $0x780;
	[tilespmem:s28+$0xFFFFFFD0] =	vst v9  }
0x419: {  	v9 =	vtrunc.f32 v16;
	v16 =	vcvt.f32.s32 v7;
	v7 =	vadd.f32 $1.280000000e+02, v10;
	v17 =	vld [tilespmem:s31+$0xFFFFFFB0];
	[tilespmem:s28+$0xFFFFFFF0] =	vst v13  }
0x41a: {  	v10 =	vadd.f32 $1.280000000e+02, v14;
	v22 =	vcvt.f32.s32 v9;
	v13 =	vtrunc.f32 v5;
	v14 =	vld.idx.msk [tilespmem:v0+s5+$0x0], $0xffff;
	[tilespmem:s28+$0xFFFFFF90] =	vst v15;
	s28 =	smov.u32 s29;
	s29 =	smov.u32 s26  }
0x41b: {  	v0 =	vmax.f32 v1, $-1.000000000e+00;
	v1 =	vtrunc.f32 v18;
	v5 =	vld [tilespmem:s31+$0xFFFFFFE0];
	[tilespmem:s28+$0xFFFFFFE0] =	vst v2;
	v2 =	vtrunc.f32 v7  }
0x41c: {  	v7 =	vmin.f32 v0, $1.000000000e+00;
	v0 =	vcvt.f32.s32 v1;
	v15 =	vld [tilespmem:s31+$0xFFFFFFC0];
	v2 =	vcvt.f32.s32 v2;
	[tilespmem:s28+$0x0] =	vst v6  }
0x41d: {  	v18 =	vmul.f32 $1.275000000e+02, v8;
	v1 =	vmax.f32 v3, $-1.000000000e+00;
	v7 =	vmul.f32 $1.275000000e+02, v7;
	v6 =	vld [tilespmem:s31+$0xFFFFFFD0]  }
0x41e: {  	v11 =	vcvt.f32.s32 v11;
	v8 =	vadd.f32 $1.280000000e+02, v12;
	v3 =	vmax.f32 v20, $-1.000000000e+00;
	v20 =	vld.idx.msk [tilespmem:v4+s5+$0x0], $0xffff  }
0x41f: {  	v3 =	vmin.f32 v3, $1.000000000e+00;
	v4 =	vtrunc.f32 v10;
	v10 =	vmin.f32 v1, $1.000000000e+00;
	v9 =	vld.idx.msk [tilespmem:v19+s5+$0x0], $0xffff  }
0x420: {  	v23 =	vcvt.f32.s32 v13;
	v1 =	vld [tilespmem:s31+$0xFFFFFF90];
	v12 =	vmax.f32 v5, $-1.000000000e+00;
	v5 =	vmul.f32 $1.275000000e+02, v3;
	[tilespmem:s28+$0xFFFFFFB0] =	vst v14  }
0x421: {  	v24 =	vadd.f32 $1.280000000e+02, v7;
	v7 =	vtrunc.f32 v8;
	v3 =	vmin.f32 v12, $1.000000000e+00;
	v14 =	vld.idx.msk [tilespmem:v16+s5+$0x0], $0xffff  }
.Ltmp40:
0x422: {  	v10 =	vmul.f32 $1.275000000e+02, v10;
	v12 =	vmax.f32 v15, $-1.000000000e+00;
	v16 =	vmul.f32 $1.275000000e+02, v3;
	v13 =	vld.idx.msk [tilespmem:v2+s5+$0x0], $0xffff;
	(pc) =	sbr.rel @p2 .LBB2_69-.Ltmp40, $4  }
0x423: {  	v3 =	vmax.f32 v17, $-1.000000000e+00;
	v8 =	vmax.f32 v6, $-1.000000000e+00;
	v6 =	vadd.f32 $1.280000000e+02, v18;
	v2 =	vld.idx.msk [tilespmem:v22+s5+$0x0], $0xffff  }
0x424: {  	v4 =	vcvt.f32.s32 v4;
	v12 =	vmin.f32 v12, $1.000000000e+00;
	v3 =	vmin.f32 v3, $1.000000000e+00;
	v15 =	vld.idx.msk [tilespmem:v11+s5+$0x0], $0xffff;
	[tilespmem:s28+$0xFFFFFFA0] =	vst v20  }
0x425: {  	v11 =	vmax.f32 v21, $-1.000000000e+00;
	v18 =	vmul.f32 $1.275000000e+02, v3;
	v19 =	vtrunc.f32 v6;
	v3 =	vld [tilespmem:s31+$0xFFFFFFF0]  }
0x426: {  	v16 =	vadd.f32 $1.280000000e+02, v16;
	v17 =	vmin.f32 v11, $1.000000000e+00;
	s31 =	sadd.s32 $0x400, s31;
	v11 =	vtrunc.f32 v24;
	v6 =	vld.idx.msk [tilespmem:v23+s5+$0x0], $0xffff  }
.LBB2_70:
0x427: {  	v18 =	vadd.f32 $1.280000000e+02, v18;
	v19 =	vcvt.f32.s32 @p1 v19;
	v17 =	vmul.f32 $1.275000000e+02, v17  }
0x428: {  	v10 =	vadd.f32 @p1 $1.280000000e+02, v10;
	v5 =	vadd.f32 $1.280000000e+02, v5;
	v12 =	vmul.f32 $1.275000000e+02, v12  }
0x429: {  	v7 =	vcvt.f32.s32 @p1 v7;
	v8 =	vmin.f32 v8, $1.000000000e+00;
	v11 =	vcvt.f32.s32 @p1 v11  }
0x42a: {  	v1 =	vmax.f32 v1, $-1.000000000e+00;
	v16 =	vtrunc.f32 v16;
	v8 =	vmul.f32 $1.275000000e+02, v8  }
0x42b: {  	[tilespmem:s28+$0xFFFFFFC0] =	vst @p0 v14;
	v1 =	vmin.f32 v1, $1.000000000e+00;
	v10 =	vtrunc.f32 @p1 v10;
	v16 =	vcvt.f32.s32 v16  }
0x42c: {  	[tilespmem:s28+$0xFFFFFFD0] =	vst @p0 v9;
	v5 =	vtrunc.f32 v5;
	v14 =	vtrunc.f32 v18;
	v12 =	vadd.f32 $1.280000000e+02, v12  }
0x42d: {  	v0 =	vld.idx.msk @p1 [tilespmem:v0+s5+$0x0], $0xffff;
	[tilespmem:s28+$0xFFFFFFF0] =	vst @p0 v13;
	v1 =	vmul.f32 $1.275000000e+02, v1;
	v10 =	vcvt.f32.s32 @p1 v10;
	v3 =	vmax.f32 v3, $-1.000000000e+00  }
0x42e: {  	v4 =	vld.idx.msk @p1 [tilespmem:v4+s5+$0x0], $0xffff;
	[tilespmem:s28+$0xFFFFFF90] =	vst @p0 v15;
	s28 =	smov.u32 @p1 s29;
	v9 =	vcvt.f32.s32 v14;
	v5 =	vcvt.f32.s32 v5;
	v8 =	vadd.f32 $1.280000000e+02, v8  }
0x42f: {  	[tilespmem:s28+$0xFFFFFFE0] =	vst @p1 v2;
	v3 =	vmin.f32 v3, $1.000000000e+00;
	v2 =	vtrunc.f32 v12;
	v1 =	vadd.f32 $1.280000000e+02, v1;
	v7 =	vld.idx.msk @p1 [tilespmem:v7+s5+$0x0], $0xffff  }
0x430: {  	v3 =	vmul.f32 $1.275000000e+02, v3;
	v2 =	vcvt.f32.s32 v2;
	v14 =	vld.idx.msk @p1 [tilespmem:v19+s5+$0x0], $0xffff  }
0x431: {  	v17 =	vadd.f32 $1.280000000e+02, v17;
	[tilespmem:s28+$0x0] =	vst @p1 v6;
	v8 =	vtrunc.f32 v8;
	v6 =	vld.idx.msk @p1 [tilespmem:v11+s5+$0x0], $0xffff;
	v1 =	vtrunc.f32 v1  }
0x432: {  	[tilespmem:s28+$0xFFFFFFB0] =	vst @p1 v0;
	v0 =	vcvt.f32.s32 v8;
	v3 =	vadd.f32 $1.280000000e+02, v3;
	v1 =	vcvt.f32.s32 v1;
	v8 =	vld.idx.msk [tilespmem:v16+s5+$0x0], $0xffff  }
0x433: {  	v13 =	vtrunc.f32 v17;
	v10 =	vld.idx.msk @p1 [tilespmem:v10+s5+$0x0], $0xffff  }
0x434: {  	v12 =	vcvt.f32.s32 v13;
	[tilespmem:s28+$0xFFFFFFA0] =	vst @p1 v4;
	s28 =	smov.u32 @p1 s28;
	v3 =	vtrunc.f32 v3;
	v5 =	vld.idx.msk [tilespmem:v5+s5+$0x0], $0xffff;
	v4 =	vpsel p1, v7, v0  }
0x435: {  	v3 =	vcvt.f32.s32 v3;
	v7 =	vpsel p1, v14, v0;
	[tilespmem:s28+$0xFFFFFFC0] =	vst @p1 v4  }
0x436: {  	s26 =	sadd.s32 @p1 $0x400, s26;
	v6 =	vpsel p1, v6, v0;
	v2 =	vld.idx.msk [tilespmem:v2+s5+$0x0], $0xffff;
	[tilespmem:s28+$0xFFFFFFD0] =	vst @p1 v7  }
0x437: {  	s25 =	smov.u32 @p1 s26;
	v7 =	vld.idx.msk [tilespmem:v9+s5+$0x0], $0xffff;
	[tilespmem:s28+$0xFFFFFF90] =	vst @p1 v6  }
0x438: {  	[tilespmem:s25+$0xFFFFFFE0] =	vst v8;
	v1 =	vld.idx.msk [tilespmem:v1+s5+$0x0], $0xffff  }
0x439: {  	v4 =	vpsel p1, v10, v0;
	v0 =	vld.idx.msk [tilespmem:v0+s5+$0x0], $0xffff;
	[tilespmem:s25+$0x0] =	vst v5  }
0x43a: {  	[tilespmem:s28+$0xFFFFFFF0] =	vst @p1 v4;
	v4 =	vld.idx.msk [tilespmem:v12+s5+$0x0], $0xffff  }
0x43b: {  	v3 =	vld.idx.msk [tilespmem:v3+s5+$0x0], $0xffff;
	[tilespmem:s25+$0xFFFFFFC0] =	vst v2  }
0x43c: {  	[tilespmem:s25+$0xFFFFFFB0] =	vst v7  }
0x43d: {  	[tilespmem:s25+$0xFFFFFF90] =	vst v1  }
0x43e: {  	[tilespmem:s25+$0xFFFFFFD0] =	vst v0  }
0x43f: {  	[tilespmem:s25+$0xFFFFFFA0] =	vst v4  }
0x440: {  	s31 =	simm.s32 $0x4370;
	[tilespmem:s25+$0xFFFFFFF0] =	vst v3  }
0x441: {  	v0 =	vld [tilespmem:s31+$0xFFFFFFB0]  }
0x442: {  	v1 =	vld [tilespmem:s31+$0xFFFFFFA0]  }
0x443: {  	v2 =	vld [tilespmem:s31+$0xFFFFFFC0]  }
0x444: {  	v6 =	vld [tilespmem:s31+$0xFFFFFFF0]  }
0x445: {  	p1 =	por $0x1, $0x1  }
.Ltmp41:
0x446: {  	_ = 	snop;
	(pc) =	sbr.rel @!p1 .LBB2_71-.Ltmp41, $4  }
0x447: {  	v5 =	vld [tilespmem:s31+$0xFFFFFF90]  }
0x448: {  	v3 =	vld [tilespmem:s31+$0xFFFFFFD0];
	v0 =	vmax.f32 v0, $-1.000000000e+00;
	v2 =	vmax.f32 v2, $-1.000000000e+00;
	v1 =	vmax.f32 v1, $-1.000000000e+00  }
0x449: {  	p2 =	por $0x0, $0x0;
	v4 =	vld [tilespmem:s31+$0x0];
	v0 =	vmin.f32 v0, $1.000000000e+00;
	v7 =	vmin.f32 v2, $1.000000000e+00;
	v2 =	vmax.f32 v6, $-1.000000000e+00  }
0x44a: {  	s26 =	simm.s32 $0x4770;
	p0 =	por $0x0, $0x0;
	s25 =	simm.s32 $0xC370;
	v8 =	vld [tilespmem:s31+$0xFFFFFFE0];
	v16 =	vmin.f32 v1, $1.000000000e+00;
	v15 =	vmul.f32 $1.275000000e+02, v0;
	v17 =	vmin.f32 v2, $1.000000000e+00  }
0x44b: {  	_ = 	snop  }
0x44c: {  	v2 =	vmul.f32 $1.275000000e+02, v16;
	v6 =	vmul.f32 $1.275000000e+02, v7;
	v1 =	vmax.f32 v5, $-1.000000000e+00  }
0x44d: {  	v10 =	vld [tilespmem:s26+$0xFFFFFFB0];
	v0 =	vadd.f32 $1.280000000e+02, v15;
	v5 =	vmul.f32 $1.275000000e+02, v17;
	v1 =	vmin.f32 v1, $1.000000000e+00  }
0x44e: {  	v12 =	vld [tilespmem:s26+$0xFFFFFFA0];
	v3 =	vmax.f32 v3, $-1.000000000e+00;
	v2 =	vadd.f32 $1.280000000e+02, v2;
	v6 =	vadd.f32 $1.280000000e+02, v6  }
0x44f: {  	v13 =	vld [tilespmem:s26+$0xFFFFFFF0];
	v0 =	vtrunc.f32 v0;
	v1 =	vmul.f32 $1.275000000e+02, v1;
	v3 =	vmin.f32 v3, $1.000000000e+00  }
0x450: {  	v4 =	vmax.f32 v4, $-1.000000000e+00;
	v7 =	vmax.f32 v8, $-1.000000000e+00;
	v0 =	vcvt.f32.s32 v0  }
0x451: {  	v2 =	vtrunc.f32 v2;
	v4 =	vmin.f32 v4, $1.000000000e+00;
	v3 =	vmul.f32 $1.275000000e+02, v3  }
0x452: {  	v8 =	vld [tilespmem:s26+$0xFFFFFFC0];
	v9 =	vadd.f32 $1.280000000e+02, v1;
	v2 =	vcvt.f32.s32 v2;
	v1 =	vadd.f32 $1.280000000e+02, v5  }
0x453: {  	v4 =	vmul.f32 $1.275000000e+02, v4;
	v5 =	vtrunc.f32 v6;
	v7 =	vmin.f32 v7, $1.000000000e+00  }
0x454: {  	p3 =	por $0x1, $0x1;
	v14 =	vmax.f32 v10, $-1.000000000e+00;
	v12 =	vmax.f32 v12, $-1.000000000e+00;
	v13 =	vmax.f32 v13, $-1.000000000e+00  }
.Ltmp42:
0x455: {  	v6 =	vcvt.f32.s32 v5;
	v7 =	vmul.f32 $1.275000000e+02, v7;
	v5 =	vld [tilespmem:s26+$0xFFFFFF90];
	v4 =	vadd.f32 $1.280000000e+02, v4;
	(pc) =	sbr.rel @!p3 .LBB2_73-.Ltmp42, $4  }
0x456: {  	v11 =	vadd.f32 $1.280000000e+02, v3;
	v3 =	vld [tilespmem:s26+$0xFFFFFFD0];
	v14 =	vmin.f32 v14, $1.000000000e+00;
	v16 =	vmin.f32 v12, $1.000000000e+00  }
0x457: {  	v18 =	vadd.f32 $1.280000000e+02, v7;
	v8 =	vmax.f32 v8, $-1.000000000e+00;
	v10 =	vtrunc.f32 v4;
	v4 =	vld [tilespmem:s26+$0x0]  }
0x458: {  	v9 =	vtrunc.f32 v9;
	v15 =	vmul.f32 $1.275000000e+02, v14;
	v7 =	vmin.f32 v8, $1.000000000e+00;
	v8 =	vld [tilespmem:s26+$0xFFFFFFE0]  }
0x459: {  	s28 =	simm.s32 $0x4B70;
	p2 =	por $0x1, $0x1;
	v17 =	vmin.f32 v13, $1.000000000e+00;
	v11 =	vtrunc.f32 v11;
	v18 =	vtrunc.f32 v18;
	v2 =	vld.idx.msk [tilespmem:v2+s5+$0x0], $0xffff  }
0x45a: {  	_ = 	snop  }
0x45b: {  	v13 =	vmul.f32 $1.275000000e+02, v17  }
0x45c: {  	v14 =	vld [tilespmem:s28+$0xFFFFFFB0];
	v5 =	vmax.f32 v5, $-1.000000000e+00;
	v9 =	vcvt.f32.s32 v9;
	v7 =	vmul.f32 $1.275000000e+02, v7  }
0x45d: {  	v12 =	vadd.f32 $1.280000000e+02, v15;
	v17 =	vld [tilespmem:s28+$0xFFFFFFA0];
	v10 =	vcvt.f32.s32 v10;
	v11 =	vcvt.f32.s32 v11  }
0x45e: {  	v19 =	vld.idx.msk [tilespmem:v0+s5+$0x0], $0xffff;
	v1 =	vtrunc.f32 v1;
	v15 =	vmin.f32 v5, $1.000000000e+00;
	v5 =	vmul.f32 $1.275000000e+02, v16  }
0x45f: {  	v16 =	vld.idx.msk [tilespmem:v6+s5+$0x0], $0xffff;
	v6 =	vcvt.f32.s32 v18;
	v22 =	vcvt.f32.s32 v1  }
0x460: {  	v20 =	vld [tilespmem:s28+$0xFFFFFFC0];
	v3 =	vmax.f32 v3, $-1.000000000e+00;
	v12 =	vtrunc.f32 v12;
	v15 =	vmul.f32 $1.275000000e+02, v15  }
0x461: {  	v24 =	vld [tilespmem:s28+$0xFFFFFFF0];
	v7 =	vadd.f32 $1.280000000e+02, v7;
	v4 =	vmax.f32 v4, $-1.000000000e+00;
	v1 =	vadd.f32 $1.280000000e+02, v13  }
0x462: {  	v18 =	vadd.f32 $1.280000000e+02, v5;
	v5 =	vld [tilespmem:s28+$0xFFFFFF90];
	v8 =	vmax.f32 v8, $-1.000000000e+00;
	v0 =	vcvt.f32.s32 v12  }
0x463: {  	v12 =	vmin.f32 v3, $1.000000000e+00;
	v3 =	vld [tilespmem:s28+$0xFFFFFFD0];
	v4 =	vmin.f32 v4, $1.000000000e+00;
	v15 =	vadd.f32 $1.280000000e+02, v15  }
0x464: {  	v4 =	vmul.f32 $1.275000000e+02, v4;
	v8 =	vmin.f32 v8, $1.000000000e+00;
	v18 =	vtrunc.f32 v18;
	v23 =	vld.idx.msk [tilespmem:v9+s5+$0x0], $0xffff  }
0x465: {  	[tilespmem:s25+$0xFFFFFFA0] =	vst v2;
	v8 =	vmul.f32 $1.275000000e+02, v8;
	v2 =	vmax.f32 v17, $-1.000000000e+00;
	v18 =	vcvt.f32.s32 v18;
	v13 =	vld.idx.msk [tilespmem:v11+s5+$0x0], $0xffff  }
0x466: {  	p4 =	por $0x1, $0x1;
	v17 =	vmax.f32 v24, $-1.000000000e+00;
	v21 =	vld.idx.msk [tilespmem:v6+s5+$0x0], $0xffff;
	v6 =	vtrunc.f32 v7;
	v7 =	vmul.f32 $1.275000000e+02, v12  }
.Ltmp43:
0x467: {  	v25 =	vadd.f32 $1.280000000e+02, v4;
	[tilespmem:s25+$0xFFFFFFC0] =	vst v16;
	v16 =	vmax.f32 v20, $-1.000000000e+00;
	v12 =	vld.idx.msk [tilespmem:v10+s5+$0x0], $0xffff;
	v6 =	vcvt.f32.s32 v6;
	(pc) =	sbr.rel @!p4 .LBB2_75-.Ltmp43, $4  }
0x468: {  	v9 =	vtrunc.f32 v15;
	v4 =	vld [tilespmem:s28+$0x0];
	v15 =	vadd.f32 $1.280000000e+02, v7;
	v7 =	vmax.f32 v14, $-1.000000000e+00  }
0x469: {  	[tilespmem:s25+$0xFFFFFFB0] =	vst v19;
	v19 =	vadd.f32 $1.280000000e+02, v8;
	v10 =	vtrunc.f32 v25;
	v14 =	vld.idx.msk [tilespmem:v22+s5+$0x0], $0xffff;
	v8 =	vmin.f32 v7, $1.000000000e+00  }
0x46a: {  	s30 =	simm.s32 $0x100;
	s26 =	simm.s32 $0xC770;
	s31 =	simm.s32 $0x4F70;
	v17 =	vmin.f32 v17, $1.000000000e+00;
	v11 =	vtrunc.f32 v15;
	v15 =	vmul.f32 $1.275000000e+02, v8;
	v8 =	vld [tilespmem:s28+$0xFFFFFFE0];
	[tilespmem:s25+$0xFFFFFF90] =	vst v23  }
0x46b: {  	p3 =	por $0x1, $0x1;
	s29 =	simm.s32 $0xC770;
	v7 =	vmin.f32 v16, $1.000000000e+00;
	v16 =	vmin.f32 v2, $1.000000000e+00;
	s28 =	simm.s32 $0xC370;
	v2 =	vld.idx.msk [tilespmem:v18+s5+$0x0], $0xffff;
	v18 =	vtrunc.f32 v19;
	[tilespmem:s25+$0xFFFFFFE0] =	vst v21  }
.LBB2_76:
0x46c: {  	v19 =	vld [tilespmem:s31+$0xFFFFFFB0];
	s30 =	sadd.s32 $0x80, s30;
	v5 =	vmax.f32 v5, $-1.000000000e+00;
	v15 =	vadd.f32 $1.280000000e+02, v15;
	v17 =	vmul.f32 $1.275000000e+02, v17;
	s26 =	sadd.s32 $0x400, s26;
	[tilespmem:s28+$0x0] =	vst v12  }
0x46d: {  	p4 =	slt.u32 s30, $0x780;
	v12 =	vmin.f32 v5, $1.000000000e+00;
	v5 =	vmul.f32 $1.275000000e+02, v16;
	v6 =	vld.idx.msk [tilespmem:v6+s5+$0x0], $0xffff;
	v16 =	vcvt.f32.s32 v18;
	[tilespmem:s28+$0xFFFFFFD0] =	vst v13  }
0x46e: {  	v3 =	vmax.f32 v3, $-1.000000000e+00;
	v9 =	vcvt.f32.s32 v9;
	v18 =	vld [tilespmem:s31+$0xFFFFFFA0];
	v13 =	vtrunc.f32 v15  }
0x46f: {  	v7 =	vmul.f32 $1.275000000e+02, v7;
	v10 =	vcvt.f32.s32 v10;
	v15 =	vadd.f32 $1.280000000e+02, v5;
	v20 =	vld.idx.msk [tilespmem:v0+s5+$0x0], $0xffff;
	[tilespmem:s28+$0xFFFFFFF0] =	vst v14;
	s28 =	smov.u32 s29;
	s29 =	smov.u32 s26  }
0x470: {  	v11 =	vcvt.f32.s32 v11;
	v12 =	vmul.f32 $1.275000000e+02, v12;
	v8 =	vmax.f32 v8, $-1.000000000e+00;
	v5 =	vld [tilespmem:s31+$0xFFFFFF90]  }
0x471: {  	v7 =	vadd.f32 $1.280000000e+02, v7;
	v0 =	vcvt.f32.s32 v13;
	v13 =	vmin.f32 v3, $1.000000000e+00;
	v14 =	vld [tilespmem:s31+$0xFFFFFFC0]  }
0x472: {  	v1 =	vtrunc.f32 v1;
	v4 =	vmax.f32 v4, $-1.000000000e+00;
	v15 =	vtrunc.f32 v15;
	v3 =	vld [tilespmem:s31+$0xFFFFFFD0]  }
0x473: {  	v4 =	vmin.f32 v4, $1.000000000e+00;
	v21 =	vadd.f32 $1.280000000e+02, v12;
	[tilespmem:s28+$0xFFFFFFC0] =	vst v6;
	v22 =	vld.idx.msk [tilespmem:v16+s5+$0x0], $0xffff;
	v16 =	vcvt.f32.s32 v1  }
0x474: {  	v4 =	vmul.f32 $1.275000000e+02, v4;
	v23 =	vcvt.f32.s32 v15;
	v1 =	vadd.f32 $1.280000000e+02, v17;
	v17 =	vld.idx.msk [tilespmem:v9+s5+$0x0], $0xffff  }
0x475: {  	v8 =	vmin.f32 v8, $1.000000000e+00;
	v6 =	vtrunc.f32 v7;
	v7 =	vmul.f32 $1.275000000e+02, v13;
	v24 =	vld [tilespmem:s31+$0xFFFFFFF0];
	[tilespmem:s28+$0xFFFFFFB0] =	vst v20  }
0x476: {  	v8 =	vmul.f32 $1.275000000e+02, v8;
	v15 =	vadd.f32 $1.280000000e+02, v4;
	v6 =	vcvt.f32.s32 v6;
	v12 =	vld.idx.msk [tilespmem:v10+s5+$0x0], $0xffff  }
.Ltmp44:
0x477: {  	v9 =	vtrunc.f32 v21;
	v20 =	vadd.f32 $1.280000000e+02, v7;
	v14 =	vmax.f32 v14, $-1.000000000e+00;
	v13 =	vld.idx.msk [tilespmem:v11+s5+$0x0], $0xffff;
	(pc) =	sbr.rel @p4 .LBB2_76-.Ltmp44, $4  }
0x478: {  	v7 =	vmax.f32 v19, $-1.000000000e+00;
	v19 =	vadd.f32 $1.280000000e+02, v8;
	v10 =	vtrunc.f32 v15;
	v4 =	vld [tilespmem:s31+$0x0]  }
0x479: {  	v8 =	vmin.f32 v7, $1.000000000e+00;
	v7 =	vmin.f32 v14, $1.000000000e+00;
	v11 =	vtrunc.f32 v20;
	[tilespmem:s28+$0xFFFFFFA0] =	vst v2;
	v14 =	vld.idx.msk [tilespmem:v16+s5+$0x0], $0xffff  }
0x47a: {  	v15 =	vmul.f32 $1.275000000e+02, v8;
	v2 =	vmax.f32 v18, $-1.000000000e+00;
	v8 =	vld [tilespmem:s31+$0xFFFFFFE0];
	v18 =	vmax.f32 v24, $-1.000000000e+00;
	[tilespmem:s28+$0xFFFFFF90] =	vst v17  }
0x47b: {  	v16 =	vmin.f32 v2, $1.000000000e+00;
	s31 =	sadd.s32 $0x400, s31;
	v17 =	vmin.f32 v18, $1.000000000e+00;
	v2 =	vld.idx.msk [tilespmem:v23+s5+$0x0], $0xffff;
	v18 =	vtrunc.f32 v19;
	[tilespmem:s28+$0xFFFFFFE0] =	vst v22  }
.LBB2_77:
0x47c: {  	v17 =	vmul.f32 $1.275000000e+02, v17  }
0x47d: {  	v15 =	vadd.f32 $1.280000000e+02, v15;
	v16 =	vmul.f32 $1.275000000e+02, v16;
	v18 =	vcvt.f32.s32 @p2 v18  }
0x47e: {  	v5 =	vmax.f32 v5, $-1.000000000e+00;
	v9 =	vcvt.f32.s32 @p2 v9;
	v7 =	vmul.f32 $1.275000000e+02, v7  }
0x47f: {  	v3 =	vmax.f32 v3, $-1.000000000e+00;
	v10 =	vcvt.f32.s32 @p2 v10;
	v11 =	vcvt.f32.s32 @p2 v11  }
0x480: {  	v1 =	vtrunc.f32 @p2 v1;
	v5 =	vmin.f32 v5, $1.000000000e+00;
	v3 =	vmin.f32 v3, $1.000000000e+00  }
0x481: {  	v4 =	vmax.f32 v4, $-1.000000000e+00;
	v1 =	vcvt.f32.s32 @p2 v1;
	v15 =	vtrunc.f32 v15  }
0x482: {  	v6 =	vld.idx.msk @p2 [tilespmem:v6+s5+$0x0], $0xffff;
	v16 =	vadd.f32 $1.280000000e+02, v16;
	v5 =	vmul.f32 $1.275000000e+02, v5;
	v7 =	vadd.f32 $1.280000000e+02, v7  }
0x483: {  	v0 =	vld.idx.msk @p2 [tilespmem:v0+s5+$0x0], $0xffff;
	v4 =	vmin.f32 v4, $1.000000000e+00;
	v3 =	vmul.f32 $1.275000000e+02, v3;
	v8 =	vmax.f32 v8, $-1.000000000e+00  }
0x484: {  	[tilespmem:s28+$0x0] =	vst @p3 v12;
	v4 =	vmul.f32 $1.275000000e+02, v4;
	v8 =	vmin.f32 v8, $1.000000000e+00;
	v7 =	vtrunc.f32 v7  }
0x485: {  	[tilespmem:s28+$0xFFFFFFD0] =	vst @p3 v13;
	v5 =	vadd.f32 $1.280000000e+02, v5;
	v8 =	vmul.f32 $1.275000000e+02, v8;
	v7 =	vcvt.f32.s32 v7;
	v12 =	vld.idx.msk @p2 [tilespmem:v18+s5+$0x0], $0xffff  }
0x486: {  	[tilespmem:s28+$0xFFFFFFF0] =	vst @p3 v14;
	s28 =	smov.u32 @p2 s29;
	v15 =	vcvt.f32.s32 v15;
	v13 =	vtrunc.f32 v16;
	v4 =	vadd.f32 $1.280000000e+02, v4;
	v9 =	vld.idx.msk @p2 [tilespmem:v9+s5+$0x0], $0xffff  }
0x487: {  	v13 =	vcvt.f32.s32 v13;
	[tilespmem:s28+$0xFFFFFFC0] =	vst @p2 v6;
	v10 =	vld.idx.msk @p2 [tilespmem:v10+s5+$0x0], $0xffff;
	v5 =	vtrunc.f32 v5;
	v8 =	vadd.f32 $1.280000000e+02, v8  }
0x488: {  	v3 =	vadd.f32 $1.280000000e+02, v3;
	[tilespmem:s28+$0xFFFFFFB0] =	vst @p2 v0;
	v6 =	vld.idx.msk @p2 [tilespmem:v11+s5+$0x0], $0xffff;
	v5 =	vcvt.f32.s32 v5;
	v0 =	vtrunc.f32 v4  }
0x489: {  	v11 =	vadd.f32 $1.280000000e+02, v17;
	v1 =	vld.idx.msk @p2 [tilespmem:v1+s5+$0x0], $0xffff;
	v0 =	vcvt.f32.s32 v0;
	v8 =	vtrunc.f32 v8  }
0x48a: {  	[tilespmem:s28+$0xFFFFFFA0] =	vst @p2 v2;
	v3 =	vtrunc.f32 v3;
	v4 =	vcvt.f32.s32 v8  }
0x48b: {  	v3 =	vcvt.f32.s32 v3;
	[tilespmem:s28+$0xFFFFFF90] =	vst @p2 v9;
	v2 =	vld.idx.msk [tilespmem:v7+s5+$0x0], $0xffff;
	v7 =	vtrunc.f32 v11  }
0x48c: {  	[tilespmem:s28+$0xFFFFFFE0] =	vst @p2 v12;
	v8 =	vpsel p2, v10, v0;
	s28 =	smov.u32 @p2 s28;
	v9 =	vld.idx.msk [tilespmem:v15+s5+$0x0], $0xffff;
	v7 =	vcvt.f32.s32 v7  }
0x48d: {  	v10 =	vld.idx.msk [tilespmem:v13+s5+$0x0], $0xffff;
	v6 =	vpsel p2, v6, v0;
	[tilespmem:s28+$0x0] =	vst @p2 v8  }
0x48e: {  	s26 =	sadd.s32 @p2 $0x400, s26;
	v1 =	vpsel p2, v1, v0;
	[tilespmem:s28+$0xFFFFFFD0] =	vst @p2 v6;
	v5 =	vld.idx.msk [tilespmem:v5+s5+$0x0], $0xffff  }
0x48f: {  	s25 =	smov.u32 @p2 s26;
	[tilespmem:s28+$0xFFFFFFF0] =	vst @p2 v1;
	v0 =	vld.idx.msk [tilespmem:v0+s5+$0x0], $0xffff  }
0x490: {  	v1 =	vld.idx.msk [tilespmem:v4+s5+$0x0], $0xffff;
	[tilespmem:s25+$0xFFFFFFC0] =	vst v2  }
0x491: {  	[tilespmem:s25+$0xFFFFFFB0] =	vst v9;
	v2 =	vld.idx.msk [tilespmem:v3+s5+$0x0], $0xffff  }
0x492: {  	[tilespmem:s25+$0xFFFFFFA0] =	vst v10;
	v3 =	vld.idx.msk [tilespmem:v7+s5+$0x0], $0xffff  }
0x493: {  	[tilespmem:s25+$0xFFFFFF90] =	vst v5  }
0x494: {  	[tilespmem:s25+$0x0] =	vst v0  }
0x495: {  	[tilespmem:s25+$0xFFFFFFE0] =	vst v1  }
0x496: {  	[tilespmem:s25+$0xFFFFFFD0] =	vst v2  }
0x497: {  	s31 =	simm.s32 $0x43F0;
	[tilespmem:s25+$0xFFFFFFF0] =	vst v3  }
0x498: {  	v0 =	vld [tilespmem:s31+$0x0]  }
0x499: {  	v1 =	vld [tilespmem:s31+$0xFFFFFFB0]  }
0x49a: {  	v2 =	vld [tilespmem:s31+$0xFFFFFFE0]  }
0x49b: {  	v4 =	vld [tilespmem:s31+$0xFFFFFFD0]  }
0x49c: {  	v3 =	vld [tilespmem:s31+$0xFFFFFFC0]  }
0x49d: {  	v6 =	vld [tilespmem:s31+$0xFFFFFFA0]  }
0x49e: {  	v0 =	vmax.f32 v0, $-1.000000000e+00  }
.Ltmp45:
0x49f: {  	v2 =	vmax.f32 v2, $-1.000000000e+00;
	v0 =	vmin.f32 v0, $1.000000000e+00;
	(pc) =	sbr.rel @!p1 .LBB2_78-.Ltmp45, $4  }
0x4a0: {  	v8 =	vmax.f32 v4, $-1.000000000e+00;
	v5 =	vmul.f32 $1.275000000e+02, v0;
	v0 =	vmin.f32 v2, $1.000000000e+00  }
0x4a1: {  	v2 =	vmax.f32 v3, $-1.000000000e+00;
	v3 =	vmax.f32 v1, $-1.000000000e+00;
	v0 =	vmul.f32 $1.275000000e+02, v0  }
0x4a2: {  	v1 =	vld [tilespmem:s31+$0xFFFFFF90];
	v3 =	vmin.f32 v3, $1.000000000e+00;
	v12 =	vmin.f32 v2, $1.000000000e+00;
	v2 =	vmax.f32 v6, $-1.000000000e+00  }
0x4a3: {  	s26 =	simm.s32 $0x47F0;
	s25 =	simm.s32 $0xC3F0;
	v18 =	vmul.f32 $1.275000000e+02, v3;
	v3 =	vld [tilespmem:s31+$0xFFFFFFF0];
	v17 =	vmin.f32 v2, $1.000000000e+00;
	v16 =	vadd.f32 $1.280000000e+02, v0  }
0x4a4: {  	v4 =	vadd.f32 $1.280000000e+02, v5  }
0x4a5: {  	v2 =	vld [tilespmem:s26+$0x0];
	v5 =	vmul.f32 $1.275000000e+02, v17;
	v6 =	vmul.f32 $1.275000000e+02, v12;
	v7 =	vmin.f32 v8, $1.000000000e+00  }
0x4a6: {  	v10 =	vld [tilespmem:s26+$0xFFFFFFC0];
	v0 =	vadd.f32 $1.280000000e+02, v18;
	v8 =	vtrunc.f32 v16;
	v12 =	vmul.f32 $1.275000000e+02, v7  }
0x4a7: {  	v11 =	vld [tilespmem:s26+$0xFFFFFFB0];
	v9 =	vcvt.f32.s32 v8;
	v4 =	vtrunc.f32 v4;
	v5 =	vadd.f32 $1.280000000e+02, v5  }
0x4a8: {  	v6 =	vadd.f32 $1.280000000e+02, v6;
	v1 =	vmax.f32 v1, $-1.000000000e+00;
	v0 =	vtrunc.f32 v0  }
0x4a9: {  	v8 =	vld [tilespmem:s26+$0xFFFFFFE0];
	v20 =	vcvt.f32.s32 v4;
	v1 =	vmin.f32 v1, $1.000000000e+00;
	v0 =	vcvt.f32.s32 v0  }
0x4aa: {  	v3 =	vmax.f32 v3, $-1.000000000e+00;
	v14 =	vtrunc.f32 v5;
	v1 =	vmul.f32 $1.275000000e+02, v1  }
0x4ab: {  	v13 =	vld [tilespmem:s26+$0xFFFFFFD0];
	v2 =	vmax.f32 v2, $-1.000000000e+00;
	v3 =	vmin.f32 v3, $1.000000000e+00;
	v4 =	vmax.f32 v10, $-1.000000000e+00  }
0x4ac: {  	v15 =	vld [tilespmem:s26+$0xFFFFFFA0];
	v2 =	vmin.f32 v2, $1.000000000e+00;
	v10 =	vmul.f32 $1.275000000e+02, v3;
	v3 =	vmax.f32 v11, $-1.000000000e+00  }
0x4ad: {  	p2 =	por $0x1, $0x1;
	v11 =	vadd.f32 $1.280000000e+02, v12;
	v12 =	vmin.f32 v4, $1.000000000e+00;
	v4 =	vcvt.f32.s32 v14  }
.Ltmp46:
0x4ae: {  	v7 =	vmax.f32 v8, $-1.000000000e+00;
	v5 =	vmul.f32 $1.275000000e+02, v2;
	v21 =	vadd.f32 $1.280000000e+02, v1;
	(pc) =	sbr.rel @!p2 .LBB2_80-.Ltmp46, $4  }
0x4af: {  	v1 =	vld [tilespmem:s26+$0xFFFFFF90];
	v3 =	vmin.f32 v3, $1.000000000e+00;
	v2 =	vmin.f32 v7, $1.000000000e+00;
	v7 =	vtrunc.f32 v6  }
0x4b0: {  	v18 =	vmul.f32 $1.275000000e+02, v3;
	v3 =	vld [tilespmem:s26+$0xFFFFFFF0];
	v6 =	vmul.f32 $1.275000000e+02, v2  }
0x4b1: {  	v8 =	vmax.f32 v13, $-1.000000000e+00;
	v19 =	vtrunc.f32 v11;
	v2 =	vld.idx.msk [tilespmem:v9+s5+$0x0], $0xffff;
	v9 =	vmax.f32 v15, $-1.000000000e+00  }
0x4b2: {  	s28 =	simm.s32 $0x4BF0;
	p1 =	por $0x1, $0x1;
	v11 =	vtrunc.f32 v21;
	v17 =	vmin.f32 v9, $1.000000000e+00;
	v16 =	vadd.f32 $1.280000000e+02, v6;
	v6 =	vld.idx.msk [tilespmem:v20+s5+$0x0], $0xffff  }
0x4b3: {  	_ = 	snop  }
0x4b4: {  	v9 =	vld [tilespmem:s28+$0x0];
	v13 =	vadd.f32 $1.280000000e+02, v18;
	v5 =	vadd.f32 $1.280000000e+02, v5;
	v14 =	vcvt.f32.s32 v19  }
0x4b5: {  	v18 =	vld [tilespmem:s28+$0xFFFFFFA0];
	v15 =	vmul.f32 $1.275000000e+02, v17;
	v12 =	vmul.f32 $1.275000000e+02, v12;
	v8 =	vmin.f32 v8, $1.000000000e+00  }
0x4b6: {  	v17 =	vld [tilespmem:s28+$0xFFFFFFB0];
	v19 =	vcvt.f32.s32 v7;
	v7 =	vadd.f32 $1.280000000e+02, v10;
	v11 =	vcvt.f32.s32 v11  }
0x4b7: {  	v20 =	vld.idx.msk [tilespmem:v0+s5+$0x0], $0xffff;
	v16 =	vtrunc.f32 v16;
	v0 =	vmax.f32 v1, $-1.000000000e+00;
	v63 =	vmul.f32 $1.275000000e+02, v8  }
0x4b8: {  	v23 =	vld [tilespmem:s28+$0xFFFFFFD0];
	v10 =	vadd.f32 $1.280000000e+02, v15;
	v15 =	vcvt.f32.s32 v16;
	v16 =	vtrunc.f32 v5  }
0x4b9: {  	v5 =	vld [tilespmem:s28+$0xFFFFFFE0];
	v1 =	vtrunc.f32 v13;
	v7 =	vtrunc.f32 v7;
	v21 =	vmin.f32 v0, $1.000000000e+00  }
0x4ba: {  	v24 =	vld.idx.msk [tilespmem:v4+s5+$0x0], $0xffff;
	v8 =	vadd.f32 $1.280000000e+02, v12;
	v0 =	vcvt.f32.s32 v1;
	v22 =	vcvt.f32.s32 v7  }
0x4bb: {  	v13 =	vld [tilespmem:s28+$0xFFFFFFC0];
	v7 =	vmul.f32 $1.275000000e+02, v21;
	v1 =	vmax.f32 v3, $-1.000000000e+00;
	v25 =	vcvt.f32.s32 v16  }
0x4bc: {  	v4 =	vtrunc.f32 v10;
	v10 =	vmin.f32 v1, $1.000000000e+00;
	v1 =	vld [tilespmem:s28+$0xFFFFFF90];
	v3 =	vmax.f32 v9, $-1.000000000e+00  }
0x4bd: {  	v26 =	vadd.f32 $1.280000000e+02, v7;
	v7 =	vtrunc.f32 v8;
	v10 =	vmul.f32 $1.275000000e+02, v10;
	v9 =	vld.idx.msk [tilespmem:v14+s5+$0x0], $0xffff  }
0x4be: {  	p2 =	por $0x1, $0x1;
	v8 =	vmax.f32 v23, $-1.000000000e+00;
	v3 =	vmin.f32 v3, $1.000000000e+00;
	v14 =	vld.idx.msk [tilespmem:v19+s5+$0x0], $0xffff;
	v12 =	vmax.f32 v5, $-1.000000000e+00  }
.Ltmp47:
0x4bf: {  	[tilespmem:s25+$0xFFFFFFE0] =	vst v2;
	v4 =	vcvt.f32.s32 v4;
	v5 =	vmul.f32 $1.275000000e+02, v3;
	v3 =	vmin.f32 v12, $1.000000000e+00;
	v2 =	vld.idx.msk [tilespmem:v15+s5+$0x0], $0xffff;
	(pc) =	sbr.rel @!p2 .LBB2_82-.Ltmp47, $4  }
0x4c0: {  	[tilespmem:s25+$0x0] =	vst v6;
	v6 =	vmax.f32 v18, $-1.000000000e+00;
	v15 =	vld.idx.msk [tilespmem:v11+s5+$0x0], $0xffff;
	v16 =	vmul.f32 $1.275000000e+02, v3;
	v3 =	vmax.f32 v17, $-1.000000000e+00  }
0x4c1: {  	v12 =	vmax.f32 v13, $-1.000000000e+00;
	v13 =	vld.idx.msk [tilespmem:v22+s5+$0x0], $0xffff;
	v17 =	vadd.f32 $1.280000000e+02, v63;
	v3 =	vmin.f32 v3, $1.000000000e+00  }
0x4c2: {  	s30 =	simm.s32 $0x100;
	s26 =	simm.s32 $0xC7F0;
	s31 =	simm.s32 $0x4FF0;
	[tilespmem:s25+$0xFFFFFFB0] =	vst v20;
	v11 =	vtrunc.f32 v26;
	v12 =	vmin.f32 v12, $1.000000000e+00;
	v18 =	vmul.f32 $1.275000000e+02, v3;
	v3 =	vld [tilespmem:s28+$0xFFFFFFF0]  }
0x4c3: {  	p0 =	por $0x1, $0x1;
	s29 =	simm.s32 $0xC7F0;
	[tilespmem:s25+$0xFFFFFFA0] =	vst v24;
	v19 =	vtrunc.f32 v17;
	v17 =	vmin.f32 v6, $1.000000000e+00;
	v16 =	vadd.f32 $1.280000000e+02, v16;
	v6 =	vld.idx.msk [tilespmem:v25+s5+$0x0], $0xffff;
	s28 =	simm.s32 $0xC3F0  }
.LBB2_83:
0x4c4: {  	v20 =	vld [tilespmem:s31+$0x0];
	s30 =	sadd.s32 $0x80, s30;
	v18 =	vadd.f32 $1.280000000e+02, v18;
	v5 =	vadd.f32 $1.280000000e+02, v5;
	v19 =	vcvt.f32.s32 v19;
	s26 =	sadd.s32 $0x400, s26;
	[tilespmem:s28+$0xFFFFFFC0] =	vst v14  }
0x4c5: {  	v14 =	vmul.f32 $1.275000000e+02, v17;
	v12 =	vmul.f32 $1.275000000e+02, v12;
	v8 =	vmin.f32 v8, $1.000000000e+00;
	v21 =	vld [tilespmem:s31+$0xFFFFFFA0];
	p2 =	slt.u32 s30, $0x780;
	[tilespmem:s28+$0xFFFFFFD0] =	vst v9  }
0x4c6: {  	v9 =	vtrunc.f32 v16;
	v16 =	vcvt.f32.s32 v7;
	v7 =	vadd.f32 $1.280000000e+02, v10;
	v17 =	vld [tilespmem:s31+$0xFFFFFFB0];
	[tilespmem:s28+$0xFFFFFFF0] =	vst v13  }
0x4c7: {  	v10 =	vadd.f32 $1.280000000e+02, v14;
	v22 =	vcvt.f32.s32 v9;
	v13 =	vtrunc.f32 v5;
	v14 =	vld.idx.msk [tilespmem:v0+s5+$0x0], $0xffff;
	[tilespmem:s28+$0xFFFFFF90] =	vst v15;
	s28 =	smov.u32 s29;
	s29 =	smov.u32 s26  }
0x4c8: {  	v0 =	vmax.f32 v1, $-1.000000000e+00;
	v1 =	vtrunc.f32 v18;
	v5 =	vld [tilespmem:s31+$0xFFFFFFE0];
	[tilespmem:s28+$0xFFFFFFE0] =	vst v2;
	v2 =	vtrunc.f32 v7  }
0x4c9: {  	v7 =	vmin.f32 v0, $1.000000000e+00;
	v0 =	vcvt.f32.s32 v1;
	v15 =	vld [tilespmem:s31+$0xFFFFFFC0];
	v2 =	vcvt.f32.s32 v2;
	[tilespmem:s28+$0x0] =	vst v6  }
0x4ca: {  	v18 =	vmul.f32 $1.275000000e+02, v8;
	v1 =	vmax.f32 v3, $-1.000000000e+00;
	v7 =	vmul.f32 $1.275000000e+02, v7;
	v6 =	vld [tilespmem:s31+$0xFFFFFFD0]  }
0x4cb: {  	v11 =	vcvt.f32.s32 v11;
	v8 =	vadd.f32 $1.280000000e+02, v12;
	v3 =	vmax.f32 v20, $-1.000000000e+00;
	v20 =	vld.idx.msk [tilespmem:v4+s5+$0x0], $0xffff  }
0x4cc: {  	v3 =	vmin.f32 v3, $1.000000000e+00;
	v4 =	vtrunc.f32 v10;
	v10 =	vmin.f32 v1, $1.000000000e+00;
	v9 =	vld.idx.msk [tilespmem:v19+s5+$0x0], $0xffff  }
0x4cd: {  	v23 =	vcvt.f32.s32 v13;
	v1 =	vld [tilespmem:s31+$0xFFFFFF90];
	v12 =	vmax.f32 v5, $-1.000000000e+00;
	v5 =	vmul.f32 $1.275000000e+02, v3;
	[tilespmem:s28+$0xFFFFFFB0] =	vst v14  }
0x4ce: {  	v24 =	vadd.f32 $1.280000000e+02, v7;
	v7 =	vtrunc.f32 v8;
	v3 =	vmin.f32 v12, $1.000000000e+00;
	v14 =	vld.idx.msk [tilespmem:v16+s5+$0x0], $0xffff  }
.Ltmp48:
0x4cf: {  	v10 =	vmul.f32 $1.275000000e+02, v10;
	v12 =	vmax.f32 v15, $-1.000000000e+00;
	v16 =	vmul.f32 $1.275000000e+02, v3;
	v13 =	vld.idx.msk [tilespmem:v2+s5+$0x0], $0xffff;
	(pc) =	sbr.rel @p2 .LBB2_83-.Ltmp48, $4  }
0x4d0: {  	v3 =	vmax.f32 v17, $-1.000000000e+00;
	v8 =	vmax.f32 v6, $-1.000000000e+00;
	v6 =	vadd.f32 $1.280000000e+02, v18;
	v2 =	vld.idx.msk [tilespmem:v22+s5+$0x0], $0xffff  }
0x4d1: {  	v4 =	vcvt.f32.s32 v4;
	v12 =	vmin.f32 v12, $1.000000000e+00;
	v3 =	vmin.f32 v3, $1.000000000e+00;
	v15 =	vld.idx.msk [tilespmem:v11+s5+$0x0], $0xffff;
	[tilespmem:s28+$0xFFFFFFA0] =	vst v20  }
0x4d2: {  	v11 =	vmax.f32 v21, $-1.000000000e+00;
	v18 =	vmul.f32 $1.275000000e+02, v3;
	v19 =	vtrunc.f32 v6;
	v3 =	vld [tilespmem:s31+$0xFFFFFFF0]  }
0x4d3: {  	v16 =	vadd.f32 $1.280000000e+02, v16;
	v17 =	vmin.f32 v11, $1.000000000e+00;
	s31 =	sadd.s32 $0x400, s31;
	v11 =	vtrunc.f32 v24;
	v6 =	vld.idx.msk [tilespmem:v23+s5+$0x0], $0xffff  }
.LBB2_84:
0x4d4: {  	v18 =	vadd.f32 $1.280000000e+02, v18;
	v19 =	vcvt.f32.s32 @p1 v19;
	v17 =	vmul.f32 $1.275000000e+02, v17  }
0x4d5: {  	v10 =	vadd.f32 @p1 $1.280000000e+02, v10;
	v5 =	vadd.f32 $1.280000000e+02, v5;
	v12 =	vmul.f32 $1.275000000e+02, v12  }
0x4d6: {  	v7 =	vcvt.f32.s32 @p1 v7;
	v8 =	vmin.f32 v8, $1.000000000e+00;
	v11 =	vcvt.f32.s32 @p1 v11  }
0x4d7: {  	v1 =	vmax.f32 v1, $-1.000000000e+00;
	v16 =	vtrunc.f32 v16;
	v8 =	vmul.f32 $1.275000000e+02, v8  }
0x4d8: {  	[tilespmem:s28+$0xFFFFFFC0] =	vst @p0 v14;
	v1 =	vmin.f32 v1, $1.000000000e+00;
	v10 =	vtrunc.f32 @p1 v10;
	v16 =	vcvt.f32.s32 v16  }
0x4d9: {  	[tilespmem:s28+$0xFFFFFFD0] =	vst @p0 v9;
	v5 =	vtrunc.f32 v5;
	v14 =	vtrunc.f32 v18;
	v12 =	vadd.f32 $1.280000000e+02, v12  }
0x4da: {  	v0 =	vld.idx.msk @p1 [tilespmem:v0+s5+$0x0], $0xffff;
	[tilespmem:s28+$0xFFFFFFF0] =	vst @p0 v13;
	v1 =	vmul.f32 $1.275000000e+02, v1;
	v10 =	vcvt.f32.s32 @p1 v10;
	v3 =	vmax.f32 v3, $-1.000000000e+00  }
0x4db: {  	v4 =	vld.idx.msk @p1 [tilespmem:v4+s5+$0x0], $0xffff;
	[tilespmem:s28+$0xFFFFFF90] =	vst @p0 v15;
	s28 =	smov.u32 @p1 s29;
	v9 =	vcvt.f32.s32 v14;
	v5 =	vcvt.f32.s32 v5;
	v8 =	vadd.f32 $1.280000000e+02, v8  }
0x4dc: {  	[tilespmem:s28+$0xFFFFFFE0] =	vst @p1 v2;
	v3 =	vmin.f32 v3, $1.000000000e+00;
	v2 =	vtrunc.f32 v12;
	v1 =	vadd.f32 $1.280000000e+02, v1;
	v7 =	vld.idx.msk @p1 [tilespmem:v7+s5+$0x0], $0xffff  }
0x4dd: {  	v3 =	vmul.f32 $1.275000000e+02, v3;
	v2 =	vcvt.f32.s32 v2;
	v14 =	vld.idx.msk @p1 [tilespmem:v19+s5+$0x0], $0xffff  }
0x4de: {  	v17 =	vadd.f32 $1.280000000e+02, v17;
	[tilespmem:s28+$0x0] =	vst @p1 v6;
	v8 =	vtrunc.f32 v8;
	v6 =	vld.idx.msk @p1 [tilespmem:v11+s5+$0x0], $0xffff;
	v1 =	vtrunc.f32 v1  }
0x4df: {  	[tilespmem:s28+$0xFFFFFFB0] =	vst @p1 v0;
	v0 =	vcvt.f32.s32 v8;
	v3 =	vadd.f32 $1.280000000e+02, v3;
	v1 =	vcvt.f32.s32 v1;
	v8 =	vld.idx.msk [tilespmem:v16+s5+$0x0], $0xffff  }
0x4e0: {  	v13 =	vtrunc.f32 v17;
	v10 =	vld.idx.msk @p1 [tilespmem:v10+s5+$0x0], $0xffff  }
0x4e1: {  	v12 =	vcvt.f32.s32 v13;
	[tilespmem:s28+$0xFFFFFFA0] =	vst @p1 v4;
	s28 =	smov.u32 @p1 s28;
	v3 =	vtrunc.f32 v3;
	v5 =	vld.idx.msk [tilespmem:v5+s5+$0x0], $0xffff;
	v4 =	vpsel p1, v7, v0  }
0x4e2: {  	v3 =	vcvt.f32.s32 v3;
	v7 =	vpsel p1, v14, v0;
	[tilespmem:s28+$0xFFFFFFC0] =	vst @p1 v4  }
0x4e3: {  	s26 =	sadd.s32 @p1 $0x400, s26;
	v6 =	vpsel p1, v6, v0;
	v2 =	vld.idx.msk [tilespmem:v2+s5+$0x0], $0xffff;
	[tilespmem:s28+$0xFFFFFFD0] =	vst @p1 v7  }
0x4e4: {  	s25 =	smov.u32 @p1 s26;
	v7 =	vld.idx.msk [tilespmem:v9+s5+$0x0], $0xffff;
	[tilespmem:s28+$0xFFFFFF90] =	vst @p1 v6  }
0x4e5: {  	[tilespmem:s25+$0xFFFFFFE0] =	vst v8;
	v1 =	vld.idx.msk [tilespmem:v1+s5+$0x0], $0xffff  }
0x4e6: {  	v4 =	vpsel p1, v10, v0;
	v0 =	vld.idx.msk [tilespmem:v0+s5+$0x0], $0xffff;
	[tilespmem:s25+$0x0] =	vst v5  }
0x4e7: {  	[tilespmem:s28+$0xFFFFFFF0] =	vst @p1 v4;
	v4 =	vld.idx.msk [tilespmem:v12+s5+$0x0], $0xffff  }
0x4e8: {  	v3 =	vld.idx.msk [tilespmem:v3+s5+$0x0], $0xffff;
	[tilespmem:s25+$0xFFFFFFC0] =	vst v2  }
0x4e9: {  	[tilespmem:s25+$0xFFFFFFB0] =	vst v7  }
0x4ea: {  	[tilespmem:s25+$0xFFFFFF90] =	vst v1  }
0x4eb: {  	[tilespmem:s25+$0xFFFFFFD0] =	vst v0  }
0x4ec: {  	[tilespmem:s25+$0xFFFFFFA0] =	vst v4  }
0x4ed: {  	s31 =	simm.s32 $0x4470;
	[tilespmem:s25+$0xFFFFFFF0] =	vst v3  }
0x4ee: {  	v0 =	vld [tilespmem:s31+$0xFFFFFFB0]  }
0x4ef: {  	v1 =	vld [tilespmem:s31+$0xFFFFFFA0]  }
0x4f0: {  	v2 =	vld [tilespmem:s31+$0xFFFFFFC0]  }
0x4f1: {  	v6 =	vld [tilespmem:s31+$0xFFFFFFF0]  }
0x4f2: {  	p1 =	por $0x1, $0x1  }
.Ltmp49:
0x4f3: {  	_ = 	snop;
	(pc) =	sbr.rel @!p1 .LBB2_85-.Ltmp49, $4  }
0x4f4: {  	v5 =	vld [tilespmem:s31+$0xFFFFFF90]  }
0x4f5: {  	v3 =	vld [tilespmem:s31+$0xFFFFFFD0];
	v0 =	vmax.f32 v0, $-1.000000000e+00;
	v2 =	vmax.f32 v2, $-1.000000000e+00;
	v1 =	vmax.f32 v1, $-1.000000000e+00  }
0x4f6: {  	p2 =	por $0x0, $0x0;
	v4 =	vld [tilespmem:s31+$0x0];
	v0 =	vmin.f32 v0, $1.000000000e+00;
	v7 =	vmin.f32 v2, $1.000000000e+00;
	v2 =	vmax.f32 v6, $-1.000000000e+00  }
0x4f7: {  	s26 =	simm.s32 $0x4870;
	p0 =	por $0x0, $0x0;
	s25 =	simm.s32 $0xC470;
	v8 =	vld [tilespmem:s31+$0xFFFFFFE0];
	v16 =	vmin.f32 v1, $1.000000000e+00;
	v15 =	vmul.f32 $1.275000000e+02, v0;
	v17 =	vmin.f32 v2, $1.000000000e+00  }
0x4f8: {  	_ = 	snop  }
0x4f9: {  	v2 =	vmul.f32 $1.275000000e+02, v16;
	v6 =	vmul.f32 $1.275000000e+02, v7;
	v1 =	vmax.f32 v5, $-1.000000000e+00  }
0x4fa: {  	v10 =	vld [tilespmem:s26+$0xFFFFFFB0];
	v0 =	vadd.f32 $1.280000000e+02, v15;
	v5 =	vmul.f32 $1.275000000e+02, v17;
	v1 =	vmin.f32 v1, $1.000000000e+00  }
0x4fb: {  	v12 =	vld [tilespmem:s26+$0xFFFFFFA0];
	v3 =	vmax.f32 v3, $-1.000000000e+00;
	v2 =	vadd.f32 $1.280000000e+02, v2;
	v6 =	vadd.f32 $1.280000000e+02, v6  }
0x4fc: {  	v13 =	vld [tilespmem:s26+$0xFFFFFFF0];
	v0 =	vtrunc.f32 v0;
	v1 =	vmul.f32 $1.275000000e+02, v1;
	v3 =	vmin.f32 v3, $1.000000000e+00  }
0x4fd: {  	v4 =	vmax.f32 v4, $-1.000000000e+00;
	v7 =	vmax.f32 v8, $-1.000000000e+00;
	v0 =	vcvt.f32.s32 v0  }
0x4fe: {  	v2 =	vtrunc.f32 v2;
	v4 =	vmin.f32 v4, $1.000000000e+00;
	v3 =	vmul.f32 $1.275000000e+02, v3  }
0x4ff: {  	v8 =	vld [tilespmem:s26+$0xFFFFFFC0];
	v9 =	vadd.f32 $1.280000000e+02, v1;
	v2 =	vcvt.f32.s32 v2;
	v1 =	vadd.f32 $1.280000000e+02, v5  }
0x500: {  	v4 =	vmul.f32 $1.275000000e+02, v4;
	v5 =	vtrunc.f32 v6;
	v7 =	vmin.f32 v7, $1.000000000e+00  }
0x501: {  	p3 =	por $0x1, $0x1;
	v14 =	vmax.f32 v10, $-1.000000000e+00;
	v12 =	vmax.f32 v12, $-1.000000000e+00;
	v13 =	vmax.f32 v13, $-1.000000000e+00  }
.Ltmp50:
0x502: {  	v6 =	vcvt.f32.s32 v5;
	v7 =	vmul.f32 $1.275000000e+02, v7;
	v5 =	vld [tilespmem:s26+$0xFFFFFF90];
	v4 =	vadd.f32 $1.280000000e+02, v4;
	(pc) =	sbr.rel @!p3 .LBB2_87-.Ltmp50, $4  }
0x503: {  	v11 =	vadd.f32 $1.280000000e+02, v3;
	v3 =	vld [tilespmem:s26+$0xFFFFFFD0];
	v14 =	vmin.f32 v14, $1.000000000e+00;
	v16 =	vmin.f32 v12, $1.000000000e+00  }
0x504: {  	v18 =	vadd.f32 $1.280000000e+02, v7;
	v8 =	vmax.f32 v8, $-1.000000000e+00;
	v10 =	vtrunc.f32 v4;
	v4 =	vld [tilespmem:s26+$0x0]  }
0x505: {  	v9 =	vtrunc.f32 v9;
	v15 =	vmul.f32 $1.275000000e+02, v14;
	v7 =	vmin.f32 v8, $1.000000000e+00;
	v8 =	vld [tilespmem:s26+$0xFFFFFFE0]  }
0x506: {  	s28 =	simm.s32 $0x4C70;
	p2 =	por $0x1, $0x1;
	v17 =	vmin.f32 v13, $1.000000000e+00;
	v11 =	vtrunc.f32 v11;
	v18 =	vtrunc.f32 v18;
	v2 =	vld.idx.msk [tilespmem:v2+s5+$0x0], $0xffff  }
0x507: {  	_ = 	snop  }
0x508: {  	v13 =	vmul.f32 $1.275000000e+02, v17  }
0x509: {  	v14 =	vld [tilespmem:s28+$0xFFFFFFB0];
	v5 =	vmax.f32 v5, $-1.000000000e+00;
	v9 =	vcvt.f32.s32 v9;
	v7 =	vmul.f32 $1.275000000e+02, v7  }
0x50a: {  	v12 =	vadd.f32 $1.280000000e+02, v15;
	v17 =	vld [tilespmem:s28+$0xFFFFFFA0];
	v10 =	vcvt.f32.s32 v10;
	v11 =	vcvt.f32.s32 v11  }
0x50b: {  	v19 =	vld.idx.msk [tilespmem:v0+s5+$0x0], $0xffff;
	v1 =	vtrunc.f32 v1;
	v15 =	vmin.f32 v5, $1.000000000e+00;
	v5 =	vmul.f32 $1.275000000e+02, v16  }
0x50c: {  	v16 =	vld.idx.msk [tilespmem:v6+s5+$0x0], $0xffff;
	v6 =	vcvt.f32.s32 v18;
	v22 =	vcvt.f32.s32 v1  }
0x50d: {  	v20 =	vld [tilespmem:s28+$0xFFFFFFC0];
	v3 =	vmax.f32 v3, $-1.000000000e+00;
	v12 =	vtrunc.f32 v12;
	v15 =	vmul.f32 $1.275000000e+02, v15  }
0x50e: {  	v24 =	vld [tilespmem:s28+$0xFFFFFFF0];
	v7 =	vadd.f32 $1.280000000e+02, v7;
	v4 =	vmax.f32 v4, $-1.000000000e+00;
	v1 =	vadd.f32 $1.280000000e+02, v13  }
0x50f: {  	v18 =	vadd.f32 $1.280000000e+02, v5;
	v5 =	vld [tilespmem:s28+$0xFFFFFF90];
	v8 =	vmax.f32 v8, $-1.000000000e+00;
	v0 =	vcvt.f32.s32 v12  }
0x510: {  	v12 =	vmin.f32 v3, $1.000000000e+00;
	v3 =	vld [tilespmem:s28+$0xFFFFFFD0];
	v4 =	vmin.f32 v4, $1.000000000e+00;
	v15 =	vadd.f32 $1.280000000e+02, v15  }
0x511: {  	v4 =	vmul.f32 $1.275000000e+02, v4;
	v8 =	vmin.f32 v8, $1.000000000e+00;
	v18 =	vtrunc.f32 v18;
	v23 =	vld.idx.msk [tilespmem:v9+s5+$0x0], $0xffff  }
0x512: {  	[tilespmem:s25+$0xFFFFFFA0] =	vst v2;
	v8 =	vmul.f32 $1.275000000e+02, v8;
	v2 =	vmax.f32 v17, $-1.000000000e+00;
	v18 =	vcvt.f32.s32 v18;
	v13 =	vld.idx.msk [tilespmem:v11+s5+$0x0], $0xffff  }
0x513: {  	p4 =	por $0x1, $0x1;
	v17 =	vmax.f32 v24, $-1.000000000e+00;
	v21 =	vld.idx.msk [tilespmem:v6+s5+$0x0], $0xffff;
	v6 =	vtrunc.f32 v7;
	v7 =	vmul.f32 $1.275000000e+02, v12  }
.Ltmp51:
0x514: {  	v25 =	vadd.f32 $1.280000000e+02, v4;
	[tilespmem:s25+$0xFFFFFFC0] =	vst v16;
	v16 =	vmax.f32 v20, $-1.000000000e+00;
	v12 =	vld.idx.msk [tilespmem:v10+s5+$0x0], $0xffff;
	v6 =	vcvt.f32.s32 v6;
	(pc) =	sbr.rel @!p4 .LBB2_89-.Ltmp51, $4  }
0x515: {  	v9 =	vtrunc.f32 v15;
	v4 =	vld [tilespmem:s28+$0x0];
	v15 =	vadd.f32 $1.280000000e+02, v7;
	v7 =	vmax.f32 v14, $-1.000000000e+00  }
0x516: {  	[tilespmem:s25+$0xFFFFFFB0] =	vst v19;
	v19 =	vadd.f32 $1.280000000e+02, v8;
	v10 =	vtrunc.f32 v25;
	v14 =	vld.idx.msk [tilespmem:v22+s5+$0x0], $0xffff;
	v8 =	vmin.f32 v7, $1.000000000e+00  }
0x517: {  	s30 =	simm.s32 $0x100;
	s26 =	simm.s32 $0xC870;
	s31 =	simm.s32 $0x5070;
	v17 =	vmin.f32 v17, $1.000000000e+00;
	v11 =	vtrunc.f32 v15;
	v15 =	vmul.f32 $1.275000000e+02, v8;
	v8 =	vld [tilespmem:s28+$0xFFFFFFE0];
	[tilespmem:s25+$0xFFFFFF90] =	vst v23  }
0x518: {  	p3 =	por $0x1, $0x1;
	s29 =	simm.s32 $0xC870;
	v7 =	vmin.f32 v16, $1.000000000e+00;
	v16 =	vmin.f32 v2, $1.000000000e+00;
	s28 =	simm.s32 $0xC470;
	v2 =	vld.idx.msk [tilespmem:v18+s5+$0x0], $0xffff;
	v18 =	vtrunc.f32 v19;
	[tilespmem:s25+$0xFFFFFFE0] =	vst v21  }
.LBB2_90:
0x519: {  	v19 =	vld [tilespmem:s31+$0xFFFFFFB0];
	s30 =	sadd.s32 $0x80, s30;
	v5 =	vmax.f32 v5, $-1.000000000e+00;
	v15 =	vadd.f32 $1.280000000e+02, v15;
	v17 =	vmul.f32 $1.275000000e+02, v17;
	s26 =	sadd.s32 $0x400, s26;
	[tilespmem:s28+$0x0] =	vst v12  }
0x51a: {  	p4 =	slt.u32 s30, $0x780;
	v12 =	vmin.f32 v5, $1.000000000e+00;
	v5 =	vmul.f32 $1.275000000e+02, v16;
	v6 =	vld.idx.msk [tilespmem:v6+s5+$0x0], $0xffff;
	v16 =	vcvt.f32.s32 v18;
	[tilespmem:s28+$0xFFFFFFD0] =	vst v13  }
0x51b: {  	v3 =	vmax.f32 v3, $-1.000000000e+00;
	v9 =	vcvt.f32.s32 v9;
	v18 =	vld [tilespmem:s31+$0xFFFFFFA0];
	v13 =	vtrunc.f32 v15  }
0x51c: {  	v7 =	vmul.f32 $1.275000000e+02, v7;
	v10 =	vcvt.f32.s32 v10;
	v15 =	vadd.f32 $1.280000000e+02, v5;
	v20 =	vld.idx.msk [tilespmem:v0+s5+$0x0], $0xffff;
	[tilespmem:s28+$0xFFFFFFF0] =	vst v14;
	s28 =	smov.u32 s29;
	s29 =	smov.u32 s26  }
0x51d: {  	v11 =	vcvt.f32.s32 v11;
	v12 =	vmul.f32 $1.275000000e+02, v12;
	v8 =	vmax.f32 v8, $-1.000000000e+00;
	v5 =	vld [tilespmem:s31+$0xFFFFFF90]  }
0x51e: {  	v7 =	vadd.f32 $1.280000000e+02, v7;
	v0 =	vcvt.f32.s32 v13;
	v13 =	vmin.f32 v3, $1.000000000e+00;
	v14 =	vld [tilespmem:s31+$0xFFFFFFC0]  }
0x51f: {  	v1 =	vtrunc.f32 v1;
	v4 =	vmax.f32 v4, $-1.000000000e+00;
	v15 =	vtrunc.f32 v15;
	v3 =	vld [tilespmem:s31+$0xFFFFFFD0]  }
0x520: {  	v4 =	vmin.f32 v4, $1.000000000e+00;
	v21 =	vadd.f32 $1.280000000e+02, v12;
	[tilespmem:s28+$0xFFFFFFC0] =	vst v6;
	v22 =	vld.idx.msk [tilespmem:v16+s5+$0x0], $0xffff;
	v16 =	vcvt.f32.s32 v1  }
0x521: {  	v4 =	vmul.f32 $1.275000000e+02, v4;
	v23 =	vcvt.f32.s32 v15;
	v1 =	vadd.f32 $1.280000000e+02, v17;
	v17 =	vld.idx.msk [tilespmem:v9+s5+$0x0], $0xffff  }
0x522: {  	v8 =	vmin.f32 v8, $1.000000000e+00;
	v6 =	vtrunc.f32 v7;
	v7 =	vmul.f32 $1.275000000e+02, v13;
	v24 =	vld [tilespmem:s31+$0xFFFFFFF0];
	[tilespmem:s28+$0xFFFFFFB0] =	vst v20  }
0x523: {  	v8 =	vmul.f32 $1.275000000e+02, v8;
	v15 =	vadd.f32 $1.280000000e+02, v4;
	v6 =	vcvt.f32.s32 v6;
	v12 =	vld.idx.msk [tilespmem:v10+s5+$0x0], $0xffff  }
.Ltmp52:
0x524: {  	v9 =	vtrunc.f32 v21;
	v20 =	vadd.f32 $1.280000000e+02, v7;
	v14 =	vmax.f32 v14, $-1.000000000e+00;
	v13 =	vld.idx.msk [tilespmem:v11+s5+$0x0], $0xffff;
	(pc) =	sbr.rel @p4 .LBB2_90-.Ltmp52, $4  }
0x525: {  	v7 =	vmax.f32 v19, $-1.000000000e+00;
	v19 =	vadd.f32 $1.280000000e+02, v8;
	v10 =	vtrunc.f32 v15;
	v4 =	vld [tilespmem:s31+$0x0]  }
0x526: {  	v8 =	vmin.f32 v7, $1.000000000e+00;
	v7 =	vmin.f32 v14, $1.000000000e+00;
	v11 =	vtrunc.f32 v20;
	[tilespmem:s28+$0xFFFFFFA0] =	vst v2;
	v14 =	vld.idx.msk [tilespmem:v16+s5+$0x0], $0xffff  }
0x527: {  	v15 =	vmul.f32 $1.275000000e+02, v8;
	v2 =	vmax.f32 v18, $-1.000000000e+00;
	v8 =	vld [tilespmem:s31+$0xFFFFFFE0];
	v18 =	vmax.f32 v24, $-1.000000000e+00;
	[tilespmem:s28+$0xFFFFFF90] =	vst v17  }
0x528: {  	v16 =	vmin.f32 v2, $1.000000000e+00;
	s31 =	sadd.s32 $0x400, s31;
	v17 =	vmin.f32 v18, $1.000000000e+00;
	v2 =	vld.idx.msk [tilespmem:v23+s5+$0x0], $0xffff;
	v18 =	vtrunc.f32 v19;
	[tilespmem:s28+$0xFFFFFFE0] =	vst v22  }
.LBB2_91:
0x529: {  	v17 =	vmul.f32 $1.275000000e+02, v17  }
0x52a: {  	v15 =	vadd.f32 $1.280000000e+02, v15;
	v16 =	vmul.f32 $1.275000000e+02, v16;
	v18 =	vcvt.f32.s32 @p2 v18  }
0x52b: {  	v5 =	vmax.f32 v5, $-1.000000000e+00;
	v9 =	vcvt.f32.s32 @p2 v9;
	v7 =	vmul.f32 $1.275000000e+02, v7  }
0x52c: {  	v3 =	vmax.f32 v3, $-1.000000000e+00;
	v10 =	vcvt.f32.s32 @p2 v10;
	v11 =	vcvt.f32.s32 @p2 v11  }
0x52d: {  	v1 =	vtrunc.f32 @p2 v1;
	v5 =	vmin.f32 v5, $1.000000000e+00;
	v3 =	vmin.f32 v3, $1.000000000e+00  }
0x52e: {  	v4 =	vmax.f32 v4, $-1.000000000e+00;
	v1 =	vcvt.f32.s32 @p2 v1;
	v15 =	vtrunc.f32 v15  }
0x52f: {  	v6 =	vld.idx.msk @p2 [tilespmem:v6+s5+$0x0], $0xffff;
	v16 =	vadd.f32 $1.280000000e+02, v16;
	v5 =	vmul.f32 $1.275000000e+02, v5;
	v7 =	vadd.f32 $1.280000000e+02, v7  }
0x530: {  	v0 =	vld.idx.msk @p2 [tilespmem:v0+s5+$0x0], $0xffff;
	v4 =	vmin.f32 v4, $1.000000000e+00;
	v3 =	vmul.f32 $1.275000000e+02, v3;
	v8 =	vmax.f32 v8, $-1.000000000e+00  }
0x531: {  	[tilespmem:s28+$0x0] =	vst @p3 v12;
	v4 =	vmul.f32 $1.275000000e+02, v4;
	v8 =	vmin.f32 v8, $1.000000000e+00;
	v7 =	vtrunc.f32 v7  }
0x532: {  	[tilespmem:s28+$0xFFFFFFD0] =	vst @p3 v13;
	v5 =	vadd.f32 $1.280000000e+02, v5;
	v8 =	vmul.f32 $1.275000000e+02, v8;
	v7 =	vcvt.f32.s32 v7;
	v12 =	vld.idx.msk @p2 [tilespmem:v18+s5+$0x0], $0xffff  }
0x533: {  	[tilespmem:s28+$0xFFFFFFF0] =	vst @p3 v14;
	s28 =	smov.u32 @p2 s29;
	v15 =	vcvt.f32.s32 v15;
	v13 =	vtrunc.f32 v16;
	v4 =	vadd.f32 $1.280000000e+02, v4;
	v9 =	vld.idx.msk @p2 [tilespmem:v9+s5+$0x0], $0xffff  }
0x534: {  	v13 =	vcvt.f32.s32 v13;
	[tilespmem:s28+$0xFFFFFFC0] =	vst @p2 v6;
	v10 =	vld.idx.msk @p2 [tilespmem:v10+s5+$0x0], $0xffff;
	v5 =	vtrunc.f32 v5;
	v8 =	vadd.f32 $1.280000000e+02, v8  }
0x535: {  	v3 =	vadd.f32 $1.280000000e+02, v3;
	[tilespmem:s28+$0xFFFFFFB0] =	vst @p2 v0;
	v6 =	vld.idx.msk @p2 [tilespmem:v11+s5+$0x0], $0xffff;
	v5 =	vcvt.f32.s32 v5;
	v0 =	vtrunc.f32 v4  }
0x536: {  	v11 =	vadd.f32 $1.280000000e+02, v17;
	v1 =	vld.idx.msk @p2 [tilespmem:v1+s5+$0x0], $0xffff;
	v0 =	vcvt.f32.s32 v0;
	v8 =	vtrunc.f32 v8  }
0x537: {  	[tilespmem:s28+$0xFFFFFFA0] =	vst @p2 v2;
	v3 =	vtrunc.f32 v3;
	v4 =	vcvt.f32.s32 v8  }
0x538: {  	v3 =	vcvt.f32.s32 v3;
	v62 =	vtrunc.f32 v11;
	[tilespmem:s28+$0xFFFFFF90] =	vst @p2 v9;
	v2 =	vld.idx.msk [tilespmem:v7+s5+$0x0], $0xffff  }
0x539: {  	[tilespmem:s28+$0xFFFFFFE0] =	vst @p2 v12;
	v8 =	vpsel p2, v10, v0;
	s28 =	smov.u32 @p2 s28;
	v9 =	vld.idx.msk [tilespmem:v15+s5+$0x0], $0xffff;
	v7 =	vcvt.f32.s32 v62  }
0x53a: {  	v10 =	vld.idx.msk [tilespmem:v13+s5+$0x0], $0xffff;
	v6 =	vpsel p2, v6, v0;
	[tilespmem:s28+$0x0] =	vst @p2 v8  }
0x53b: {  	s26 =	sadd.s32 @p2 $0x400, s26;
	v1 =	vpsel p2, v1, v0;
	[tilespmem:s28+$0xFFFFFFD0] =	vst @p2 v6;
	v5 =	vld.idx.msk [tilespmem:v5+s5+$0x0], $0xffff  }
0x53c: {  	s25 =	smov.u32 @p2 s26;
	[tilespmem:s28+$0xFFFFFFF0] =	vst @p2 v1;
	v0 =	vld.idx.msk [tilespmem:v0+s5+$0x0], $0xffff  }
0x53d: {  	v1 =	vld.idx.msk [tilespmem:v4+s5+$0x0], $0xffff;
	[tilespmem:s25+$0xFFFFFFC0] =	vst v2  }
0x53e: {  	[tilespmem:s25+$0xFFFFFFB0] =	vst v9;
	v2 =	vld.idx.msk [tilespmem:v3+s5+$0x0], $0xffff  }
0x53f: {  	[tilespmem:s25+$0xFFFFFFA0] =	vst v10;
	v3 =	vld.idx.msk [tilespmem:v7+s5+$0x0], $0xffff  }
0x540: {  	[tilespmem:s25+$0xFFFFFF90] =	vst v5  }
0x541: {  	[tilespmem:s25+$0x0] =	vst v0  }
0x542: {  	[tilespmem:s25+$0xFFFFFFE0] =	vst v1  }
0x543: {  	[tilespmem:s25+$0xFFFFFFD0] =	vst v2  }
0x544: {  	s31 =	simm.s32 $0x44F0;
	[tilespmem:s25+$0xFFFFFFF0] =	vst v3  }
0x545: {  	v0 =	vld [tilespmem:s31+$0xFFFFFFB0]  }
0x546: {  	v1 =	vld [tilespmem:s31+$0xFFFFFF90]  }
0x547: {  	v3 =	vld [tilespmem:s31+$0xFFFFFFC0]  }
0x548: {  	v4 =	vld [tilespmem:s31+$0xFFFFFFD0]  }
0x549: {  	v5 =	vld [tilespmem:s31+$0xFFFFFFF0];
	_ =	sdelay $0x2  }
.Ltmp53:
0x54a: {  	_ = 	snop;
	(pc) =	sbr.rel @!p1 .LBB2_92-.Ltmp53, $4  }
0x54b: {  	v1 =	vmax.f32 v1, $-1.000000000e+00;
	v63 =	vmax.f32 v3, $-1.000000000e+00  }
0x54c: {  	v2 =	vld [tilespmem:s31+$0xFFFFFFA0];
	v0 =	vmax.f32 v0, $-1.000000000e+00;
	v3 =	vmax.f32 v4, $-1.000000000e+00;
	v5 =	vmax.f32 v5, $-1.000000000e+00  }
0x54d: {  	v10 =	vld [tilespmem:s31+$0x0];
	v9 =	vmin.f32 v1, $1.000000000e+00;
	v0 =	vmin.f32 v0, $1.000000000e+00;
	v4 =	vmin.f32 v63, $1.000000000e+00  }
0x54e: {  	s26 =	simm.s32 $0x48F0;
	s25 =	simm.s32 $0xC4F0;
	v1 =	vld [tilespmem:s31+$0xFFFFFFE0];
	v14 =	vmul.f32 $1.275000000e+02, v0;
	v15 =	vmul.f32 $1.275000000e+02, v4;
	v0 =	vmin.f32 v5, $1.000000000e+00  }
0x54f: {  	v4 =	vmul.f32 $1.275000000e+02, v9  }
0x550: {  	v3 =	vmin.f32 v3, $1.000000000e+00;
	v5 =	vadd.f32 $1.280000000e+02, v14  }
0x551: {  	v7 =	vld [tilespmem:s26+$0xFFFFFF90];
	v6 =	vadd.f32 $1.280000000e+02, v15;
	v3 =	vmul.f32 $1.275000000e+02, v3;
	v4 =	vadd.f32 $1.280000000e+02, v4  }
0x552: {  	v11 =	vld [tilespmem:s26+$0xFFFFFFC0];
	v2 =	vmax.f32 v2, $-1.000000000e+00;
	v8 =	vmax.f32 v10, $-1.000000000e+00;
	v5 =	vtrunc.f32 v5  }
0x553: {  	v2 =	vmin.f32 v2, $1.000000000e+00;
	v10 =	vld [tilespmem:s26+$0xFFFFFFB0];
	v6 =	vtrunc.f32 v6;
	v8 =	vmin.f32 v8, $1.000000000e+00  }
0x554: {  	v12 =	vmax.f32 v1, $-1.000000000e+00;
	v1 =	vmul.f32 $1.275000000e+02, v2;
	v6 =	vcvt.f32.s32 v6  }
0x555: {  	v13 =	vld [tilespmem:s26+$0xFFFFFFD0];
	v3 =	vadd.f32 $1.280000000e+02, v3;
	v4 =	vtrunc.f32 v4;
	v8 =	vmul.f32 $1.275000000e+02, v8  }
0x556: {  	v5 =	vcvt.f32.s32 v5;
	v17 =	vcvt.f32.s32 v4;
	v4 =	vadd.f32 $1.280000000e+02, v1  }
0x557: {  	v15 =	vld [tilespmem:s26+$0xFFFFFFF0];
	v7 =	vmax.f32 v7, $-1.000000000e+00;
	v14 =	vmax.f32 v11, $-1.000000000e+00;
	v2 =	vadd.f32 $1.280000000e+02, v8  }
0x558: {  	p2 =	por $0x1, $0x1;
	v11 =	vtrunc.f32 v4;
	v4 =	vmin.f32 v12, $1.000000000e+00;
	v12 =	vmax.f32 v10, $-1.000000000e+00;
	v10 =	vld [tilespmem:s26+$0x0]  }
.Ltmp54:
0x559: {  	v16 =	vmul.f32 $1.275000000e+02, v0;
	v9 =	vmin.f32 v7, $1.000000000e+00;
	v1 =	vtrunc.f32 v2;
	v2 =	vld [tilespmem:s26+$0xFFFFFFA0];
	(pc) =	sbr.rel @!p2 .LBB2_94-.Ltmp54, $4  }
0x55a: {  	v7 =	vtrunc.f32 v3;
	v3 =	vmax.f32 v13, $-1.000000000e+00;
	v8 =	vcvt.f32.s32 v1;
	v1 =	vld [tilespmem:s26+$0xFFFFFFE0]  }
0x55b: {  	v18 =	vmin.f32 v14, $1.000000000e+00;
	v13 =	vmul.f32 $1.275000000e+02, v4;
	v12 =	vmin.f32 v12, $1.000000000e+00;
	v4 =	vld.idx.msk [tilespmem:v6+s5+$0x0], $0xffff  }
0x55c: {  	v7 =	vcvt.f32.s32 v7;
	v14 =	vmul.f32 $1.275000000e+02, v12;
	v6 =	vmax.f32 v15, $-1.000000000e+00;
	v5 =	vld.idx.msk [tilespmem:v5+s5+$0x0], $0xffff  }
0x55d: {  	p1 =	por $0x1, $0x1;
	v15 =	vmul.f32 $1.275000000e+02, v18;
	s26 =	simm.s32 $0x4CF0;
	v0 =	vmin.f32 v6, $1.000000000e+00;
	v6 =	vld.idx.msk [tilespmem:v17+s5+$0x0], $0xffff;
	v17 =	vadd.f32 $1.280000000e+02, v13  }
0x55e: {  	_ =	sdelay $0x3  }
0x55f: {  	v9 =	vmul.f32 $1.275000000e+02, v9;
	v12 =	vadd.f32 $1.280000000e+02, v14;
	v13 =	vadd.f32 $1.280000000e+02, v16;
	v14 =	vld.idx.msk [tilespmem:v8+s5+$0x0], $0xffff  }
0x560: {  	v16 =	vld [tilespmem:s26+$0xFFFFFFB0];
	v11 =	vcvt.f32.s32 v11;
	v10 =	vmax.f32 v10, $-1.000000000e+00;
	v2 =	vmax.f32 v2, $-1.000000000e+00  }
0x561: {  	v18 =	vld [tilespmem:s26+$0xFFFFFFC0];
	v3 =	vmin.f32 v3, $1.000000000e+00;
	v8 =	vadd.f32 $1.280000000e+02, v15;
	v15 =	vtrunc.f32 v17  }
0x562: {  	v17 =	vld [tilespmem:s26+$0xFFFFFF90];
	v20 =	vmin.f32 v2, $1.000000000e+00;
	v3 =	vmul.f32 $1.275000000e+02, v3;
	v15 =	vcvt.f32.s32 v15  }
0x563: {  	v19 =	vld [tilespmem:s26+$0xFFFFFFD0];
	v10 =	vmin.f32 v10, $1.000000000e+00;
	v12 =	vtrunc.f32 v12;
	v13 =	vtrunc.f32 v13  }
0x564: {  	v23 =	vld.idx.msk [tilespmem:v7+s5+$0x0], $0xffff;
	v22 =	vmax.f32 v1, $-1.000000000e+00;
	v10 =	vmul.f32 $1.275000000e+02, v10;
	v7 =	vmul.f32 $1.275000000e+02, v20  }
0x565: {  	v2 =	vld [tilespmem:s26+$0xFFFFFFA0];
	v9 =	vadd.f32 $1.280000000e+02, v9;
	v13 =	vcvt.f32.s32 v13;
	v8 =	vtrunc.f32 v8  }
0x566: {  	v1 =	vld [tilespmem:s26+$0xFFFFFFE0];
	v21 =	vcvt.f32.s32 v12;
	v63 =	vcvt.f32.s32 v8;
	v8 =	vadd.f32 $1.280000000e+02, v10  }
0x567: {  	v3 =	vadd.f32 $1.280000000e+02, v3;
	v9 =	vtrunc.f32 v9;
	v10 =	vmax.f32 v17, $-1.000000000e+00;
	v17 =	vld [tilespmem:s26+$0xFFFFFFF0]  }
0x568: {  	[tilespmem:s25+$0xFFFFFFB0] =	vst v5;
	v5 =	vmin.f32 v22, $1.000000000e+00;
	v24 =	vcvt.f32.s32 v9;
	v8 =	vtrunc.f32 v8;
	v12 =	vld.idx.msk [tilespmem:v11+s5+$0x0], $0xffff  }
0x569: {  	p2 =	por $0x1, $0x1;
	[tilespmem:s25+$0xFFFFFFC0] =	vst v4;
	v7 =	vadd.f32 $1.280000000e+02, v7;
	v4 =	vmax.f32 v18, $-1.000000000e+00;
	v8 =	vcvt.f32.s32 v8;
	v25 =	vld.idx.msk [tilespmem:v15+s5+$0x0], $0xffff  }
.Ltmp55:
0x56a: {  	[tilespmem:s25+$0xFFFFFF90] =	vst v6;
	v6 =	vmax.f32 v16, $-1.000000000e+00;
	v18 =	vmul.f32 $1.275000000e+02, v5;
	v9 =	vmin.f32 v10, $1.000000000e+00;
	v10 =	vld [tilespmem:s26+$0x0];
	(pc) =	sbr.rel @!p2 .LBB2_96-.Ltmp55, $4  }
0x56b: {  	v16 =	vmul.f32 $1.275000000e+02, v0;
	v11 =	vtrunc.f32 v7;
	v5 =	vmin.f32 v6, $1.000000000e+00;
	v13 =	vld.idx.msk [tilespmem:v13+s5+$0x0], $0xffff  }
0x56c: {  	[tilespmem:s25+$0x0] =	vst v14;
	v6 =	vmin.f32 v4, $1.000000000e+00;
	v14 =	vmul.f32 $1.275000000e+02, v5;
	v15 =	vtrunc.f32 v3;
	v5 =	vld.idx.msk [tilespmem:v21+s5+$0x0], $0xffff  }
0x56d: {  	s30 =	simm.s32 $0x100;
	s31 =	simm.s32 $0x50F0;
	p0 =	por $0x1, $0x1;
	[tilespmem:s25+$0xFFFFFFD0] =	vst v23;
	v3 =	vmax.f32 v19, $-1.000000000e+00;
	v7 =	vcvt.f32.s32 v15;
	v4 =	vld.idx.msk [tilespmem:v63+s5+$0x0], $0xffff;
	v17 =	vmax.f32 v17, $-1.000000000e+00  }
0x56e: {  	s28 =	simm.s32 $0xC4F0;
	s29 =	simm.s32 $0xC8F0;
	s26 =	simm.s32 $0xC8F0;
	v15 =	vmul.f32 $1.275000000e+02, v6;
	v6 =	vld.idx.msk [tilespmem:v24+s5+$0x0], $0xffff;
	v0 =	vmin.f32 v17, $1.000000000e+00;
	v17 =	vadd.f32 $1.280000000e+02, v18;
	[tilespmem:s25+$0xFFFFFFE0] =	vst v25  }
.LBB2_97:
0x56f: {  	s30 =	sadd.s32 $0x80, s30;
	v9 =	vmul.f32 $1.275000000e+02, v9;
	v14 =	vadd.f32 $1.280000000e+02, v14;
	v16 =	vadd.f32 $1.280000000e+02, v16;
	v8 =	vld.idx.msk [tilespmem:v8+s5+$0x0], $0xffff;
	s26 =	sadd.s32 $0x400, s26;
	[tilespmem:s28+$0xFFFFFFA0] =	vst v12  }
0x570: {  	v11 =	vcvt.f32.s32 v11;
	v18 =	vld [tilespmem:s31+$0xFFFFFFB0];
	p2 =	slt.u32 s30, $0x780;
	v12 =	vadd.f32 $1.280000000e+02, v15;
	v15 =	vtrunc.f32 v17;
	[tilespmem:s28+$0xFFFFFFF0] =	vst v13;
	s28 =	smov.u32 s29;
	s29 =	smov.u32 s26  }
0x571: {  	v10 =	vmax.f32 v10, $-1.000000000e+00;
	v13 =	vld [tilespmem:s31+$0xFFFFFF90];
	v9 =	vadd.f32 $1.280000000e+02, v9;
	v15 =	vcvt.f32.s32 v15  }
0x572: {  	v2 =	vmax.f32 v2, $-1.000000000e+00;
	v14 =	vtrunc.f32 v14;
	v17 =	vld [tilespmem:s31+$0xFFFFFFC0];
	[tilespmem:s28+$0xFFFFFFC0] =	vst v4;
	v4 =	vtrunc.f32 v16  }
0x573: {  	v19 =	vmin.f32 v2, $1.000000000e+00;
	v10 =	vmin.f32 v10, $1.000000000e+00;
	v16 =	vld [tilespmem:s31+$0xFFFFFFD0];
	[tilespmem:s28+$0xFFFFFFB0] =	vst v5;
	v4 =	vcvt.f32.s32 v4  }
0x574: {  	v3 =	vmin.f32 v3, $1.000000000e+00;
	v10 =	vmul.f32 $1.275000000e+02, v10;
	v5 =	vcvt.f32.s32 v14;
	v2 =	vld [tilespmem:s31+$0xFFFFFFA0];
	[tilespmem:s28+$0xFFFFFF90] =	vst v6  }
0x575: {  	v3 =	vmul.f32 $1.275000000e+02, v3;
	v14 =	vmax.f32 v1, $-1.000000000e+00;
	v6 =	vtrunc.f32 v12;
	v7 =	vld.idx.msk [tilespmem:v7+s5+$0x0], $0xffff;
	[tilespmem:s28+$0x0] =	vst v8  }
0x576: {  	v10 =	vadd.f32 $1.280000000e+02, v10;
	v8 =	vmul.f32 $1.275000000e+02, v19;
	v6 =	vcvt.f32.s32 v6;
	v1 =	vld [tilespmem:s31+$0xFFFFFFE0]  }
0x577: {  	v3 =	vadd.f32 $1.280000000e+02, v3;
	v9 =	vtrunc.f32 v9;
	v12 =	vmax.f32 v13, $-1.000000000e+00;
	v19 =	vld [tilespmem:s31+$0xFFFFFFF0]  }
0x578: {  	v20 =	vcvt.f32.s32 v9;
	v13 =	vadd.f32 $1.280000000e+02, v8;
	v8 =	vtrunc.f32 v10;
	v21 =	vld.idx.msk [tilespmem:v15+s5+$0x0], $0xffff  }
0x579: {  	v9 =	vmin.f32 v12, $1.000000000e+00;
	v15 =	vtrunc.f32 v3;
	v8 =	vcvt.f32.s32 v8;
	v12 =	vld.idx.msk [tilespmem:v11+s5+$0x0], $0xffff  }
.Ltmp56:
0x57a: {  	v14 =	vmin.f32 v14, $1.000000000e+00;
	v17 =	vmax.f32 v17, $-1.000000000e+00;
	v11 =	vtrunc.f32 v13;
	v13 =	vld.idx.msk [tilespmem:v4+s5+$0x0], $0xffff;
	(pc) =	sbr.rel @p2 .LBB2_97-.Ltmp56, $4  }
0x57b: {  	v3 =	vmax.f32 v16, $-1.000000000e+00;
	v4 =	vmax.f32 v18, $-1.000000000e+00;
	v18 =	vmul.f32 $1.275000000e+02, v14;
	v10 =	vld [tilespmem:s31+$0x0];
	[tilespmem:s28+$0xFFFFFFD0] =	vst v7  }
0x57c: {  	v17 =	vmin.f32 v17, $1.000000000e+00;
	v14 =	vmin.f32 v4, $1.000000000e+00;
	v7 =	vcvt.f32.s32 v15;
	v4 =	vld.idx.msk [tilespmem:v6+s5+$0x0], $0xffff  }
0x57d: {  	v16 =	vmul.f32 $1.275000000e+02, v0;
	v14 =	vmul.f32 $1.275000000e+02, v14;
	v6 =	vmax.f32 v19, $-1.000000000e+00;
	v5 =	vld.idx.msk [tilespmem:v5+s5+$0x0], $0xffff  }
0x57e: {  	v15 =	vmul.f32 $1.275000000e+02, v17;
	s31 =	sadd.s32 $0x400, s31;
	v17 =	vadd.f32 $1.280000000e+02, v18;
	v0 =	vmin.f32 v6, $1.000000000e+00;
	v6 =	vld.idx.msk [tilespmem:v20+s5+$0x0], $0xffff;
	[tilespmem:s28+$0xFFFFFFE0] =	vst v21  }
.LBB2_98:
0x57f: {  	v9 =	vmul.f32 $1.275000000e+02, v9;
	v14 =	vadd.f32 $1.280000000e+02, v14  }
0x580: {  	v16 =	vadd.f32 @p1 $1.280000000e+02, v16;
	v11 =	vcvt.f32.s32 @p1 v11;
	v2 =	vmax.f32 v2, $-1.000000000e+00  }
0x581: {  	v3 =	vmin.f32 v3, $1.000000000e+00;
	v1 =	vmax.f32 v1, $-1.000000000e+00;
	v0 =	vmul.f32 $1.275000000e+02, v0  }
0x582: {  	v15 =	vadd.f32 $1.280000000e+02, v15;
	v17 =	vtrunc.f32 @p1 v17;
	v10 =	vmax.f32 v10, $-1.000000000e+00  }
0x583: {  	v2 =	vmin.f32 v2, $1.000000000e+00;
	v3 =	vmul.f32 $1.275000000e+02, v3;
	v17 =	vcvt.f32.s32 @p1 v17  }
0x584: {  	v1 =	vmin.f32 v1, $1.000000000e+00;
	v14 =	vtrunc.f32 v14;
	v16 =	vtrunc.f32 @p1 v16  }
0x585: {  	v10 =	vmin.f32 v10, $1.000000000e+00;
	v1 =	vmul.f32 $1.275000000e+02, v1;
	v2 =	vmul.f32 $1.275000000e+02, v2  }
0x586: {  	v9 =	vadd.f32 $1.280000000e+02, v9;
	v16 =	vcvt.f32.s32 @p1 v16;
	v10 =	vmul.f32 $1.275000000e+02, v10  }
0x587: {  	v14 =	vcvt.f32.s32 v14;
	v15 =	vtrunc.f32 v15;
	v3 =	vadd.f32 $1.280000000e+02, v3  }
0x588: {  	v8 =	vld.idx.msk @p1 [tilespmem:v8+s5+$0x0], $0xffff;
	v15 =	vcvt.f32.s32 v15;
	v9 =	vtrunc.f32 v9;
	v10 =	vadd.f32 $1.280000000e+02, v10  }
0x589: {  	[tilespmem:s28+$0xFFFFFFA0] =	vst @p0 v12;
	v7 =	vld.idx.msk @p1 [tilespmem:v7+s5+$0x0], $0xffff;
	v1 =	vadd.f32 $1.280000000e+02, v1;
	v9 =	vcvt.f32.s32 v9;
	v3 =	vtrunc.f32 v3  }
0x58a: {  	[tilespmem:s28+$0xFFFFFFF0] =	vst @p0 v13;
	s28 =	smov.u32 @p1 s29;
	v2 =	vadd.f32 $1.280000000e+02, v2;
	v3 =	vcvt.f32.s32 v3;
	v10 =	vtrunc.f32 v10;
	v12 =	vld.idx.msk @p1 [tilespmem:v17+s5+$0x0], $0xffff  }
0x58b: {  	[tilespmem:s28+$0xFFFFFFC0] =	vst @p1 v4;
	v0 =	vadd.f32 $1.280000000e+02, v0;
	v1 =	vtrunc.f32 v1;
	v60 =	vcvt.f32.s32 v10;
	v10 =	vld.idx.msk @p1 [tilespmem:v11+s5+$0x0], $0xffff  }
0x58c: {  	[tilespmem:s28+$0xFFFFFFB0] =	vst @p1 v5;
	v2 =	vtrunc.f32 v2;
	v1 =	vcvt.f32.s32 v1;
	v5 =	vld.idx.msk @p1 [tilespmem:v16+s5+$0x0], $0xffff  }
0x58d: {  	[tilespmem:s28+$0xFFFFFF90] =	vst @p1 v6;
	v0 =	vtrunc.f32 v0;
	v2 =	vcvt.f32.s32 v2;
	v62 =	vld.idx.msk [tilespmem:v14+s5+$0x0], $0xffff  }
0x58e: {  	[tilespmem:s28+$0x0] =	vst @p1 v8;
	v0 =	vcvt.f32.s32 v0  }
0x58f: {  	[tilespmem:s28+$0xFFFFFFD0] =	vst @p1 v7;
	v61 =	vld.idx.msk [tilespmem:v15+s5+$0x0], $0xffff  }
0x590: {  	s26 =	sadd.s32 @p1 $0x400, s26;
	v63 =	vld.idx.msk [tilespmem:v9+s5+$0x0], $0xffff;
	[tilespmem:s28+$0xFFFFFFE0] =	vst @p1 v12;
	v9 =	vpsel p1, v10, v0;
	s28 =	smov.u32 @p1 s28  }
0x591: {  	s25 =	smov.u32 @p1 s26;
	v3 =	vld.idx.msk [tilespmem:v3+s5+$0x0], $0xffff;
	[tilespmem:s28+$0xFFFFFFA0] =	vst @p1 v9  }
0x592: {  	v1 =	vld.idx.msk [tilespmem:v1+s5+$0x0], $0xffff;
	v5 =	vpsel p1, v5, v0;
	[tilespmem:s25+$0xFFFFFFB0] =	vst v62  }
0x593: {  	v2 =	vld.idx.msk [tilespmem:v2+s5+$0x0], $0xffff;
	[tilespmem:s28+$0xFFFFFFF0] =	vst @p1 v5  }
0x594: {  	v4 =	vld.idx.msk [tilespmem:v60+s5+$0x0], $0xffff;
	[tilespmem:s25+$0xFFFFFFC0] =	vst v61  }
0x595: {  	v0 =	vld.idx.msk [tilespmem:v0+s5+$0x0], $0xffff;
	[tilespmem:s25+$0xFFFFFF90] =	vst v63  }
0x596: {  	p0 =	seq.s32 s23, $0x1F;
	[tilespmem:s25+$0xFFFFFFD0] =	vst v3  }
.Ltmp57:
0x597: {  	[tilespmem:s25+$0xFFFFFFE0] =	vst v1;
	(pc) =	sbr.rel @p0 .LBB2_100-.Ltmp57, $4  }
0x598: {  	s30 =	sadd.s32 s9, s24;
	[tilespmem:s25+$0xFFFFFFA0] =	vst v2  }
0x599: {  	s26 =	sshrl.u32 s30, $0x3;
	[tilespmem:s25+$0x0] =	vst v4  }
0x59a: {  	s31 =	sadd.s32 s4, s26;
	[tilespmem:s25+$0xFFFFFFF0] =	vst v0  }
0x59b: {  	[hbm4b:s31+s5] =	stream.linear.scatter [tilespmem:s20], [sflag:$0x4], $0x4000, $0x38;
	[tilespmem:$0x10100] =	vst v63  }
.Ltmp58:
0x59c: {  	(pc) =	sbr.rel .LBB2_2-.Ltmp58, $4  }
0x59d: {  	s24 =	sadd.s32 s24, s11  }
0x59e: {  	s24 =	sshrl.u32 s24, $0x3  }
0x59f: {  	s23 =	sadd.s32 $0x1, s23;
	s24 =	sadd.s32 s1, s24  }
0x5a0: {  	[tilespmem:s15], [sflag:$0x2] =	stream.linear.gather [hbm4b:s24+s5], $0x4000, $0x38;
	[tilespmem:$0x10100] =	vst v63  }
.LBB2_7:
.Ltmp59:
0x5a1: {  	(pc) =	sbr.rel .LBB2_13-.Ltmp59, $2  }
0x5a2: {  	_ =	sdelay $0x2  }
0x5a3: {  	s26 =	simm.s32 $0x8270;
	p4 =	por $0x0, $0x0  }
.LBB2_14:
.Ltmp60:
0x5a4: {  	(pc) =	sbr.rel .LBB2_20-.Ltmp60, $2  }
0x5a5: {  	_ =	sdelay $0x2  }
0x5a6: {  	s26 =	simm.s32 $0x82F0;
	p2 =	por $0x0, $0x0  }
.LBB2_21:
.Ltmp61:
0x5a7: {  	(pc) =	sbr.rel .LBB2_27-.Ltmp61, $2  }
0x5a8: {  	_ =	sdelay $0x2  }
0x5a9: {  	s26 =	simm.s32 $0x8370;
	p4 =	por $0x0, $0x0  }
.LBB2_28:
.Ltmp62:
0x5aa: {  	(pc) =	sbr.rel .LBB2_34-.Ltmp62, $2  }
0x5ab: {  	_ =	sdelay $0x2  }
0x5ac: {  	s26 =	simm.s32 $0x83F0;
	p2 =	por $0x0, $0x0  }
.LBB2_35:
.Ltmp63:
0x5ad: {  	(pc) =	sbr.rel .LBB2_41-.Ltmp63, $2  }
0x5ae: {  	_ =	sdelay $0x2  }
0x5af: {  	s26 =	simm.s32 $0x8470;
	p4 =	por $0x0, $0x0  }
.LBB2_42:
.Ltmp64:
0x5b0: {  	(pc) =	sbr.rel .LBB2_48-.Ltmp64, $2  }
0x5b1: {  	_ =	sdelay $0x2  }
0x5b2: {  	s26 =	simm.s32 $0x84F0;
	p2 =	por $0x0, $0x0  }
.LBB2_57:
.Ltmp65:
0x5b3: {  	(pc) =	sbr.rel .LBB2_63-.Ltmp65, $2  }
0x5b4: {  	_ =	sdelay $0x2  }
0x5b5: {  	s26 =	simm.s32 $0xC270;
	p3 =	por $0x0, $0x0  }
.LBB2_64:
.Ltmp66:
0x5b6: {  	(pc) =	sbr.rel .LBB2_70-.Ltmp66, $2  }
0x5b7: {  	_ =	sdelay $0x2  }
0x5b8: {  	s26 =	simm.s32 $0xC2F0;
	p1 =	por $0x0, $0x0  }
.LBB2_71:
.Ltmp67:
0x5b9: {  	(pc) =	sbr.rel .LBB2_77-.Ltmp67, $2  }
0x5ba: {  	_ =	sdelay $0x2  }
0x5bb: {  	s26 =	simm.s32 $0xC370;
	p3 =	por $0x0, $0x0  }
.LBB2_78:
.Ltmp68:
0x5bc: {  	(pc) =	sbr.rel .LBB2_84-.Ltmp68, $2  }
0x5bd: {  	_ =	sdelay $0x2  }
0x5be: {  	s26 =	simm.s32 $0xC3F0;
	p1 =	por $0x0, $0x0  }
.LBB2_85:
.Ltmp69:
0x5bf: {  	(pc) =	sbr.rel .LBB2_91-.Ltmp69, $2  }
0x5c0: {  	_ =	sdelay $0x2  }
0x5c1: {  	s26 =	simm.s32 $0xC470;
	p3 =	por $0x0, $0x0  }
.LBB2_92:
.Ltmp70:
0x5c2: {  	(pc) =	sbr.rel .LBB2_98-.Ltmp70, $2  }
0x5c3: {  	_ =	sdelay $0x2  }
0x5c4: {  	s26 =	simm.s32 $0xC4F0;
	p1 =	por $0x0, $0x0  }
.LBB2_9:
.Ltmp71:
0x5c5: {  	(pc) =	sbr.rel .LBB2_13-.Ltmp71, $2  }
0x5c6: {  	_ =	sdelay $0x2  }
0x5c7: {  	s26 =	simm.s32 $0x8270;
	s29 =	simm.s32 $0x8270;
	p4 =	por $0x0, $0x0  }
.LBB2_16:
.Ltmp72:
0x5c8: {  	(pc) =	sbr.rel .LBB2_20-.Ltmp72, $2  }
0x5c9: {  	_ =	sdelay $0x2  }
0x5ca: {  	s26 =	simm.s32 $0x82F0;
	s29 =	simm.s32 $0x82F0  }
.LBB2_23:
.Ltmp73:
0x5cb: {  	(pc) =	sbr.rel .LBB2_27-.Ltmp73, $2  }
0x5cc: {  	_ =	sdelay $0x2  }
0x5cd: {  	s26 =	simm.s32 $0x8370;
	s29 =	simm.s32 $0x8370;
	p4 =	por $0x0, $0x0  }
.LBB2_30:
.Ltmp74:
0x5ce: {  	(pc) =	sbr.rel .LBB2_34-.Ltmp74, $2  }
0x5cf: {  	_ =	sdelay $0x2  }
0x5d0: {  	s26 =	simm.s32 $0x83F0;
	s29 =	simm.s32 $0x83F0  }
.LBB2_37:
.Ltmp75:
0x5d1: {  	(pc) =	sbr.rel .LBB2_41-.Ltmp75, $2  }
0x5d2: {  	_ =	sdelay $0x2  }
0x5d3: {  	s26 =	simm.s32 $0x8470;
	s29 =	simm.s32 $0x8470;
	p4 =	por $0x0, $0x0  }
.LBB2_44:
.Ltmp76:
0x5d4: {  	(pc) =	sbr.rel .LBB2_48-.Ltmp76, $2  }
0x5d5: {  	_ =	sdelay $0x2  }
0x5d6: {  	s26 =	simm.s32 $0x84F0;
	s29 =	simm.s32 $0x84F0  }
.LBB2_59:
.Ltmp77:
0x5d7: {  	(pc) =	sbr.rel .LBB2_63-.Ltmp77, $2  }
0x5d8: {  	_ =	sdelay $0x2  }
0x5d9: {  	s26 =	simm.s32 $0xC270;
	s29 =	simm.s32 $0xC270;
	p3 =	por $0x0, $0x0  }
.LBB2_66:
.Ltmp78:
0x5da: {  	(pc) =	sbr.rel .LBB2_70-.Ltmp78, $2  }
0x5db: {  	_ =	sdelay $0x2  }
0x5dc: {  	s26 =	simm.s32 $0xC2F0;
	s29 =	simm.s32 $0xC2F0  }
.LBB2_73:
.Ltmp79:
0x5dd: {  	(pc) =	sbr.rel .LBB2_77-.Ltmp79, $2  }
0x5de: {  	_ =	sdelay $0x2  }
0x5df: {  	s26 =	simm.s32 $0xC370;
	s29 =	simm.s32 $0xC370;
	p3 =	por $0x0, $0x0  }
.LBB2_80:
.Ltmp80:
0x5e0: {  	(pc) =	sbr.rel .LBB2_84-.Ltmp80, $2  }
0x5e1: {  	_ =	sdelay $0x2  }
0x5e2: {  	s26 =	simm.s32 $0xC3F0;
	s29 =	simm.s32 $0xC3F0  }
.LBB2_87:
.Ltmp81:
0x5e3: {  	(pc) =	sbr.rel .LBB2_91-.Ltmp81, $2  }
0x5e4: {  	_ =	sdelay $0x2  }
0x5e5: {  	s26 =	simm.s32 $0xC470;
	s29 =	simm.s32 $0xC470;
	p3 =	por $0x0, $0x0  }
.LBB2_94:
.Ltmp82:
0x5e6: {  	(pc) =	sbr.rel .LBB2_98-.Ltmp82, $2  }
0x5e7: {  	_ =	sdelay $0x2  }
0x5e8: {  	s26 =	simm.s32 $0xC4F0;
	s29 =	simm.s32 $0xC4F0  }
.LBB2_11:
.Ltmp83:
0x5e9: {  	(pc) =	sbr.rel .LBB2_13-.Ltmp83, $2  }
0x5ea: {  	_ =	sdelay $0x2  }
0x5eb: {  	s28 =	simm.s32 $0x8270;
	s29 =	simm.s32 $0x8670  }
.LBB2_18:
.Ltmp84:
0x5ec: {  	(pc) =	sbr.rel .LBB2_20-.Ltmp84, $2  }
0x5ed: {  	_ =	sdelay $0x2  }
0x5ee: {  	s28 =	simm.s32 $0x82F0;
	s29 =	simm.s32 $0x86F0  }
.LBB2_25:
.Ltmp85:
0x5ef: {  	(pc) =	sbr.rel .LBB2_27-.Ltmp85, $2  }
0x5f0: {  	_ =	sdelay $0x2  }
0x5f1: {  	s28 =	simm.s32 $0x8370;
	s29 =	simm.s32 $0x8770  }
.LBB2_32:
.Ltmp86:
0x5f2: {  	(pc) =	sbr.rel .LBB2_34-.Ltmp86, $2  }
0x5f3: {  	_ =	sdelay $0x2  }
0x5f4: {  	s28 =	simm.s32 $0x83F0;
	s29 =	simm.s32 $0x87F0  }
.LBB2_39:
.Ltmp87:
0x5f5: {  	(pc) =	sbr.rel .LBB2_41-.Ltmp87, $2  }
0x5f6: {  	_ =	sdelay $0x2  }
0x5f7: {  	s28 =	simm.s32 $0x8470;
	s29 =	simm.s32 $0x8870  }
.LBB2_46:
.Ltmp88:
0x5f8: {  	(pc) =	sbr.rel .LBB2_48-.Ltmp88, $2  }
0x5f9: {  	_ =	sdelay $0x2  }
0x5fa: {  	s28 =	simm.s32 $0x84F0;
	s29 =	simm.s32 $0x88F0  }
.LBB2_61:
.Ltmp89:
0x5fb: {  	(pc) =	sbr.rel .LBB2_63-.Ltmp89, $2  }
0x5fc: {  	_ =	sdelay $0x2  }
0x5fd: {  	s28 =	simm.s32 $0xC270;
	s29 =	simm.s32 $0xC670  }
.LBB2_68:
.Ltmp90:
0x5fe: {  	(pc) =	sbr.rel .LBB2_70-.Ltmp90, $2  }
0x5ff: {  	_ =	sdelay $0x2  }
0x600: {  	s28 =	simm.s32 $0xC2F0;
	s29 =	simm.s32 $0xC6F0  }
.LBB2_75:
.Ltmp91:
0x601: {  	(pc) =	sbr.rel .LBB2_77-.Ltmp91, $2  }
0x602: {  	_ =	sdelay $0x2  }
0x603: {  	s28 =	simm.s32 $0xC370;
	s29 =	simm.s32 $0xC770  }
.LBB2_82:
.Ltmp92:
0x604: {  	(pc) =	sbr.rel .LBB2_84-.Ltmp92, $2  }
0x605: {  	_ =	sdelay $0x2  }
0x606: {  	s28 =	simm.s32 $0xC3F0;
	s29 =	simm.s32 $0xC7F0  }
.LBB2_89:
.Ltmp93:
0x607: {  	(pc) =	sbr.rel .LBB2_91-.Ltmp93, $2  }
0x608: {  	_ =	sdelay $0x2  }
0x609: {  	s28 =	simm.s32 $0xC470;
	s29 =	simm.s32 $0xC870  }
.LBB2_96:
.Ltmp94:
0x60a: {  	(pc) =	sbr.rel .LBB2_98-.Ltmp94, $2  }
0x60b: {  	_ =	sdelay $0x2  }
0x60c: {  	s28 =	simm.s32 $0xC4F0;
	s29 =	simm.s32 $0xC8F0  }
.LBB2_101:
0x60d: {  	_ =	sfence.sel $0x180000  }
0x60e: {  	[bflag:$0x0] =	sbarrier.arrive $0xFFFF  }
0x60f: {  	p0 =	sne.s32 s0, $0x0;
	_ =	strace $0x90000047  }
0x610: {  	s0 =	sadd.s32 @!p0 $0x100000, s2;
	[bflag:$0x2] =	sbarrier.arrive $0xFFFF  }
0x611: {  	[sflag:s0] =	ssyncadd.tile.s32 @!p0 $0x1;
	_ =	shalt  }
.Lfunc_end2:
_tile_overlayer_lowered:
.L_overlay_start_2:
0x612: {  	(tag) =	ssettag $0x2  }
0x613: {  	s0 =	rddreg [dreg:$0x0];
	s2 =	stileid.u32  }
0x614: {  	s1 =	rddreg [dreg:$0x1];
	p0 =	sne.s32 s2, $0x0  }
0x615: {  	s3 =	rddreg [dreg:$0x2];
	[bflag:$0x3] =	sbarrier.arrive $0xFFFF;
	s2 =	simm.s32 @!p0 $0x1C05  }
0x616: {  	[timem:s3], [sflag:s2] =	dma.local @!p0 [hbm:s0], s1  }
0x617: {  	s0 =	simm.s32 @!p0 $0x5  }
0x618: {  	_ =	swait.ge @!p0 [sflag:s0], s1  }
0x619: {  	s1 =	ssub.s32 @!p0 $0x0, s1;
	[sflag:s0] =	ssyncset.done @!p0 $0x0  }
0x61a: {  	[sflag:s0] =	ssyncadd.s32 @!p0 s1  }
0x61b: {  	[bflag:$0x3] =	sbarrier.arrive $0xFFFF  }
0x61c: {  	_ =	shalt  }

</sc_bundles>
